<compile_context>
chip_gen: v7x
topology: tpu7x:2x2x1
jax: 0.10.2.dev20260603
libtpu: 0.0.44.dev20260713+nightly
codegen_flags: <defaults>
</compile_context>

<pallas_src>
import jax
import jax.numpy as jnp
from jax import lax
from jax.experimental import pallas as pl
from jax.experimental.pallas import tpu as pltpu
from jax.experimental.pallas import tpu_sc as plsc

NUM_CORES = 2
NUM_SUBCORES = 16
LANES = 16
NUM_WORKERS = NUM_CORES * NUM_SUBCORES
BATCH = 16384
BPW = BATCH // NUM_WORKERS
DIM = 16
NROWS = 1000000
CHUNK = 8
NCHUNKS = BPW // CHUNK
PAD = LANES


def _sc_kernel(uidx_hbm, iidx_hbm, ut_hbm, it_hbm, w_hbm, out_hbm,
               uidx_v, iidx_v, ublkA, iblkA, ublkB, iblkB, out_v, w_v, sem):
    wid = lax.axis_index("s") * NUM_CORES + lax.axis_index("c")
    base = pl.multiple_of(wid * BPW, BPW)

    pltpu.sync_copy(uidx_hbm.at[pl.ds(base, BPW)], uidx_v.at[pl.ds(0, BPW)])
    pltpu.sync_copy(iidx_hbm.at[pl.ds(base, BPW)], iidx_v.at[pl.ds(0, BPW)])
    pltpu.sync_copy(w_hbm, w_v)

    uv3 = ut_hbm.reshape(2, 8, NROWS)
    iv3 = it_hbm.reshape(2, 8, NROWS)

    wvec = w_v[...]
    lanes = lax.iota(jnp.int32, LANES)
    rowsel = (lanes & (CHUNK - 1)) * LANES
    _dnums = lax.GatherDimensionNumbers(
        offset_dims=(), collapsed_slice_dims=(0,), start_index_map=(0,))

    def _bcast(x, d):
        return lax.gather(
            x, jnp.full((LANES, 1), d, jnp.int32), _dnums, slice_sizes=(1,),
            mode=lax.GatherScatterMode.PROMISE_IN_BOUNDS)

    wb = [_bcast(wvec, d) for d in range(DIM)]

    def issue(c, ublk, iblk):
        off = pl.multiple_of(c * CHUNK, CHUNK)
        ustart = (uidx_v[pl.ds(off, LANES)] >> 7) << 7
        istart = (iidx_v[pl.ds(off, LANES)] >> 7) << 7
        for j in range(CHUNK):
            uo = pl.multiple_of(ustart[j], 128)
            io = pl.multiple_of(istart[j], 128)
            pltpu.async_copy(uv3.at[:, :, pl.ds(uo, 128)], ublk.at[j], sem)
            pltpu.async_copy(iv3.at[:, :, pl.ds(io, 128)], iblk.at[j], sem)

    def drain(ublk, iblk):
        for j in range(CHUNK):
            pltpu.make_async_copy(
                uv3.at[:, :, pl.ds(0, 128)], ublk.at[j], sem).wait()
            pltpu.make_async_copy(
                iv3.at[:, :, pl.ds(0, 128)], iblk.at[j], sem).wait()

    def process(c, ublk, iblk):
        off = pl.multiple_of(c * CHUNK, CHUNK)
        um = uidx_v[pl.ds(off, LANES)] & 127
        im = iidx_v[pl.ds(off, LANES)] & 127
        ub2 = ublk.reshape(CHUNK * DIM, 128)
        ib2 = iblk.reshape(CHUNK * DIM, 128)
        acc = None
        for d in range(DIM):
            ug = plsc.load_gather(ub2, [rowsel + d, um])
            ig = plsc.load_gather(ib2, [rowsel + d, im])
            term = ug * ig * wb[d]
            acc = term if acc is None else acc + term
        out_v[pl.ds(off, LANES)] = 1.0 / (1.0 + jnp.exp(-acc))

    issue(0, ublkA, iblkA)
    issue(1, ublkB, iblkB)

    def body(cc, carry):
        c0 = cc * 2
        c1 = c0 + 1
        drain(ublkA, iblkA)
        process(c0, ublkA, iblkA)
        issue((c0 + 2) & (NCHUNKS - 1), ublkA, iblkA)
        drain(ublkB, iblkB)
        process(c1, ublkB, iblkB)
        issue((c1 + 2) & (NCHUNKS - 1), ublkB, iblkB)
        return carry

    lax.fori_loop(0, NCHUNKS // 2, body, 0)
    drain(ublkA, iblkA)
    drain(ublkB, iblkB)

    pltpu.sync_copy(out_v.at[pl.ds(0, BPW)], out_hbm.at[pl.ds(base, BPW)])


@jax.jit
def _run(user_indices, item_indices, emb_user_t, emb_item_t, w_flat):
    mesh = plsc.VectorSubcoreMesh(core_axis_name="c", subcore_axis_name="s")
    return pl.kernel(
        _sc_kernel,
        out_type=jax.ShapeDtypeStruct((BATCH,), jnp.float32),
        mesh=mesh,
        compiler_params=pltpu.CompilerParams(needs_layout_passes=False),
        scratch_types=[
            pltpu.VMEM((BPW + PAD,), jnp.int32),
            pltpu.VMEM((BPW + PAD,), jnp.int32),
            pltpu.VMEM((CHUNK, 2, 8, 128), jnp.float32),
            pltpu.VMEM((CHUNK, 2, 8, 128), jnp.float32),
            pltpu.VMEM((CHUNK, 2, 8, 128), jnp.float32),
            pltpu.VMEM((CHUNK, 2, 8, 128), jnp.float32),
            pltpu.VMEM((BPW + PAD,), jnp.float32),
            pltpu.VMEM((LANES,), jnp.float32),
            pltpu.SemaphoreType.DMA,
        ],
    )(user_indices, item_indices, emb_user_t, emb_item_t, w_flat)


def kernel(user_indices, item_indices, emb_user, emb_item, w_gmf):
    return _run(
        user_indices.astype(jnp.int32),
        item_indices.astype(jnp.int32),
        emb_user.T,
        emb_item.T,
        w_gmf.reshape(DIM),
    )

# --- scband reference (transcript-rebuilt; emitter-appended) ---
"""Pipeline reference for scband-recommender-model-6055903887536 (READ-ONLY COPY).

The authoritative reference and input builder live on the scoring server;
editing this copy changes nothing except your own understanding.
"""

import jax, jax.numpy as jnp
import numpy as np

NUM_USERS = 1000000
NUM_ITEMS = 1000000
LATENT_DIM = 16
BATCH = 16384


def setup_inputs(seed: int = 0) -> dict:
    key = jax.random.key(seed)
    k1, k2, k3, k4, k5 = jax.random.split(key, 5)
    user_indices = jax.random.randint(k1, (BATCH,), 0, NUM_USERS, dtype=jnp.int64 if jax.config.jax_enable_x64 else jnp.int32)
    item_indices = jax.random.randint(k2, (BATCH,), 0, NUM_ITEMS, dtype=jnp.int64 if jax.config.jax_enable_x64 else jnp.int32)
    emb_user = jax.random.normal(k3, (NUM_USERS, LATENT_DIM), dtype=jnp.float32) * 0.02
    emb_item = jax.random.normal(k4, (NUM_ITEMS, LATENT_DIM), dtype=jnp.float32) * 0.02
    # torch Linear(latent_dim, 1, bias=False): weight shape [1, latent_dim]; store as [latent_dim, 1]
    w_gmf = jax.random.normal(k5, (LATENT_DIM, 1), dtype=jnp.float32) * (1.0 / np.sqrt(LATENT_DIM))
    return {"user_indices": user_indices, "item_indices": item_indices, "emb_user": emb_user, "emb_item": emb_item, "w_gmf": w_gmf}


def reference(user_indices, item_indices, emb_user, emb_item, w_gmf):
    # GMF path of RecommenderModel.forward
    user_embedding_gmf = jnp.take(emb_user, user_indices, axis=0)
    item_embedding_gmf = jnp.take(emb_item, item_indices, axis=0)
    vector = user_embedding_gmf * item_embedding_gmf
    vector = vector @ w_gmf  # Linear(latent_dim -> 1, no bias) -> [B, 1]
    output = jax.nn.sigmoid(vector)
    return jnp.squeeze(output, axis=1)

if __name__ == "__main__":
    import jax
    _d = setup_inputs()
    print(jax.jit(kernel)(*tuple(_d.values())))

</pallas_src>

<mosaic_0001>
#map = affine_map<(d0, d1) -> (0)>
#map1 = affine_map<(d0, d1) -> (0, 0)>
module attributes {stable_mosaic.version = 14 : i64} {
  func.func @_sc_kernel(%arg0: i32, %arg1: i32, %arg2: memref<16384xi32, #tpu.memory_space<hbm>>, %arg3: memref<16384xi32, #tpu.memory_space<hbm>>, %arg4: memref<16x1000000xf32, #tpu.memory_space<hbm>>, %arg5: memref<16x1000000xf32, #tpu.memory_space<hbm>>, %arg6: memref<16xf32, #tpu.memory_space<hbm>>, %arg7: memref<16384xf32, #tpu.memory_space<hbm>>, %arg8: memref<528xi32, #tpu.memory_space<vmem>>, %arg9: memref<528xi32, #tpu.memory_space<vmem>>, %arg10: memref<8x2x8x128xf32, #tpu.memory_space<vmem>>, %arg11: memref<8x2x8x128xf32, #tpu.memory_space<vmem>>, %arg12: memref<8x2x8x128xf32, #tpu.memory_space<vmem>>, %arg13: memref<8x2x8x128xf32, #tpu.memory_space<vmem>>, %arg14: memref<528xf32, #tpu.memory_space<vmem>>, %arg15: memref<16xf32, #tpu.memory_space<vmem>>, %arg16: memref<!tpu.dma_semaphore, #tpu.memory_space<semaphore_mem>>) attributes {dimension_semantics = [#tpu.dimension_semantics<core_parallel>, #tpu.dimension_semantics<subcore_parallel>], iteration_bounds = array<i64: 2, 16>, scalar_prefetch = 0 : i64, scratch_operands = 9 : i64, tpu.core_type = #tpu.core_type<sc_vector_subcore>, window_params = [{transform_indices = #map}, {transform_indices = #map}, {transform_indices = #map1}, {transform_indices = #map1}, {transform_indices = #map}, {transform_indices = #map}]} {
    %mul3A = arith.constant 2 : i32
    %mul3A_0 = arith.muli %arg1, %mul3A : i32
    %add3A = arith.addi %mul3A_0, %arg0 : i32
    %mul3A_1 = arith.constant 512 : i32
    %mul3A_2 = arith.muli %add3A, %mul3A_1 : i32
    %multiple_of3A = tpu.assume_multiple %mul3A_2, 512 : i32
    "tpu.region"() ({
      %run_scoped3A = tpu.sem_alloc : memref<!tpu.dma_semaphore, #tpu.memory_space<semaphore_mem>>
      %dma_start3A_1482 = arith.constant 0 : i32
      %dma_start3A_1483 = tpu.memref_slice %arg8[%dma_start3A_1482] : memref<528xi32, #tpu.memory_space<vmem>> -> memref<512xi32, #tpu.memory_space<vmem>>
      %dma_start3A_1484 = tpu.memref_slice %arg2[%multiple_of3A] : memref<16384xi32, #tpu.memory_space<hbm>> -> memref<512xi32, #tpu.memory_space<hbm>>
      %dma_start3A_1485 = arith.constant 0 : i32
      %dma_start3A_1486 = tpu.memref_slice %arg8[%dma_start3A_1485] : memref<528xi32, #tpu.memory_space<vmem>> -> memref<512xi32, #tpu.memory_space<vmem>>
      %dma_start3A_1487 = tpu.memref_slice %arg2[%multiple_of3A] : memref<16384xi32, #tpu.memory_space<hbm>> -> memref<512xi32, #tpu.memory_space<hbm>>
      tpu.enqueue_dma source(%dma_start3A_1487 : memref<512xi32, #tpu.memory_space<hbm>>) target(%dma_start3A_1486 : memref<512xi32, #tpu.memory_space<vmem>>) target_semaphore(%run_scoped3A : memref<!tpu.dma_semaphore, #tpu.memory_space<semaphore_mem>>)
      %dma_wait3A_1488 = arith.constant 0 : i32
      %dma_wait3A_1489 = tpu.memref_slice %arg8[%dma_wait3A_1488] : memref<528xi32, #tpu.memory_space<vmem>> -> memref<512xi32, #tpu.memory_space<vmem>>
      %dma_wait3A_1490 = tpu.memref_slice %arg2[%multiple_of3A] : memref<16384xi32, #tpu.memory_space<hbm>> -> memref<512xi32, #tpu.memory_space<hbm>>
      %dma_wait3A_1491 = arith.constant 0 : i32
      %dma_wait3A_1492 = tpu.memref_slice %arg8[%dma_wait3A_1491] : memref<528xi32, #tpu.memory_space<vmem>> -> memref<512xi32, #tpu.memory_space<vmem>>
      %dma_wait3A_1493 = tpu.memref_slice %arg2[%multiple_of3A] : memref<16384xi32, #tpu.memory_space<hbm>> -> memref<512xi32, #tpu.memory_space<hbm>>
      tpu.wait_dma2 semaphore(%run_scoped3A : memref<!tpu.dma_semaphore, #tpu.memory_space<semaphore_mem>>) src(%dma_wait3A_1493 : memref<512xi32, #tpu.memory_space<hbm>>) dst(%dma_wait3A_1492 : memref<512xi32, #tpu.memory_space<vmem>>)
      tpu.yield
    }) : () -> ()
    "tpu.region"() ({
      %run_scoped3A = tpu.sem_alloc : memref<!tpu.dma_semaphore, #tpu.memory_space<semaphore_mem>>
      %dma_start3A_1482 = arith.constant 0 : i32
      %dma_start3A_1483 = tpu.memref_slice %arg9[%dma_start3A_1482] : memref<528xi32, #tpu.memory_space<vmem>> -> memref<512xi32, #tpu.memory_space<vmem>>
      %dma_start3A_1484 = tpu.memref_slice %arg3[%multiple_of3A] : memref<16384xi32, #tpu.memory_space<hbm>> -> memref<512xi32, #tpu.memory_space<hbm>>
      %dma_start3A_1485 = arith.constant 0 : i32
      %dma_start3A_1486 = tpu.memref_slice %arg9[%dma_start3A_1485] : memref<528xi32, #tpu.memory_space<vmem>> -> memref<512xi32, #tpu.memory_space<vmem>>
      %dma_start3A_1487 = tpu.memref_slice %arg3[%multiple_of3A] : memref<16384xi32, #tpu.memory_space<hbm>> -> memref<512xi32, #tpu.memory_space<hbm>>
      tpu.enqueue_dma source(%dma_start3A_1487 : memref<512xi32, #tpu.memory_space<hbm>>) target(%dma_start3A_1486 : memref<512xi32, #tpu.memory_space<vmem>>) target_semaphore(%run_scoped3A : memref<!tpu.dma_semaphore, #tpu.memory_space<semaphore_mem>>)
      %dma_wait3A_1488 = arith.constant 0 : i32
      %dma_wait3A_1489 = tpu.memref_slice %arg9[%dma_wait3A_1488] : memref<528xi32, #tpu.memory_space<vmem>> -> memref<512xi32, #tpu.memory_space<vmem>>
      %dma_wait3A_1490 = tpu.memref_slice %arg3[%multiple_of3A] : memref<16384xi32, #tpu.memory_space<hbm>> -> memref<512xi32, #tpu.memory_space<hbm>>
      %dma_wait3A_1491 = arith.constant 0 : i32
      %dma_wait3A_1492 = tpu.memref_slice %arg9[%dma_wait3A_1491] : memref<528xi32, #tpu.memory_space<vmem>> -> memref<512xi32, #tpu.memory_space<vmem>>
      %dma_wait3A_1493 = tpu.memref_slice %arg3[%multiple_of3A] : memref<16384xi32, #tpu.memory_space<hbm>> -> memref<512xi32, #tpu.memory_space<hbm>>
      tpu.wait_dma2 semaphore(%run_scoped3A : memref<!tpu.dma_semaphore, #tpu.memory_space<semaphore_mem>>) src(%dma_wait3A_1493 : memref<512xi32, #tpu.memory_space<hbm>>) dst(%dma_wait3A_1492 : memref<512xi32, #tpu.memory_space<vmem>>)
      tpu.yield
    }) : () -> ()
    "tpu.region"() ({
      %run_scoped3A = tpu.sem_alloc : memref<!tpu.dma_semaphore, #tpu.memory_space<semaphore_mem>>
      tpu.enqueue_dma source(%arg6 : memref<16xf32, #tpu.memory_space<hbm>>) target(%arg15 : memref<16xf32, #tpu.memory_space<vmem>>) target_semaphore(%run_scoped3A : memref<!tpu.dma_semaphore, #tpu.memory_space<semaphore_mem>>)
      tpu.wait_dma2 semaphore(%run_scoped3A : memref<!tpu.dma_semaphore, #tpu.memory_space<semaphore_mem>>) src(%arg6 : memref<16xf32, #tpu.memory_space<hbm>>) dst(%arg15 : memref<16xf32, #tpu.memory_space<vmem>>)
      tpu.yield
    }) : () -> ()
    %get3A = arith.constant 0 : index
    %get3A_3 = tpu.vector_load %arg15[%get3A] {strides = array<i32>} : memref<16xf32, #tpu.memory_space<vmem>>, vector<16xf32>,
    %iota3A = tpu.iota {dimensions = array<i32: 0>} : vector<16xi32>
    %and3A = arith.constant 7 : i32
    %and3A_4 = vector.broadcast %and3A : i32 to vector<16xi32>
    %and3A_5 = arith.andi %iota3A, %and3A_4 : vector<16xi32>
    %mul3A_6 = arith.constant 16 : i32
    %mul3A_7 = vector.broadcast %mul3A_6 : i32 to vector<16xi32>
    %mul3A_8 = arith.muli %and3A_5, %mul3A_7 : vector<16xi32>
    %broadcast_in_dim3A = arith.constant 0 : i32
    %broadcast_in_dim3A_9 = vector.broadcast %broadcast_in_dim3A : i32 to vector<16x1xi32>
    %gather3A = vector.shape_cast %broadcast_in_dim3A_9 : vector<16x1xi32> to vector<16xi32>
    %gather3A_10 = tpu.dynamic_gather %get3A_3[%gather3A] in [0] : vector<16xf32>, vector<16xi32> -> vector<16xf32>
    %broadcast_in_dim3A_11 = arith.constant 1 : i32
    %broadcast_in_dim3A_12 = vector.broadcast %broadcast_in_dim3A_11 : i32 to vector<16x1xi32>
    %gather3A_13 = vector.shape_cast %broadcast_in_dim3A_12 : vector<16x1xi32> to vector<16xi32>
    %gather3A_14 = tpu.dynamic_gather %get3A_3[%gather3A_13] in [0] : vector<16xf32>, vector<16xi32> -> vector<16xf32>
    %broadcast_in_dim3A_15 = arith.constant 2 : i32
    %broadcast_in_dim3A_16 = vector.broadcast %broadcast_in_dim3A_15 : i32 to vector<16x1xi32>
    %gather3A_17 = vector.shape_cast %broadcast_in_dim3A_16 : vector<16x1xi32> to vector<16xi32>
    %gather3A_18 = tpu.dynamic_gather %get3A_3[%gather3A_17] in [0] : vector<16xf32>, vector<16xi32> -> vector<16xf32>
    %broadcast_in_dim3A_19 = arith.constant 3 : i32
    %broadcast_in_dim3A_20 = vector.broadcast %broadcast_in_dim3A_19 : i32 to vector<16x1xi32>
    %gather3A_21 = vector.shape_cast %broadcast_in_dim3A_20 : vector<16x1xi32> to vector<16xi32>
    %gather3A_22 = tpu.dynamic_gather %get3A_3[%gather3A_21] in [0] : vector<16xf32>, vector<16xi32> -> vector<16xf32>
    %broadcast_in_dim3A_23 = arith.constant 4 : i32
    %broadcast_in_dim3A_24 = vector.broadcast %broadcast_in_dim3A_23 : i32 to vector<16x1xi32>
    %gather3A_25 = vector.shape_cast %broadcast_in_dim3A_24 : vector<16x1xi32> to vector<16xi32>
    %gather3A_26 = tpu.dynamic_gather %get3A_3[%gather3A_25] in [0] : vector<16xf32>, vector<16xi32> -> vector<16xf32>
    %broadcast_in_dim3A_27 = arith.constant 5 : i32
    %broadcast_in_dim3A_28 = vector.broadcast %broadcast_in_dim3A_27 : i32 to vector<16x1xi32>
    %gather3A_29 = vector.shape_cast %broadcast_in_dim3A_28 : vector<16x1xi32> to vector<16xi32>
    %gather3A_30 = tpu.dynamic_gather %get3A_3[%gather3A_29] in [0] : vector<16xf32>, vector<16xi32> -> vector<16xf32>
    %broadcast_in_dim3A_31 = arith.constant 6 : i32
    %broadcast_in_dim3A_32 = vector.broadcast %broadcast_in_dim3A_31 : i32 to vector<16x1xi32>
    %gather3A_33 = vector.shape_cast %broadcast_in_dim3A_32 : vector<16x1xi32> to vector<16xi32>
    %gather3A_34 = tpu.dynamic_gather %get3A_3[%gather3A_33] in [0] : vector<16xf32>, vector<16xi32> -> vector<16xf32>
    %broadcast_in_dim3A_35 = arith.constant 7 : i32
    %broadcast_in_dim3A_36 = vector.broadcast %broadcast_in_dim3A_35 : i32 to vector<16x1xi32>
    %gather3A_37 = vector.shape_cast %broadcast_in_dim3A_36 : vector<16x1xi32> to vector<16xi32>
    %gather3A_38 = tpu.dynamic_gather %get3A_3[%gather3A_37] in [0] : vector<16xf32>, vector<16xi32> -> vector<16xf32>
    %broadcast_in_dim3A_39 = arith.constant 8 : i32
    %broadcast_in_dim3A_40 = vector.broadcast %broadcast_in_dim3A_39 : i32 to vector<16x1xi32>
    %gather3A_41 = vector.shape_cast %broadcast_in_dim3A_40 : vector<16x1xi32> to vector<16xi32>
    %gather3A_42 = tpu.dynamic_gather %get3A_3[%gather3A_41] in [0] : vector<16xf32>, vector<16xi32> -> vector<16xf32>
    %broadcast_in_dim3A_43 = arith.constant 9 : i32
    %broadcast_in_dim3A_44 = vector.broadcast %broadcast_in_dim3A_43 : i32 to vector<16x1xi32>
    %gather3A_45 = vector.shape_cast %broadcast_in_dim3A_44 : vector<16x1xi32> to vector<16xi32>
    %gather3A_46 = tpu.dynamic_gather %get3A_3[%gather3A_45] in [0] : vector<16xf32>, vector<16xi32> -> vector<16xf32>
    %broadcast_in_dim3A_47 = arith.constant 10 : i32
    %broadcast_in_dim3A_48 = vector.broadcast %broadcast_in_dim3A_47 : i32 to vector<16x1xi32>
    %gather3A_49 = vector.shape_cast %broadcast_in_dim3A_48 : vector<16x1xi32> to vector<16xi32>
    %gather3A_50 = tpu.dynamic_gather %get3A_3[%gather3A_49] in [0] : vector<16xf32>, vector<16xi32> -> vector<16xf32>
    %broadcast_in_dim3A_51 = arith.constant 11 : i32
    %broadcast_in_dim3A_52 = vector.broadcast %broadcast_in_dim3A_51 : i32 to vector<16x1xi32>
    %gather3A_53 = vector.shape_cast %broadcast_in_dim3A_52 : vector<16x1xi32> to vector<16xi32>
    %gather3A_54 = tpu.dynamic_gather %get3A_3[%gather3A_53] in [0] : vector<16xf32>, vector<16xi32> -> vector<16xf32>
    %broadcast_in_dim3A_55 = arith.constant 12 : i32
    %broadcast_in_dim3A_56 = vector.broadcast %broadcast_in_dim3A_55 : i32 to vector<16x1xi32>
    %gather3A_57 = vector.shape_cast %broadcast_in_dim3A_56 : vector<16x1xi32> to vector<16xi32>
    %gather3A_58 = tpu.dynamic_gather %get3A_3[%gather3A_57] in [0] : vector<16xf32>, vector<16xi32> -> vector<16xf32>
    %broadcast_in_dim3A_59 = arith.constant 13 : i32
    %broadcast_in_dim3A_60 = vector.broadcast %broadcast_in_dim3A_59 : i32 to vector<16x1xi32>
    %gather3A_61 = vector.shape_cast %broadcast_in_dim3A_60 : vector<16x1xi32> to vector<16xi32>
    %gather3A_62 = tpu.dynamic_gather %get3A_3[%gather3A_61] in [0] : vector<16xf32>, vector<16xi32> -> vector<16xf32>
    %broadcast_in_dim3A_63 = arith.constant 14 : i32
    %broadcast_in_dim3A_64 = vector.broadcast %broadcast_in_dim3A_63 : i32 to vector<16x1xi32>
    %gather3A_65 = vector.shape_cast %broadcast_in_dim3A_64 : vector<16x1xi32> to vector<16xi32>
    %gather3A_66 = tpu.dynamic_gather %get3A_3[%gather3A_65] in [0] : vector<16xf32>, vector<16xi32> -> vector<16xf32>
    %broadcast_in_dim3A_67 = arith.constant 15 : i32
    %broadcast_in_dim3A_68 = vector.broadcast %broadcast_in_dim3A_67 : i32 to vector<16x1xi32>
    %gather3A_69 = vector.shape_cast %broadcast_in_dim3A_68 : vector<16x1xi32> to vector<16xi32>
    %gather3A_70 = tpu.dynamic_gather %get3A_3[%gather3A_69] in [0] : vector<16xf32>, vector<16xi32> -> vector<16xf32>
    %multiple_of3A_71 = arith.constant 0 : i32
    %multiple_of3A_72 = tpu.assume_multiple %multiple_of3A_71, 8 : i32
    %get3A_73 = arith.index_cast %multiple_of3A_72 : i32 to index
    %get3A_74 = tpu.vector_load %arg8[%get3A_73] {strides = array<i32>} : memref<528xi32, #tpu.memory_space<vmem>>, vector<16xi32>,
    %shift_right_arithmetic3A = arith.constant 7 : i32
    %shift_right_arithmetic3A_75 = vector.broadcast %shift_right_arithmetic3A : i32 to vector<16xi32>
    %shift_right_arithmetic3A_76 = arith.shrsi %get3A_74, %shift_right_arithmetic3A_75 : vector<16xi32>
    %shift_left3A = arith.constant 7 : i32
    %shift_left3A_77 = vector.broadcast %shift_left3A : i32 to vector<16xi32>
    %shift_left3A_78 = arith.shli %shift_right_arithmetic3A_76, %shift_left3A_77 : vector<16xi32>
    %get3A_79 = arith.index_cast %multiple_of3A_72 : i32 to index
    %get3A_80 = tpu.vector_load %arg9[%get3A_79] {strides = array<i32>} : memref<528xi32, #tpu.memory_space<vmem>>, vector<16xi32>,
    %shift_right_arithmetic3A_81 = arith.constant 7 : i32
    %shift_right_arithmetic3A_82 = vector.broadcast %shift_right_arithmetic3A_81 : i32 to vector<16xi32>
    %shift_right_arithmetic3A_83 = arith.shrsi %get3A_80, %shift_right_arithmetic3A_82 : vector<16xi32>
    %shift_left3A_84 = arith.constant 7 : i32
    %shift_left3A_85 = vector.broadcast %shift_left3A_84 : i32 to vector<16xi32>
    %shift_left3A_86 = arith.shli %shift_right_arithmetic3A_83, %shift_left3A_85 : vector<16xi32>
    %slice3A = vector.extract_strided_slice %shift_left3A_78 {offsets = [0], sizes = [1], strides = [1]} : vector<16xi32> to vector<1xi32>
    %squeeze3A = vector.extract %slice3A[0] : i32 from vector<1xi32>
    %multiple_of3A_87 = tpu.assume_multiple %squeeze3A, 128 : i32
    %slice3A_88 = vector.extract_strided_slice %shift_left3A_86 {offsets = [0], sizes = [1], strides = [1]} : vector<16xi32> to vector<1xi32>
    %squeeze3A_89 = vector.extract %slice3A_88[0] : i32 from vector<1xi32>
    %multiple_of3A_90 = tpu.assume_multiple %squeeze3A_89, 128 : i32
    %dma_start3A = arith.constant 0 : i32
    %dma_start3A_91 = arith.constant 0 : i32
    %dma_start3A_92 = arith.constant 0 : i32
    %dma_start3A_93 = arith.constant 0 : i32
    %dma_start3A_94 = tpu.memref_slice %arg10[%dma_start3A, %dma_start3A_91, %dma_start3A_92, %dma_start3A_93] : memref<8x2x8x128xf32, #tpu.memory_space<vmem>> -> memref<1x2x8x128xf32, #tpu.memory_space<vmem>>
    %dma_start3A_95 = tpu.memref_squeeze %dma_start3A_94 : memref<1x2x8x128xf32, #tpu.memory_space<vmem>> -> memref<2x8x128xf32, #tpu.memory_space<vmem>>
    %dma_start3A_96 = tpu.memref_reshape %arg4 : memref<16x1000000xf32, #tpu.memory_space<hbm>> -> memref<2x8x1000000xf32, #tpu.memory_space<hbm>>
    %dma_start3A_97 = arith.constant 0 : i32
    %dma_start3A_98 = arith.constant 0 : i32
    %dma_start3A_99 = tpu.memref_slice %dma_start3A_96[%dma_start3A_97, %dma_start3A_98, %multiple_of3A_87] : memref<2x8x1000000xf32, #tpu.memory_space<hbm>> -> memref<2x8x128xf32, #tpu.memory_space<hbm>>
    %dma_start3A_100 = arith.constant 0 : i32
    %dma_start3A_101 = arith.constant 0 : i32
    %dma_start3A_102 = arith.constant 0 : i32
    %dma_start3A_103 = tpu.memref_slice %arg10[%dma_start3A, %dma_start3A_100, %dma_start3A_101, %dma_start3A_102] : memref<8x2x8x128xf32, #tpu.memory_space<vmem>> -> memref<1x2x8x128xf32, #tpu.memory_space<vmem>>
    %dma_start3A_104 = tpu.memref_squeeze %dma_start3A_103 : memref<1x2x8x128xf32, #tpu.memory_space<vmem>> -> memref<2x8x128xf32, #tpu.memory_space<vmem>>
    %dma_start3A_105 = tpu.memref_reshape %arg4 : memref<16x1000000xf32, #tpu.memory_space<hbm>> -> memref<2x8x1000000xf32, #tpu.memory_space<hbm>>
    %dma_start3A_106 = arith.constant 0 : i32
    %dma_start3A_107 = arith.constant 0 : i32
    %dma_start3A_108 = tpu.memref_slice %dma_start3A_105[%dma_start3A_106, %dma_start3A_107, %multiple_of3A_87] : memref<2x8x1000000xf32, #tpu.memory_space<hbm>> -> memref<2x8x128xf32, #tpu.memory_space<hbm>>
    tpu.enqueue_dma source(%dma_start3A_108 : memref<2x8x128xf32, #tpu.memory_space<hbm>>) target(%dma_start3A_104 : memref<2x8x128xf32, #tpu.memory_space<vmem>>) target_semaphore(%arg16 : memref<!tpu.dma_semaphore, #tpu.memory_space<semaphore_mem>>)
    %dma_start3A_109 = arith.constant 0 : i32
    %dma_start3A_110 = arith.constant 0 : i32
    %dma_start3A_111 = arith.constant 0 : i32
    %dma_start3A_112 = arith.constant 0 : i32
    %dma_start3A_113 = tpu.memref_slice %arg11[%dma_start3A_109, %dma_start3A_110, %dma_start3A_111, %dma_start3A_112] : memref<8x2x8x128xf32, #tpu.memory_space<vmem>> -> memref<1x2x8x128xf32, #tpu.memory_space<vmem>>
    %dma_start3A_114 = tpu.memref_squeeze %dma_start3A_113 : memref<1x2x8x128xf32, #tpu.memory_space<vmem>> -> memref<2x8x128xf32, #tpu.memory_space<vmem>>
    %dma_start3A_115 = tpu.memref_reshape %arg5 : memref<16x1000000xf32, #tpu.memory_space<hbm>> -> memref<2x8x1000000xf32, #tpu.memory_space<hbm>>
    %dma_start3A_116 = arith.constant 0 : i32
    %dma_start3A_117 = arith.constant 0 : i32
    %dma_start3A_118 = tpu.memref_slice %dma_start3A_115[%dma_start3A_116, %dma_start3A_117, %multiple_of3A_90] : memref<2x8x1000000xf32, #tpu.memory_space<hbm>> -> memref<2x8x128xf32, #tpu.memory_space<hbm>>
    %dma_start3A_119 = arith.constant 0 : i32
    %dma_start3A_120 = arith.constant 0 : i32
    %dma_start3A_121 = arith.constant 0 : i32
    %dma_start3A_122 = tpu.memref_slice %arg11[%dma_start3A_109, %dma_start3A_119, %dma_start3A_120, %dma_start3A_121] : memref<8x2x8x128xf32, #tpu.memory_space<vmem>> -> memref<1x2x8x128xf32, #tpu.memory_space<vmem>>
    %dma_start3A_123 = tpu.memref_squeeze %dma_start3A_122 : memref<1x2x8x128xf32, #tpu.memory_space<vmem>> -> memref<2x8x128xf32, #tpu.memory_space<vmem>>
    %dma_start3A_124 = tpu.memref_reshape %arg5 : memref<16x1000000xf32, #tpu.memory_space<hbm>> -> memref<2x8x1000000xf32, #tpu.memory_space<hbm>>
    %dma_start3A_125 = arith.constant 0 : i32
    %dma_start3A_126 = arith.constant 0 : i32
    %dma_start3A_127 = tpu.memref_slice %dma_start3A_124[%dma_start3A_125, %dma_start3A_126, %multiple_of3A_90] : memref<2x8x1000000xf32, #tpu.memory_space<hbm>> -> memref<2x8x128xf32, #tpu.memory_space<hbm>>
    tpu.enqueue_dma source(%dma_start3A_127 : memref<2x8x128xf32, #tpu.memory_space<hbm>>) target(%dma_start3A_123 : memref<2x8x128xf32, #tpu.memory_space<vmem>>) target_semaphore(%arg16 : memref<!tpu.dma_semaphore, #tpu.memory_space<semaphore_mem>>)
    %slice3A_128 = vector.extract_strided_slice %shift_left3A_78 {offsets = [1], sizes = [1], strides = [1]} : vector<16xi32> to vector<1xi32>
    %squeeze3A_129 = vector.extract %slice3A_128[0] : i32 from vector<1xi32>
    %multiple_of3A_130 = tpu.assume_multiple %squeeze3A_129, 128 : i32
    %slice3A_131 = vector.extract_strided_slice %shift_left3A_86 {offsets = [1], sizes = [1], strides = [1]} : vector<16xi32> to vector<1xi32>
    %squeeze3A_132 = vector.extract %slice3A_131[0] : i32 from vector<1xi32>
    %multiple_of3A_133 = tpu.assume_multiple %squeeze3A_132, 128 : i32
    %dma_start3A_134 = arith.constant 1 : i32
    %dma_start3A_135 = arith.constant 0 : i32
    %dma_start3A_136 = arith.constant 0 : i32
    %dma_start3A_137 = arith.constant 0 : i32
    %dma_start3A_138 = tpu.memref_slice %arg10[%dma_start3A_134, %dma_start3A_135, %dma_start3A_136, %dma_start3A_137] : memref<8x2x8x128xf32, #tpu.memory_space<vmem>> -> memref<1x2x8x128xf32, #tpu.memory_space<vmem>>
    %dma_start3A_139 = tpu.memref_squeeze %dma_start3A_138 : memref<1x2x8x128xf32, #tpu.memory_space<vmem>> -> memref<2x8x128xf32, #tpu.memory_space<vmem>>
    %dma_start3A_140 = tpu.memref_reshape %arg4 : memref<16x1000000xf32, #tpu.memory_space<hbm>> -> memref<2x8x1000000xf32, #tpu.memory_space<hbm>>
    %dma_start3A_141 = arith.constant 0 : i32
    %dma_start3A_142 = arith.constant 0 : i32
    %dma_start3A_143 = tpu.memref_slice %dma_start3A_140[%dma_start3A_141, %dma_start3A_142, %multiple_of3A_130] : memref<2x8x1000000xf32, #tpu.memory_space<hbm>> -> memref<2x8x128xf32, #tpu.memory_space<hbm>>
    %dma_start3A_144 = arith.constant 0 : i32
    %dma_start3A_145 = arith.constant 0 : i32
    %dma_start3A_146 = arith.constant 0 : i32
    %dma_start3A_147 = tpu.memref_slice %arg10[%dma_start3A_134, %dma_start3A_144, %dma_start3A_145, %dma_start3A_146] : memref<8x2x8x128xf32, #tpu.memory_space<vmem>> -> memref<1x2x8x128xf32, #tpu.memory_space<vmem>>
    %dma_start3A_148 = tpu.memref_squeeze %dma_start3A_147 : memref<1x2x8x128xf32, #tpu.memory_space<vmem>> -> memref<2x8x128xf32, #tpu.memory_space<vmem>>
    %dma_start3A_149 = tpu.memref_reshape %arg4 : memref<16x1000000xf32, #tpu.memory_space<hbm>> -> memref<2x8x1000000xf32, #tpu.memory_space<hbm>>
    %dma_start3A_150 = arith.constant 0 : i32
    %dma_start3A_151 = arith.constant 0 : i32
    %dma_start3A_152 = tpu.memref_slice %dma_start3A_149[%dma_start3A_150, %dma_start3A_151, %multiple_of3A_130] : memref<2x8x1000000xf32, #tpu.memory_space<hbm>> -> memref<2x8x128xf32, #tpu.memory_space<hbm>>
    tpu.enqueue_dma source(%dma_start3A_152 : memref<2x8x128xf32, #tpu.memory_space<hbm>>) target(%dma_start3A_148 : memref<2x8x128xf32, #tpu.memory_space<vmem>>) target_semaphore(%arg16 : memref<!tpu.dma_semaphore, #tpu.memory_space<semaphore_mem>>)
    %dma_start3A_153 = arith.constant 1 : i32
    %dma_start3A_154 = arith.constant 0 : i32
    %dma_start3A_155 = arith.constant 0 : i32
    %dma_start3A_156 = arith.constant 0 : i32
    %dma_start3A_157 = tpu.memref_slice %arg11[%dma_start3A_153, %dma_start3A_154, %dma_start3A_155, %dma_start3A_156] : memref<8x2x8x128xf32, #tpu.memory_space<vmem>> -> memref<1x2x8x128xf32, #tpu.memory_space<vmem>>
    %dma_start3A_158 = tpu.memref_squeeze %dma_start3A_157 : memref<1x2x8x128xf32, #tpu.memory_space<vmem>> -> memref<2x8x128xf32, #tpu.memory_space<vmem>>
    %dma_start3A_159 = tpu.memref_reshape %arg5 : memref<16x1000000xf32, #tpu.memory_space<hbm>> -> memref<2x8x1000000xf32, #tpu.memory_space<hbm>>
    %dma_start3A_160 = arith.constant 0 : i32
    %dma_start3A_161 = arith.constant 0 : i32
    %dma_start3A_162 = tpu.memref_slice %dma_start3A_159[%dma_start3A_160, %dma_start3A_161, %multiple_of3A_133] : memref<2x8x1000000xf32, #tpu.memory_space<hbm>> -> memref<2x8x128xf32, #tpu.memory_space<hbm>>
    %dma_start3A_163 = arith.constant 0 : i32
    %dma_start3A_164 = arith.constant 0 : i32
    %dma_start3A_165 = arith.constant 0 : i32
    %dma_start3A_166 = tpu.memref_slice %arg11[%dma_start3A_153, %dma_start3A_163, %dma_start3A_164, %dma_start3A_165] : memref<8x2x8x128xf32, #tpu.memory_space<vmem>> -> memref<1x2x8x128xf32, #tpu.memory_space<vmem>>
    %dma_start3A_167 = tpu.memref_squeeze %dma_start3A_166 : memref<1x2x8x128xf32, #tpu.memory_space<vmem>> -> memref<2x8x128xf32, #tpu.memory_space<vmem>>
    %dma_start3A_168 = tpu.memref_reshape %arg5 : memref<16x1000000xf32, #tpu.memory_space<hbm>> -> memref<2x8x1000000xf32, #tpu.memory_space<hbm>>
    %dma_start3A_169 = arith.constant 0 : i32
    %dma_start3A_170 = arith.constant 0 : i32
    %dma_start3A_171 = tpu.memref_slice %dma_start3A_168[%dma_start3A_169, %dma_start3A_170, %multiple_of3A_133] : memref<2x8x1000000xf32, #tpu.memory_space<hbm>> -> memref<2x8x128xf32, #tpu.memory_space<hbm>>
    tpu.enqueue_dma source(%dma_start3A_171 : memref<2x8x128xf32, #tpu.memory_space<hbm>>) target(%dma_start3A_167 : memref<2x8x128xf32, #tpu.memory_space<vmem>>) target_semaphore(%arg16 : memref<!tpu.dma_semaphore, #tpu.memory_space<semaphore_mem>>)
    %slice3A_172 = vector.extract_strided_slice %shift_left3A_78 {offsets = [2], sizes = [1], strides = [1]} : vector<16xi32> to vector<1xi32>
    %squeeze3A_173 = vector.extract %slice3A_172[0] : i32 from vector<1xi32>
    %multiple_of3A_174 = tpu.assume_multiple %squeeze3A_173, 128 : i32
    %slice3A_175 = vector.extract_strided_slice %shift_left3A_86 {offsets = [2], sizes = [1], strides = [1]} : vector<16xi32> to vector<1xi32>
    %squeeze3A_176 = vector.extract %slice3A_175[0] : i32 from vector<1xi32>
    %multiple_of3A_177 = tpu.assume_multiple %squeeze3A_176, 128 : i32
    %dma_start3A_178 = arith.constant 2 : i32
    %dma_start3A_179 = arith.constant 0 : i32
    %dma_start3A_180 = arith.constant 0 : i32
    %dma_start3A_181 = arith.constant 0 : i32
    %dma_start3A_182 = tpu.memref_slice %arg10[%dma_start3A_178, %dma_start3A_179, %dma_start3A_180, %dma_start3A_181] : memref<8x2x8x128xf32, #tpu.memory_space<vmem>> -> memref<1x2x8x128xf32, #tpu.memory_space<vmem>>
    %dma_start3A_183 = tpu.memref_squeeze %dma_start3A_182 : memref<1x2x8x128xf32, #tpu.memory_space<vmem>> -> memref<2x8x128xf32, #tpu.memory_space<vmem>>
    %dma_start3A_184 = tpu.memref_reshape %arg4 : memref<16x1000000xf32, #tpu.memory_space<hbm>> -> memref<2x8x1000000xf32, #tpu.memory_space<hbm>>
    %dma_start3A_185 = arith.constant 0 : i32
    %dma_start3A_186 = arith.constant 0 : i32
    %dma_start3A_187 = tpu.memref_slice %dma_start3A_184[%dma_start3A_185, %dma_start3A_186, %multiple_of3A_174] : memref<2x8x1000000xf32, #tpu.memory_space<hbm>> -> memref<2x8x128xf32, #tpu.memory_space<hbm>>
    %dma_start3A_188 = arith.constant 0 : i32
    %dma_start3A_189 = arith.constant 0 : i32
    %dma_start3A_190 = arith.constant 0 : i32
    %dma_start3A_191 = tpu.memref_slice %arg10[%dma_start3A_178, %dma_start3A_188, %dma_start3A_189, %dma_start3A_190] : memref<8x2x8x128xf32, #tpu.memory_space<vmem>> -> memref<1x2x8x128xf32, #tpu.memory_space<vmem>>
    %dma_start3A_192 = tpu.memref_squeeze %dma_start3A_191 : memref<1x2x8x128xf32, #tpu.memory_space<vmem>> -> memref<2x8x128xf32, #tpu.memory_space<vmem>>
    %dma_start3A_193 = tpu.memref_reshape %arg4 : memref<16x1000000xf32, #tpu.memory_space<hbm>> -> memref<2x8x1000000xf32, #tpu.memory_space<hbm>>
    %dma_start3A_194 = arith.constant 0 : i32
    %dma_start3A_195 = arith.constant 0 : i32
    %dma_start3A_196 = tpu.memref_slice %dma_start3A_193[%dma_start3A_194, %dma_start3A_195, %multiple_of3A_174] : memref<2x8x1000000xf32, #tpu.memory_space<hbm>> -> memref<2x8x128xf32, #tpu.memory_space<hbm>>
    tpu.enqueue_dma source(%dma_start3A_196 : memref<2x8x128xf32, #tpu.memory_space<hbm>>) target(%dma_start3A_192 : memref<2x8x128xf32, #tpu.memory_space<vmem>>) target_semaphore(%arg16 : memref<!tpu.dma_semaphore, #tpu.memory_space<semaphore_mem>>)
    %dma_start3A_197 = arith.constant 2 : i32
    %dma_start3A_198 = arith.constant 0 : i32
    %dma_start3A_199 = arith.constant 0 : i32
    %dma_start3A_200 = arith.constant 0 : i32
    %dma_start3A_201 = tpu.memref_slice %arg11[%dma_start3A_197, %dma_start3A_198, %dma_start3A_199, %dma_start3A_200] : memref<8x2x8x128xf32, #tpu.memory_space<vmem>> -> memref<1x2x8x128xf32, #tpu.memory_space<vmem>>
    %dma_start3A_202 = tpu.memref_squeeze %dma_start3A_201 : memref<1x2x8x128xf32, #tpu.memory_space<vmem>> -> memref<2x8x128xf32, #tpu.memory_space<vmem>>
    %dma_start3A_203 = tpu.memref_reshape %arg5 : memref<16x1000000xf32, #tpu.memory_space<hbm>> -> memref<2x8x1000000xf32, #tpu.memory_space<hbm>>
    %dma_start3A_204 = arith.constant 0 : i32
    %dma_start3A_205 = arith.constant 0 : i32
    %dma_start3A_206 = tpu.memref_slice %dma_start3A_203[%dma_start3A_204, %dma_start3A_205, %multiple_of3A_177] : memref<2x8x1000000xf32, #tpu.memory_space<hbm>> -> memref<2x8x128xf32, #tpu.memory_space<hbm>>
    %dma_start3A_207 = arith.constant 0 : i32
    %dma_start3A_208 = arith.constant 0 : i32
    %dma_start3A_209 = arith.constant 0 : i32
    %dma_start3A_210 = tpu.memref_slice %arg11[%dma_start3A_197, %dma_start3A_207, %dma_start3A_208, %dma_start3A_209] : memref<8x2x8x128xf32, #tpu.memory_space<vmem>> -> memref<1x2x8x128xf32, #tpu.memory_space<vmem>>
    %dma_start3A_211 = tpu.memref_squeeze %dma_start3A_210 : memref<1x2x8x128xf32, #tpu.memory_space<vmem>> -> memref<2x8x128xf32, #tpu.memory_space<vmem>>
    %dma_start3A_212 = tpu.memref_reshape %arg5 : memref<16x1000000xf32, #tpu.memory_space<hbm>> -> memref<2x8x1000000xf32, #tpu.memory_space<hbm>>
    %dma_start3A_213 = arith.constant 0 : i32
    %dma_start3A_214 = arith.constant 0 : i32
    %dma_start3A_215 = tpu.memref_slice %dma_start3A_212[%dma_start3A_213, %dma_start3A_214, %multiple_of3A_177] : memref<2x8x1000000xf32, #tpu.memory_space<hbm>> -> memref<2x8x128xf32, #tpu.memory_space<hbm>>
    tpu.enqueue_dma source(%dma_start3A_215 : memref<2x8x128xf32, #tpu.memory_space<hbm>>) target(%dma_start3A_211 : memref<2x8x128xf32, #tpu.memory_space<vmem>>) target_semaphore(%arg16 : memref<!tpu.dma_semaphore, #tpu.memory_space<semaphore_mem>>)
    %slice3A_216 = vector.extract_strided_slice %shift_left3A_78 {offsets = [3], sizes = [1], strides = [1]} : vector<16xi32> to vector<1xi32>
    %squeeze3A_217 = vector.extract %slice3A_216[0] : i32 from vector<1xi32>
    %multiple_of3A_218 = tpu.assume_multiple %squeeze3A_217, 128 : i32
    %slice3A_219 = vector.extract_strided_slice %shift_left3A_86 {offsets = [3], sizes = [1], strides = [1]} : vector<16xi32> to vector<1xi32>
    %squeeze3A_220 = vector.extract %slice3A_219[0] : i32 from vector<1xi32>
    %multiple_of3A_221 = tpu.assume_multiple %squeeze3A_220, 128 : i32
    %dma_start3A_222 = arith.constant 3 : i32
    %dma_start3A_223 = arith.constant 0 : i32
    %dma_start3A_224 = arith.constant 0 : i32
    %dma_start3A_225 = arith.constant 0 : i32
    %dma_start3A_226 = tpu.memref_slice %arg10[%dma_start3A_222, %dma_start3A_223, %dma_start3A_224, %dma_start3A_225] : memref<8x2x8x128xf32, #tpu.memory_space<vmem>> -> memref<1x2x8x128xf32, #tpu.memory_space<vmem>>
    %dma_start3A_227 = tpu.memref_squeeze %dma_start3A_226 : memref<1x2x8x128xf32, #tpu.memory_space<vmem>> -> memref<2x8x128xf32, #tpu.memory_space<vmem>>
    %dma_start3A_228 = tpu.memref_reshape %arg4 : memref<16x1000000xf32, #tpu.memory_space<hbm>> -> memref<2x8x1000000xf32, #tpu.memory_space<hbm>>
    %dma_start3A_229 = arith.constant 0 : i32
    %dma_start3A_230 = arith.constant 0 : i32
    %dma_start3A_231 = tpu.memref_slice %dma_start3A_228[%dma_start3A_229, %dma_start3A_230, %multiple_of3A_218] : memref<2x8x1000000xf32, #tpu.memory_space<hbm>> -> memref<2x8x128xf32, #tpu.memory_space<hbm>>
    %dma_start3A_232 = arith.constant 0 : i32
    %dma_start3A_233 = arith.constant 0 : i32
    %dma_start3A_234 = arith.constant 0 : i32
    %dma_start3A_235 = tpu.memref_slice %arg10[%dma_start3A_222, %dma_start3A_232, %dma_start3A_233, %dma_start3A_234] : memref<8x2x8x128xf32, #tpu.memory_space<vmem>> -> memref<1x2x8x128xf32, #tpu.memory_space<vmem>>
    %dma_start3A_236 = tpu.memref_squeeze %dma_start3A_235 : memref<1x2x8x128xf32, #tpu.memory_space<vmem>> -> memref<2x8x128xf32, #tpu.memory_space<vmem>>
    %dma_start3A_237 = tpu.memref_reshape %arg4 : memref<16x1000000xf32, #tpu.memory_space<hbm>> -> memref<2x8x1000000xf32, #tpu.memory_space<hbm>>
    %dma_start3A_238 = arith.constant 0 : i32
    %dma_start3A_239 = arith.constant 0 : i32
    %dma_start3A_240 = tpu.memref_slice %dma_start3A_237[%dma_start3A_238, %dma_start3A_239, %multiple_of3A_218] : memref<2x8x1000000xf32, #tpu.memory_space<hbm>> -> memref<2x8x128xf32, #tpu.memory_space<hbm>>
    tpu.enqueue_dma source(%dma_start3A_240 : memref<2x8x128xf32, #tpu.memory_space<hbm>>) target(%dma_start3A_236 : memref<2x8x128xf32, #tpu.memory_space<vmem>>) target_semaphore(%arg16 : memref<!tpu.dma_semaphore, #tpu.memory_space<semaphore_mem>>)
    %dma_start3A_241 = arith.constant 3 : i32
    %dma_start3A_242 = arith.constant 0 : i32
    %dma_start3A_243 = arith.constant 0 : i32
    %dma_start3A_244 = arith.constant 0 : i32
    %dma_start3A_245 = tpu.memref_slice %arg11[%dma_start3A_241, %dma_start3A_242, %dma_start3A_243, %dma_start3A_244] : memref<8x2x8x128xf32, #tpu.memory_space<vmem>> -> memref<1x2x8x128xf32, #tpu.memory_space<vmem>>
    %dma_start3A_246 = tpu.memref_squeeze %dma_start3A_245 : memref<1x2x8x128xf32, #tpu.memory_space<vmem>> -> memref<2x8x128xf32, #tpu.memory_space<vmem>>
    %dma_start3A_247 = tpu.memref_reshape %arg5 : memref<16x1000000xf32, #tpu.memory_space<hbm>> -> memref<2x8x1000000xf32, #tpu.memory_space<hbm>>
    %dma_start3A_248 = arith.constant 0 : i32
    %dma_start3A_249 = arith.constant 0 : i32
    %dma_start3A_250 = tpu.memref_slice %dma_start3A_247[%dma_start3A_248, %dma_start3A_249, %multiple_of3A_221] : memref<2x8x1000000xf32, #tpu.memory_space<hbm>> -> memref<2x8x128xf32, #tpu.memory_space<hbm>>
    %dma_start3A_251 = arith.constant 0 : i32
    %dma_start3A_252 = arith.constant 0 : i32
    %dma_start3A_253 = arith.constant 0 : i32
    %dma_start3A_254 = tpu.memref_slice %arg11[%dma_start3A_241, %dma_start3A_251, %dma_start3A_252, %dma_start3A_253] : memref<8x2x8x128xf32, #tpu.memory_space<vmem>> -> memref<1x2x8x128xf32, #tpu.memory_space<vmem>>
    %dma_start3A_255 = tpu.memref_squeeze %dma_start3A_254 : memref<1x2x8x128xf32, #tpu.memory_space<vmem>> -> memref<2x8x128xf32, #tpu.memory_space<vmem>>
    %dma_start3A_256 = tpu.memref_reshape %arg5 : memref<16x1000000xf32, #tpu.memory_space<hbm>> -> memref<2x8x1000000xf32, #tpu.memory_space<hbm>>
    %dma_start3A_257 = arith.constant 0 : i32
    %dma_start3A_258 = arith.constant 0 : i32
    %dma_start3A_259 = tpu.memref_slice %dma_start3A_256[%dma_start3A_257, %dma_start3A_258, %multiple_of3A_221] : memref<2x8x1000000xf32, #tpu.memory_space<hbm>> -> memref<2x8x128xf32, #tpu.memory_space<hbm>>
    tpu.enqueue_dma source(%dma_start3A_259 : memref<2x8x128xf32, #tpu.memory_space<hbm>>) target(%dma_start3A_255 : memref<2x8x128xf32, #tpu.memory_space<vmem>>) target_semaphore(%arg16 : memref<!tpu.dma_semaphore, #tpu.memory_space<semaphore_mem>>)
    %slice3A_260 = vector.extract_strided_slice %shift_left3A_78 {offsets = [4], sizes = [1], strides = [1]} : vector<16xi32> to vector<1xi32>
    %squeeze3A_261 = vector.extract %slice3A_260[0] : i32 from vector<1xi32>
    %multiple_of3A_262 = tpu.assume_multiple %squeeze3A_261, 128 : i32
    %slice3A_263 = vector.extract_strided_slice %shift_left3A_86 {offsets = [4], sizes = [1], strides = [1]} : vector<16xi32> to vector<1xi32>
    %squeeze3A_264 = vector.extract %slice3A_263[0] : i32 from vector<1xi32>
    %multiple_of3A_265 = tpu.assume_multiple %squeeze3A_264, 128 : i32
    %dma_start3A_266 = arith.constant 4 : i32
    %dma_start3A_267 = arith.constant 0 : i32
    %dma_start3A_268 = arith.constant 0 : i32
    %dma_start3A_269 = arith.constant 0 : i32
    %dma_start3A_270 = tpu.memref_slice %arg10[%dma_start3A_266, %dma_start3A_267, %dma_start3A_268, %dma_start3A_269] : memref<8x2x8x128xf32, #tpu.memory_space<vmem>> -> memref<1x2x8x128xf32, #tpu.memory_space<vmem>>
    %dma_start3A_271 = tpu.memref_squeeze %dma_start3A_270 : memref<1x2x8x128xf32, #tpu.memory_space<vmem>> -> memref<2x8x128xf32, #tpu.memory_space<vmem>>
    %dma_start3A_272 = tpu.memref_reshape %arg4 : memref<16x1000000xf32, #tpu.memory_space<hbm>> -> memref<2x8x1000000xf32, #tpu.memory_space<hbm>>
    %dma_start3A_273 = arith.constant 0 : i32
    %dma_start3A_274 = arith.constant 0 : i32
    %dma_start3A_275 = tpu.memref_slice %dma_start3A_272[%dma_start3A_273, %dma_start3A_274, %multiple_of3A_262] : memref<2x8x1000000xf32, #tpu.memory_space<hbm>> -> memref<2x8x128xf32, #tpu.memory_space<hbm>>
    %dma_start3A_276 = arith.constant 0 : i32
    %dma_start3A_277 = arith.constant 0 : i32
    %dma_start3A_278 = arith.constant 0 : i32
    %dma_start3A_279 = tpu.memref_slice %arg10[%dma_start3A_266, %dma_start3A_276, %dma_start3A_277, %dma_start3A_278] : memref<8x2x8x128xf32, #tpu.memory_space<vmem>> -> memref<1x2x8x128xf32, #tpu.memory_space<vmem>>
    %dma_start3A_280 = tpu.memref_squeeze %dma_start3A_279 : memref<1x2x8x128xf32, #tpu.memory_space<vmem>> -> memref<2x8x128xf32, #tpu.memory_space<vmem>>
    %dma_start3A_281 = tpu.memref_reshape %arg4 : memref<16x1000000xf32, #tpu.memory_space<hbm>> -> memref<2x8x1000000xf32, #tpu.memory_space<hbm>>
    %dma_start3A_282 = arith.constant 0 : i32
    %dma_start3A_283 = arith.constant 0 : i32
    %dma_start3A_284 = tpu.memref_slice %dma_start3A_281[%dma_start3A_282, %dma_start3A_283, %multiple_of3A_262] : memref<2x8x1000000xf32, #tpu.memory_space<hbm>> -> memref<2x8x128xf32, #tpu.memory_space<hbm>>
    tpu.enqueue_dma source(%dma_start3A_284 : memref<2x8x128xf32, #tpu.memory_space<hbm>>) target(%dma_start3A_280 : memref<2x8x128xf32, #tpu.memory_space<vmem>>) target_semaphore(%arg16 : memref<!tpu.dma_semaphore, #tpu.memory_space<semaphore_mem>>)
    %dma_start3A_285 = arith.constant 4 : i32
    %dma_start3A_286 = arith.constant 0 : i32
    %dma_start3A_287 = arith.constant 0 : i32
    %dma_start3A_288 = arith.constant 0 : i32
    %dma_start3A_289 = tpu.memref_slice %arg11[%dma_start3A_285, %dma_start3A_286, %dma_start3A_287, %dma_start3A_288] : memref<8x2x8x128xf32, #tpu.memory_space<vmem>> -> memref<1x2x8x128xf32, #tpu.memory_space<vmem>>
    %dma_start3A_290 = tpu.memref_squeeze %dma_start3A_289 : memref<1x2x8x128xf32, #tpu.memory_space<vmem>> -> memref<2x8x128xf32, #tpu.memory_space<vmem>>
    %dma_start3A_291 = tpu.memref_reshape %arg5 : memref<16x1000000xf32, #tpu.memory_space<hbm>> -> memref<2x8x1000000xf32, #tpu.memory_space<hbm>>
    %dma_start3A_292 = arith.constant 0 : i32
    %dma_start3A_293 = arith.constant 0 : i32
    %dma_start3A_294 = tpu.memref_slice %dma_start3A_291[%dma_start3A_292, %dma_start3A_293, %multiple_of3A_265] : memref<2x8x1000000xf32, #tpu.memory_space<hbm>> -> memref<2x8x128xf32, #tpu.memory_space<hbm>>
    %dma_start3A_295 = arith.constant 0 : i32
    %dma_start3A_296 = arith.constant 0 : i32
    %dma_start3A_297 = arith.constant 0 : i32
    %dma_start3A_298 = tpu.memref_slice %arg11[%dma_start3A_285, %dma_start3A_295, %dma_start3A_296, %dma_start3A_297] : memref<8x2x8x128xf32, #tpu.memory_space<vmem>> -> memref<1x2x8x128xf32, #tpu.memory_space<vmem>>
    %dma_start3A_299 = tpu.memref_squeeze %dma_start3A_298 : memref<1x2x8x128xf32, #tpu.memory_space<vmem>> -> memref<2x8x128xf32, #tpu.memory_space<vmem>>
    %dma_start3A_300 = tpu.memref_reshape %arg5 : memref<16x1000000xf32, #tpu.memory_space<hbm>> -> memref<2x8x1000000xf32, #tpu.memory_space<hbm>>
    %dma_start3A_301 = arith.constant 0 : i32
    %dma_start3A_302 = arith.constant 0 : i32
    %dma_start3A_303 = tpu.memref_slice %dma_start3A_300[%dma_start3A_301, %dma_start3A_302, %multiple_of3A_265] : memref<2x8x1000000xf32, #tpu.memory_space<hbm>> -> memref<2x8x128xf32, #tpu.memory_space<hbm>>
    tpu.enqueue_dma source(%dma_start3A_303 : memref<2x8x128xf32, #tpu.memory_space<hbm>>) target(%dma_start3A_299 : memref<2x8x128xf32, #tpu.memory_space<vmem>>) target_semaphore(%arg16 : memref<!tpu.dma_semaphore, #tpu.memory_space<semaphore_mem>>)
    %slice3A_304 = vector.extract_strided_slice %shift_left3A_78 {offsets = [5], sizes = [1], strides = [1]} : vector<16xi32> to vector<1xi32>
    %squeeze3A_305 = vector.extract %slice3A_304[0] : i32 from vector<1xi32>
    %multiple_of3A_306 = tpu.assume_multiple %squeeze3A_305, 128 : i32
    %slice3A_307 = vector.extract_strided_slice %shift_left3A_86 {offsets = [5], sizes = [1], strides = [1]} : vector<16xi32> to vector<1xi32>
    %squeeze3A_308 = vector.extract %slice3A_307[0] : i32 from vector<1xi32>
    %multiple_of3A_309 = tpu.assume_multiple %squeeze3A_308, 128 : i32
    %dma_start3A_310 = arith.constant 5 : i32
    %dma_start3A_311 = arith.constant 0 : i32
    %dma_start3A_312 = arith.constant 0 : i32
    %dma_start3A_313 = arith.constant 0 : i32
    %dma_start3A_314 = tpu.memref_slice %arg10[%dma_start3A_310, %dma_start3A_311, %dma_start3A_312, %dma_start3A_313] : memref<8x2x8x128xf32, #tpu.memory_space<vmem>> -> memref<1x2x8x128xf32, #tpu.memory_space<vmem>>
    %dma_start3A_315 = tpu.memref_squeeze %dma_start3A_314 : memref<1x2x8x128xf32, #tpu.memory_space<vmem>> -> memref<2x8x128xf32, #tpu.memory_space<vmem>>
    %dma_start3A_316 = tpu.memref_reshape %arg4 : memref<16x1000000xf32, #tpu.memory_space<hbm>> -> memref<2x8x1000000xf32, #tpu.memory_space<hbm>>
    %dma_start3A_317 = arith.constant 0 : i32
    %dma_start3A_318 = arith.constant 0 : i32
    %dma_start3A_319 = tpu.memref_slice %dma_start3A_316[%dma_start3A_317, %dma_start3A_318, %multiple_of3A_306] : memref<2x8x1000000xf32, #tpu.memory_space<hbm>> -> memref<2x8x128xf32, #tpu.memory_space<hbm>>
    %dma_start3A_320 = arith.constant 0 : i32
    %dma_start3A_321 = arith.constant 0 : i32
    %dma_start3A_322 = arith.constant 0 : i32
    %dma_start3A_323 = tpu.memref_slice %arg10[%dma_start3A_310, %dma_start3A_320, %dma_start3A_321, %dma_start3A_322] : memref<8x2x8x128xf32, #tpu.memory_space<vmem>> -> memref<1x2x8x128xf32, #tpu.memory_space<vmem>>
    %dma_start3A_324 = tpu.memref_squeeze %dma_start3A_323 : memref<1x2x8x128xf32, #tpu.memory_space<vmem>> -> memref<2x8x128xf32, #tpu.memory_space<vmem>>
    %dma_start3A_325 = tpu.memref_reshape %arg4 : memref<16x1000000xf32, #tpu.memory_space<hbm>> -> memref<2x8x1000000xf32, #tpu.memory_space<hbm>>
    %dma_start3A_326 = arith.constant 0 : i32
    %dma_start3A_327 = arith.constant 0 : i32
    %dma_start3A_328 = tpu.memref_slice %dma_start3A_325[%dma_start3A_326, %dma_start3A_327, %multiple_of3A_306] : memref<2x8x1000000xf32, #tpu.memory_space<hbm>> -> memref<2x8x128xf32, #tpu.memory_space<hbm>>
    tpu.enqueue_dma source(%dma_start3A_328 : memref<2x8x128xf32, #tpu.memory_space<hbm>>) target(%dma_start3A_324 : memref<2x8x128xf32, #tpu.memory_space<vmem>>) target_semaphore(%arg16 : memref<!tpu.dma_semaphore, #tpu.memory_space<semaphore_mem>>)
    %dma_start3A_329 = arith.constant 5 : i32
    %dma_start3A_330 = arith.constant 0 : i32
    %dma_start3A_331 = arith.constant 0 : i32
    %dma_start3A_332 = arith.constant 0 : i32
    %dma_start3A_333 = tpu.memref_slice %arg11[%dma_start3A_329, %dma_start3A_330, %dma_start3A_331, %dma_start3A_332] : memref<8x2x8x128xf32, #tpu.memory_space<vmem>> -> memref<1x2x8x128xf32, #tpu.memory_space<vmem>>
    %dma_start3A_334 = tpu.memref_squeeze %dma_start3A_333 : memref<1x2x8x128xf32, #tpu.memory_space<vmem>> -> memref<2x8x128xf32, #tpu.memory_space<vmem>>
    %dma_start3A_335 = tpu.memref_reshape %arg5 : memref<16x1000000xf32, #tpu.memory_space<hbm>> -> memref<2x8x1000000xf32, #tpu.memory_space<hbm>>
    %dma_start3A_336 = arith.constant 0 : i32
    %dma_start3A_337 = arith.constant 0 : i32
    %dma_start3A_338 = tpu.memref_slice %dma_start3A_335[%dma_start3A_336, %dma_start3A_337, %multiple_of3A_309] : memref<2x8x1000000xf32, #tpu.memory_space<hbm>> -> memref<2x8x128xf32, #tpu.memory_space<hbm>>
    %dma_start3A_339 = arith.constant 0 : i32
    %dma_start3A_340 = arith.constant 0 : i32
    %dma_start3A_341 = arith.constant 0 : i32
    %dma_start3A_342 = tpu.memref_slice %arg11[%dma_start3A_329, %dma_start3A_339, %dma_start3A_340, %dma_start3A_341] : memref<8x2x8x128xf32, #tpu.memory_space<vmem>> -> memref<1x2x8x128xf32, #tpu.memory_space<vmem>>
    %dma_start3A_343 = tpu.memref_squeeze %dma_start3A_342 : memref<1x2x8x128xf32, #tpu.memory_space<vmem>> -> memref<2x8x128xf32, #tpu.memory_space<vmem>>
    %dma_start3A_344 = tpu.memref_reshape %arg5 : memref<16x1000000xf32, #tpu.memory_space<hbm>> -> memref<2x8x1000000xf32, #tpu.memory_space<hbm>>
    %dma_start3A_345 = arith.constant 0 : i32
    %dma_start3A_346 = arith.constant 0 : i32
    %dma_start3A_347 = tpu.memref_slice %dma_start3A_344[%dma_start3A_345, %dma_start3A_346, %multiple_of3A_309] : memref<2x8x1000000xf32, #tpu.memory_space<hbm>> -> memref<2x8x128xf32, #tpu.memory_space<hbm>>
    tpu.enqueue_dma source(%dma_start3A_347 : memref<2x8x128xf32, #tpu.memory_space<hbm>>) target(%dma_start3A_343 : memref<2x8x128xf32, #tpu.memory_space<vmem>>) target_semaphore(%arg16 : memref<!tpu.dma_semaphore, #tpu.memory_space<semaphore_mem>>)
    %slice3A_348 = vector.extract_strided_slice %shift_left3A_78 {offsets = [6], sizes = [1], strides = [1]} : vector<16xi32> to vector<1xi32>
    %squeeze3A_349 = vector.extract %slice3A_348[0] : i32 from vector<1xi32>
    %multiple_of3A_350 = tpu.assume_multiple %squeeze3A_349, 128 : i32
    %slice3A_351 = vector.extract_strided_slice %shift_left3A_86 {offsets = [6], sizes = [1], strides = [1]} : vector<16xi32> to vector<1xi32>
    %squeeze3A_352 = vector.extract %slice3A_351[0] : i32 from vector<1xi32>
    %multiple_of3A_353 = tpu.assume_multiple %squeeze3A_352, 128 : i32
    %dma_start3A_354 = arith.constant 6 : i32
    %dma_start3A_355 = arith.constant 0 : i32
    %dma_start3A_356 = arith.constant 0 : i32
    %dma_start3A_357 = arith.constant 0 : i32
    %dma_start3A_358 = tpu.memref_slice %arg10[%dma_start3A_354, %dma_start3A_355, %dma_start3A_356, %dma_start3A_357] : memref<8x2x8x128xf32, #tpu.memory_space<vmem>> -> memref<1x2x8x128xf32, #tpu.memory_space<vmem>>
    %dma_start3A_359 = tpu.memref_squeeze %dma_start3A_358 : memref<1x2x8x128xf32, #tpu.memory_space<vmem>> -> memref<2x8x128xf32, #tpu.memory_space<vmem>>
    %dma_start3A_360 = tpu.memref_reshape %arg4 : memref<16x1000000xf32, #tpu.memory_space<hbm>> -> memref<2x8x1000000xf32, #tpu.memory_space<hbm>>
    %dma_start3A_361 = arith.constant 0 : i32
    %dma_start3A_362 = arith.constant 0 : i32
    %dma_start3A_363 = tpu.memref_slice %dma_start3A_360[%dma_start3A_361, %dma_start3A_362, %multiple_of3A_350] : memref<2x8x1000000xf32, #tpu.memory_space<hbm>> -> memref<2x8x128xf32, #tpu.memory_space<hbm>>
    %dma_start3A_364 = arith.constant 0 : i32
    %dma_start3A_365 = arith.constant 0 : i32
    %dma_start3A_366 = arith.constant 0 : i32
    %dma_start3A_367 = tpu.memref_slice %arg10[%dma_start3A_354, %dma_start3A_364, %dma_start3A_365, %dma_start3A_366] : memref<8x2x8x128xf32, #tpu.memory_space<vmem>> -> memref<1x2x8x128xf32, #tpu.memory_space<vmem>>
    %dma_start3A_368 = tpu.memref_squeeze %dma_start3A_367 : memref<1x2x8x128xf32, #tpu.memory_space<vmem>> -> memref<2x8x128xf32, #tpu.memory_space<vmem>>
    %dma_start3A_369 = tpu.memref_reshape %arg4 : memref<16x1000000xf32, #tpu.memory_space<hbm>> -> memref<2x8x1000000xf32, #tpu.memory_space<hbm>>
    %dma_start3A_370 = arith.constant 0 : i32
    %dma_start3A_371 = arith.constant 0 : i32
    %dma_start3A_372 = tpu.memref_slice %dma_start3A_369[%dma_start3A_370, %dma_start3A_371, %multiple_of3A_350] : memref<2x8x1000000xf32, #tpu.memory_space<hbm>> -> memref<2x8x128xf32, #tpu.memory_space<hbm>>
    tpu.enqueue_dma source(%dma_start3A_372 : memref<2x8x128xf32, #tpu.memory_space<hbm>>) target(%dma_start3A_368 : memref<2x8x128xf32, #tpu.memory_space<vmem>>) target_semaphore(%arg16 : memref<!tpu.dma_semaphore, #tpu.memory_space<semaphore_mem>>)
    %dma_start3A_373 = arith.constant 6 : i32
    %dma_start3A_374 = arith.constant 0 : i32
    %dma_start3A_375 = arith.constant 0 : i32
    %dma_start3A_376 = arith.constant 0 : i32
    %dma_start3A_377 = tpu.memref_slice %arg11[%dma_start3A_373, %dma_start3A_374, %dma_start3A_375, %dma_start3A_376] : memref<8x2x8x128xf32, #tpu.memory_space<vmem>> -> memref<1x2x8x128xf32, #tpu.memory_space<vmem>>
    %dma_start3A_378 = tpu.memref_squeeze %dma_start3A_377 : memref<1x2x8x128xf32, #tpu.memory_space<vmem>> -> memref<2x8x128xf32, #tpu.memory_space<vmem>>
    %dma_start3A_379 = tpu.memref_reshape %arg5 : memref<16x1000000xf32, #tpu.memory_space<hbm>> -> memref<2x8x1000000xf32, #tpu.memory_space<hbm>>
    %dma_start3A_380 = arith.constant 0 : i32
    %dma_start3A_381 = arith.constant 0 : i32
    %dma_start3A_382 = tpu.memref_slice %dma_start3A_379[%dma_start3A_380, %dma_start3A_381, %multiple_of3A_353] : memref<2x8x1000000xf32, #tpu.memory_space<hbm>> -> memref<2x8x128xf32, #tpu.memory_space<hbm>>
    %dma_start3A_383 = arith.constant 0 : i32
    %dma_start3A_384 = arith.constant 0 : i32
    %dma_start3A_385 = arith.constant 0 : i32
    %dma_start3A_386 = tpu.memref_slice %arg11[%dma_start3A_373, %dma_start3A_383, %dma_start3A_384, %dma_start3A_385] : memref<8x2x8x128xf32, #tpu.memory_space<vmem>> -> memref<1x2x8x128xf32, #tpu.memory_space<vmem>>
    %dma_start3A_387 = tpu.memref_squeeze %dma_start3A_386 : memref<1x2x8x128xf32, #tpu.memory_space<vmem>> -> memref<2x8x128xf32, #tpu.memory_space<vmem>>
    %dma_start3A_388 = tpu.memref_reshape %arg5 : memref<16x1000000xf32, #tpu.memory_space<hbm>> -> memref<2x8x1000000xf32, #tpu.memory_space<hbm>>
    %dma_start3A_389 = arith.constant 0 : i32
    %dma_start3A_390 = arith.constant 0 : i32
    %dma_start3A_391 = tpu.memref_slice %dma_start3A_388[%dma_start3A_389, %dma_start3A_390, %multiple_of3A_353] : memref<2x8x1000000xf32, #tpu.memory_space<hbm>> -> memref<2x8x128xf32, #tpu.memory_space<hbm>>
    tpu.enqueue_dma source(%dma_start3A_391 : memref<2x8x128xf32, #tpu.memory_space<hbm>>) target(%dma_start3A_387 : memref<2x8x128xf32, #tpu.memory_space<vmem>>) target_semaphore(%arg16 : memref<!tpu.dma_semaphore, #tpu.memory_space<semaphore_mem>>)
    %slice3A_392 = vector.extract_strided_slice %shift_left3A_78 {offsets = [7], sizes = [1], strides = [1]} : vector<16xi32> to vector<1xi32>
    %squeeze3A_393 = vector.extract %slice3A_392[0] : i32 from vector<1xi32>
    %multiple_of3A_394 = tpu.assume_multiple %squeeze3A_393, 128 : i32
    %slice3A_395 = vector.extract_strided_slice %shift_left3A_86 {offsets = [7], sizes = [1], strides = [1]} : vector<16xi32> to vector<1xi32>
    %squeeze3A_396 = vector.extract %slice3A_395[0] : i32 from vector<1xi32>
    %multiple_of3A_397 = tpu.assume_multiple %squeeze3A_396, 128 : i32
    %dma_start3A_398 = arith.constant 7 : i32
    %dma_start3A_399 = arith.constant 0 : i32
    %dma_start3A_400 = arith.constant 0 : i32
    %dma_start3A_401 = arith.constant 0 : i32
    %dma_start3A_402 = tpu.memref_slice %arg10[%dma_start3A_398, %dma_start3A_399, %dma_start3A_400, %dma_start3A_401] : memref<8x2x8x128xf32, #tpu.memory_space<vmem>> -> memref<1x2x8x128xf32, #tpu.memory_space<vmem>>
    %dma_start3A_403 = tpu.memref_squeeze %dma_start3A_402 : memref<1x2x8x128xf32, #tpu.memory_space<vmem>> -> memref<2x8x128xf32, #tpu.memory_space<vmem>>
    %dma_start3A_404 = tpu.memref_reshape %arg4 : memref<16x1000000xf32, #tpu.memory_space<hbm>> -> memref<2x8x1000000xf32, #tpu.memory_space<hbm>>
    %dma_start3A_405 = arith.constant 0 : i32
    %dma_start3A_406 = arith.constant 0 : i32
    %dma_start3A_407 = tpu.memref_slice %dma_start3A_404[%dma_start3A_405, %dma_start3A_406, %multiple_of3A_394] : memref<2x8x1000000xf32, #tpu.memory_space<hbm>> -> memref<2x8x128xf32, #tpu.memory_space<hbm>>
    %dma_start3A_408 = arith.constant 0 : i32
    %dma_start3A_409 = arith.constant 0 : i32
    %dma_start3A_410 = arith.constant 0 : i32
    %dma_start3A_411 = tpu.memref_slice %arg10[%dma_start3A_398, %dma_start3A_408, %dma_start3A_409, %dma_start3A_410] : memref<8x2x8x128xf32, #tpu.memory_space<vmem>> -> memref<1x2x8x128xf32, #tpu.memory_space<vmem>>
    %dma_start3A_412 = tpu.memref_squeeze %dma_start3A_411 : memref<1x2x8x128xf32, #tpu.memory_space<vmem>> -> memref<2x8x128xf32, #tpu.memory_space<vmem>>
    %dma_start3A_413 = tpu.memref_reshape %arg4 : memref<16x1000000xf32, #tpu.memory_space<hbm>> -> memref<2x8x1000000xf32, #tpu.memory_space<hbm>>
    %dma_start3A_414 = arith.constant 0 : i32
    %dma_start3A_415 = arith.constant 0 : i32
    %dma_start3A_416 = tpu.memref_slice %dma_start3A_413[%dma_start3A_414, %dma_start3A_415, %multiple_of3A_394] : memref<2x8x1000000xf32, #tpu.memory_space<hbm>> -> memref<2x8x128xf32, #tpu.memory_space<hbm>>
    tpu.enqueue_dma source(%dma_start3A_416 : memref<2x8x128xf32, #tpu.memory_space<hbm>>) target(%dma_start3A_412 : memref<2x8x128xf32, #tpu.memory_space<vmem>>) target_semaphore(%arg16 : memref<!tpu.dma_semaphore, #tpu.memory_space<semaphore_mem>>)
    %dma_start3A_417 = arith.constant 7 : i32
    %dma_start3A_418 = arith.constant 0 : i32
    %dma_start3A_419 = arith.constant 0 : i32
    %dma_start3A_420 = arith.constant 0 : i32
    %dma_start3A_421 = tpu.memref_slice %arg11[%dma_start3A_417, %dma_start3A_418, %dma_start3A_419, %dma_start3A_420] : memref<8x2x8x128xf32, #tpu.memory_space<vmem>> -> memref<1x2x8x128xf32, #tpu.memory_space<vmem>>
    %dma_start3A_422 = tpu.memref_squeeze %dma_start3A_421 : memref<1x2x8x128xf32, #tpu.memory_space<vmem>> -> memref<2x8x128xf32, #tpu.memory_space<vmem>>
    %dma_start3A_423 = tpu.memref_reshape %arg5 : memref<16x1000000xf32, #tpu.memory_space<hbm>> -> memref<2x8x1000000xf32, #tpu.memory_space<hbm>>
    %dma_start3A_424 = arith.constant 0 : i32
    %dma_start3A_425 = arith.constant 0 : i32
    %dma_start3A_426 = tpu.memref_slice %dma_start3A_423[%dma_start3A_424, %dma_start3A_425, %multiple_of3A_397] : memref<2x8x1000000xf32, #tpu.memory_space<hbm>> -> memref<2x8x128xf32, #tpu.memory_space<hbm>>
    %dma_start3A_427 = arith.constant 0 : i32
    %dma_start3A_428 = arith.constant 0 : i32
    %dma_start3A_429 = arith.constant 0 : i32
    %dma_start3A_430 = tpu.memref_slice %arg11[%dma_start3A_417, %dma_start3A_427, %dma_start3A_428, %dma_start3A_429] : memref<8x2x8x128xf32, #tpu.memory_space<vmem>> -> memref<1x2x8x128xf32, #tpu.memory_space<vmem>>
    %dma_start3A_431 = tpu.memref_squeeze %dma_start3A_430 : memref<1x2x8x128xf32, #tpu.memory_space<vmem>> -> memref<2x8x128xf32, #tpu.memory_space<vmem>>
    %dma_start3A_432 = tpu.memref_reshape %arg5 : memref<16x1000000xf32, #tpu.memory_space<hbm>> -> memref<2x8x1000000xf32, #tpu.memory_space<hbm>>
    %dma_start3A_433 = arith.constant 0 : i32
    %dma_start3A_434 = arith.constant 0 : i32
    %dma_start3A_435 = tpu.memref_slice %dma_start3A_432[%dma_start3A_433, %dma_start3A_434, %multiple_of3A_397] : memref<2x8x1000000xf32, #tpu.memory_space<hbm>> -> memref<2x8x128xf32, #tpu.memory_space<hbm>>
    tpu.enqueue_dma source(%dma_start3A_435 : memref<2x8x128xf32, #tpu.memory_space<hbm>>) target(%dma_start3A_431 : memref<2x8x128xf32, #tpu.memory_space<vmem>>) target_semaphore(%arg16 : memref<!tpu.dma_semaphore, #tpu.memory_space<semaphore_mem>>)
    %multiple_of3A_436 = arith.constant 8 : i32
    %multiple_of3A_437 = tpu.assume_multiple %multiple_of3A_436, 8 : i32
    %get3A_438 = arith.index_cast %multiple_of3A_437 : i32 to index
    %get3A_439 = tpu.vector_load %arg8[%get3A_438] {strides = array<i32>} : memref<528xi32, #tpu.memory_space<vmem>>, vector<16xi32>,
    %shift_right_arithmetic3A_440 = arith.constant 7 : i32
    %shift_right_arithmetic3A_441 = vector.broadcast %shift_right_arithmetic3A_440 : i32 to vector<16xi32>
    %shift_right_arithmetic3A_442 = arith.shrsi %get3A_439, %shift_right_arithmetic3A_441 : vector<16xi32>
    %shift_left3A_443 = arith.constant 7 : i32
    %shift_left3A_444 = vector.broadcast %shift_left3A_443 : i32 to vector<16xi32>
    %shift_left3A_445 = arith.shli %shift_right_arithmetic3A_442, %shift_left3A_444 : vector<16xi32>
    %get3A_446 = arith.index_cast %multiple_of3A_437 : i32 to index
    %get3A_447 = tpu.vector_load %arg9[%get3A_446] {strides = array<i32>} : memref<528xi32, #tpu.memory_space<vmem>>, vector<16xi32>,
    %shift_right_arithmetic3A_448 = arith.constant 7 : i32
    %shift_right_arithmetic3A_449 = vector.broadcast %shift_right_arithmetic3A_448 : i32 to vector<16xi32>
    %shift_right_arithmetic3A_450 = arith.shrsi %get3A_447, %shift_right_arithmetic3A_449 : vector<16xi32>
    %shift_left3A_451 = arith.constant 7 : i32
    %shift_left3A_452 = vector.broadcast %shift_left3A_451 : i32 to vector<16xi32>
    %shift_left3A_453 = arith.shli %shift_right_arithmetic3A_450, %shift_left3A_452 : vector<16xi32>
    %slice3A_454 = vector.extract_strided_slice %shift_left3A_445 {offsets = [0], sizes = [1], strides = [1]} : vector<16xi32> to vector<1xi32>
    %squeeze3A_455 = vector.extract %slice3A_454[0] : i32 from vector<1xi32>
    %multiple_of3A_456 = tpu.assume_multiple %squeeze3A_455, 128 : i32
    %slice3A_457 = vector.extract_strided_slice %shift_left3A_453 {offsets = [0], sizes = [1], strides = [1]} : vector<16xi32> to vector<1xi32>
    %squeeze3A_458 = vector.extract %slice3A_457[0] : i32 from vector<1xi32>
    %multiple_of3A_459 = tpu.assume_multiple %squeeze3A_458, 128 : i32
    %dma_start3A_460 = arith.constant 0 : i32
    %dma_start3A_461 = arith.constant 0 : i32
    %dma_start3A_462 = arith.constant 0 : i32
    %dma_start3A_463 = arith.constant 0 : i32
    %dma_start3A_464 = tpu.memref_slice %arg12[%dma_start3A_460, %dma_start3A_461, %dma_start3A_462, %dma_start3A_463] : memref<8x2x8x128xf32, #tpu.memory_space<vmem>> -> memref<1x2x8x128xf32, #tpu.memory_space<vmem>>
    %dma_start3A_465 = tpu.memref_squeeze %dma_start3A_464 : memref<1x2x8x128xf32, #tpu.memory_space<vmem>> -> memref<2x8x128xf32, #tpu.memory_space<vmem>>
    %dma_start3A_466 = tpu.memref_reshape %arg4 : memref<16x1000000xf32, #tpu.memory_space<hbm>> -> memref<2x8x1000000xf32, #tpu.memory_space<hbm>>
    %dma_start3A_467 = arith.constant 0 : i32
    %dma_start3A_468 = arith.constant 0 : i32
    %dma_start3A_469 = tpu.memref_slice %dma_start3A_466[%dma_start3A_467, %dma_start3A_468, %multiple_of3A_456] : memref<2x8x1000000xf32, #tpu.memory_space<hbm>> -> memref<2x8x128xf32, #tpu.memory_space<hbm>>
    %dma_start3A_470 = arith.constant 0 : i32
    %dma_start3A_471 = arith.constant 0 : i32
    %dma_start3A_472 = arith.constant 0 : i32
    %dma_start3A_473 = tpu.memref_slice %arg12[%dma_start3A_460, %dma_start3A_470, %dma_start3A_471, %dma_start3A_472] : memref<8x2x8x128xf32, #tpu.memory_space<vmem>> -> memref<1x2x8x128xf32, #tpu.memory_space<vmem>>
    %dma_start3A_474 = tpu.memref_squeeze %dma_start3A_473 : memref<1x2x8x128xf32, #tpu.memory_space<vmem>> -> memref<2x8x128xf32, #tpu.memory_space<vmem>>
    %dma_start3A_475 = tpu.memref_reshape %arg4 : memref<16x1000000xf32, #tpu.memory_space<hbm>> -> memref<2x8x1000000xf32, #tpu.memory_space<hbm>>
    %dma_start3A_476 = arith.constant 0 : i32
    %dma_start3A_477 = arith.constant 0 : i32
    %dma_start3A_478 = tpu.memref_slice %dma_start3A_475[%dma_start3A_476, %dma_start3A_477, %multiple_of3A_456] : memref<2x8x1000000xf32, #tpu.memory_space<hbm>> -> memref<2x8x128xf32, #tpu.memory_space<hbm>>
    tpu.enqueue_dma source(%dma_start3A_478 : memref<2x8x128xf32, #tpu.memory_space<hbm>>) target(%dma_start3A_474 : memref<2x8x128xf32, #tpu.memory_space<vmem>>) target_semaphore(%arg16 : memref<!tpu.dma_semaphore, #tpu.memory_space<semaphore_mem>>)
    %dma_start3A_479 = arith.constant 0 : i32
    %dma_start3A_480 = arith.constant 0 : i32
    %dma_start3A_481 = arith.constant 0 : i32
    %dma_start3A_482 = arith.constant 0 : i32
    %dma_start3A_483 = tpu.memref_slice %arg13[%dma_start3A_479, %dma_start3A_480, %dma_start3A_481, %dma_start3A_482] : memref<8x2x8x128xf32, #tpu.memory_space<vmem>> -> memref<1x2x8x128xf32, #tpu.memory_space<vmem>>
    %dma_start3A_484 = tpu.memref_squeeze %dma_start3A_483 : memref<1x2x8x128xf32, #tpu.memory_space<vmem>> -> memref<2x8x128xf32, #tpu.memory_space<vmem>>
    %dma_start3A_485 = tpu.memref_reshape %arg5 : memref<16x1000000xf32, #tpu.memory_space<hbm>> -> memref<2x8x1000000xf32, #tpu.memory_space<hbm>>
    %dma_start3A_486 = arith.constant 0 : i32
    %dma_start3A_487 = arith.constant 0 : i32
    %dma_start3A_488 = tpu.memref_slice %dma_start3A_485[%dma_start3A_486, %dma_start3A_487, %multiple_of3A_459] : memref<2x8x1000000xf32, #tpu.memory_space<hbm>> -> memref<2x8x128xf32, #tpu.memory_space<hbm>>
    %dma_start3A_489 = arith.constant 0 : i32
    %dma_start3A_490 = arith.constant 0 : i32
    %dma_start3A_491 = arith.constant 0 : i32
    %dma_start3A_492 = tpu.memref_slice %arg13[%dma_start3A_479, %dma_start3A_489, %dma_start3A_490, %dma_start3A_491] : memref<8x2x8x128xf32, #tpu.memory_space<vmem>> -> memref<1x2x8x128xf32, #tpu.memory_space<vmem>>
    %dma_start3A_493 = tpu.memref_squeeze %dma_start3A_492 : memref<1x2x8x128xf32, #tpu.memory_space<vmem>> -> memref<2x8x128xf32, #tpu.memory_space<vmem>>
    %dma_start3A_494 = tpu.memref_reshape %arg5 : memref<16x1000000xf32, #tpu.memory_space<hbm>> -> memref<2x8x1000000xf32, #tpu.memory_space<hbm>>
    %dma_start3A_495 = arith.constant 0 : i32
    %dma_start3A_496 = arith.constant 0 : i32
    %dma_start3A_497 = tpu.memref_slice %dma_start3A_494[%dma_start3A_495, %dma_start3A_496, %multiple_of3A_459] : memref<2x8x1000000xf32, #tpu.memory_space<hbm>> -> memref<2x8x128xf32, #tpu.memory_space<hbm>>
    tpu.enqueue_dma source(%dma_start3A_497 : memref<2x8x128xf32, #tpu.memory_space<hbm>>) target(%dma_start3A_493 : memref<2x8x128xf32, #tpu.memory_space<vmem>>) target_semaphore(%arg16 : memref<!tpu.dma_semaphore, #tpu.memory_space<semaphore_mem>>)
    %slice3A_498 = vector.extract_strided_slice %shift_left3A_445 {offsets = [1], sizes = [1], strides = [1]} : vector<16xi32> to vector<1xi32>
    %squeeze3A_499 = vector.extract %slice3A_498[0] : i32 from vector<1xi32>
    %multiple_of3A_500 = tpu.assume_multiple %squeeze3A_499, 128 : i32
    %slice3A_501 = vector.extract_strided_slice %shift_left3A_453 {offsets = [1], sizes = [1], strides = [1]} : vector<16xi32> to vector<1xi32>
    %squeeze3A_502 = vector.extract %slice3A_501[0] : i32 from vector<1xi32>
    %multiple_of3A_503 = tpu.assume_multiple %squeeze3A_502, 128 : i32
    %dma_start3A_504 = arith.constant 1 : i32
    %dma_start3A_505 = arith.constant 0 : i32
    %dma_start3A_506 = arith.constant 0 : i32
    %dma_start3A_507 = arith.constant 0 : i32
    %dma_start3A_508 = tpu.memref_slice %arg12[%dma_start3A_504, %dma_start3A_505, %dma_start3A_506, %dma_start3A_507] : memref<8x2x8x128xf32, #tpu.memory_space<vmem>> -> memref<1x2x8x128xf32, #tpu.memory_space<vmem>>
    %dma_start3A_509 = tpu.memref_squeeze %dma_start3A_508 : memref<1x2x8x128xf32, #tpu.memory_space<vmem>> -> memref<2x8x128xf32, #tpu.memory_space<vmem>>
    %dma_start3A_510 = tpu.memref_reshape %arg4 : memref<16x1000000xf32, #tpu.memory_space<hbm>> -> memref<2x8x1000000xf32, #tpu.memory_space<hbm>>
    %dma_start3A_511 = arith.constant 0 : i32
    %dma_start3A_512 = arith.constant 0 : i32
    %dma_start3A_513 = tpu.memref_slice %dma_start3A_510[%dma_start3A_511, %dma_start3A_512, %multiple_of3A_500] : memref<2x8x1000000xf32, #tpu.memory_space<hbm>> -> memref<2x8x128xf32, #tpu.memory_space<hbm>>
    %dma_start3A_514 = arith.constant 0 : i32
    %dma_start3A_515 = arith.constant 0 : i32
    %dma_start3A_516 = arith.constant 0 : i32
    %dma_start3A_517 = tpu.memref_slice %arg12[%dma_start3A_504, %dma_start3A_514, %dma_start3A_515, %dma_start3A_516] : memref<8x2x8x128xf32, #tpu.memory_space<vmem>> -> memref<1x2x8x128xf32, #tpu.memory_space<vmem>>
    %dma_start3A_518 = tpu.memref_squeeze %dma_start3A_517 : memref<1x2x8x128xf32, #tpu.memory_space<vmem>> -> memref<2x8x128xf32, #tpu.memory_space<vmem>>
    %dma_start3A_519 = tpu.memref_reshape %arg4 : memref<16x1000000xf32, #tpu.memory_space<hbm>> -> memref<2x8x1000000xf32, #tpu.memory_space<hbm>>
    %dma_start3A_520 = arith.constant 0 : i32
    %dma_start3A_521 = arith.constant 0 : i32
    %dma_start3A_522 = tpu.memref_slice %dma_start3A_519[%dma_start3A_520, %dma_start3A_521, %multiple_of3A_500] : memref<2x8x1000000xf32, #tpu.memory_space<hbm>> -> memref<2x8x128xf32, #tpu.memory_space<hbm>>
    tpu.enqueue_dma source(%dma_start3A_522 : memref<2x8x128xf32, #tpu.memory_space<hbm>>) target(%dma_start3A_518 : memref<2x8x128xf32, #tpu.memory_space<vmem>>) target_semaphore(%arg16 : memref<!tpu.dma_semaphore, #tpu.memory_space<semaphore_mem>>)
    %dma_start3A_523 = arith.constant 1 : i32
    %dma_start3A_524 = arith.constant 0 : i32
    %dma_start3A_525 = arith.constant 0 : i32
    %dma_start3A_526 = arith.constant 0 : i32
    %dma_start3A_527 = tpu.memref_slice %arg13[%dma_start3A_523, %dma_start3A_524, %dma_start3A_525, %dma_start3A_526] : memref<8x2x8x128xf32, #tpu.memory_space<vmem>> -> memref<1x2x8x128xf32, #tpu.memory_space<vmem>>
    %dma_start3A_528 = tpu.memref_squeeze %dma_start3A_527 : memref<1x2x8x128xf32, #tpu.memory_space<vmem>> -> memref<2x8x128xf32, #tpu.memory_space<vmem>>
    %dma_start3A_529 = tpu.memref_reshape %arg5 : memref<16x1000000xf32, #tpu.memory_space<hbm>> -> memref<2x8x1000000xf32, #tpu.memory_space<hbm>>
    %dma_start3A_530 = arith.constant 0 : i32
    %dma_start3A_531 = arith.constant 0 : i32
    %dma_start3A_532 = tpu.memref_slice %dma_start3A_529[%dma_start3A_530, %dma_start3A_531, %multiple_of3A_503] : memref<2x8x1000000xf32, #tpu.memory_space<hbm>> -> memref<2x8x128xf32, #tpu.memory_space<hbm>>
    %dma_start3A_533 = arith.constant 0 : i32
    %dma_start3A_534 = arith.constant 0 : i32
    %dma_start3A_535 = arith.constant 0 : i32
    %dma_start3A_536 = tpu.memref_slice %arg13[%dma_start3A_523, %dma_start3A_533, %dma_start3A_534, %dma_start3A_535] : memref<8x2x8x128xf32, #tpu.memory_space<vmem>> -> memref<1x2x8x128xf32, #tpu.memory_space<vmem>>
    %dma_start3A_537 = tpu.memref_squeeze %dma_start3A_536 : memref<1x2x8x128xf32, #tpu.memory_space<vmem>> -> memref<2x8x128xf32, #tpu.memory_space<vmem>>
    %dma_start3A_538 = tpu.memref_reshape %arg5 : memref<16x1000000xf32, #tpu.memory_space<hbm>> -> memref<2x8x1000000xf32, #tpu.memory_space<hbm>>
    %dma_start3A_539 = arith.constant 0 : i32
    %dma_start3A_540 = arith.constant 0 : i32
    %dma_start3A_541 = tpu.memref_slice %dma_start3A_538[%dma_start3A_539, %dma_start3A_540, %multiple_of3A_503] : memref<2x8x1000000xf32, #tpu.memory_space<hbm>> -> memref<2x8x128xf32, #tpu.memory_space<hbm>>
    tpu.enqueue_dma source(%dma_start3A_541 : memref<2x8x128xf32, #tpu.memory_space<hbm>>) target(%dma_start3A_537 : memref<2x8x128xf32, #tpu.memory_space<vmem>>) target_semaphore(%arg16 : memref<!tpu.dma_semaphore, #tpu.memory_space<semaphore_mem>>)
    %slice3A_542 = vector.extract_strided_slice %shift_left3A_445 {offsets = [2], sizes = [1], strides = [1]} : vector<16xi32> to vector<1xi32>
    %squeeze3A_543 = vector.extract %slice3A_542[0] : i32 from vector<1xi32>
    %multiple_of3A_544 = tpu.assume_multiple %squeeze3A_543, 128 : i32
    %slice3A_545 = vector.extract_strided_slice %shift_left3A_453 {offsets = [2], sizes = [1], strides = [1]} : vector<16xi32> to vector<1xi32>
    %squeeze3A_546 = vector.extract %slice3A_545[0] : i32 from vector<1xi32>
    %multiple_of3A_547 = tpu.assume_multiple %squeeze3A_546, 128 : i32
    %dma_start3A_548 = arith.constant 2 : i32
    %dma_start3A_549 = arith.constant 0 : i32
    %dma_start3A_550 = arith.constant 0 : i32
    %dma_start3A_551 = arith.constant 0 : i32
    %dma_start3A_552 = tpu.memref_slice %arg12[%dma_start3A_548, %dma_start3A_549, %dma_start3A_550, %dma_start3A_551] : memref<8x2x8x128xf32, #tpu.memory_space<vmem>> -> memref<1x2x8x128xf32, #tpu.memory_space<vmem>>
    %dma_start3A_553 = tpu.memref_squeeze %dma_start3A_552 : memref<1x2x8x128xf32, #tpu.memory_space<vmem>> -> memref<2x8x128xf32, #tpu.memory_space<vmem>>
    %dma_start3A_554 = tpu.memref_reshape %arg4 : memref<16x1000000xf32, #tpu.memory_space<hbm>> -> memref<2x8x1000000xf32, #tpu.memory_space<hbm>>
    %dma_start3A_555 = arith.constant 0 : i32
    %dma_start3A_556 = arith.constant 0 : i32
    %dma_start3A_557 = tpu.memref_slice %dma_start3A_554[%dma_start3A_555, %dma_start3A_556, %multiple_of3A_544] : memref<2x8x1000000xf32, #tpu.memory_space<hbm>> -> memref<2x8x128xf32, #tpu.memory_space<hbm>>
    %dma_start3A_558 = arith.constant 0 : i32
    %dma_start3A_559 = arith.constant 0 : i32
    %dma_start3A_560 = arith.constant 0 : i32
    %dma_start3A_561 = tpu.memref_slice %arg12[%dma_start3A_548, %dma_start3A_558, %dma_start3A_559, %dma_start3A_560] : memref<8x2x8x128xf32, #tpu.memory_space<vmem>> -> memref<1x2x8x128xf32, #tpu.memory_space<vmem>>
    %dma_start3A_562 = tpu.memref_squeeze %dma_start3A_561 : memref<1x2x8x128xf32, #tpu.memory_space<vmem>> -> memref<2x8x128xf32, #tpu.memory_space<vmem>>
    %dma_start3A_563 = tpu.memref_reshape %arg4 : memref<16x1000000xf32, #tpu.memory_space<hbm>> -> memref<2x8x1000000xf32, #tpu.memory_space<hbm>>
    %dma_start3A_564 = arith.constant 0 : i32
    %dma_start3A_565 = arith.constant 0 : i32
    %dma_start3A_566 = tpu.memref_slice %dma_start3A_563[%dma_start3A_564, %dma_start3A_565, %multiple_of3A_544] : memref<2x8x1000000xf32, #tpu.memory_space<hbm>> -> memref<2x8x128xf32, #tpu.memory_space<hbm>>
    tpu.enqueue_dma source(%dma_start3A_566 : memref<2x8x128xf32, #tpu.memory_space<hbm>>) target(%dma_start3A_562 : memref<2x8x128xf32, #tpu.memory_space<vmem>>) target_semaphore(%arg16 : memref<!tpu.dma_semaphore, #tpu.memory_space<semaphore_mem>>)
    %dma_start3A_567 = arith.constant 2 : i32
    %dma_start3A_568 = arith.constant 0 : i32
    %dma_start3A_569 = arith.constant 0 : i32
    %dma_start3A_570 = arith.constant 0 : i32
    %dma_start3A_571 = tpu.memref_slice %arg13[%dma_start3A_567, %dma_start3A_568, %dma_start3A_569, %dma_start3A_570] : memref<8x2x8x128xf32, #tpu.memory_space<vmem>> -> memref<1x2x8x128xf32, #tpu.memory_space<vmem>>
    %dma_start3A_572 = tpu.memref_squeeze %dma_start3A_571 : memref<1x2x8x128xf32, #tpu.memory_space<vmem>> -> memref<2x8x128xf32, #tpu.memory_space<vmem>>
    %dma_start3A_573 = tpu.memref_reshape %arg5 : memref<16x1000000xf32, #tpu.memory_space<hbm>> -> memref<2x8x1000000xf32, #tpu.memory_space<hbm>>
    %dma_start3A_574 = arith.constant 0 : i32
    %dma_start3A_575 = arith.constant 0 : i32
    %dma_start3A_576 = tpu.memref_slice %dma_start3A_573[%dma_start3A_574, %dma_start3A_575, %multiple_of3A_547] : memref<2x8x1000000xf32, #tpu.memory_space<hbm>> -> memref<2x8x128xf32, #tpu.memory_space<hbm>>
    %dma_start3A_577 = arith.constant 0 : i32
    %dma_start3A_578 = arith.constant 0 : i32
    %dma_start3A_579 = arith.constant 0 : i32
    %dma_start3A_580 = tpu.memref_slice %arg13[%dma_start3A_567, %dma_start3A_577, %dma_start3A_578, %dma_start3A_579] : memref<8x2x8x128xf32, #tpu.memory_space<vmem>> -> memref<1x2x8x128xf32, #tpu.memory_space<vmem>>
    %dma_start3A_581 = tpu.memref_squeeze %dma_start3A_580 : memref<1x2x8x128xf32, #tpu.memory_space<vmem>> -> memref<2x8x128xf32, #tpu.memory_space<vmem>>
    %dma_start3A_582 = tpu.memref_reshape %arg5 : memref<16x1000000xf32, #tpu.memory_space<hbm>> -> memref<2x8x1000000xf32, #tpu.memory_space<hbm>>
    %dma_start3A_583 = arith.constant 0 : i32
    %dma_start3A_584 = arith.constant 0 : i32
    %dma_start3A_585 = tpu.memref_slice %dma_start3A_582[%dma_start3A_583, %dma_start3A_584, %multiple_of3A_547] : memref<2x8x1000000xf32, #tpu.memory_space<hbm>> -> memref<2x8x128xf32, #tpu.memory_space<hbm>>
    tpu.enqueue_dma source(%dma_start3A_585 : memref<2x8x128xf32, #tpu.memory_space<hbm>>) target(%dma_start3A_581 : memref<2x8x128xf32, #tpu.memory_space<vmem>>) target_semaphore(%arg16 : memref<!tpu.dma_semaphore, #tpu.memory_space<semaphore_mem>>)
    %slice3A_586 = vector.extract_strided_slice %shift_left3A_445 {offsets = [3], sizes = [1], strides = [1]} : vector<16xi32> to vector<1xi32>
    %squeeze3A_587 = vector.extract %slice3A_586[0] : i32 from vector<1xi32>
    %multiple_of3A_588 = tpu.assume_multiple %squeeze3A_587, 128 : i32
    %slice3A_589 = vector.extract_strided_slice %shift_left3A_453 {offsets = [3], sizes = [1], strides = [1]} : vector<16xi32> to vector<1xi32>
    %squeeze3A_590 = vector.extract %slice3A_589[0] : i32 from vector<1xi32>
    %multiple_of3A_591 = tpu.assume_multiple %squeeze3A_590, 128 : i32
    %dma_start3A_592 = arith.constant 3 : i32
    %dma_start3A_593 = arith.constant 0 : i32
    %dma_start3A_594 = arith.constant 0 : i32
    %dma_start3A_595 = arith.constant 0 : i32
    %dma_start3A_596 = tpu.memref_slice %arg12[%dma_start3A_592, %dma_start3A_593, %dma_start3A_594, %dma_start3A_595] : memref<8x2x8x128xf32, #tpu.memory_space<vmem>> -> memref<1x2x8x128xf32, #tpu.memory_space<vmem>>
    %dma_start3A_597 = tpu.memref_squeeze %dma_start3A_596 : memref<1x2x8x128xf32, #tpu.memory_space<vmem>> -> memref<2x8x128xf32, #tpu.memory_space<vmem>>
    %dma_start3A_598 = tpu.memref_reshape %arg4 : memref<16x1000000xf32, #tpu.memory_space<hbm>> -> memref<2x8x1000000xf32, #tpu.memory_space<hbm>>
    %dma_start3A_599 = arith.constant 0 : i32
    %dma_start3A_600 = arith.constant 0 : i32
    %dma_start3A_601 = tpu.memref_slice %dma_start3A_598[%dma_start3A_599, %dma_start3A_600, %multiple_of3A_588] : memref<2x8x1000000xf32, #tpu.memory_space<hbm>> -> memref<2x8x128xf32, #tpu.memory_space<hbm>>
    %dma_start3A_602 = arith.constant 0 : i32
    %dma_start3A_603 = arith.constant 0 : i32
    %dma_start3A_604 = arith.constant 0 : i32
    %dma_start3A_605 = tpu.memref_slice %arg12[%dma_start3A_592, %dma_start3A_602, %dma_start3A_603, %dma_start3A_604] : memref<8x2x8x128xf32, #tpu.memory_space<vmem>> -> memref<1x2x8x128xf32, #tpu.memory_space<vmem>>
    %dma_start3A_606 = tpu.memref_squeeze %dma_start3A_605 : memref<1x2x8x128xf32, #tpu.memory_space<vmem>> -> memref<2x8x128xf32, #tpu.memory_space<vmem>>
    %dma_start3A_607 = tpu.memref_reshape %arg4 : memref<16x1000000xf32, #tpu.memory_space<hbm>> -> memref<2x8x1000000xf32, #tpu.memory_space<hbm>>
    %dma_start3A_608 = arith.constant 0 : i32
    %dma_start3A_609 = arith.constant 0 : i32
    %dma_start3A_610 = tpu.memref_slice %dma_start3A_607[%dma_start3A_608, %dma_start3A_609, %multiple_of3A_588] : memref<2x8x1000000xf32, #tpu.memory_space<hbm>> -> memref<2x8x128xf32, #tpu.memory_space<hbm>>
    tpu.enqueue_dma source(%dma_start3A_610 : memref<2x8x128xf32, #tpu.memory_space<hbm>>) target(%dma_start3A_606 : memref<2x8x128xf32, #tpu.memory_space<vmem>>) target_semaphore(%arg16 : memref<!tpu.dma_semaphore, #tpu.memory_space<semaphore_mem>>)
    %dma_start3A_611 = arith.constant 3 : i32
    %dma_start3A_612 = arith.constant 0 : i32
    %dma_start3A_613 = arith.constant 0 : i32
    %dma_start3A_614 = arith.constant 0 : i32
    %dma_start3A_615 = tpu.memref_slice %arg13[%dma_start3A_611, %dma_start3A_612, %dma_start3A_613, %dma_start3A_614] : memref<8x2x8x128xf32, #tpu.memory_space<vmem>> -> memref<1x2x8x128xf32, #tpu.memory_space<vmem>>
    %dma_start3A_616 = tpu.memref_squeeze %dma_start3A_615 : memref<1x2x8x128xf32, #tpu.memory_space<vmem>> -> memref<2x8x128xf32, #tpu.memory_space<vmem>>
    %dma_start3A_617 = tpu.memref_reshape %arg5 : memref<16x1000000xf32, #tpu.memory_space<hbm>> -> memref<2x8x1000000xf32, #tpu.memory_space<hbm>>
    %dma_start3A_618 = arith.constant 0 : i32
    %dma_start3A_619 = arith.constant 0 : i32
    %dma_start3A_620 = tpu.memref_slice %dma_start3A_617[%dma_start3A_618, %dma_start3A_619, %multiple_of3A_591] : memref<2x8x1000000xf32, #tpu.memory_space<hbm>> -> memref<2x8x128xf32, #tpu.memory_space<hbm>>
    %dma_start3A_621 = arith.constant 0 : i32
    %dma_start3A_622 = arith.constant 0 : i32
    %dma_start3A_623 = arith.constant 0 : i32
    %dma_start3A_624 = tpu.memref_slice %arg13[%dma_start3A_611, %dma_start3A_621, %dma_start3A_622, %dma_start3A_623] : memref<8x2x8x128xf32, #tpu.memory_space<vmem>> -> memref<1x2x8x128xf32, #tpu.memory_space<vmem>>
    %dma_start3A_625 = tpu.memref_squeeze %dma_start3A_624 : memref<1x2x8x128xf32, #tpu.memory_space<vmem>> -> memref<2x8x128xf32, #tpu.memory_space<vmem>>
    %dma_start3A_626 = tpu.memref_reshape %arg5 : memref<16x1000000xf32, #tpu.memory_space<hbm>> -> memref<2x8x1000000xf32, #tpu.memory_space<hbm>>
    %dma_start3A_627 = arith.constant 0 : i32
    %dma_start3A_628 = arith.constant 0 : i32
    %dma_start3A_629 = tpu.memref_slice %dma_start3A_626[%dma_start3A_627, %dma_start3A_628, %multiple_of3A_591] : memref<2x8x1000000xf32, #tpu.memory_space<hbm>> -> memref<2x8x128xf32, #tpu.memory_space<hbm>>
    tpu.enqueue_dma source(%dma_start3A_629 : memref<2x8x128xf32, #tpu.memory_space<hbm>>) target(%dma_start3A_625 : memref<2x8x128xf32, #tpu.memory_space<vmem>>) target_semaphore(%arg16 : memref<!tpu.dma_semaphore, #tpu.memory_space<semaphore_mem>>)
    %slice3A_630 = vector.extract_strided_slice %shift_left3A_445 {offsets = [4], sizes = [1], strides = [1]} : vector<16xi32> to vector<1xi32>
    %squeeze3A_631 = vector.extract %slice3A_630[0] : i32 from vector<1xi32>
    %multiple_of3A_632 = tpu.assume_multiple %squeeze3A_631, 128 : i32
    %slice3A_633 = vector.extract_strided_slice %shift_left3A_453 {offsets = [4], sizes = [1], strides = [1]} : vector<16xi32> to vector<1xi32>
    %squeeze3A_634 = vector.extract %slice3A_633[0] : i32 from vector<1xi32>
    %multiple_of3A_635 = tpu.assume_multiple %squeeze3A_634, 128 : i32
    %dma_start3A_636 = arith.constant 4 : i32
    %dma_start3A_637 = arith.constant 0 : i32
    %dma_start3A_638 = arith.constant 0 : i32
    %dma_start3A_639 = arith.constant 0 : i32
    %dma_start3A_640 = tpu.memref_slice %arg12[%dma_start3A_636, %dma_start3A_637, %dma_start3A_638, %dma_start3A_639] : memref<8x2x8x128xf32, #tpu.memory_space<vmem>> -> memref<1x2x8x128xf32, #tpu.memory_space<vmem>>
    %dma_start3A_641 = tpu.memref_squeeze %dma_start3A_640 : memref<1x2x8x128xf32, #tpu.memory_space<vmem>> -> memref<2x8x128xf32, #tpu.memory_space<vmem>>
    %dma_start3A_642 = tpu.memref_reshape %arg4 : memref<16x1000000xf32, #tpu.memory_space<hbm>> -> memref<2x8x1000000xf32, #tpu.memory_space<hbm>>
    %dma_start3A_643 = arith.constant 0 : i32
    %dma_start3A_644 = arith.constant 0 : i32
    %dma_start3A_645 = tpu.memref_slice %dma_start3A_642[%dma_start3A_643, %dma_start3A_644, %multiple_of3A_632] : memref<2x8x1000000xf32, #tpu.memory_space<hbm>> -> memref<2x8x128xf32, #tpu.memory_space<hbm>>
    %dma_start3A_646 = arith.constant 0 : i32
    %dma_start3A_647 = arith.constant 0 : i32
    %dma_start3A_648 = arith.constant 0 : i32
    %dma_start3A_649 = tpu.memref_slice %arg12[%dma_start3A_636, %dma_start3A_646, %dma_start3A_647, %dma_start3A_648] : memref<8x2x8x128xf32, #tpu.memory_space<vmem>> -> memref<1x2x8x128xf32, #tpu.memory_space<vmem>>
    %dma_start3A_650 = tpu.memref_squeeze %dma_start3A_649 : memref<1x2x8x128xf32, #tpu.memory_space<vmem>> -> memref<2x8x128xf32, #tpu.memory_space<vmem>>
    %dma_start3A_651 = tpu.memref_reshape %arg4 : memref<16x1000000xf32, #tpu.memory_space<hbm>> -> memref<2x8x1000000xf32, #tpu.memory_space<hbm>>
    %dma_start3A_652 = arith.constant 0 : i32
    %dma_start3A_653 = arith.constant 0 : i32
    %dma_start3A_654 = tpu.memref_slice %dma_start3A_651[%dma_start3A_652, %dma_start3A_653, %multiple_of3A_632] : memref<2x8x1000000xf32, #tpu.memory_space<hbm>> -> memref<2x8x128xf32, #tpu.memory_space<hbm>>
    tpu.enqueue_dma source(%dma_start3A_654 : memref<2x8x128xf32, #tpu.memory_space<hbm>>) target(%dma_start3A_650 : memref<2x8x128xf32, #tpu.memory_space<vmem>>) target_semaphore(%arg16 : memref<!tpu.dma_semaphore, #tpu.memory_space<semaphore_mem>>)
    %dma_start3A_655 = arith.constant 4 : i32
    %dma_start3A_656 = arith.constant 0 : i32
    %dma_start3A_657 = arith.constant 0 : i32
    %dma_start3A_658 = arith.constant 0 : i32
    %dma_start3A_659 = tpu.memref_slice %arg13[%dma_start3A_655, %dma_start3A_656, %dma_start3A_657, %dma_start3A_658] : memref<8x2x8x128xf32, #tpu.memory_space<vmem>> -> memref<1x2x8x128xf32, #tpu.memory_space<vmem>>
    %dma_start3A_660 = tpu.memref_squeeze %dma_start3A_659 : memref<1x2x8x128xf32, #tpu.memory_space<vmem>> -> memref<2x8x128xf32, #tpu.memory_space<vmem>>
    %dma_start3A_661 = tpu.memref_reshape %arg5 : memref<16x1000000xf32, #tpu.memory_space<hbm>> -> memref<2x8x1000000xf32, #tpu.memory_space<hbm>>
    %dma_start3A_662 = arith.constant 0 : i32
    %dma_start3A_663 = arith.constant 0 : i32
    %dma_start3A_664 = tpu.memref_slice %dma_start3A_661[%dma_start3A_662, %dma_start3A_663, %multiple_of3A_635] : memref<2x8x1000000xf32, #tpu.memory_space<hbm>> -> memref<2x8x128xf32, #tpu.memory_space<hbm>>
    %dma_start3A_665 = arith.constant 0 : i32
    %dma_start3A_666 = arith.constant 0 : i32
    %dma_start3A_667 = arith.constant 0 : i32
    %dma_start3A_668 = tpu.memref_slice %arg13[%dma_start3A_655, %dma_start3A_665, %dma_start3A_666, %dma_start3A_667] : memref<8x2x8x128xf32, #tpu.memory_space<vmem>> -> memref<1x2x8x128xf32, #tpu.memory_space<vmem>>
    %dma_start3A_669 = tpu.memref_squeeze %dma_start3A_668 : memref<1x2x8x128xf32, #tpu.memory_space<vmem>> -> memref<2x8x128xf32, #tpu.memory_space<vmem>>
    %dma_start3A_670 = tpu.memref_reshape %arg5 : memref<16x1000000xf32, #tpu.memory_space<hbm>> -> memref<2x8x1000000xf32, #tpu.memory_space<hbm>>
    %dma_start3A_671 = arith.constant 0 : i32
    %dma_start3A_672 = arith.constant 0 : i32
    %dma_start3A_673 = tpu.memref_slice %dma_start3A_670[%dma_start3A_671, %dma_start3A_672, %multiple_of3A_635] : memref<2x8x1000000xf32, #tpu.memory_space<hbm>> -> memref<2x8x128xf32, #tpu.memory_space<hbm>>
    tpu.enqueue_dma source(%dma_start3A_673 : memref<2x8x128xf32, #tpu.memory_space<hbm>>) target(%dma_start3A_669 : memref<2x8x128xf32, #tpu.memory_space<vmem>>) target_semaphore(%arg16 : memref<!tpu.dma_semaphore, #tpu.memory_space<semaphore_mem>>)
    %slice3A_674 = vector.extract_strided_slice %shift_left3A_445 {offsets = [5], sizes = [1], strides = [1]} : vector<16xi32> to vector<1xi32>
    %squeeze3A_675 = vector.extract %slice3A_674[0] : i32 from vector<1xi32>
    %multiple_of3A_676 = tpu.assume_multiple %squeeze3A_675, 128 : i32
    %slice3A_677 = vector.extract_strided_slice %shift_left3A_453 {offsets = [5], sizes = [1], strides = [1]} : vector<16xi32> to vector<1xi32>
    %squeeze3A_678 = vector.extract %slice3A_677[0] : i32 from vector<1xi32>
    %multiple_of3A_679 = tpu.assume_multiple %squeeze3A_678, 128 : i32
    %dma_start3A_680 = arith.constant 5 : i32
    %dma_start3A_681 = arith.constant 0 : i32
    %dma_start3A_682 = arith.constant 0 : i32
    %dma_start3A_683 = arith.constant 0 : i32
    %dma_start3A_684 = tpu.memref_slice %arg12[%dma_start3A_680, %dma_start3A_681, %dma_start3A_682, %dma_start3A_683] : memref<8x2x8x128xf32, #tpu.memory_space<vmem>> -> memref<1x2x8x128xf32, #tpu.memory_space<vmem>>
    %dma_start3A_685 = tpu.memref_squeeze %dma_start3A_684 : memref<1x2x8x128xf32, #tpu.memory_space<vmem>> -> memref<2x8x128xf32, #tpu.memory_space<vmem>>
    %dma_start3A_686 = tpu.memref_reshape %arg4 : memref<16x1000000xf32, #tpu.memory_space<hbm>> -> memref<2x8x1000000xf32, #tpu.memory_space<hbm>>
    %dma_start3A_687 = arith.constant 0 : i32
    %dma_start3A_688 = arith.constant 0 : i32
    %dma_start3A_689 = tpu.memref_slice %dma_start3A_686[%dma_start3A_687, %dma_start3A_688, %multiple_of3A_676] : memref<2x8x1000000xf32, #tpu.memory_space<hbm>> -> memref<2x8x128xf32, #tpu.memory_space<hbm>>
    %dma_start3A_690 = arith.constant 0 : i32
    %dma_start3A_691 = arith.constant 0 : i32
    %dma_start3A_692 = arith.constant 0 : i32
    %dma_start3A_693 = tpu.memref_slice %arg12[%dma_start3A_680, %dma_start3A_690, %dma_start3A_691, %dma_start3A_692] : memref<8x2x8x128xf32, #tpu.memory_space<vmem>> -> memref<1x2x8x128xf32, #tpu.memory_space<vmem>>
    %dma_start3A_694 = tpu.memref_squeeze %dma_start3A_693 : memref<1x2x8x128xf32, #tpu.memory_space<vmem>> -> memref<2x8x128xf32, #tpu.memory_space<vmem>>
    %dma_start3A_695 = tpu.memref_reshape %arg4 : memref<16x1000000xf32, #tpu.memory_space<hbm>> -> memref<2x8x1000000xf32, #tpu.memory_space<hbm>>
    %dma_start3A_696 = arith.constant 0 : i32
    %dma_start3A_697 = arith.constant 0 : i32
    %dma_start3A_698 = tpu.memref_slice %dma_start3A_695[%dma_start3A_696, %dma_start3A_697, %multiple_of3A_676] : memref<2x8x1000000xf32, #tpu.memory_space<hbm>> -> memref<2x8x128xf32, #tpu.memory_space<hbm>>
    tpu.enqueue_dma source(%dma_start3A_698 : memref<2x8x128xf32, #tpu.memory_space<hbm>>) target(%dma_start3A_694 : memref<2x8x128xf32, #tpu.memory_space<vmem>>) target_semaphore(%arg16 : memref<!tpu.dma_semaphore, #tpu.memory_space<semaphore_mem>>)
    %dma_start3A_699 = arith.constant 5 : i32
    %dma_start3A_700 = arith.constant 0 : i32
    %dma_start3A_701 = arith.constant 0 : i32
    %dma_start3A_702 = arith.constant 0 : i32
    %dma_start3A_703 = tpu.memref_slice %arg13[%dma_start3A_699, %dma_start3A_700, %dma_start3A_701, %dma_start3A_702] : memref<8x2x8x128xf32, #tpu.memory_space<vmem>> -> memref<1x2x8x128xf32, #tpu.memory_space<vmem>>
    %dma_start3A_704 = tpu.memref_squeeze %dma_start3A_703 : memref<1x2x8x128xf32, #tpu.memory_space<vmem>> -> memref<2x8x128xf32, #tpu.memory_space<vmem>>
    %dma_start3A_705 = tpu.memref_reshape %arg5 : memref<16x1000000xf32, #tpu.memory_space<hbm>> -> memref<2x8x1000000xf32, #tpu.memory_space<hbm>>
    %dma_start3A_706 = arith.constant 0 : i32
    %dma_start3A_707 = arith.constant 0 : i32
    %dma_start3A_708 = tpu.memref_slice %dma_start3A_705[%dma_start3A_706, %dma_start3A_707, %multiple_of3A_679] : memref<2x8x1000000xf32, #tpu.memory_space<hbm>> -> memref<2x8x128xf32, #tpu.memory_space<hbm>>
    %dma_start3A_709 = arith.constant 0 : i32
    %dma_start3A_710 = arith.constant 0 : i32
    %dma_start3A_711 = arith.constant 0 : i32
    %dma_start3A_712 = tpu.memref_slice %arg13[%dma_start3A_699, %dma_start3A_709, %dma_start3A_710, %dma_start3A_711] : memref<8x2x8x128xf32, #tpu.memory_space<vmem>> -> memref<1x2x8x128xf32, #tpu.memory_space<vmem>>
    %dma_start3A_713 = tpu.memref_squeeze %dma_start3A_712 : memref<1x2x8x128xf32, #tpu.memory_space<vmem>> -> memref<2x8x128xf32, #tpu.memory_space<vmem>>
    %dma_start3A_714 = tpu.memref_reshape %arg5 : memref<16x1000000xf32, #tpu.memory_space<hbm>> -> memref<2x8x1000000xf32, #tpu.memory_space<hbm>>
    %dma_start3A_715 = arith.constant 0 : i32
    %dma_start3A_716 = arith.constant 0 : i32
    %dma_start3A_717 = tpu.memref_slice %dma_start3A_714[%dma_start3A_715, %dma_start3A_716, %multiple_of3A_679] : memref<2x8x1000000xf32, #tpu.memory_space<hbm>> -> memref<2x8x128xf32, #tpu.memory_space<hbm>>
    tpu.enqueue_dma source(%dma_start3A_717 : memref<2x8x128xf32, #tpu.memory_space<hbm>>) target(%dma_start3A_713 : memref<2x8x128xf32, #tpu.memory_space<vmem>>) target_semaphore(%arg16 : memref<!tpu.dma_semaphore, #tpu.memory_space<semaphore_mem>>)
    %slice3A_718 = vector.extract_strided_slice %shift_left3A_445 {offsets = [6], sizes = [1], strides = [1]} : vector<16xi32> to vector<1xi32>
    %squeeze3A_719 = vector.extract %slice3A_718[0] : i32 from vector<1xi32>
    %multiple_of3A_720 = tpu.assume_multiple %squeeze3A_719, 128 : i32
    %slice3A_721 = vector.extract_strided_slice %shift_left3A_453 {offsets = [6], sizes = [1], strides = [1]} : vector<16xi32> to vector<1xi32>
    %squeeze3A_722 = vector.extract %slice3A_721[0] : i32 from vector<1xi32>
    %multiple_of3A_723 = tpu.assume_multiple %squeeze3A_722, 128 : i32
    %dma_start3A_724 = arith.constant 6 : i32
    %dma_start3A_725 = arith.constant 0 : i32
    %dma_start3A_726 = arith.constant 0 : i32
    %dma_start3A_727 = arith.constant 0 : i32
    %dma_start3A_728 = tpu.memref_slice %arg12[%dma_start3A_724, %dma_start3A_725, %dma_start3A_726, %dma_start3A_727] : memref<8x2x8x128xf32, #tpu.memory_space<vmem>> -> memref<1x2x8x128xf32, #tpu.memory_space<vmem>>
    %dma_start3A_729 = tpu.memref_squeeze %dma_start3A_728 : memref<1x2x8x128xf32, #tpu.memory_space<vmem>> -> memref<2x8x128xf32, #tpu.memory_space<vmem>>
    %dma_start3A_730 = tpu.memref_reshape %arg4 : memref<16x1000000xf32, #tpu.memory_space<hbm>> -> memref<2x8x1000000xf32, #tpu.memory_space<hbm>>
    %dma_start3A_731 = arith.constant 0 : i32
    %dma_start3A_732 = arith.constant 0 : i32
    %dma_start3A_733 = tpu.memref_slice %dma_start3A_730[%dma_start3A_731, %dma_start3A_732, %multiple_of3A_720] : memref<2x8x1000000xf32, #tpu.memory_space<hbm>> -> memref<2x8x128xf32, #tpu.memory_space<hbm>>
    %dma_start3A_734 = arith.constant 0 : i32
    %dma_start3A_735 = arith.constant 0 : i32
    %dma_start3A_736 = arith.constant 0 : i32
    %dma_start3A_737 = tpu.memref_slice %arg12[%dma_start3A_724, %dma_start3A_734, %dma_start3A_735, %dma_start3A_736] : memref<8x2x8x128xf32, #tpu.memory_space<vmem>> -> memref<1x2x8x128xf32, #tpu.memory_space<vmem>>
    %dma_start3A_738 = tpu.memref_squeeze %dma_start3A_737 : memref<1x2x8x128xf32, #tpu.memory_space<vmem>> -> memref<2x8x128xf32, #tpu.memory_space<vmem>>
    %dma_start3A_739 = tpu.memref_reshape %arg4 : memref<16x1000000xf32, #tpu.memory_space<hbm>> -> memref<2x8x1000000xf32, #tpu.memory_space<hbm>>
    %dma_start3A_740 = arith.constant 0 : i32
    %dma_start3A_741 = arith.constant 0 : i32
    %dma_start3A_742 = tpu.memref_slice %dma_start3A_739[%dma_start3A_740, %dma_start3A_741, %multiple_of3A_720] : memref<2x8x1000000xf32, #tpu.memory_space<hbm>> -> memref<2x8x128xf32, #tpu.memory_space<hbm>>
    tpu.enqueue_dma source(%dma_start3A_742 : memref<2x8x128xf32, #tpu.memory_space<hbm>>) target(%dma_start3A_738 : memref<2x8x128xf32, #tpu.memory_space<vmem>>) target_semaphore(%arg16 : memref<!tpu.dma_semaphore, #tpu.memory_space<semaphore_mem>>)
    %dma_start3A_743 = arith.constant 6 : i32
    %dma_start3A_744 = arith.constant 0 : i32
    %dma_start3A_745 = arith.constant 0 : i32
    %dma_start3A_746 = arith.constant 0 : i32
    %dma_start3A_747 = tpu.memref_slice %arg13[%dma_start3A_743, %dma_start3A_744, %dma_start3A_745, %dma_start3A_746] : memref<8x2x8x128xf32, #tpu.memory_space<vmem>> -> memref<1x2x8x128xf32, #tpu.memory_space<vmem>>
    %dma_start3A_748 = tpu.memref_squeeze %dma_start3A_747 : memref<1x2x8x128xf32, #tpu.memory_space<vmem>> -> memref<2x8x128xf32, #tpu.memory_space<vmem>>
    %dma_start3A_749 = tpu.memref_reshape %arg5 : memref<16x1000000xf32, #tpu.memory_space<hbm>> -> memref<2x8x1000000xf32, #tpu.memory_space<hbm>>
    %dma_start3A_750 = arith.constant 0 : i32
    %dma_start3A_751 = arith.constant 0 : i32
    %dma_start3A_752 = tpu.memref_slice %dma_start3A_749[%dma_start3A_750, %dma_start3A_751, %multiple_of3A_723] : memref<2x8x1000000xf32, #tpu.memory_space<hbm>> -> memref<2x8x128xf32, #tpu.memory_space<hbm>>
    %dma_start3A_753 = arith.constant 0 : i32
    %dma_start3A_754 = arith.constant 0 : i32
    %dma_start3A_755 = arith.constant 0 : i32
    %dma_start3A_756 = tpu.memref_slice %arg13[%dma_start3A_743, %dma_start3A_753, %dma_start3A_754, %dma_start3A_755] : memref<8x2x8x128xf32, #tpu.memory_space<vmem>> -> memref<1x2x8x128xf32, #tpu.memory_space<vmem>>
    %dma_start3A_757 = tpu.memref_squeeze %dma_start3A_756 : memref<1x2x8x128xf32, #tpu.memory_space<vmem>> -> memref<2x8x128xf32, #tpu.memory_space<vmem>>
    %dma_start3A_758 = tpu.memref_reshape %arg5 : memref<16x1000000xf32, #tpu.memory_space<hbm>> -> memref<2x8x1000000xf32, #tpu.memory_space<hbm>>
    %dma_start3A_759 = arith.constant 0 : i32
    %dma_start3A_760 = arith.constant 0 : i32
    %dma_start3A_761 = tpu.memref_slice %dma_start3A_758[%dma_start3A_759, %dma_start3A_760, %multiple_of3A_723] : memref<2x8x1000000xf32, #tpu.memory_space<hbm>> -> memref<2x8x128xf32, #tpu.memory_space<hbm>>
    tpu.enqueue_dma source(%dma_start3A_761 : memref<2x8x128xf32, #tpu.memory_space<hbm>>) target(%dma_start3A_757 : memref<2x8x128xf32, #tpu.memory_space<vmem>>) target_semaphore(%arg16 : memref<!tpu.dma_semaphore, #tpu.memory_space<semaphore_mem>>)
    %slice3A_762 = vector.extract_strided_slice %shift_left3A_445 {offsets = [7], sizes = [1], strides = [1]} : vector<16xi32> to vector<1xi32>
    %squeeze3A_763 = vector.extract %slice3A_762[0] : i32 from vector<1xi32>
    %multiple_of3A_764 = tpu.assume_multiple %squeeze3A_763, 128 : i32
    %slice3A_765 = vector.extract_strided_slice %shift_left3A_453 {offsets = [7], sizes = [1], strides = [1]} : vector<16xi32> to vector<1xi32>
    %squeeze3A_766 = vector.extract %slice3A_765[0] : i32 from vector<1xi32>
    %multiple_of3A_767 = tpu.assume_multiple %squeeze3A_766, 128 : i32
    %dma_start3A_768 = arith.constant 7 : i32
    %dma_start3A_769 = arith.constant 0 : i32
    %dma_start3A_770 = arith.constant 0 : i32
    %dma_start3A_771 = arith.constant 0 : i32
    %dma_start3A_772 = tpu.memref_slice %arg12[%dma_start3A_768, %dma_start3A_769, %dma_start3A_770, %dma_start3A_771] : memref<8x2x8x128xf32, #tpu.memory_space<vmem>> -> memref<1x2x8x128xf32, #tpu.memory_space<vmem>>
    %dma_start3A_773 = tpu.memref_squeeze %dma_start3A_772 : memref<1x2x8x128xf32, #tpu.memory_space<vmem>> -> memref<2x8x128xf32, #tpu.memory_space<vmem>>
    %dma_start3A_774 = tpu.memref_reshape %arg4 : memref<16x1000000xf32, #tpu.memory_space<hbm>> -> memref<2x8x1000000xf32, #tpu.memory_space<hbm>>
    %dma_start3A_775 = arith.constant 0 : i32
    %dma_start3A_776 = arith.constant 0 : i32
    %dma_start3A_777 = tpu.memref_slice %dma_start3A_774[%dma_start3A_775, %dma_start3A_776, %multiple_of3A_764] : memref<2x8x1000000xf32, #tpu.memory_space<hbm>> -> memref<2x8x128xf32, #tpu.memory_space<hbm>>
    %dma_start3A_778 = arith.constant 0 : i32
    %dma_start3A_779 = arith.constant 0 : i32
    %dma_start3A_780 = arith.constant 0 : i32
    %dma_start3A_781 = tpu.memref_slice %arg12[%dma_start3A_768, %dma_start3A_778, %dma_start3A_779, %dma_start3A_780] : memref<8x2x8x128xf32, #tpu.memory_space<vmem>> -> memref<1x2x8x128xf32, #tpu.memory_space<vmem>>
    %dma_start3A_782 = tpu.memref_squeeze %dma_start3A_781 : memref<1x2x8x128xf32, #tpu.memory_space<vmem>> -> memref<2x8x128xf32, #tpu.memory_space<vmem>>
    %dma_start3A_783 = tpu.memref_reshape %arg4 : memref<16x1000000xf32, #tpu.memory_space<hbm>> -> memref<2x8x1000000xf32, #tpu.memory_space<hbm>>
    %dma_start3A_784 = arith.constant 0 : i32
    %dma_start3A_785 = arith.constant 0 : i32
    %dma_start3A_786 = tpu.memref_slice %dma_start3A_783[%dma_start3A_784, %dma_start3A_785, %multiple_of3A_764] : memref<2x8x1000000xf32, #tpu.memory_space<hbm>> -> memref<2x8x128xf32, #tpu.memory_space<hbm>>
    tpu.enqueue_dma source(%dma_start3A_786 : memref<2x8x128xf32, #tpu.memory_space<hbm>>) target(%dma_start3A_782 : memref<2x8x128xf32, #tpu.memory_space<vmem>>) target_semaphore(%arg16 : memref<!tpu.dma_semaphore, #tpu.memory_space<semaphore_mem>>)
    %dma_start3A_787 = arith.constant 7 : i32
    %dma_start3A_788 = arith.constant 0 : i32
    %dma_start3A_789 = arith.constant 0 : i32
    %dma_start3A_790 = arith.constant 0 : i32
    %dma_start3A_791 = tpu.memref_slice %arg13[%dma_start3A_787, %dma_start3A_788, %dma_start3A_789, %dma_start3A_790] : memref<8x2x8x128xf32, #tpu.memory_space<vmem>> -> memref<1x2x8x128xf32, #tpu.memory_space<vmem>>
    %dma_start3A_792 = tpu.memref_squeeze %dma_start3A_791 : memref<1x2x8x128xf32, #tpu.memory_space<vmem>> -> memref<2x8x128xf32, #tpu.memory_space<vmem>>
    %dma_start3A_793 = tpu.memref_reshape %arg5 : memref<16x1000000xf32, #tpu.memory_space<hbm>> -> memref<2x8x1000000xf32, #tpu.memory_space<hbm>>
    %dma_start3A_794 = arith.constant 0 : i32
    %dma_start3A_795 = arith.constant 0 : i32
    %dma_start3A_796 = tpu.memref_slice %dma_start3A_793[%dma_start3A_794, %dma_start3A_795, %multiple_of3A_767] : memref<2x8x1000000xf32, #tpu.memory_space<hbm>> -> memref<2x8x128xf32, #tpu.memory_space<hbm>>
    %dma_start3A_797 = arith.constant 0 : i32
    %dma_start3A_798 = arith.constant 0 : i32
    %dma_start3A_799 = arith.constant 0 : i32
    %dma_start3A_800 = tpu.memref_slice %arg13[%dma_start3A_787, %dma_start3A_797, %dma_start3A_798, %dma_start3A_799] : memref<8x2x8x128xf32, #tpu.memory_space<vmem>> -> memref<1x2x8x128xf32, #tpu.memory_space<vmem>>
    %dma_start3A_801 = tpu.memref_squeeze %dma_start3A_800 : memref<1x2x8x128xf32, #tpu.memory_space<vmem>> -> memref<2x8x128xf32, #tpu.memory_space<vmem>>
    %dma_start3A_802 = tpu.memref_reshape %arg5 : memref<16x1000000xf32, #tpu.memory_space<hbm>> -> memref<2x8x1000000xf32, #tpu.memory_space<hbm>>
    %dma_start3A_803 = arith.constant 0 : i32
    %dma_start3A_804 = arith.constant 0 : i32
    %dma_start3A_805 = tpu.memref_slice %dma_start3A_802[%dma_start3A_803, %dma_start3A_804, %multiple_of3A_767] : memref<2x8x1000000xf32, #tpu.memory_space<hbm>> -> memref<2x8x128xf32, #tpu.memory_space<hbm>>
    tpu.enqueue_dma source(%dma_start3A_805 : memref<2x8x128xf32, #tpu.memory_space<hbm>>) target(%dma_start3A_801 : memref<2x8x128xf32, #tpu.memory_space<vmem>>) target_semaphore(%arg16 : memref<!tpu.dma_semaphore, #tpu.memory_space<semaphore_mem>>)
    %scan3A = arith.constant 0 : i32
    %scan3A_806 = arith.constant 0 : i32
    %scan3A_807 = arith.constant 32 : i32
    %scan3A_808 = arith.addi %scan3A_806, %scan3A_807 : i32
    %scan3A_809 = arith.constant 1 : i32
    scf.for %scan3A_1482 = %scan3A_806 to %scan3A_808 step %scan3A_809  : i32 {
      %mul3A_1483 = arith.constant 2 : i32
      %mul3A_1484 = arith.muli %scan3A_1482, %mul3A_1483 : i32
      %add3A_1485 = arith.constant 1 : i32
      %add3A_1486 = arith.addi %mul3A_1484, %add3A_1485 : i32
      %dma_wait3A_1487 = arith.constant 0 : i32
      %dma_wait3A_1488 = arith.constant 0 : i32
      %dma_wait3A_1489 = arith.constant 0 : i32
      %dma_wait3A_1490 = arith.constant 0 : i32
      %dma_wait3A_1491 = tpu.memref_slice %arg10[%dma_wait3A_1487, %dma_wait3A_1488, %dma_wait3A_1489, %dma_wait3A_1490] : memref<8x2x8x128xf32, #tpu.memory_space<vmem>> -> memref<1x2x8x128xf32, #tpu.memory_space<vmem>>
      %dma_wait3A_1492 = tpu.memref_squeeze %dma_wait3A_1491 : memref<1x2x8x128xf32, #tpu.memory_space<vmem>> -> memref<2x8x128xf32, #tpu.memory_space<vmem>>
      %dma_wait3A_1493 = tpu.memref_reshape %arg4 : memref<16x1000000xf32, #tpu.memory_space<hbm>> -> memref<2x8x1000000xf32, #tpu.memory_space<hbm>>
      %dma_wait3A_1494 = arith.constant 0 : i32
      %dma_wait3A_1495 = arith.constant 0 : i32
      %dma_wait3A_1496 = arith.constant 0 : i32
      %dma_wait3A_1497 = tpu.memref_slice %dma_wait3A_1493[%dma_wait3A_1494, %dma_wait3A_1495, %dma_wait3A_1496] : memref<2x8x1000000xf32, #tpu.memory_space<hbm>> -> memref<2x8x128xf32, #tpu.memory_space<hbm>>
      %dma_wait3A_1498 = arith.constant 0 : i32
      %dma_wait3A_1499 = arith.constant 0 : i32
      %dma_wait3A_1500 = arith.constant 0 : i32
      %dma_wait3A_1501 = tpu.memref_slice %arg10[%dma_wait3A_1487, %dma_wait3A_1498, %dma_wait3A_1499, %dma_wait3A_1500] : memref<8x2x8x128xf32, #tpu.memory_space<vmem>> -> memref<1x2x8x128xf32, #tpu.memory_space<vmem>>
      %dma_wait3A_1502 = tpu.memref_squeeze %dma_wait3A_1501 : memref<1x2x8x128xf32, #tpu.memory_space<vmem>> -> memref<2x8x128xf32, #tpu.memory_space<vmem>>
      %dma_wait3A_1503 = tpu.memref_reshape %arg4 : memref<16x1000000xf32, #tpu.memory_space<hbm>> -> memref<2x8x1000000xf32, #tpu.memory_space<hbm>>
      %dma_wait3A_1504 = arith.constant 0 : i32
      %dma_wait3A_1505 = arith.constant 0 : i32
      %dma_wait3A_1506 = arith.constant 0 : i32
      %dma_wait3A_1507 = tpu.memref_slice %dma_wait3A_1503[%dma_wait3A_1504, %dma_wait3A_1505, %dma_wait3A_1506] : memref<2x8x1000000xf32, #tpu.memory_space<hbm>> -> memref<2x8x128xf32, #tpu.memory_space<hbm>>
      tpu.wait_dma2 semaphore(%arg16 : memref<!tpu.dma_semaphore, #tpu.memory_space<semaphore_mem>>) src(%dma_wait3A_1507 : memref<2x8x128xf32, #tpu.memory_space<hbm>>) dst(%dma_wait3A_1502 : memref<2x8x128xf32, #tpu.memory_space<vmem>>)
      %dma_wait3A_1508 = arith.constant 0 : i32
      %dma_wait3A_1509 = arith.constant 0 : i32
      %dma_wait3A_1510 = arith.constant 0 : i32
      %dma_wait3A_1511 = arith.constant 0 : i32
      %dma_wait3A_1512 = tpu.memref_slice %arg11[%dma_wait3A_1508, %dma_wait3A_1509, %dma_wait3A_1510, %dma_wait3A_1511] : memref<8x2x8x128xf32, #tpu.memory_space<vmem>> -> memref<1x2x8x128xf32, #tpu.memory_space<vmem>>
      %dma_wait3A_1513 = tpu.memref_squeeze %dma_wait3A_1512 : memref<1x2x8x128xf32, #tpu.memory_space<vmem>> -> memref<2x8x128xf32, #tpu.memory_space<vmem>>
      %dma_wait3A_1514 = tpu.memref_reshape %arg5 : memref<16x1000000xf32, #tpu.memory_space<hbm>> -> memref<2x8x1000000xf32, #tpu.memory_space<hbm>>
      %dma_wait3A_1515 = arith.constant 0 : i32
      %dma_wait3A_1516 = arith.constant 0 : i32
      %dma_wait3A_1517 = arith.constant 0 : i32
      %dma_wait3A_1518 = tpu.memref_slice %dma_wait3A_1514[%dma_wait3A_1515, %dma_wait3A_1516, %dma_wait3A_1517] : memref<2x8x1000000xf32, #tpu.memory_space<hbm>> -> memref<2x8x128xf32, #tpu.memory_space<hbm>>
      %dma_wait3A_1519 = arith.constant 0 : i32
      %dma_wait3A_1520 = arith.constant 0 : i32
      %dma_wait3A_1521 = arith.constant 0 : i32
      %dma_wait3A_1522 = tpu.memref_slice %arg11[%dma_wait3A_1508, %dma_wait3A_1519, %dma_wait3A_1520, %dma_wait3A_1521] : memref<8x2x8x128xf32, #tpu.memory_space<vmem>> -> memref<1x2x8x128xf32, #tpu.memory_space<vmem>>
      %dma_wait3A_1523 = tpu.memref_squeeze %dma_wait3A_1522 : memref<1x2x8x128xf32, #tpu.memory_space<vmem>> -> memref<2x8x128xf32, #tpu.memory_space<vmem>>
      %dma_wait3A_1524 = tpu.memref_reshape %arg5 : memref<16x1000000xf32, #tpu.memory_space<hbm>> -> memref<2x8x1000000xf32, #tpu.memory_space<hbm>>
      %dma_wait3A_1525 = arith.constant 0 : i32
      %dma_wait3A_1526 = arith.constant 0 : i32
      %dma_wait3A_1527 = arith.constant 0 : i32
      %dma_wait3A_1528 = tpu.memref_slice %dma_wait3A_1524[%dma_wait3A_1525, %dma_wait3A_1526, %dma_wait3A_1527] : memref<2x8x1000000xf32, #tpu.memory_space<hbm>> -> memref<2x8x128xf32, #tpu.memory_space<hbm>>
      tpu.wait_dma2 semaphore(%arg16 : memref<!tpu.dma_semaphore, #tpu.memory_space<semaphore_mem>>) src(%dma_wait3A_1528 : memref<2x8x128xf32, #tpu.memory_space<hbm>>) dst(%dma_wait3A_1523 : memref<2x8x128xf32, #tpu.memory_space<vmem>>)
      %dma_wait3A_1529 = arith.constant 1 : i32
      %dma_wait3A_1530 = arith.constant 0 : i32
      %dma_wait3A_1531 = arith.constant 0 : i32
      %dma_wait3A_1532 = arith.constant 0 : i32
      %dma_wait3A_1533 = tpu.memref_slice %arg10[%dma_wait3A_1529, %dma_wait3A_1530, %dma_wait3A_1531, %dma_wait3A_1532] : memref<8x2x8x128xf32, #tpu.memory_space<vmem>> -> memref<1x2x8x128xf32, #tpu.memory_space<vmem>>
      %dma_wait3A_1534 = tpu.memref_squeeze %dma_wait3A_1533 : memref<1x2x8x128xf32, #tpu.memory_space<vmem>> -> memref<2x8x128xf32, #tpu.memory_space<vmem>>
      %dma_wait3A_1535 = tpu.memref_reshape %arg4 : memref<16x1000000xf32, #tpu.memory_space<hbm>> -> memref<2x8x1000000xf32, #tpu.memory_space<hbm>>
      %dma_wait3A_1536 = arith.constant 0 : i32
      %dma_wait3A_1537 = arith.constant 0 : i32
      %dma_wait3A_1538 = arith.constant 0 : i32
      %dma_wait3A_1539 = tpu.memref_slice %dma_wait3A_1535[%dma_wait3A_1536, %dma_wait3A_1537, %dma_wait3A_1538] : memref<2x8x1000000xf32, #tpu.memory_space<hbm>> -> memref<2x8x128xf32, #tpu.memory_space<hbm>>
      %dma_wait3A_1540 = arith.constant 0 : i32
      %dma_wait3A_1541 = arith.constant 0 : i32
      %dma_wait3A_1542 = arith.constant 0 : i32
      %dma_wait3A_1543 = tpu.memref_slice %arg10[%dma_wait3A_1529, %dma_wait3A_1540, %dma_wait3A_1541, %dma_wait3A_1542] : memref<8x2x8x128xf32, #tpu.memory_space<vmem>> -> memref<1x2x8x128xf32, #tpu.memory_space<vmem>>
      %dma_wait3A_1544 = tpu.memref_squeeze %dma_wait3A_1543 : memref<1x2x8x128xf32, #tpu.memory_space<vmem>> -> memref<2x8x128xf32, #tpu.memory_space<vmem>>
      %dma_wait3A_1545 = tpu.memref_reshape %arg4 : memref<16x1000000xf32, #tpu.memory_space<hbm>> -> memref<2x8x1000000xf32, #tpu.memory_space<hbm>>
      %dma_wait3A_1546 = arith.constant 0 : i32
      %dma_wait3A_1547 = arith.constant 0 : i32
      %dma_wait3A_1548 = arith.constant 0 : i32
      %dma_wait3A_1549 = tpu.memref_slice %dma_wait3A_1545[%dma_wait3A_1546, %dma_wait3A_1547, %dma_wait3A_1548] : memref<2x8x1000000xf32, #tpu.memory_space<hbm>> -> memref<2x8x128xf32, #tpu.memory_space<hbm>>
      tpu.wait_dma2 semaphore(%arg16 : memref<!tpu.dma_semaphore, #tpu.memory_space<semaphore_mem>>) src(%dma_wait3A_1549 : memref<2x8x128xf32, #tpu.memory_space<hbm>>) dst(%dma_wait3A_1544 : memref<2x8x128xf32, #tpu.memory_space<vmem>>)
      %dma_wait3A_1550 = arith.constant 1 : i32
      %dma_wait3A_1551 = arith.constant 0 : i32
      %dma_wait3A_1552 = arith.constant 0 : i32
      %dma_wait3A_1553 = arith.constant 0 : i32
      %dma_wait3A_1554 = tpu.memref_slice %arg11[%dma_wait3A_1550, %dma_wait3A_1551, %dma_wait3A_1552, %dma_wait3A_1553] : memref<8x2x8x128xf32, #tpu.memory_space<vmem>> -> memref<1x2x8x128xf32, #tpu.memory_space<vmem>>
      %dma_wait3A_1555 = tpu.memref_squeeze %dma_wait3A_1554 : memref<1x2x8x128xf32, #tpu.memory_space<vmem>> -> memref<2x8x128xf32, #tpu.memory_space<vmem>>
      %dma_wait3A_1556 = tpu.memref_reshape %arg5 : memref<16x1000000xf32, #tpu.memory_space<hbm>> -> memref<2x8x1000000xf32, #tpu.memory_space<hbm>>
      %dma_wait3A_1557 = arith.constant 0 : i32
      %dma_wait3A_1558 = arith.constant 0 : i32
      %dma_wait3A_1559 = arith.constant 0 : i32
      %dma_wait3A_1560 = tpu.memref_slice %dma_wait3A_1556[%dma_wait3A_1557, %dma_wait3A_1558, %dma_wait3A_1559] : memref<2x8x1000000xf32, #tpu.memory_space<hbm>> -> memref<2x8x128xf32, #tpu.memory_space<hbm>>
      %dma_wait3A_1561 = arith.constant 0 : i32
      %dma_wait3A_1562 = arith.constant 0 : i32
      %dma_wait3A_1563 = arith.constant 0 : i32
      %dma_wait3A_1564 = tpu.memref_slice %arg11[%dma_wait3A_1550, %dma_wait3A_1561, %dma_wait3A_1562, %dma_wait3A_1563] : memref<8x2x8x128xf32, #tpu.memory_space<vmem>> -> memref<1x2x8x128xf32, #tpu.memory_space<vmem>>
      %dma_wait3A_1565 = tpu.memref_squeeze %dma_wait3A_1564 : memref<1x2x8x128xf32, #tpu.memory_space<vmem>> -> memref<2x8x128xf32, #tpu.memory_space<vmem>>
      %dma_wait3A_1566 = tpu.memref_reshape %arg5 : memref<16x1000000xf32, #tpu.memory_space<hbm>> -> memref<2x8x1000000xf32, #tpu.memory_space<hbm>>
      %dma_wait3A_1567 = arith.constant 0 : i32
      %dma_wait3A_1568 = arith.constant 0 : i32
      %dma_wait3A_1569 = arith.constant 0 : i32
      %dma_wait3A_1570 = tpu.memref_slice %dma_wait3A_1566[%dma_wait3A_1567, %dma_wait3A_1568, %dma_wait3A_1569] : memref<2x8x1000000xf32, #tpu.memory_space<hbm>> -> memref<2x8x128xf32, #tpu.memory_space<hbm>>
      tpu.wait_dma2 semaphore(%arg16 : memref<!tpu.dma_semaphore, #tpu.memory_space<semaphore_mem>>) src(%dma_wait3A_1570 : memref<2x8x128xf32, #tpu.memory_space<hbm>>) dst(%dma_wait3A_1565 : memref<2x8x128xf32, #tpu.memory_space<vmem>>)
      %dma_wait3A_1571 = arith.constant 2 : i32
      %dma_wait3A_1572 = arith.constant 0 : i32
      %dma_wait3A_1573 = arith.constant 0 : i32
      %dma_wait3A_1574 = arith.constant 0 : i32
      %dma_wait3A_1575 = tpu.memref_slice %arg10[%dma_wait3A_1571, %dma_wait3A_1572, %dma_wait3A_1573, %dma_wait3A_1574] : memref<8x2x8x128xf32, #tpu.memory_space<vmem>> -> memref<1x2x8x128xf32, #tpu.memory_space<vmem>>
      %dma_wait3A_1576 = tpu.memref_squeeze %dma_wait3A_1575 : memref<1x2x8x128xf32, #tpu.memory_space<vmem>> -> memref<2x8x128xf32, #tpu.memory_space<vmem>>
      %dma_wait3A_1577 = tpu.memref_reshape %arg4 : memref<16x1000000xf32, #tpu.memory_space<hbm>> -> memref<2x8x1000000xf32, #tpu.memory_space<hbm>>
      %dma_wait3A_1578 = arith.constant 0 : i32
      %dma_wait3A_1579 = arith.constant 0 : i32
      %dma_wait3A_1580 = arith.constant 0 : i32
      %dma_wait3A_1581 = tpu.memref_slice %dma_wait3A_1577[%dma_wait3A_1578, %dma_wait3A_1579, %dma_wait3A_1580] : memref<2x8x1000000xf32, #tpu.memory_space<hbm>> -> memref<2x8x128xf32, #tpu.memory_space<hbm>>
      %dma_wait3A_1582 = arith.constant 0 : i32
      %dma_wait3A_1583 = arith.constant 0 : i32
      %dma_wait3A_1584 = arith.constant 0 : i32
      %dma_wait3A_1585 = tpu.memref_slice %arg10[%dma_wait3A_1571, %dma_wait3A_1582, %dma_wait3A_1583, %dma_wait3A_1584] : memref<8x2x8x128xf32, #tpu.memory_space<vmem>> -> memref<1x2x8x128xf32, #tpu.memory_space<vmem>>
      %dma_wait3A_1586 = tpu.memref_squeeze %dma_wait3A_1585 : memref<1x2x8x128xf32, #tpu.memory_space<vmem>> -> memref<2x8x128xf32, #tpu.memory_space<vmem>>
      %dma_wait3A_1587 = tpu.memref_reshape %arg4 : memref<16x1000000xf32, #tpu.memory_space<hbm>> -> memref<2x8x1000000xf32, #tpu.memory_space<hbm>>
      %dma_wait3A_1588 = arith.constant 0 : i32
      %dma_wait3A_1589 = arith.constant 0 : i32
      %dma_wait3A_1590 = arith.constant 0 : i32
      %dma_wait3A_1591 = tpu.memref_slice %dma_wait3A_1587[%dma_wait3A_1588, %dma_wait3A_1589, %dma_wait3A_1590] : memref<2x8x1000000xf32, #tpu.memory_space<hbm>> -> memref<2x8x128xf32, #tpu.memory_space<hbm>>
      tpu.wait_dma2 semaphore(%arg16 : memref<!tpu.dma_semaphore, #tpu.memory_space<semaphore_mem>>) src(%dma_wait3A_1591 : memref<2x8x128xf32, #tpu.memory_space<hbm>>) dst(%dma_wait3A_1586 : memref<2x8x128xf32, #tpu.memory_space<vmem>>)
      %dma_wait3A_1592 = arith.constant 2 : i32
      %dma_wait3A_1593 = arith.constant 0 : i32
      %dma_wait3A_1594 = arith.constant 0 : i32
      %dma_wait3A_1595 = arith.constant 0 : i32
      %dma_wait3A_1596 = tpu.memref_slice %arg11[%dma_wait3A_1592, %dma_wait3A_1593, %dma_wait3A_1594, %dma_wait3A_1595] : memref<8x2x8x128xf32, #tpu.memory_space<vmem>> -> memref<1x2x8x128xf32, #tpu.memory_space<vmem>>
      %dma_wait3A_1597 = tpu.memref_squeeze %dma_wait3A_1596 : memref<1x2x8x128xf32, #tpu.memory_space<vmem>> -> memref<2x8x128xf32, #tpu.memory_space<vmem>>
      %dma_wait3A_1598 = tpu.memref_reshape %arg5 : memref<16x1000000xf32, #tpu.memory_space<hbm>> -> memref<2x8x1000000xf32, #tpu.memory_space<hbm>>
      %dma_wait3A_1599 = arith.constant 0 : i32
      %dma_wait3A_1600 = arith.constant 0 : i32
      %dma_wait3A_1601 = arith.constant 0 : i32
      %dma_wait3A_1602 = tpu.memref_slice %dma_wait3A_1598[%dma_wait3A_1599, %dma_wait3A_1600, %dma_wait3A_1601] : memref<2x8x1000000xf32, #tpu.memory_space<hbm>> -> memref<2x8x128xf32, #tpu.memory_space<hbm>>
      %dma_wait3A_1603 = arith.constant 0 : i32
      %dma_wait3A_1604 = arith.constant 0 : i32
      %dma_wait3A_1605 = arith.constant 0 : i32
      %dma_wait3A_1606 = tpu.memref_slice %arg11[%dma_wait3A_1592, %dma_wait3A_1603, %dma_wait3A_1604, %dma_wait3A_1605] : memref<8x2x8x128xf32, #tpu.memory_space<vmem>> -> memref<1x2x8x128xf32, #tpu.memory_space<vmem>>
      %dma_wait3A_1607 = tpu.memref_squeeze %dma_wait3A_1606 : memref<1x2x8x128xf32, #tpu.memory_space<vmem>> -> memref<2x8x128xf32, #tpu.memory_space<vmem>>
      %dma_wait3A_1608 = tpu.memref_reshape %arg5 : memref<16x1000000xf32, #tpu.memory_space<hbm>> -> memref<2x8x1000000xf32, #tpu.memory_space<hbm>>
      %dma_wait3A_1609 = arith.constant 0 : i32
      %dma_wait3A_1610 = arith.constant 0 : i32
      %dma_wait3A_1611 = arith.constant 0 : i32
      %dma_wait3A_1612 = tpu.memref_slice %dma_wait3A_1608[%dma_wait3A_1609, %dma_wait3A_1610, %dma_wait3A_1611] : memref<2x8x1000000xf32, #tpu.memory_space<hbm>> -> memref<2x8x128xf32, #tpu.memory_space<hbm>>
      tpu.wait_dma2 semaphore(%arg16 : memref<!tpu.dma_semaphore, #tpu.memory_space<semaphore_mem>>) src(%dma_wait3A_1612 : memref<2x8x128xf32, #tpu.memory_space<hbm>>) dst(%dma_wait3A_1607 : memref<2x8x128xf32, #tpu.memory_space<vmem>>)
      %dma_wait3A_1613 = arith.constant 3 : i32
      %dma_wait3A_1614 = arith.constant 0 : i32
      %dma_wait3A_1615 = arith.constant 0 : i32
      %dma_wait3A_1616 = arith.constant 0 : i32
      %dma_wait3A_1617 = tpu.memref_slice %arg10[%dma_wait3A_1613, %dma_wait3A_1614, %dma_wait3A_1615, %dma_wait3A_1616] : memref<8x2x8x128xf32, #tpu.memory_space<vmem>> -> memref<1x2x8x128xf32, #tpu.memory_space<vmem>>
      %dma_wait3A_1618 = tpu.memref_squeeze %dma_wait3A_1617 : memref<1x2x8x128xf32, #tpu.memory_space<vmem>> -> memref<2x8x128xf32, #tpu.memory_space<vmem>>
      %dma_wait3A_1619 = tpu.memref_reshape %arg4 : memref<16x1000000xf32, #tpu.memory_space<hbm>> -> memref<2x8x1000000xf32, #tpu.memory_space<hbm>>
      %dma_wait3A_1620 = arith.constant 0 : i32
      %dma_wait3A_1621 = arith.constant 0 : i32
      %dma_wait3A_1622 = arith.constant 0 : i32
      %dma_wait3A_1623 = tpu.memref_slice %dma_wait3A_1619[%dma_wait3A_1620, %dma_wait3A_1621, %dma_wait3A_1622] : memref<2x8x1000000xf32, #tpu.memory_space<hbm>> -> memref<2x8x128xf32, #tpu.memory_space<hbm>>
      %dma_wait3A_1624 = arith.constant 0 : i32
      %dma_wait3A_1625 = arith.constant 0 : i32
      %dma_wait3A_1626 = arith.constant 0 : i32
      %dma_wait3A_1627 = tpu.memref_slice %arg10[%dma_wait3A_1613, %dma_wait3A_1624, %dma_wait3A_1625, %dma_wait3A_1626] : memref<8x2x8x128xf32, #tpu.memory_space<vmem>> -> memref<1x2x8x128xf32, #tpu.memory_space<vmem>>
      %dma_wait3A_1628 = tpu.memref_squeeze %dma_wait3A_1627 : memref<1x2x8x128xf32, #tpu.memory_space<vmem>> -> memref<2x8x128xf32, #tpu.memory_space<vmem>>
      %dma_wait3A_1629 = tpu.memref_reshape %arg4 : memref<16x1000000xf32, #tpu.memory_space<hbm>> -> memref<2x8x1000000xf32, #tpu.memory_space<hbm>>
      %dma_wait3A_1630 = arith.constant 0 : i32
      %dma_wait3A_1631 = arith.constant 0 : i32
      %dma_wait3A_1632 = arith.constant 0 : i32
      %dma_wait3A_1633 = tpu.memref_slice %dma_wait3A_1629[%dma_wait3A_1630, %dma_wait3A_1631, %dma_wait3A_1632] : memref<2x8x1000000xf32, #tpu.memory_space<hbm>> -> memref<2x8x128xf32, #tpu.memory_space<hbm>>
      tpu.wait_dma2 semaphore(%arg16 : memref<!tpu.dma_semaphore, #tpu.memory_space<semaphore_mem>>) src(%dma_wait3A_1633 : memref<2x8x128xf32, #tpu.memory_space<hbm>>) dst(%dma_wait3A_1628 : memref<2x8x128xf32, #tpu.memory_space<vmem>>)
      %dma_wait3A_1634 = arith.constant 3 : i32
      %dma_wait3A_1635 = arith.constant 0 : i32
      %dma_wait3A_1636 = arith.constant 0 : i32
      %dma_wait3A_1637 = arith.constant 0 : i32
      %dma_wait3A_1638 = tpu.memref_slice %arg11[%dma_wait3A_1634, %dma_wait3A_1635, %dma_wait3A_1636, %dma_wait3A_1637] : memref<8x2x8x128xf32, #tpu.memory_space<vmem>> -> memref<1x2x8x128xf32, #tpu.memory_space<vmem>>
      %dma_wait3A_1639 = tpu.memref_squeeze %dma_wait3A_1638 : memref<1x2x8x128xf32, #tpu.memory_space<vmem>> -> memref<2x8x128xf32, #tpu.memory_space<vmem>>
      %dma_wait3A_1640 = tpu.memref_reshape %arg5 : memref<16x1000000xf32, #tpu.memory_space<hbm>> -> memref<2x8x1000000xf32, #tpu.memory_space<hbm>>
      %dma_wait3A_1641 = arith.constant 0 : i32
      %dma_wait3A_1642 = arith.constant 0 : i32
      %dma_wait3A_1643 = arith.constant 0 : i32
      %dma_wait3A_1644 = tpu.memref_slice %dma_wait3A_1640[%dma_wait3A_1641, %dma_wait3A_1642, %dma_wait3A_1643] : memref<2x8x1000000xf32, #tpu.memory_space<hbm>> -> memref<2x8x128xf32, #tpu.memory_space<hbm>>
      %dma_wait3A_1645 = arith.constant 0 : i32
      %dma_wait3A_1646 = arith.constant 0 : i32
      %dma_wait3A_1647 = arith.constant 0 : i32
      %dma_wait3A_1648 = tpu.memref_slice %arg11[%dma_wait3A_1634, %dma_wait3A_1645, %dma_wait3A_1646, %dma_wait3A_1647] : memref<8x2x8x128xf32, #tpu.memory_space<vmem>> -> memref<1x2x8x128xf32, #tpu.memory_space<vmem>>
      %dma_wait3A_1649 = tpu.memref_squeeze %dma_wait3A_1648 : memref<1x2x8x128xf32, #tpu.memory_space<vmem>> -> memref<2x8x128xf32, #tpu.memory_space<vmem>>
      %dma_wait3A_1650 = tpu.memref_reshape %arg5 : memref<16x1000000xf32, #tpu.memory_space<hbm>> -> memref<2x8x1000000xf32, #tpu.memory_space<hbm>>
      %dma_wait3A_1651 = arith.constant 0 : i32
      %dma_wait3A_1652 = arith.constant 0 : i32
      %dma_wait3A_1653 = arith.constant 0 : i32
      %dma_wait3A_1654 = tpu.memref_slice %dma_wait3A_1650[%dma_wait3A_1651, %dma_wait3A_1652, %dma_wait3A_1653] : memref<2x8x1000000xf32, #tpu.memory_space<hbm>> -> memref<2x8x128xf32, #tpu.memory_space<hbm>>
      tpu.wait_dma2 semaphore(%arg16 : memref<!tpu.dma_semaphore, #tpu.memory_space<semaphore_mem>>) src(%dma_wait3A_1654 : memref<2x8x128xf32, #tpu.memory_space<hbm>>) dst(%dma_wait3A_1649 : memref<2x8x128xf32, #tpu.memory_space<vmem>>)
      %dma_wait3A_1655 = arith.constant 4 : i32
      %dma_wait3A_1656 = arith.constant 0 : i32
      %dma_wait3A_1657 = arith.constant 0 : i32
      %dma_wait3A_1658 = arith.constant 0 : i32
      %dma_wait3A_1659 = tpu.memref_slice %arg10[%dma_wait3A_1655, %dma_wait3A_1656, %dma_wait3A_1657, %dma_wait3A_1658] : memref<8x2x8x128xf32, #tpu.memory_space<vmem>> -> memref<1x2x8x128xf32, #tpu.memory_space<vmem>>
      %dma_wait3A_1660 = tpu.memref_squeeze %dma_wait3A_1659 : memref<1x2x8x128xf32, #tpu.memory_space<vmem>> -> memref<2x8x128xf32, #tpu.memory_space<vmem>>
      %dma_wait3A_1661 = tpu.memref_reshape %arg4 : memref<16x1000000xf32, #tpu.memory_space<hbm>> -> memref<2x8x1000000xf32, #tpu.memory_space<hbm>>
      %dma_wait3A_1662 = arith.constant 0 : i32
      %dma_wait3A_1663 = arith.constant 0 : i32
      %dma_wait3A_1664 = arith.constant 0 : i32
      %dma_wait3A_1665 = tpu.memref_slice %dma_wait3A_1661[%dma_wait3A_1662, %dma_wait3A_1663, %dma_wait3A_1664] : memref<2x8x1000000xf32, #tpu.memory_space<hbm>> -> memref<2x8x128xf32, #tpu.memory_space<hbm>>
      %dma_wait3A_1666 = arith.constant 0 : i32
      %dma_wait3A_1667 = arith.constant 0 : i32
      %dma_wait3A_1668 = arith.constant 0 : i32
      %dma_wait3A_1669 = tpu.memref_slice %arg10[%dma_wait3A_1655, %dma_wait3A_1666, %dma_wait3A_1667, %dma_wait3A_1668] : memref<8x2x8x128xf32, #tpu.memory_space<vmem>> -> memref<1x2x8x128xf32, #tpu.memory_space<vmem>>
      %dma_wait3A_1670 = tpu.memref_squeeze %dma_wait3A_1669 : memref<1x2x8x128xf32, #tpu.memory_space<vmem>> -> memref<2x8x128xf32, #tpu.memory_space<vmem>>
      %dma_wait3A_1671 = tpu.memref_reshape %arg4 : memref<16x1000000xf32, #tpu.memory_space<hbm>> -> memref<2x8x1000000xf32, #tpu.memory_space<hbm>>
      %dma_wait3A_1672 = arith.constant 0 : i32
      %dma_wait3A_1673 = arith.constant 0 : i32
      %dma_wait3A_1674 = arith.constant 0 : i32
      %dma_wait3A_1675 = tpu.memref_slice %dma_wait3A_1671[%dma_wait3A_1672, %dma_wait3A_1673, %dma_wait3A_1674] : memref<2x8x1000000xf32, #tpu.memory_space<hbm>> -> memref<2x8x128xf32, #tpu.memory_space<hbm>>
      tpu.wait_dma2 semaphore(%arg16 : memref<!tpu.dma_semaphore, #tpu.memory_space<semaphore_mem>>) src(%dma_wait3A_1675 : memref<2x8x128xf32, #tpu.memory_space<hbm>>) dst(%dma_wait3A_1670 : memref<2x8x128xf32, #tpu.memory_space<vmem>>)
      %dma_wait3A_1676 = arith.constant 4 : i32
      %dma_wait3A_1677 = arith.constant 0 : i32
      %dma_wait3A_1678 = arith.constant 0 : i32
      %dma_wait3A_1679 = arith.constant 0 : i32
      %dma_wait3A_1680 = tpu.memref_slice %arg11[%dma_wait3A_1676, %dma_wait3A_1677, %dma_wait3A_1678, %dma_wait3A_1679] : memref<8x2x8x128xf32, #tpu.memory_space<vmem>> -> memref<1x2x8x128xf32, #tpu.memory_space<vmem>>
      %dma_wait3A_1681 = tpu.memref_squeeze %dma_wait3A_1680 : memref<1x2x8x128xf32, #tpu.memory_space<vmem>> -> memref<2x8x128xf32, #tpu.memory_space<vmem>>
      %dma_wait3A_1682 = tpu.memref_reshape %arg5 : memref<16x1000000xf32, #tpu.memory_space<hbm>> -> memref<2x8x1000000xf32, #tpu.memory_space<hbm>>
      %dma_wait3A_1683 = arith.constant 0 : i32
      %dma_wait3A_1684 = arith.constant 0 : i32
      %dma_wait3A_1685 = arith.constant 0 : i32
      %dma_wait3A_1686 = tpu.memref_slice %dma_wait3A_1682[%dma_wait3A_1683, %dma_wait3A_1684, %dma_wait3A_1685] : memref<2x8x1000000xf32, #tpu.memory_space<hbm>> -> memref<2x8x128xf32, #tpu.memory_space<hbm>>
      %dma_wait3A_1687 = arith.constant 0 : i32
      %dma_wait3A_1688 = arith.constant 0 : i32
      %dma_wait3A_1689 = arith.constant 0 : i32
      %dma_wait3A_1690 = tpu.memref_slice %arg11[%dma_wait3A_1676, %dma_wait3A_1687, %dma_wait3A_1688, %dma_wait3A_1689] : memref<8x2x8x128xf32, #tpu.memory_space<vmem>> -> memref<1x2x8x128xf32, #tpu.memory_space<vmem>>
      %dma_wait3A_1691 = tpu.memref_squeeze %dma_wait3A_1690 : memref<1x2x8x128xf32, #tpu.memory_space<vmem>> -> memref<2x8x128xf32, #tpu.memory_space<vmem>>
      %dma_wait3A_1692 = tpu.memref_reshape %arg5 : memref<16x1000000xf32, #tpu.memory_space<hbm>> -> memref<2x8x1000000xf32, #tpu.memory_space<hbm>>
      %dma_wait3A_1693 = arith.constant 0 : i32
      %dma_wait3A_1694 = arith.constant 0 : i32
      %dma_wait3A_1695 = arith.constant 0 : i32
      %dma_wait3A_1696 = tpu.memref_slice %dma_wait3A_1692[%dma_wait3A_1693, %dma_wait3A_1694, %dma_wait3A_1695] : memref<2x8x1000000xf32, #tpu.memory_space<hbm>> -> memref<2x8x128xf32, #tpu.memory_space<hbm>>
      tpu.wait_dma2 semaphore(%arg16 : memref<!tpu.dma_semaphore, #tpu.memory_space<semaphore_mem>>) src(%dma_wait3A_1696 : memref<2x8x128xf32, #tpu.memory_space<hbm>>) dst(%dma_wait3A_1691 : memref<2x8x128xf32, #tpu.memory_space<vmem>>)
      %dma_wait3A_1697 = arith.constant 5 : i32
      %dma_wait3A_1698 = arith.constant 0 : i32
      %dma_wait3A_1699 = arith.constant 0 : i32
      %dma_wait3A_1700 = arith.constant 0 : i32
      %dma_wait3A_1701 = tpu.memref_slice %arg10[%dma_wait3A_1697, %dma_wait3A_1698, %dma_wait3A_1699, %dma_wait3A_1700] : memref<8x2x8x128xf32, #tpu.memory_space<vmem>> -> memref<1x2x8x128xf32, #tpu.memory_space<vmem>>
      %dma_wait3A_1702 = tpu.memref_squeeze %dma_wait3A_1701 : memref<1x2x8x128xf32, #tpu.memory_space<vmem>> -> memref<2x8x128xf32, #tpu.memory_space<vmem>>
      %dma_wait3A_1703 = tpu.memref_reshape %arg4 : memref<16x1000000xf32, #tpu.memory_space<hbm>> -> memref<2x8x1000000xf32, #tpu.memory_space<hbm>>
      %dma_wait3A_1704 = arith.constant 0 : i32
      %dma_wait3A_1705 = arith.constant 0 : i32
      %dma_wait3A_1706 = arith.constant 0 : i32
      %dma_wait3A_1707 = tpu.memref_slice %dma_wait3A_1703[%dma_wait3A_1704, %dma_wait3A_1705, %dma_wait3A_1706] : memref<2x8x1000000xf32, #tpu.memory_space<hbm>> -> memref<2x8x128xf32, #tpu.memory_space<hbm>>
      %dma_wait3A_1708 = arith.constant 0 : i32
      %dma_wait3A_1709 = arith.constant 0 : i32
      %dma_wait3A_1710 = arith.constant 0 : i32
      %dma_wait3A_1711 = tpu.memref_slice %arg10[%dma_wait3A_1697, %dma_wait3A_1708, %dma_wait3A_1709, %dma_wait3A_1710] : memref<8x2x8x128xf32, #tpu.memory_space<vmem>> -> memref<1x2x8x128xf32, #tpu.memory_space<vmem>>
      %dma_wait3A_1712 = tpu.memref_squeeze %dma_wait3A_1711 : memref<1x2x8x128xf32, #tpu.memory_space<vmem>> -> memref<2x8x128xf32, #tpu.memory_space<vmem>>
      %dma_wait3A_1713 = tpu.memref_reshape %arg4 : memref<16x1000000xf32, #tpu.memory_space<hbm>> -> memref<2x8x1000000xf32, #tpu.memory_space<hbm>>
      %dma_wait3A_1714 = arith.constant 0 : i32
      %dma_wait3A_1715 = arith.constant 0 : i32
      %dma_wait3A_1716 = arith.constant 0 : i32
      %dma_wait3A_1717 = tpu.memref_slice %dma_wait3A_1713[%dma_wait3A_1714, %dma_wait3A_1715, %dma_wait3A_1716] : memref<2x8x1000000xf32, #tpu.memory_space<hbm>> -> memref<2x8x128xf32, #tpu.memory_space<hbm>>
      tpu.wait_dma2 semaphore(%arg16 : memref<!tpu.dma_semaphore, #tpu.memory_space<semaphore_mem>>) src(%dma_wait3A_1717 : memref<2x8x128xf32, #tpu.memory_space<hbm>>) dst(%dma_wait3A_1712 : memref<2x8x128xf32, #tpu.memory_space<vmem>>)
      %dma_wait3A_1718 = arith.constant 5 : i32
      %dma_wait3A_1719 = arith.constant 0 : i32
      %dma_wait3A_1720 = arith.constant 0 : i32
      %dma_wait3A_1721 = arith.constant 0 : i32
      %dma_wait3A_1722 = tpu.memref_slice %arg11[%dma_wait3A_1718, %dma_wait3A_1719, %dma_wait3A_1720, %dma_wait3A_1721] : memref<8x2x8x128xf32, #tpu.memory_space<vmem>> -> memref<1x2x8x128xf32, #tpu.memory_space<vmem>>
      %dma_wait3A_1723 = tpu.memref_squeeze %dma_wait3A_1722 : memref<1x2x8x128xf32, #tpu.memory_space<vmem>> -> memref<2x8x128xf32, #tpu.memory_space<vmem>>
      %dma_wait3A_1724 = tpu.memref_reshape %arg5 : memref<16x1000000xf32, #tpu.memory_space<hbm>> -> memref<2x8x1000000xf32, #tpu.memory_space<hbm>>
      %dma_wait3A_1725 = arith.constant 0 : i32
      %dma_wait3A_1726 = arith.constant 0 : i32
      %dma_wait3A_1727 = arith.constant 0 : i32
      %dma_wait3A_1728 = tpu.memref_slice %dma_wait3A_1724[%dma_wait3A_1725, %dma_wait3A_1726, %dma_wait3A_1727] : memref<2x8x1000000xf32, #tpu.memory_space<hbm>> -> memref<2x8x128xf32, #tpu.memory_space<hbm>>
      %dma_wait3A_1729 = arith.constant 0 : i32
      %dma_wait3A_1730 = arith.constant 0 : i32
      %dma_wait3A_1731 = arith.constant 0 : i32
      %dma_wait3A_1732 = tpu.memref_slice %arg11[%dma_wait3A_1718, %dma_wait3A_1729, %dma_wait3A_1730, %dma_wait3A_1731] : memref<8x2x8x128xf32, #tpu.memory_space<vmem>> -> memref<1x2x8x128xf32, #tpu.memory_space<vmem>>
      %dma_wait3A_1733 = tpu.memref_squeeze %dma_wait3A_1732 : memref<1x2x8x128xf32, #tpu.memory_space<vmem>> -> memref<2x8x128xf32, #tpu.memory_space<vmem>>
      %dma_wait3A_1734 = tpu.memref_reshape %arg5 : memref<16x1000000xf32, #tpu.memory_space<hbm>> -> memref<2x8x1000000xf32, #tpu.memory_space<hbm>>
      %dma_wait3A_1735 = arith.constant 0 : i32
      %dma_wait3A_1736 = arith.constant 0 : i32
      %dma_wait3A_1737 = arith.constant 0 : i32
      %dma_wait3A_1738 = tpu.memref_slice %dma_wait3A_1734[%dma_wait3A_1735, %dma_wait3A_1736, %dma_wait3A_1737] : memref<2x8x1000000xf32, #tpu.memory_space<hbm>> -> memref<2x8x128xf32, #tpu.memory_space<hbm>>
      tpu.wait_dma2 semaphore(%arg16 : memref<!tpu.dma_semaphore, #tpu.memory_space<semaphore_mem>>) src(%dma_wait3A_1738 : memref<2x8x128xf32, #tpu.memory_space<hbm>>) dst(%dma_wait3A_1733 : memref<2x8x128xf32, #tpu.memory_space<vmem>>)
      %dma_wait3A_1739 = arith.constant 6 : i32
      %dma_wait3A_1740 = arith.constant 0 : i32
      %dma_wait3A_1741 = arith.constant 0 : i32
      %dma_wait3A_1742 = arith.constant 0 : i32
      %dma_wait3A_1743 = tpu.memref_slice %arg10[%dma_wait3A_1739, %dma_wait3A_1740, %dma_wait3A_1741, %dma_wait3A_1742] : memref<8x2x8x128xf32, #tpu.memory_space<vmem>> -> memref<1x2x8x128xf32, #tpu.memory_space<vmem>>
      %dma_wait3A_1744 = tpu.memref_squeeze %dma_wait3A_1743 : memref<1x2x8x128xf32, #tpu.memory_space<vmem>> -> memref<2x8x128xf32, #tpu.memory_space<vmem>>
      %dma_wait3A_1745 = tpu.memref_reshape %arg4 : memref<16x1000000xf32, #tpu.memory_space<hbm>> -> memref<2x8x1000000xf32, #tpu.memory_space<hbm>>
      %dma_wait3A_1746 = arith.constant 0 : i32
      %dma_wait3A_1747 = arith.constant 0 : i32
      %dma_wait3A_1748 = arith.constant 0 : i32
      %dma_wait3A_1749 = tpu.memref_slice %dma_wait3A_1745[%dma_wait3A_1746, %dma_wait3A_1747, %dma_wait3A_1748] : memref<2x8x1000000xf32, #tpu.memory_space<hbm>> -> memref<2x8x128xf32, #tpu.memory_space<hbm>>
      %dma_wait3A_1750 = arith.constant 0 : i32
      %dma_wait3A_1751 = arith.constant 0 : i32
      %dma_wait3A_1752 = arith.constant 0 : i32
      %dma_wait3A_1753 = tpu.memref_slice %arg10[%dma_wait3A_1739, %dma_wait3A_1750, %dma_wait3A_1751, %dma_wait3A_1752] : memref<8x2x8x128xf32, #tpu.memory_space<vmem>> -> memref<1x2x8x128xf32, #tpu.memory_space<vmem>>
      %dma_wait3A_1754 = tpu.memref_squeeze %dma_wait3A_1753 : memref<1x2x8x128xf32, #tpu.memory_space<vmem>> -> memref<2x8x128xf32, #tpu.memory_space<vmem>>
      %dma_wait3A_1755 = tpu.memref_reshape %arg4 : memref<16x1000000xf32, #tpu.memory_space<hbm>> -> memref<2x8x1000000xf32, #tpu.memory_space<hbm>>
      %dma_wait3A_1756 = arith.constant 0 : i32
      %dma_wait3A_1757 = arith.constant 0 : i32
      %dma_wait3A_1758 = arith.constant 0 : i32
      %dma_wait3A_1759 = tpu.memref_slice %dma_wait3A_1755[%dma_wait3A_1756, %dma_wait3A_1757, %dma_wait3A_1758] : memref<2x8x1000000xf32, #tpu.memory_space<hbm>> -> memref<2x8x128xf32, #tpu.memory_space<hbm>>
      tpu.wait_dma2 semaphore(%arg16 : memref<!tpu.dma_semaphore, #tpu.memory_space<semaphore_mem>>) src(%dma_wait3A_1759 : memref<2x8x128xf32, #tpu.memory_space<hbm>>) dst(%dma_wait3A_1754 : memref<2x8x128xf32, #tpu.memory_space<vmem>>)
      %dma_wait3A_1760 = arith.constant 6 : i32
      %dma_wait3A_1761 = arith.constant 0 : i32
      %dma_wait3A_1762 = arith.constant 0 : i32
      %dma_wait3A_1763 = arith.constant 0 : i32
      %dma_wait3A_1764 = tpu.memref_slice %arg11[%dma_wait3A_1760, %dma_wait3A_1761, %dma_wait3A_1762, %dma_wait3A_1763] : memref<8x2x8x128xf32, #tpu.memory_space<vmem>> -> memref<1x2x8x128xf32, #tpu.memory_space<vmem>>
      %dma_wait3A_1765 = tpu.memref_squeeze %dma_wait3A_1764 : memref<1x2x8x128xf32, #tpu.memory_space<vmem>> -> memref<2x8x128xf32, #tpu.memory_space<vmem>>
      %dma_wait3A_1766 = tpu.memref_reshape %arg5 : memref<16x1000000xf32, #tpu.memory_space<hbm>> -> memref<2x8x1000000xf32, #tpu.memory_space<hbm>>
      %dma_wait3A_1767 = arith.constant 0 : i32
      %dma_wait3A_1768 = arith.constant 0 : i32
      %dma_wait3A_1769 = arith.constant 0 : i32
      %dma_wait3A_1770 = tpu.memref_slice %dma_wait3A_1766[%dma_wait3A_1767, %dma_wait3A_1768, %dma_wait3A_1769] : memref<2x8x1000000xf32, #tpu.memory_space<hbm>> -> memref<2x8x128xf32, #tpu.memory_space<hbm>>
      %dma_wait3A_1771 = arith.constant 0 : i32
      %dma_wait3A_1772 = arith.constant 0 : i32
      %dma_wait3A_1773 = arith.constant 0 : i32
      %dma_wait3A_1774 = tpu.memref_slice %arg11[%dma_wait3A_1760, %dma_wait3A_1771, %dma_wait3A_1772, %dma_wait3A_1773] : memref<8x2x8x128xf32, #tpu.memory_space<vmem>> -> memref<1x2x8x128xf32, #tpu.memory_space<vmem>>
      %dma_wait3A_1775 = tpu.memref_squeeze %dma_wait3A_1774 : memref<1x2x8x128xf32, #tpu.memory_space<vmem>> -> memref<2x8x128xf32, #tpu.memory_space<vmem>>
      %dma_wait3A_1776 = tpu.memref_reshape %arg5 : memref<16x1000000xf32, #tpu.memory_space<hbm>> -> memref<2x8x1000000xf32, #tpu.memory_space<hbm>>
      %dma_wait3A_1777 = arith.constant 0 : i32
      %dma_wait3A_1778 = arith.constant 0 : i32
      %dma_wait3A_1779 = arith.constant 0 : i32
      %dma_wait3A_1780 = tpu.memref_slice %dma_wait3A_1776[%dma_wait3A_1777, %dma_wait3A_1778, %dma_wait3A_1779] : memref<2x8x1000000xf32, #tpu.memory_space<hbm>> -> memref<2x8x128xf32, #tpu.memory_space<hbm>>
      tpu.wait_dma2 semaphore(%arg16 : memref<!tpu.dma_semaphore, #tpu.memory_space<semaphore_mem>>) src(%dma_wait3A_1780 : memref<2x8x128xf32, #tpu.memory_space<hbm>>) dst(%dma_wait3A_1775 : memref<2x8x128xf32, #tpu.memory_space<vmem>>)
      %dma_wait3A_1781 = arith.constant 7 : i32
      %dma_wait3A_1782 = arith.constant 0 : i32
      %dma_wait3A_1783 = arith.constant 0 : i32
      %dma_wait3A_1784 = arith.constant 0 : i32
      %dma_wait3A_1785 = tpu.memref_slice %arg10[%dma_wait3A_1781, %dma_wait3A_1782, %dma_wait3A_1783, %dma_wait3A_1784] : memref<8x2x8x128xf32, #tpu.memory_space<vmem>> -> memref<1x2x8x128xf32, #tpu.memory_space<vmem>>
      %dma_wait3A_1786 = tpu.memref_squeeze %dma_wait3A_1785 : memref<1x2x8x128xf32, #tpu.memory_space<vmem>> -> memref<2x8x128xf32, #tpu.memory_space<vmem>>
      %dma_wait3A_1787 = tpu.memref_reshape %arg4 : memref<16x1000000xf32, #tpu.memory_space<hbm>> -> memref<2x8x1000000xf32, #tpu.memory_space<hbm>>
      %dma_wait3A_1788 = arith.constant 0 : i32
      %dma_wait3A_1789 = arith.constant 0 : i32
      %dma_wait3A_1790 = arith.constant 0 : i32
      %dma_wait3A_1791 = tpu.memref_slice %dma_wait3A_1787[%dma_wait3A_1788, %dma_wait3A_1789, %dma_wait3A_1790] : memref<2x8x1000000xf32, #tpu.memory_space<hbm>> -> memref<2x8x128xf32, #tpu.memory_space<hbm>>
      %dma_wait3A_1792 = arith.constant 0 : i32
      %dma_wait3A_1793 = arith.constant 0 : i32
      %dma_wait3A_1794 = arith.constant 0 : i32
      %dma_wait3A_1795 = tpu.memref_slice %arg10[%dma_wait3A_1781, %dma_wait3A_1792, %dma_wait3A_1793, %dma_wait3A_1794] : memref<8x2x8x128xf32, #tpu.memory_space<vmem>> -> memref<1x2x8x128xf32, #tpu.memory_space<vmem>>
      %dma_wait3A_1796 = tpu.memref_squeeze %dma_wait3A_1795 : memref<1x2x8x128xf32, #tpu.memory_space<vmem>> -> memref<2x8x128xf32, #tpu.memory_space<vmem>>
      %dma_wait3A_1797 = tpu.memref_reshape %arg4 : memref<16x1000000xf32, #tpu.memory_space<hbm>> -> memref<2x8x1000000xf32, #tpu.memory_space<hbm>>
      %dma_wait3A_1798 = arith.constant 0 : i32
      %dma_wait3A_1799 = arith.constant 0 : i32
      %dma_wait3A_1800 = arith.constant 0 : i32
      %dma_wait3A_1801 = tpu.memref_slice %dma_wait3A_1797[%dma_wait3A_1798, %dma_wait3A_1799, %dma_wait3A_1800] : memref<2x8x1000000xf32, #tpu.memory_space<hbm>> -> memref<2x8x128xf32, #tpu.memory_space<hbm>>
      tpu.wait_dma2 semaphore(%arg16 : memref<!tpu.dma_semaphore, #tpu.memory_space<semaphore_mem>>) src(%dma_wait3A_1801 : memref<2x8x128xf32, #tpu.memory_space<hbm>>) dst(%dma_wait3A_1796 : memref<2x8x128xf32, #tpu.memory_space<vmem>>)
      %dma_wait3A_1802 = arith.constant 7 : i32
      %dma_wait3A_1803 = arith.constant 0 : i32
      %dma_wait3A_1804 = arith.constant 0 : i32
      %dma_wait3A_1805 = arith.constant 0 : i32
      %dma_wait3A_1806 = tpu.memref_slice %arg11[%dma_wait3A_1802, %dma_wait3A_1803, %dma_wait3A_1804, %dma_wait3A_1805] : memref<8x2x8x128xf32, #tpu.memory_space<vmem>> -> memref<1x2x8x128xf32, #tpu.memory_space<vmem>>
      %dma_wait3A_1807 = tpu.memref_squeeze %dma_wait3A_1806 : memref<1x2x8x128xf32, #tpu.memory_space<vmem>> -> memref<2x8x128xf32, #tpu.memory_space<vmem>>
      %dma_wait3A_1808 = tpu.memref_reshape %arg5 : memref<16x1000000xf32, #tpu.memory_space<hbm>> -> memref<2x8x1000000xf32, #tpu.memory_space<hbm>>
      %dma_wait3A_1809 = arith.constant 0 : i32
      %dma_wait3A_1810 = arith.constant 0 : i32
      %dma_wait3A_1811 = arith.constant 0 : i32
      %dma_wait3A_1812 = tpu.memref_slice %dma_wait3A_1808[%dma_wait3A_1809, %dma_wait3A_1810, %dma_wait3A_1811] : memref<2x8x1000000xf32, #tpu.memory_space<hbm>> -> memref<2x8x128xf32, #tpu.memory_space<hbm>>
      %dma_wait3A_1813 = arith.constant 0 : i32
      %dma_wait3A_1814 = arith.constant 0 : i32
      %dma_wait3A_1815 = arith.constant 0 : i32
      %dma_wait3A_1816 = tpu.memref_slice %arg11[%dma_wait3A_1802, %dma_wait3A_1813, %dma_wait3A_1814, %dma_wait3A_1815] : memref<8x2x8x128xf32, #tpu.memory_space<vmem>> -> memref<1x2x8x128xf32, #tpu.memory_space<vmem>>
      %dma_wait3A_1817 = tpu.memref_squeeze %dma_wait3A_1816 : memref<1x2x8x128xf32, #tpu.memory_space<vmem>> -> memref<2x8x128xf32, #tpu.memory_space<vmem>>
      %dma_wait3A_1818 = tpu.memref_reshape %arg5 : memref<16x1000000xf32, #tpu.memory_space<hbm>> -> memref<2x8x1000000xf32, #tpu.memory_space<hbm>>
      %dma_wait3A_1819 = arith.constant 0 : i32
      %dma_wait3A_1820 = arith.constant 0 : i32
      %dma_wait3A_1821 = arith.constant 0 : i32
      %dma_wait3A_1822 = tpu.memref_slice %dma_wait3A_1818[%dma_wait3A_1819, %dma_wait3A_1820, %dma_wait3A_1821] : memref<2x8x1000000xf32, #tpu.memory_space<hbm>> -> memref<2x8x128xf32, #tpu.memory_space<hbm>>
      tpu.wait_dma2 semaphore(%arg16 : memref<!tpu.dma_semaphore, #tpu.memory_space<semaphore_mem>>) src(%dma_wait3A_1822 : memref<2x8x128xf32, #tpu.memory_space<hbm>>) dst(%dma_wait3A_1817 : memref<2x8x128xf32, #tpu.memory_space<vmem>>)
      %mul3A_1823 = arith.constant 8 : i32
      %mul3A_1824 = arith.muli %mul3A_1484, %mul3A_1823 : i32
      %multiple_of3A_1825 = tpu.assume_multiple %mul3A_1824, 8 : i32
      %get3A_1826 = arith.index_cast %multiple_of3A_1825 : i32 to index
      %get3A_1827 = tpu.vector_load %arg8[%get3A_1826] {strides = array<i32>} : memref<528xi32, #tpu.memory_space<vmem>>, vector<16xi32>,
      %and3A_1828 = arith.constant 127 : i32
      %and3A_1829 = vector.broadcast %and3A_1828 : i32 to vector<16xi32>
      %and3A_1830 = arith.andi %get3A_1827, %and3A_1829 : vector<16xi32>
      %get3A_1831 = arith.index_cast %multiple_of3A_1825 : i32 to index
      %get3A_1832 = tpu.vector_load %arg9[%get3A_1831] {strides = array<i32>} : memref<528xi32, #tpu.memory_space<vmem>>, vector<16xi32>,
      %and3A_1833 = arith.constant 127 : i32
      %and3A_1834 = vector.broadcast %and3A_1833 : i32 to vector<16xi32>
      %and3A_1835 = arith.andi %get3A_1832, %and3A_1834 : vector<16xi32>
      %add3A_1836 = arith.constant 0 : i32
      %add3A_1837 = vector.broadcast %add3A_1836 : i32 to vector<16xi32>
      %add3A_1838 = arith.addi %mul3A_8, %add3A_1837 : vector<16xi32>
      %gather3A_1839 = tpu.memref_reshape %arg10 : memref<8x2x8x128xf32, #tpu.memory_space<vmem>> -> memref<128x128xf32, #tpu.memory_space<vmem>>
      %gather3A_1840 = tpu.vector_load_idx %gather3A_1839[%add3A_1838, %and3A_1830] : memref<128x128xf32, #tpu.memory_space<vmem>>[vector<16xi32>, vector<16xi32>], vector<16xf32>,
      %add3A_1841 = arith.constant 0 : i32
      %add3A_1842 = vector.broadcast %add3A_1841 : i32 to vector<16xi32>
      %add3A_1843 = arith.addi %mul3A_8, %add3A_1842 : vector<16xi32>
      %gather3A_1844 = tpu.memref_reshape %arg11 : memref<8x2x8x128xf32, #tpu.memory_space<vmem>> -> memref<128x128xf32, #tpu.memory_space<vmem>>
      %gather3A_1845 = tpu.vector_load_idx %gather3A_1844[%add3A_1843, %and3A_1835] : memref<128x128xf32, #tpu.memory_space<vmem>>[vector<16xi32>, vector<16xi32>], vector<16xf32>,
      %mul3A_1846 = arith.mulf %gather3A_1840, %gather3A_1845 : vector<16xf32>
      %mul3A_1847 = arith.mulf %mul3A_1846, %gather3A_10 : vector<16xf32>
      %add3A_1848 = arith.constant 1 : i32
      %add3A_1849 = vector.broadcast %add3A_1848 : i32 to vector<16xi32>
      %add3A_1850 = arith.addi %mul3A_8, %add3A_1849 : vector<16xi32>
      %gather3A_1851 = tpu.memref_reshape %arg10 : memref<8x2x8x128xf32, #tpu.memory_space<vmem>> -> memref<128x128xf32, #tpu.memory_space<vmem>>
      %gather3A_1852 = tpu.vector_load_idx %gather3A_1851[%add3A_1850, %and3A_1830] : memref<128x128xf32, #tpu.memory_space<vmem>>[vector<16xi32>, vector<16xi32>], vector<16xf32>,
      %add3A_1853 = arith.constant 1 : i32
      %add3A_1854 = vector.broadcast %add3A_1853 : i32 to vector<16xi32>
      %add3A_1855 = arith.addi %mul3A_8, %add3A_1854 : vector<16xi32>
      %gather3A_1856 = tpu.memref_reshape %arg11 : memref<8x2x8x128xf32, #tpu.memory_space<vmem>> -> memref<128x128xf32, #tpu.memory_space<vmem>>
      %gather3A_1857 = tpu.vector_load_idx %gather3A_1856[%add3A_1855, %and3A_1835] : memref<128x128xf32, #tpu.memory_space<vmem>>[vector<16xi32>, vector<16xi32>], vector<16xf32>,
      %mul3A_1858 = arith.mulf %gather3A_1852, %gather3A_1857 : vector<16xf32>
      %mul3A_1859 = arith.mulf %mul3A_1858, %gather3A_14 : vector<16xf32>
      %add3A_1860 = arith.addf %mul3A_1847, %mul3A_1859 : vector<16xf32>
      %add3A_1861 = arith.constant 2 : i32
      %add3A_1862 = vector.broadcast %add3A_1861 : i32 to vector<16xi32>
      %add3A_1863 = arith.addi %mul3A_8, %add3A_1862 : vector<16xi32>
      %gather3A_1864 = tpu.memref_reshape %arg10 : memref<8x2x8x128xf32, #tpu.memory_space<vmem>> -> memref<128x128xf32, #tpu.memory_space<vmem>>
      %gather3A_1865 = tpu.vector_load_idx %gather3A_1864[%add3A_1863, %and3A_1830] : memref<128x128xf32, #tpu.memory_space<vmem>>[vector<16xi32>, vector<16xi32>], vector<16xf32>,
      %add3A_1866 = arith.constant 2 : i32
      %add3A_1867 = vector.broadcast %add3A_1866 : i32 to vector<16xi32>
      %add3A_1868 = arith.addi %mul3A_8, %add3A_1867 : vector<16xi32>
      %gather3A_1869 = tpu.memref_reshape %arg11 : memref<8x2x8x128xf32, #tpu.memory_space<vmem>> -> memref<128x128xf32, #tpu.memory_space<vmem>>
      %gather3A_1870 = tpu.vector_load_idx %gather3A_1869[%add3A_1868, %and3A_1835] : memref<128x128xf32, #tpu.memory_space<vmem>>[vector<16xi32>, vector<16xi32>], vector<16xf32>,
      %mul3A_1871 = arith.mulf %gather3A_1865, %gather3A_1870 : vector<16xf32>
      %mul3A_1872 = arith.mulf %mul3A_1871, %gather3A_18 : vector<16xf32>
      %add3A_1873 = arith.addf %add3A_1860, %mul3A_1872 : vector<16xf32>
      %add3A_1874 = arith.constant 3 : i32
      %add3A_1875 = vector.broadcast %add3A_1874 : i32 to vector<16xi32>
      %add3A_1876 = arith.addi %mul3A_8, %add3A_1875 : vector<16xi32>
      %gather3A_1877 = tpu.memref_reshape %arg10 : memref<8x2x8x128xf32, #tpu.memory_space<vmem>> -> memref<128x128xf32, #tpu.memory_space<vmem>>
      %gather3A_1878 = tpu.vector_load_idx %gather3A_1877[%add3A_1876, %and3A_1830] : memref<128x128xf32, #tpu.memory_space<vmem>>[vector<16xi32>, vector<16xi32>], vector<16xf32>,
      %add3A_1879 = arith.constant 3 : i32
      %add3A_1880 = vector.broadcast %add3A_1879 : i32 to vector<16xi32>
      %add3A_1881 = arith.addi %mul3A_8, %add3A_1880 : vector<16xi32>
      %gather3A_1882 = tpu.memref_reshape %arg11 : memref<8x2x8x128xf32, #tpu.memory_space<vmem>> -> memref<128x128xf32, #tpu.memory_space<vmem>>
      %gather3A_1883 = tpu.vector_load_idx %gather3A_1882[%add3A_1881, %and3A_1835] : memref<128x128xf32, #tpu.memory_space<vmem>>[vector<16xi32>, vector<16xi32>], vector<16xf32>,
      %mul3A_1884 = arith.mulf %gather3A_1878, %gather3A_1883 : vector<16xf32>
      %mul3A_1885 = arith.mulf %mul3A_1884, %gather3A_22 : vector<16xf32>
      %add3A_1886 = arith.addf %add3A_1873, %mul3A_1885 : vector<16xf32>
      %add3A_1887 = arith.constant 4 : i32
      %add3A_1888 = vector.broadcast %add3A_1887 : i32 to vector<16xi32>
      %add3A_1889 = arith.addi %mul3A_8, %add3A_1888 : vector<16xi32>
      %gather3A_1890 = tpu.memref_reshape %arg10 : memref<8x2x8x128xf32, #tpu.memory_space<vmem>> -> memref<128x128xf32, #tpu.memory_space<vmem>>
      %gather3A_1891 = tpu.vector_load_idx %gather3A_1890[%add3A_1889, %and3A_1830] : memref<128x128xf32, #tpu.memory_space<vmem>>[vector<16xi32>, vector<16xi32>], vector<16xf32>,
      %add3A_1892 = arith.constant 4 : i32
      %add3A_1893 = vector.broadcast %add3A_1892 : i32 to vector<16xi32>
      %add3A_1894 = arith.addi %mul3A_8, %add3A_1893 : vector<16xi32>
      %gather3A_1895 = tpu.memref_reshape %arg11 : memref<8x2x8x128xf32, #tpu.memory_space<vmem>> -> memref<128x128xf32, #tpu.memory_space<vmem>>
      %gather3A_1896 = tpu.vector_load_idx %gather3A_1895[%add3A_1894, %and3A_1835] : memref<128x128xf32, #tpu.memory_space<vmem>>[vector<16xi32>, vector<16xi32>], vector<16xf32>,
      %mul3A_1897 = arith.mulf %gather3A_1891, %gather3A_1896 : vector<16xf32>
      %mul3A_1898 = arith.mulf %mul3A_1897, %gather3A_26 : vector<16xf32>
      %add3A_1899 = arith.addf %add3A_1886, %mul3A_1898 : vector<16xf32>
      %add3A_1900 = arith.constant 5 : i32
      %add3A_1901 = vector.broadcast %add3A_1900 : i32 to vector<16xi32>
      %add3A_1902 = arith.addi %mul3A_8, %add3A_1901 : vector<16xi32>
      %gather3A_1903 = tpu.memref_reshape %arg10 : memref<8x2x8x128xf32, #tpu.memory_space<vmem>> -> memref<128x128xf32, #tpu.memory_space<vmem>>
      %gather3A_1904 = tpu.vector_load_idx %gather3A_1903[%add3A_1902, %and3A_1830] : memref<128x128xf32, #tpu.memory_space<vmem>>[vector<16xi32>, vector<16xi32>], vector<16xf32>,
      %add3A_1905 = arith.constant 5 : i32
      %add3A_1906 = vector.broadcast %add3A_1905 : i32 to vector<16xi32>
      %add3A_1907 = arith.addi %mul3A_8, %add3A_1906 : vector<16xi32>
      %gather3A_1908 = tpu.memref_reshape %arg11 : memref<8x2x8x128xf32, #tpu.memory_space<vmem>> -> memref<128x128xf32, #tpu.memory_space<vmem>>
      %gather3A_1909 = tpu.vector_load_idx %gather3A_1908[%add3A_1907, %and3A_1835] : memref<128x128xf32, #tpu.memory_space<vmem>>[vector<16xi32>, vector<16xi32>], vector<16xf32>,
      %mul3A_1910 = arith.mulf %gather3A_1904, %gather3A_1909 : vector<16xf32>
      %mul3A_1911 = arith.mulf %mul3A_1910, %gather3A_30 : vector<16xf32>
      %add3A_1912 = arith.addf %add3A_1899, %mul3A_1911 : vector<16xf32>
      %add3A_1913 = arith.constant 6 : i32
      %add3A_1914 = vector.broadcast %add3A_1913 : i32 to vector<16xi32>
      %add3A_1915 = arith.addi %mul3A_8, %add3A_1914 : vector<16xi32>
      %gather3A_1916 = tpu.memref_reshape %arg10 : memref<8x2x8x128xf32, #tpu.memory_space<vmem>> -> memref<128x128xf32, #tpu.memory_space<vmem>>
      %gather3A_1917 = tpu.vector_load_idx %gather3A_1916[%add3A_1915, %and3A_1830] : memref<128x128xf32, #tpu.memory_space<vmem>>[vector<16xi32>, vector<16xi32>], vector<16xf32>,
      %add3A_1918 = arith.constant 6 : i32
      %add3A_1919 = vector.broadcast %add3A_1918 : i32 to vector<16xi32>
      %add3A_1920 = arith.addi %mul3A_8, %add3A_1919 : vector<16xi32>
      %gather3A_1921 = tpu.memref_reshape %arg11 : memref<8x2x8x128xf32, #tpu.memory_space<vmem>> -> memref<128x128xf32, #tpu.memory_space<vmem>>
      %gather3A_1922 = tpu.vector_load_idx %gather3A_1921[%add3A_1920, %and3A_1835] : memref<128x128xf32, #tpu.memory_space<vmem>>[vector<16xi32>, vector<16xi32>], vector<16xf32>,
      %mul3A_1923 = arith.mulf %gather3A_1917, %gather3A_1922 : vector<16xf32>
      %mul3A_1924 = arith.mulf %mul3A_1923, %gather3A_34 : vector<16xf32>
      %add3A_1925 = arith.addf %add3A_1912, %mul3A_1924 : vector<16xf32>
      %add3A_1926 = arith.constant 7 : i32
      %add3A_1927 = vector.broadcast %add3A_1926 : i32 to vector<16xi32>
      %add3A_1928 = arith.addi %mul3A_8, %add3A_1927 : vector<16xi32>
      %gather3A_1929 = tpu.memref_reshape %arg10 : memref<8x2x8x128xf32, #tpu.memory_space<vmem>> -> memref<128x128xf32, #tpu.memory_space<vmem>>
      %gather3A_1930 = tpu.vector_load_idx %gather3A_1929[%add3A_1928, %and3A_1830] : memref<128x128xf32, #tpu.memory_space<vmem>>[vector<16xi32>, vector<16xi32>], vector<16xf32>,
      %add3A_1931 = arith.constant 7 : i32
      %add3A_1932 = vector.broadcast %add3A_1931 : i32 to vector<16xi32>
      %add3A_1933 = arith.addi %mul3A_8, %add3A_1932 : vector<16xi32>
      %gather3A_1934 = tpu.memref_reshape %arg11 : memref<8x2x8x128xf32, #tpu.memory_space<vmem>> -> memref<128x128xf32, #tpu.memory_space<vmem>>
      %gather3A_1935 = tpu.vector_load_idx %gather3A_1934[%add3A_1933, %and3A_1835] : memref<128x128xf32, #tpu.memory_space<vmem>>[vector<16xi32>, vector<16xi32>], vector<16xf32>,
      %mul3A_1936 = arith.mulf %gather3A_1930, %gather3A_1935 : vector<16xf32>
      %mul3A_1937 = arith.mulf %mul3A_1936, %gather3A_38 : vector<16xf32>
      %add3A_1938 = arith.addf %add3A_1925, %mul3A_1937 : vector<16xf32>
      %add3A_1939 = arith.constant 8 : i32
      %add3A_1940 = vector.broadcast %add3A_1939 : i32 to vector<16xi32>
      %add3A_1941 = arith.addi %mul3A_8, %add3A_1940 : vector<16xi32>
      %gather3A_1942 = tpu.memref_reshape %arg10 : memref<8x2x8x128xf32, #tpu.memory_space<vmem>> -> memref<128x128xf32, #tpu.memory_space<vmem>>
      %gather3A_1943 = tpu.vector_load_idx %gather3A_1942[%add3A_1941, %and3A_1830] : memref<128x128xf32, #tpu.memory_space<vmem>>[vector<16xi32>, vector<16xi32>], vector<16xf32>,
      %add3A_1944 = arith.constant 8 : i32
      %add3A_1945 = vector.broadcast %add3A_1944 : i32 to vector<16xi32>
      %add3A_1946 = arith.addi %mul3A_8, %add3A_1945 : vector<16xi32>
      %gather3A_1947 = tpu.memref_reshape %arg11 : memref<8x2x8x128xf32, #tpu.memory_space<vmem>> -> memref<128x128xf32, #tpu.memory_space<vmem>>
      %gather3A_1948 = tpu.vector_load_idx %gather3A_1947[%add3A_1946, %and3A_1835] : memref<128x128xf32, #tpu.memory_space<vmem>>[vector<16xi32>, vector<16xi32>], vector<16xf32>,
      %mul3A_1949 = arith.mulf %gather3A_1943, %gather3A_1948 : vector<16xf32>
      %mul3A_1950 = arith.mulf %mul3A_1949, %gather3A_42 : vector<16xf32>
      %add3A_1951 = arith.addf %add3A_1938, %mul3A_1950 : vector<16xf32>
      %add3A_1952 = arith.constant 9 : i32
      %add3A_1953 = vector.broadcast %add3A_1952 : i32 to vector<16xi32>
      %add3A_1954 = arith.addi %mul3A_8, %add3A_1953 : vector<16xi32>
      %gather3A_1955 = tpu.memref_reshape %arg10 : memref<8x2x8x128xf32, #tpu.memory_space<vmem>> -> memref<128x128xf32, #tpu.memory_space<vmem>>
      %gather3A_1956 = tpu.vector_load_idx %gather3A_1955[%add3A_1954, %and3A_1830] : memref<128x128xf32, #tpu.memory_space<vmem>>[vector<16xi32>, vector<16xi32>], vector<16xf32>,
      %add3A_1957 = arith.constant 9 : i32
      %add3A_1958 = vector.broadcast %add3A_1957 : i32 to vector<16xi32>
      %add3A_1959 = arith.addi %mul3A_8, %add3A_1958 : vector<16xi32>
      %gather3A_1960 = tpu.memref_reshape %arg11 : memref<8x2x8x128xf32, #tpu.memory_space<vmem>> -> memref<128x128xf32, #tpu.memory_space<vmem>>
      %gather3A_1961 = tpu.vector_load_idx %gather3A_1960[%add3A_1959, %and3A_1835] : memref<128x128xf32, #tpu.memory_space<vmem>>[vector<16xi32>, vector<16xi32>], vector<16xf32>,
      %mul3A_1962 = arith.mulf %gather3A_1956, %gather3A_1961 : vector<16xf32>
      %mul3A_1963 = arith.mulf %mul3A_1962, %gather3A_46 : vector<16xf32>
      %add3A_1964 = arith.addf %add3A_1951, %mul3A_1963 : vector<16xf32>
      %add3A_1965 = arith.constant 10 : i32
      %add3A_1966 = vector.broadcast %add3A_1965 : i32 to vector<16xi32>
      %add3A_1967 = arith.addi %mul3A_8, %add3A_1966 : vector<16xi32>
      %gather3A_1968 = tpu.memref_reshape %arg10 : memref<8x2x8x128xf32, #tpu.memory_space<vmem>> -> memref<128x128xf32, #tpu.memory_space<vmem>>
      %gather3A_1969 = tpu.vector_load_idx %gather3A_1968[%add3A_1967, %and3A_1830] : memref<128x128xf32, #tpu.memory_space<vmem>>[vector<16xi32>, vector<16xi32>], vector<16xf32>,
      %add3A_1970 = arith.constant 10 : i32
      %add3A_1971 = vector.broadcast %add3A_1970 : i32 to vector<16xi32>
      %add3A_1972 = arith.addi %mul3A_8, %add3A_1971 : vector<16xi32>
      %gather3A_1973 = tpu.memref_reshape %arg11 : memref<8x2x8x128xf32, #tpu.memory_space<vmem>> -> memref<128x128xf32, #tpu.memory_space<vmem>>
      %gather3A_1974 = tpu.vector_load_idx %gather3A_1973[%add3A_1972, %and3A_1835] : memref<128x128xf32, #tpu.memory_space<vmem>>[vector<16xi32>, vector<16xi32>], vector<16xf32>,
      %mul3A_1975 = arith.mulf %gather3A_1969, %gather3A_1974 : vector<16xf32>
      %mul3A_1976 = arith.mulf %mul3A_1975, %gather3A_50 : vector<16xf32>
      %add3A_1977 = arith.addf %add3A_1964, %mul3A_1976 : vector<16xf32>
      %add3A_1978 = arith.constant 11 : i32
      %add3A_1979 = vector.broadcast %add3A_1978 : i32 to vector<16xi32>
      %add3A_1980 = arith.addi %mul3A_8, %add3A_1979 : vector<16xi32>
      %gather3A_1981 = tpu.memref_reshape %arg10 : memref<8x2x8x128xf32, #tpu.memory_space<vmem>> -> memref<128x128xf32, #tpu.memory_space<vmem>>
      %gather3A_1982 = tpu.vector_load_idx %gather3A_1981[%add3A_1980, %and3A_1830] : memref<128x128xf32, #tpu.memory_space<vmem>>[vector<16xi32>, vector<16xi32>], vector<16xf32>,
      %add3A_1983 = arith.constant 11 : i32
      %add3A_1984 = vector.broadcast %add3A_1983 : i32 to vector<16xi32>
      %add3A_1985 = arith.addi %mul3A_8, %add3A_1984 : vector<16xi32>
      %gather3A_1986 = tpu.memref_reshape %arg11 : memref<8x2x8x128xf32, #tpu.memory_space<vmem>> -> memref<128x128xf32, #tpu.memory_space<vmem>>
      %gather3A_1987 = tpu.vector_load_idx %gather3A_1986[%add3A_1985, %and3A_1835] : memref<128x128xf32, #tpu.memory_space<vmem>>[vector<16xi32>, vector<16xi32>], vector<16xf32>,
      %mul3A_1988 = arith.mulf %gather3A_1982, %gather3A_1987 : vector<16xf32>
      %mul3A_1989 = arith.mulf %mul3A_1988, %gather3A_54 : vector<16xf32>
      %add3A_1990 = arith.addf %add3A_1977, %mul3A_1989 : vector<16xf32>
      %add3A_1991 = arith.constant 12 : i32
      %add3A_1992 = vector.broadcast %add3A_1991 : i32 to vector<16xi32>
      %add3A_1993 = arith.addi %mul3A_8, %add3A_1992 : vector<16xi32>
      %gather3A_1994 = tpu.memref_reshape %arg10 : memref<8x2x8x128xf32, #tpu.memory_space<vmem>> -> memref<128x128xf32, #tpu.memory_space<vmem>>
      %gather3A_1995 = tpu.vector_load_idx %gather3A_1994[%add3A_1993, %and3A_1830] : memref<128x128xf32, #tpu.memory_space<vmem>>[vector<16xi32>, vector<16xi32>], vector<16xf32>,
      %add3A_1996 = arith.constant 12 : i32
      %add3A_1997 = vector.broadcast %add3A_1996 : i32 to vector<16xi32>
      %add3A_1998 = arith.addi %mul3A_8, %add3A_1997 : vector<16xi32>
      %gather3A_1999 = tpu.memref_reshape %arg11 : memref<8x2x8x128xf32, #tpu.memory_space<vmem>> -> memref<128x128xf32, #tpu.memory_space<vmem>>
      %gather3A_2000 = tpu.vector_load_idx %gather3A_1999[%add3A_1998, %and3A_1835] : memref<128x128xf32, #tpu.memory_space<vmem>>[vector<16xi32>, vector<16xi32>], vector<16xf32>,
      %mul3A_2001 = arith.mulf %gather3A_1995, %gather3A_2000 : vector<16xf32>
      %mul3A_2002 = arith.mulf %mul3A_2001, %gather3A_58 : vector<16xf32>
      %add3A_2003 = arith.addf %add3A_1990, %mul3A_2002 : vector<16xf32>
      %add3A_2004 = arith.constant 13 : i32
      %add3A_2005 = vector.broadcast %add3A_2004 : i32 to vector<16xi32>
      %add3A_2006 = arith.addi %mul3A_8, %add3A_2005 : vector<16xi32>
      %gather3A_2007 = tpu.memref_reshape %arg10 : memref<8x2x8x128xf32, #tpu.memory_space<vmem>> -> memref<128x128xf32, #tpu.memory_space<vmem>>
      %gather3A_2008 = tpu.vector_load_idx %gather3A_2007[%add3A_2006, %and3A_1830] : memref<128x128xf32, #tpu.memory_space<vmem>>[vector<16xi32>, vector<16xi32>], vector<16xf32>,
      %add3A_2009 = arith.constant 13 : i32
      %add3A_2010 = vector.broadcast %add3A_2009 : i32 to vector<16xi32>
      %add3A_2011 = arith.addi %mul3A_8, %add3A_2010 : vector<16xi32>
      %gather3A_2012 = tpu.memref_reshape %arg11 : memref<8x2x8x128xf32, #tpu.memory_space<vmem>> -> memref<128x128xf32, #tpu.memory_space<vmem>>
      %gather3A_2013 = tpu.vector_load_idx %gather3A_2012[%add3A_2011, %and3A_1835] : memref<128x128xf32, #tpu.memory_space<vmem>>[vector<16xi32>, vector<16xi32>], vector<16xf32>,
      %mul3A_2014 = arith.mulf %gather3A_2008, %gather3A_2013 : vector<16xf32>
      %mul3A_2015 = arith.mulf %mul3A_2014, %gather3A_62 : vector<16xf32>
      %add3A_2016 = arith.addf %add3A_2003, %mul3A_2015 : vector<16xf32>
      %add3A_2017 = arith.constant 14 : i32
      %add3A_2018 = vector.broadcast %add3A_2017 : i32 to vector<16xi32>
      %add3A_2019 = arith.addi %mul3A_8, %add3A_2018 : vector<16xi32>
      %gather3A_2020 = tpu.memref_reshape %arg10 : memref<8x2x8x128xf32, #tpu.memory_space<vmem>> -> memref<128x128xf32, #tpu.memory_space<vmem>>
      %gather3A_2021 = tpu.vector_load_idx %gather3A_2020[%add3A_2019, %and3A_1830] : memref<128x128xf32, #tpu.memory_space<vmem>>[vector<16xi32>, vector<16xi32>], vector<16xf32>,
      %add3A_2022 = arith.constant 14 : i32
      %add3A_2023 = vector.broadcast %add3A_2022 : i32 to vector<16xi32>
      %add3A_2024 = arith.addi %mul3A_8, %add3A_2023 : vector<16xi32>
      %gather3A_2025 = tpu.memref_reshape %arg11 : memref<8x2x8x128xf32, #tpu.memory_space<vmem>> -> memref<128x128xf32, #tpu.memory_space<vmem>>
      %gather3A_2026 = tpu.vector_load_idx %gather3A_2025[%add3A_2024, %and3A_1835] : memref<128x128xf32, #tpu.memory_space<vmem>>[vector<16xi32>, vector<16xi32>], vector<16xf32>,
      %mul3A_2027 = arith.mulf %gather3A_2021, %gather3A_2026 : vector<16xf32>
      %mul3A_2028 = arith.mulf %mul3A_2027, %gather3A_66 : vector<16xf32>
      %add3A_2029 = arith.addf %add3A_2016, %mul3A_2028 : vector<16xf32>
      %add3A_2030 = arith.constant 15 : i32
      %add3A_2031 = vector.broadcast %add3A_2030 : i32 to vector<16xi32>
      %add3A_2032 = arith.addi %mul3A_8, %add3A_2031 : vector<16xi32>
      %gather3A_2033 = tpu.memref_reshape %arg10 : memref<8x2x8x128xf32, #tpu.memory_space<vmem>> -> memref<128x128xf32, #tpu.memory_space<vmem>>
      %gather3A_2034 = tpu.vector_load_idx %gather3A_2033[%add3A_2032, %and3A_1830] : memref<128x128xf32, #tpu.memory_space<vmem>>[vector<16xi32>, vector<16xi32>], vector<16xf32>,
      %add3A_2035 = arith.constant 15 : i32
      %add3A_2036 = vector.broadcast %add3A_2035 : i32 to vector<16xi32>
      %add3A_2037 = arith.addi %mul3A_8, %add3A_2036 : vector<16xi32>
      %gather3A_2038 = tpu.memref_reshape %arg11 : memref<8x2x8x128xf32, #tpu.memory_space<vmem>> -> memref<128x128xf32, #tpu.memory_space<vmem>>
      %gather3A_2039 = tpu.vector_load_idx %gather3A_2038[%add3A_2037, %and3A_1835] : memref<128x128xf32, #tpu.memory_space<vmem>>[vector<16xi32>, vector<16xi32>], vector<16xf32>,
      %mul3A_2040 = arith.mulf %gather3A_2034, %gather3A_2039 : vector<16xf32>
      %mul3A_2041 = arith.mulf %mul3A_2040, %gather3A_70 : vector<16xf32>
      %add3A_2042 = arith.addf %add3A_2029, %mul3A_2041 : vector<16xf32>
      %neg3A = arith.constant 0.000000e+00 : f32
      %neg3A_2043 = vector.broadcast %neg3A : f32 to vector<16xf32>
      %neg3A_2044 = arith.subf %neg3A_2043, %add3A_2042 : vector<16xf32>
      %exp3A = math.exp %neg3A_2044 : vector<16xf32>
      %add3A_2045 = arith.constant 1.000000e+00 : f32
      %add3A_2046 = vector.broadcast %add3A_2045 : f32 to vector<16xf32>
      %add3A_2047 = arith.addf %add3A_2046, %exp3A : vector<16xf32>
      %div3A = arith.constant 1.000000e+00 : f32
      %div3A_2048 = vector.broadcast %div3A : f32 to vector<16xf32>
      %div3A_2049 = arith.divf %div3A_2048, %add3A_2047 : vector<16xf32>
      %swap3A = arith.index_cast %multiple_of3A_1825 : i32 to index
      %swap3A_2050 = tpu.vector_load %arg14[%swap3A] {strides = array<i32>} : memref<528xf32, #tpu.memory_space<vmem>>, vector<16xf32>,
      tpu.vector_store %arg14[%swap3A], %div3A_2049 {strides = array<i32>} : memref<528xf32, #tpu.memory_space<vmem>>, vector<16xf32>,
      %add3A_2051 = arith.constant 2 : i32
      %add3A_2052 = arith.addi %mul3A_1484, %add3A_2051 : i32
      %and3A_2053 = arith.constant 63 : i32
      %and3A_2054 = arith.andi %add3A_2052, %and3A_2053 : i32
      %mul3A_2055 = arith.constant 8 : i32
      %mul3A_2056 = arith.muli %and3A_2054, %mul3A_2055 : i32
      %multiple_of3A_2057 = tpu.assume_multiple %mul3A_2056, 8 : i32
      %get3A_2058 = arith.index_cast %multiple_of3A_2057 : i32 to index
      %get3A_2059 = tpu.vector_load %arg8[%get3A_2058] {strides = array<i32>} : memref<528xi32, #tpu.memory_space<vmem>>, vector<16xi32>,
      %shift_right_arithmetic3A_2060 = arith.constant 7 : i32
      %shift_right_arithmetic3A_2061 = vector.broadcast %shift_right_arithmetic3A_2060 : i32 to vector<16xi32>
      %shift_right_arithmetic3A_2062 = arith.shrsi %get3A_2059, %shift_right_arithmetic3A_2061 : vector<16xi32>
      %shift_left3A_2063 = arith.constant 7 : i32
      %shift_left3A_2064 = vector.broadcast %shift_left3A_2063 : i32 to vector<16xi32>
      %shift_left3A_2065 = arith.shli %shift_right_arithmetic3A_2062, %shift_left3A_2064 : vector<16xi32>
      %get3A_2066 = arith.index_cast %multiple_of3A_2057 : i32 to index
      %get3A_2067 = tpu.vector_load %arg9[%get3A_2066] {strides = array<i32>} : memref<528xi32, #tpu.memory_space<vmem>>, vector<16xi32>,
      %shift_right_arithmetic3A_2068 = arith.constant 7 : i32
      %shift_right_arithmetic3A_2069 = vector.broadcast %shift_right_arithmetic3A_2068 : i32 to vector<16xi32>
      %shift_right_arithmetic3A_2070 = arith.shrsi %get3A_2067, %shift_right_arithmetic3A_2069 : vector<16xi32>
      %shift_left3A_2071 = arith.constant 7 : i32
      %shift_left3A_2072 = vector.broadcast %shift_left3A_2071 : i32 to vector<16xi32>
      %shift_left3A_2073 = arith.shli %shift_right_arithmetic3A_2070, %shift_left3A_2072 : vector<16xi32>
      %slice3A_2074 = vector.extract_strided_slice %shift_left3A_2065 {offsets = [0], sizes = [1], strides = [1]} : vector<16xi32> to vector<1xi32>
      %squeeze3A_2075 = vector.extract %slice3A_2074[0] : i32 from vector<1xi32>
      %multiple_of3A_2076 = tpu.assume_multiple %squeeze3A_2075, 128 : i32
      %slice3A_2077 = vector.extract_strided_slice %shift_left3A_2073 {offsets = [0], sizes = [1], strides = [1]} : vector<16xi32> to vector<1xi32>
      %squeeze3A_2078 = vector.extract %slice3A_2077[0] : i32 from vector<1xi32>
      %multiple_of3A_2079 = tpu.assume_multiple %squeeze3A_2078, 128 : i32
      %dma_start3A_2080 = arith.constant 0 : i32
      %dma_start3A_2081 = arith.constant 0 : i32
      %dma_start3A_2082 = arith.constant 0 : i32
      %dma_start3A_2083 = arith.constant 0 : i32
      %dma_start3A_2084 = tpu.memref_slice %arg10[%dma_start3A_2080, %dma_start3A_2081, %dma_start3A_2082, %dma_start3A_2083] : memref<8x2x8x128xf32, #tpu.memory_space<vmem>> -> memref<1x2x8x128xf32, #tpu.memory_space<vmem>>
      %dma_start3A_2085 = tpu.memref_squeeze %dma_start3A_2084 : memref<1x2x8x128xf32, #tpu.memory_space<vmem>> -> memref<2x8x128xf32, #tpu.memory_space<vmem>>
      %dma_start3A_2086 = tpu.memref_reshape %arg4 : memref<16x1000000xf32, #tpu.memory_space<hbm>> -> memref<2x8x1000000xf32, #tpu.memory_space<hbm>>
      %dma_start3A_2087 = arith.constant 0 : i32
      %dma_start3A_2088 = arith.constant 0 : i32
      %dma_start3A_2089 = tpu.memref_slice %dma_start3A_2086[%dma_start3A_2087, %dma_start3A_2088, %multiple_of3A_2076] : memref<2x8x1000000xf32, #tpu.memory_space<hbm>> -> memref<2x8x128xf32, #tpu.memory_space<hbm>>
      %dma_start3A_2090 = arith.constant 0 : i32
      %dma_start3A_2091 = arith.constant 0 : i32
      %dma_start3A_2092 = arith.constant 0 : i32
      %dma_start3A_2093 = tpu.memref_slice %arg10[%dma_start3A_2080, %dma_start3A_2090, %dma_start3A_2091, %dma_start3A_2092] : memref<8x2x8x128xf32, #tpu.memory_space<vmem>> -> memref<1x2x8x128xf32, #tpu.memory_space<vmem>>
      %dma_start3A_2094 = tpu.memref_squeeze %dma_start3A_2093 : memref<1x2x8x128xf32, #tpu.memory_space<vmem>> -> memref<2x8x128xf32, #tpu.memory_space<vmem>>
      %dma_start3A_2095 = tpu.memref_reshape %arg4 : memref<16x1000000xf32, #tpu.memory_space<hbm>> -> memref<2x8x1000000xf32, #tpu.memory_space<hbm>>
      %dma_start3A_2096 = arith.constant 0 : i32
      %dma_start3A_2097 = arith.constant 0 : i32
      %dma_start3A_2098 = tpu.memref_slice %dma_start3A_2095[%dma_start3A_2096, %dma_start3A_2097, %multiple_of3A_2076] : memref<2x8x1000000xf32, #tpu.memory_space<hbm>> -> memref<2x8x128xf32, #tpu.memory_space<hbm>>
      tpu.enqueue_dma source(%dma_start3A_2098 : memref<2x8x128xf32, #tpu.memory_space<hbm>>) target(%dma_start3A_2094 : memref<2x8x128xf32, #tpu.memory_space<vmem>>) target_semaphore(%arg16 : memref<!tpu.dma_semaphore, #tpu.memory_space<semaphore_mem>>)
      %dma_start3A_2099 = arith.constant 0 : i32
      %dma_start3A_2100 = arith.constant 0 : i32
      %dma_start3A_2101 = arith.constant 0 : i32
      %dma_start3A_2102 = arith.constant 0 : i32
      %dma_start3A_2103 = tpu.memref_slice %arg11[%dma_start3A_2099, %dma_start3A_2100, %dma_start3A_2101, %dma_start3A_2102] : memref<8x2x8x128xf32, #tpu.memory_space<vmem>> -> memref<1x2x8x128xf32, #tpu.memory_space<vmem>>
      %dma_start3A_2104 = tpu.memref_squeeze %dma_start3A_2103 : memref<1x2x8x128xf32, #tpu.memory_space<vmem>> -> memref<2x8x128xf32, #tpu.memory_space<vmem>>
      %dma_start3A_2105 = tpu.memref_reshape %arg5 : memref<16x1000000xf32, #tpu.memory_space<hbm>> -> memref<2x8x1000000xf32, #tpu.memory_space<hbm>>
      %dma_start3A_2106 = arith.constant 0 : i32
      %dma_start3A_2107 = arith.constant 0 : i32
      %dma_start3A_2108 = tpu.memref_slice %dma_start3A_2105[%dma_start3A_2106, %dma_start3A_2107, %multiple_of3A_2079] : memref<2x8x1000000xf32, #tpu.memory_space<hbm>> -> memref<2x8x128xf32, #tpu.memory_space<hbm>>
      %dma_start3A_2109 = arith.constant 0 : i32
      %dma_start3A_2110 = arith.constant 0 : i32
      %dma_start3A_2111 = arith.constant 0 : i32
      %dma_start3A_2112 = tpu.memref_slice %arg11[%dma_start3A_2099, %dma_start3A_2109, %dma_start3A_2110, %dma_start3A_2111] : memref<8x2x8x128xf32, #tpu.memory_space<vmem>> -> memref<1x2x8x128xf32, #tpu.memory_space<vmem>>
      %dma_start3A_2113 = tpu.memref_squeeze %dma_start3A_2112 : memref<1x2x8x128xf32, #tpu.memory_space<vmem>> -> memref<2x8x128xf32, #tpu.memory_space<vmem>>
      %dma_start3A_2114 = tpu.memref_reshape %arg5 : memref<16x1000000xf32, #tpu.memory_space<hbm>> -> memref<2x8x1000000xf32, #tpu.memory_space<hbm>>
      %dma_start3A_2115 = arith.constant 0 : i32
      %dma_start3A_2116 = arith.constant 0 : i32
      %dma_start3A_2117 = tpu.memref_slice %dma_start3A_2114[%dma_start3A_2115, %dma_start3A_2116, %multiple_of3A_2079] : memref<2x8x1000000xf32, #tpu.memory_space<hbm>> -> memref<2x8x128xf32, #tpu.memory_space<hbm>>
      tpu.enqueue_dma source(%dma_start3A_2117 : memref<2x8x128xf32, #tpu.memory_space<hbm>>) target(%dma_start3A_2113 : memref<2x8x128xf32, #tpu.memory_space<vmem>>) target_semaphore(%arg16 : memref<!tpu.dma_semaphore, #tpu.memory_space<semaphore_mem>>)
      %slice3A_2118 = vector.extract_strided_slice %shift_left3A_2065 {offsets = [1], sizes = [1], strides = [1]} : vector<16xi32> to vector<1xi32>
      %squeeze3A_2119 = vector.extract %slice3A_2118[0] : i32 from vector<1xi32>
      %multiple_of3A_2120 = tpu.assume_multiple %squeeze3A_2119, 128 : i32
      %slice3A_2121 = vector.extract_strided_slice %shift_left3A_2073 {offsets = [1], sizes = [1], strides = [1]} : vector<16xi32> to vector<1xi32>
      %squeeze3A_2122 = vector.extract %slice3A_2121[0] : i32 from vector<1xi32>
      %multiple_of3A_2123 = tpu.assume_multiple %squeeze3A_2122, 128 : i32
      %dma_start3A_2124 = arith.constant 1 : i32
      %dma_start3A_2125 = arith.constant 0 : i32
      %dma_start3A_2126 = arith.constant 0 : i32
      %dma_start3A_2127 = arith.constant 0 : i32
      %dma_start3A_2128 = tpu.memref_slice %arg10[%dma_start3A_2124, %dma_start3A_2125, %dma_start3A_2126, %dma_start3A_2127] : memref<8x2x8x128xf32, #tpu.memory_space<vmem>> -> memref<1x2x8x128xf32, #tpu.memory_space<vmem>>
      %dma_start3A_2129 = tpu.memref_squeeze %dma_start3A_2128 : memref<1x2x8x128xf32, #tpu.memory_space<vmem>> -> memref<2x8x128xf32, #tpu.memory_space<vmem>>
      %dma_start3A_2130 = tpu.memref_reshape %arg4 : memref<16x1000000xf32, #tpu.memory_space<hbm>> -> memref<2x8x1000000xf32, #tpu.memory_space<hbm>>
      %dma_start3A_2131 = arith.constant 0 : i32
      %dma_start3A_2132 = arith.constant 0 : i32
      %dma_start3A_2133 = tpu.memref_slice %dma_start3A_2130[%dma_start3A_2131, %dma_start3A_2132, %multiple_of3A_2120] : memref<2x8x1000000xf32, #tpu.memory_space<hbm>> -> memref<2x8x128xf32, #tpu.memory_space<hbm>>
      %dma_start3A_2134 = arith.constant 0 : i32
      %dma_start3A_2135 = arith.constant 0 : i32
      %dma_start3A_2136 = arith.constant 0 : i32
      %dma_start3A_2137 = tpu.memref_slice %arg10[%dma_start3A_2124, %dma_start3A_2134, %dma_start3A_2135, %dma_start3A_2136] : memref<8x2x8x128xf32, #tpu.memory_space<vmem>> -> memref<1x2x8x128xf32, #tpu.memory_space<vmem>>
      %dma_start3A_2138 = tpu.memref_squeeze %dma_start3A_2137 : memref<1x2x8x128xf32, #tpu.memory_space<vmem>> -> memref<2x8x128xf32, #tpu.memory_space<vmem>>
      %dma_start3A_2139 = tpu.memref_reshape %arg4 : memref<16x1000000xf32, #tpu.memory_space<hbm>> -> memref<2x8x1000000xf32, #tpu.memory_space<hbm>>
      %dma_start3A_2140 = arith.constant 0 : i32
      %dma_start3A_2141 = arith.constant 0 : i32
      %dma_start3A_2142 = tpu.memref_slice %dma_start3A_2139[%dma_start3A_2140, %dma_start3A_2141, %multiple_of3A_2120] : memref<2x8x1000000xf32, #tpu.memory_space<hbm>> -> memref<2x8x128xf32, #tpu.memory_space<hbm>>
      tpu.enqueue_dma source(%dma_start3A_2142 : memref<2x8x128xf32, #tpu.memory_space<hbm>>) target(%dma_start3A_2138 : memref<2x8x128xf32, #tpu.memory_space<vmem>>) target_semaphore(%arg16 : memref<!tpu.dma_semaphore, #tpu.memory_space<semaphore_mem>>)
      %dma_start3A_2143 = arith.constant 1 : i32
      %dma_start3A_2144 = arith.constant 0 : i32
      %dma_start3A_2145 = arith.constant 0 : i32
      %dma_start3A_2146 = arith.constant 0 : i32
      %dma_start3A_2147 = tpu.memref_slice %arg11[%dma_start3A_2143, %dma_start3A_2144, %dma_start3A_2145, %dma_start3A_2146] : memref<8x2x8x128xf32, #tpu.memory_space<vmem>> -> memref<1x2x8x128xf32, #tpu.memory_space<vmem>>
      %dma_start3A_2148 = tpu.memref_squeeze %dma_start3A_2147 : memref<1x2x8x128xf32, #tpu.memory_space<vmem>> -> memref<2x8x128xf32, #tpu.memory_space<vmem>>
      %dma_start3A_2149 = tpu.memref_reshape %arg5 : memref<16x1000000xf32, #tpu.memory_space<hbm>> -> memref<2x8x1000000xf32, #tpu.memory_space<hbm>>
      %dma_start3A_2150 = arith.constant 0 : i32
      %dma_start3A_2151 = arith.constant 0 : i32
      %dma_start3A_2152 = tpu.memref_slice %dma_start3A_2149[%dma_start3A_2150, %dma_start3A_2151, %multiple_of3A_2123] : memref<2x8x1000000xf32, #tpu.memory_space<hbm>> -> memref<2x8x128xf32, #tpu.memory_space<hbm>>
      %dma_start3A_2153 = arith.constant 0 : i32
      %dma_start3A_2154 = arith.constant 0 : i32
      %dma_start3A_2155 = arith.constant 0 : i32
      %dma_start3A_2156 = tpu.memref_slice %arg11[%dma_start3A_2143, %dma_start3A_2153, %dma_start3A_2154, %dma_start3A_2155] : memref<8x2x8x128xf32, #tpu.memory_space<vmem>> -> memref<1x2x8x128xf32, #tpu.memory_space<vmem>>
      %dma_start3A_2157 = tpu.memref_squeeze %dma_start3A_2156 : memref<1x2x8x128xf32, #tpu.memory_space<vmem>> -> memref<2x8x128xf32, #tpu.memory_space<vmem>>
      %dma_start3A_2158 = tpu.memref_reshape %arg5 : memref<16x1000000xf32, #tpu.memory_space<hbm>> -> memref<2x8x1000000xf32, #tpu.memory_space<hbm>>
      %dma_start3A_2159 = arith.constant 0 : i32
      %dma_start3A_2160 = arith.constant 0 : i32
      %dma_start3A_2161 = tpu.memref_slice %dma_start3A_2158[%dma_start3A_2159, %dma_start3A_2160, %multiple_of3A_2123] : memref<2x8x1000000xf32, #tpu.memory_space<hbm>> -> memref<2x8x128xf32, #tpu.memory_space<hbm>>
      tpu.enqueue_dma source(%dma_start3A_2161 : memref<2x8x128xf32, #tpu.memory_space<hbm>>) target(%dma_start3A_2157 : memref<2x8x128xf32, #tpu.memory_space<vmem>>) target_semaphore(%arg16 : memref<!tpu.dma_semaphore, #tpu.memory_space<semaphore_mem>>)
      %slice3A_2162 = vector.extract_strided_slice %shift_left3A_2065 {offsets = [2], sizes = [1], strides = [1]} : vector<16xi32> to vector<1xi32>
      %squeeze3A_2163 = vector.extract %slice3A_2162[0] : i32 from vector<1xi32>
      %multiple_of3A_2164 = tpu.assume_multiple %squeeze3A_2163, 128 : i32
      %slice3A_2165 = vector.extract_strided_slice %shift_left3A_2073 {offsets = [2], sizes = [1], strides = [1]} : vector<16xi32> to vector<1xi32>
      %squeeze3A_2166 = vector.extract %slice3A_2165[0] : i32 from vector<1xi32>
      %multiple_of3A_2167 = tpu.assume_multiple %squeeze3A_2166, 128 : i32
      %dma_start3A_2168 = arith.constant 2 : i32
      %dma_start3A_2169 = arith.constant 0 : i32
      %dma_start3A_2170 = arith.constant 0 : i32
      %dma_start3A_2171 = arith.constant 0 : i32
      %dma_start3A_2172 = tpu.memref_slice %arg10[%dma_start3A_2168, %dma_start3A_2169, %dma_start3A_2170, %dma_start3A_2171] : memref<8x2x8x128xf32, #tpu.memory_space<vmem>> -> memref<1x2x8x128xf32, #tpu.memory_space<vmem>>
      %dma_start3A_2173 = tpu.memref_squeeze %dma_start3A_2172 : memref<1x2x8x128xf32, #tpu.memory_space<vmem>> -> memref<2x8x128xf32, #tpu.memory_space<vmem>>
      %dma_start3A_2174 = tpu.memref_reshape %arg4 : memref<16x1000000xf32, #tpu.memory_space<hbm>> -> memref<2x8x1000000xf32, #tpu.memory_space<hbm>>
      %dma_start3A_2175 = arith.constant 0 : i32
      %dma_start3A_2176 = arith.constant 0 : i32
      %dma_start3A_2177 = tpu.memref_slice %dma_start3A_2174[%dma_start3A_2175, %dma_start3A_2176, %multiple_of3A_2164] : memref<2x8x1000000xf32, #tpu.memory_space<hbm>> -> memref<2x8x128xf32, #tpu.memory_space<hbm>>
      %dma_start3A_2178 = arith.constant 0 : i32
      %dma_start3A_2179 = arith.constant 0 : i32
      %dma_start3A_2180 = arith.constant 0 : i32
      %dma_start3A_2181 = tpu.memref_slice %arg10[%dma_start3A_2168, %dma_start3A_2178, %dma_start3A_2179, %dma_start3A_2180] : memref<8x2x8x128xf32, #tpu.memory_space<vmem>> -> memref<1x2x8x128xf32, #tpu.memory_space<vmem>>
      %dma_start3A_2182 = tpu.memref_squeeze %dma_start3A_2181 : memref<1x2x8x128xf32, #tpu.memory_space<vmem>> -> memref<2x8x128xf32, #tpu.memory_space<vmem>>
      %dma_start3A_2183 = tpu.memref_reshape %arg4 : memref<16x1000000xf32, #tpu.memory_space<hbm>> -> memref<2x8x1000000xf32, #tpu.memory_space<hbm>>
      %dma_start3A_2184 = arith.constant 0 : i32
      %dma_start3A_2185 = arith.constant 0 : i32
      %dma_start3A_2186 = tpu.memref_slice %dma_start3A_2183[%dma_start3A_2184, %dma_start3A_2185, %multiple_of3A_2164] : memref<2x8x1000000xf32, #tpu.memory_space<hbm>> -> memref<2x8x128xf32, #tpu.memory_space<hbm>>
      tpu.enqueue_dma source(%dma_start3A_2186 : memref<2x8x128xf32, #tpu.memory_space<hbm>>) target(%dma_start3A_2182 : memref<2x8x128xf32, #tpu.memory_space<vmem>>) target_semaphore(%arg16 : memref<!tpu.dma_semaphore, #tpu.memory_space<semaphore_mem>>)
      %dma_start3A_2187 = arith.constant 2 : i32
      %dma_start3A_2188 = arith.constant 0 : i32
      %dma_start3A_2189 = arith.constant 0 : i32
      %dma_start3A_2190 = arith.constant 0 : i32
      %dma_start3A_2191 = tpu.memref_slice %arg11[%dma_start3A_2187, %dma_start3A_2188, %dma_start3A_2189, %dma_start3A_2190] : memref<8x2x8x128xf32, #tpu.memory_space<vmem>> -> memref<1x2x8x128xf32, #tpu.memory_space<vmem>>
      %dma_start3A_2192 = tpu.memref_squeeze %dma_start3A_2191 : memref<1x2x8x128xf32, #tpu.memory_space<vmem>> -> memref<2x8x128xf32, #tpu.memory_space<vmem>>
      %dma_start3A_2193 = tpu.memref_reshape %arg5 : memref<16x1000000xf32, #tpu.memory_space<hbm>> -> memref<2x8x1000000xf32, #tpu.memory_space<hbm>>
      %dma_start3A_2194 = arith.constant 0 : i32
      %dma_start3A_2195 = arith.constant 0 : i32
      %dma_start3A_2196 = tpu.memref_slice %dma_start3A_2193[%dma_start3A_2194, %dma_start3A_2195, %multiple_of3A_2167] : memref<2x8x1000000xf32, #tpu.memory_space<hbm>> -> memref<2x8x128xf32, #tpu.memory_space<hbm>>
      %dma_start3A_2197 = arith.constant 0 : i32
      %dma_start3A_2198 = arith.constant 0 : i32
      %dma_start3A_2199 = arith.constant 0 : i32
      %dma_start3A_2200 = tpu.memref_slice %arg11[%dma_start3A_2187, %dma_start3A_2197, %dma_start3A_2198, %dma_start3A_2199] : memref<8x2x8x128xf32, #tpu.memory_space<vmem>> -> memref<1x2x8x128xf32, #tpu.memory_space<vmem>>
      %dma_start3A_2201 = tpu.memref_squeeze %dma_start3A_2200 : memref<1x2x8x128xf32, #tpu.memory_space<vmem>> -> memref<2x8x128xf32, #tpu.memory_space<vmem>>
      %dma_start3A_2202 = tpu.memref_reshape %arg5 : memref<16x1000000xf32, #tpu.memory_space<hbm>> -> memref<2x8x1000000xf32, #tpu.memory_space<hbm>>
      %dma_start3A_2203 = arith.constant 0 : i32
      %dma_start3A_2204 = arith.constant 0 : i32
      %dma_start3A_2205 = tpu.memref_slice %dma_start3A_2202[%dma_start3A_2203, %dma_start3A_2204, %multiple_of3A_2167] : memref<2x8x1000000xf32, #tpu.memory_space<hbm>> -> memref<2x8x128xf32, #tpu.memory_space<hbm>>
      tpu.enqueue_dma source(%dma_start3A_2205 : memref<2x8x128xf32, #tpu.memory_space<hbm>>) target(%dma_start3A_2201 : memref<2x8x128xf32, #tpu.memory_space<vmem>>) target_semaphore(%arg16 : memref<!tpu.dma_semaphore, #tpu.memory_space<semaphore_mem>>)
      %slice3A_2206 = vector.extract_strided_slice %shift_left3A_2065 {offsets = [3], sizes = [1], strides = [1]} : vector<16xi32> to vector<1xi32>
      %squeeze3A_2207 = vector.extract %slice3A_2206[0] : i32 from vector<1xi32>
      %multiple_of3A_2208 = tpu.assume_multiple %squeeze3A_2207, 128 : i32
      %slice3A_2209 = vector.extract_strided_slice %shift_left3A_2073 {offsets = [3], sizes = [1], strides = [1]} : vector<16xi32> to vector<1xi32>
      %squeeze3A_2210 = vector.extract %slice3A_2209[0] : i32 from vector<1xi32>
      %multiple_of3A_2211 = tpu.assume_multiple %squeeze3A_2210, 128 : i32
      %dma_start3A_2212 = arith.constant 3 : i32
      %dma_start3A_2213 = arith.constant 0 : i32
      %dma_start3A_2214 = arith.constant 0 : i32
      %dma_start3A_2215 = arith.constant 0 : i32
      %dma_start3A_2216 = tpu.memref_slice %arg10[%dma_start3A_2212, %dma_start3A_2213, %dma_start3A_2214, %dma_start3A_2215] : memref<8x2x8x128xf32, #tpu.memory_space<vmem>> -> memref<1x2x8x128xf32, #tpu.memory_space<vmem>>
      %dma_start3A_2217 = tpu.memref_squeeze %dma_start3A_2216 : memref<1x2x8x128xf32, #tpu.memory_space<vmem>> -> memref<2x8x128xf32, #tpu.memory_space<vmem>>
      %dma_start3A_2218 = tpu.memref_reshape %arg4 : memref<16x1000000xf32, #tpu.memory_space<hbm>> -> memref<2x8x1000000xf32, #tpu.memory_space<hbm>>
      %dma_start3A_2219 = arith.constant 0 : i32
      %dma_start3A_2220 = arith.constant 0 : i32
      %dma_start3A_2221 = tpu.memref_slice %dma_start3A_2218[%dma_start3A_2219, %dma_start3A_2220, %multiple_of3A_2208] : memref<2x8x1000000xf32, #tpu.memory_space<hbm>> -> memref<2x8x128xf32, #tpu.memory_space<hbm>>
      %dma_start3A_2222 = arith.constant 0 : i32
      %dma_start3A_2223 = arith.constant 0 : i32
      %dma_start3A_2224 = arith.constant 0 : i32
      %dma_start3A_2225 = tpu.memref_slice %arg10[%dma_start3A_2212, %dma_start3A_2222, %dma_start3A_2223, %dma_start3A_2224] : memref<8x2x8x128xf32, #tpu.memory_space<vmem>> -> memref<1x2x8x128xf32, #tpu.memory_space<vmem>>
      %dma_start3A_2226 = tpu.memref_squeeze %dma_start3A_2225 : memref<1x2x8x128xf32, #tpu.memory_space<vmem>> -> memref<2x8x128xf32, #tpu.memory_space<vmem>>
      %dma_start3A_2227 = tpu.memref_reshape %arg4 : memref<16x1000000xf32, #tpu.memory_space<hbm>> -> memref<2x8x1000000xf32, #tpu.memory_space<hbm>>
      %dma_start3A_2228 = arith.constant 0 : i32
      %dma_start3A_2229 = arith.constant 0 : i32
      %dma_start3A_2230 = tpu.memref_slice %dma_start3A_2227[%dma_start3A_2228, %dma_start3A_2229, %multiple_of3A_2208] : memref<2x8x1000000xf32, #tpu.memory_space<hbm>> -> memref<2x8x128xf32, #tpu.memory_space<hbm>>
      tpu.enqueue_dma source(%dma_start3A_2230 : memref<2x8x128xf32, #tpu.memory_space<hbm>>) target(%dma_start3A_2226 : memref<2x8x128xf32, #tpu.memory_space<vmem>>) target_semaphore(%arg16 : memref<!tpu.dma_semaphore, #tpu.memory_space<semaphore_mem>>)
      %dma_start3A_2231 = arith.constant 3 : i32
      %dma_start3A_2232 = arith.constant 0 : i32
      %dma_start3A_2233 = arith.constant 0 : i32
      %dma_start3A_2234 = arith.constant 0 : i32
      %dma_start3A_2235 = tpu.memref_slice %arg11[%dma_start3A_2231, %dma_start3A_2232, %dma_start3A_2233, %dma_start3A_2234] : memref<8x2x8x128xf32, #tpu.memory_space<vmem>> -> memref<1x2x8x128xf32, #tpu.memory_space<vmem>>
      %dma_start3A_2236 = tpu.memref_squeeze %dma_start3A_2235 : memref<1x2x8x128xf32, #tpu.memory_space<vmem>> -> memref<2x8x128xf32, #tpu.memory_space<vmem>>
      %dma_start3A_2237 = tpu.memref_reshape %arg5 : memref<16x1000000xf32, #tpu.memory_space<hbm>> -> memref<2x8x1000000xf32, #tpu.memory_space<hbm>>
      %dma_start3A_2238 = arith.constant 0 : i32
      %dma_start3A_2239 = arith.constant 0 : i32
      %dma_start3A_2240 = tpu.memref_slice %dma_start3A_2237[%dma_start3A_2238, %dma_start3A_2239, %multiple_of3A_2211] : memref<2x8x1000000xf32, #tpu.memory_space<hbm>> -> memref<2x8x128xf32, #tpu.memory_space<hbm>>
      %dma_start3A_2241 = arith.constant 0 : i32
      %dma_start3A_2242 = arith.constant 0 : i32
      %dma_start3A_2243 = arith.constant 0 : i32
      %dma_start3A_2244 = tpu.memref_slice %arg11[%dma_start3A_2231, %dma_start3A_2241, %dma_start3A_2242, %dma_start3A_2243] : memref<8x2x8x128xf32, #tpu.memory_space<vmem>> -> memref<1x2x8x128xf32, #tpu.memory_space<vmem>>
      %dma_start3A_2245 = tpu.memref_squeeze %dma_start3A_2244 : memref<1x2x8x128xf32, #tpu.memory_space<vmem>> -> memref<2x8x128xf32, #tpu.memory_space<vmem>>
      %dma_start3A_2246 = tpu.memref_reshape %arg5 : memref<16x1000000xf32, #tpu.memory_space<hbm>> -> memref<2x8x1000000xf32, #tpu.memory_space<hbm>>
      %dma_start3A_2247 = arith.constant 0 : i32
      %dma_start3A_2248 = arith.constant 0 : i32
      %dma_start3A_2249 = tpu.memref_slice %dma_start3A_2246[%dma_start3A_2247, %dma_start3A_2248, %multiple_of3A_2211] : memref<2x8x1000000xf32, #tpu.memory_space<hbm>> -> memref<2x8x128xf32, #tpu.memory_space<hbm>>
      tpu.enqueue_dma source(%dma_start3A_2249 : memref<2x8x128xf32, #tpu.memory_space<hbm>>) target(%dma_start3A_2245 : memref<2x8x128xf32, #tpu.memory_space<vmem>>) target_semaphore(%arg16 : memref<!tpu.dma_semaphore, #tpu.memory_space<semaphore_mem>>)
      %slice3A_2250 = vector.extract_strided_slice %shift_left3A_2065 {offsets = [4], sizes = [1], strides = [1]} : vector<16xi32> to vector<1xi32>
      %squeeze3A_2251 = vector.extract %slice3A_2250[0] : i32 from vector<1xi32>
      %multiple_of3A_2252 = tpu.assume_multiple %squeeze3A_2251, 128 : i32
      %slice3A_2253 = vector.extract_strided_slice %shift_left3A_2073 {offsets = [4], sizes = [1], strides = [1]} : vector<16xi32> to vector<1xi32>
      %squeeze3A_2254 = vector.extract %slice3A_2253[0] : i32 from vector<1xi32>
      %multiple_of3A_2255 = tpu.assume_multiple %squeeze3A_2254, 128 : i32
      %dma_start3A_2256 = arith.constant 4 : i32
      %dma_start3A_2257 = arith.constant 0 : i32
      %dma_start3A_2258 = arith.constant 0 : i32
      %dma_start3A_2259 = arith.constant 0 : i32
      %dma_start3A_2260 = tpu.memref_slice %arg10[%dma_start3A_2256, %dma_start3A_2257, %dma_start3A_2258, %dma_start3A_2259] : memref<8x2x8x128xf32, #tpu.memory_space<vmem>> -> memref<1x2x8x128xf32, #tpu.memory_space<vmem>>
      %dma_start3A_2261 = tpu.memref_squeeze %dma_start3A_2260 : memref<1x2x8x128xf32, #tpu.memory_space<vmem>> -> memref<2x8x128xf32, #tpu.memory_space<vmem>>
      %dma_start3A_2262 = tpu.memref_reshape %arg4 : memref<16x1000000xf32, #tpu.memory_space<hbm>> -> memref<2x8x1000000xf32, #tpu.memory_space<hbm>>
      %dma_start3A_2263 = arith.constant 0 : i32
      %dma_start3A_2264 = arith.constant 0 : i32
      %dma_start3A_2265 = tpu.memref_slice %dma_start3A_2262[%dma_start3A_2263, %dma_start3A_2264, %multiple_of3A_2252] : memref<2x8x1000000xf32, #tpu.memory_space<hbm>> -> memref<2x8x128xf32, #tpu.memory_space<hbm>>
      %dma_start3A_2266 = arith.constant 0 : i32
      %dma_start3A_2267 = arith.constant 0 : i32
      %dma_start3A_2268 = arith.constant 0 : i32
      %dma_start3A_2269 = tpu.memref_slice %arg10[%dma_start3A_2256, %dma_start3A_2266, %dma_start3A_2267, %dma_start3A_2268] : memref<8x2x8x128xf32, #tpu.memory_space<vmem>> -> memref<1x2x8x128xf32, #tpu.memory_space<vmem>>
      %dma_start3A_2270 = tpu.memref_squeeze %dma_start3A_2269 : memref<1x2x8x128xf32, #tpu.memory_space<vmem>> -> memref<2x8x128xf32, #tpu.memory_space<vmem>>
      %dma_start3A_2271 = tpu.memref_reshape %arg4 : memref<16x1000000xf32, #tpu.memory_space<hbm>> -> memref<2x8x1000000xf32, #tpu.memory_space<hbm>>
      %dma_start3A_2272 = arith.constant 0 : i32
      %dma_start3A_2273 = arith.constant 0 : i32
      %dma_start3A_2274 = tpu.memref_slice %dma_start3A_2271[%dma_start3A_2272, %dma_start3A_2273, %multiple_of3A_2252] : memref<2x8x1000000xf32, #tpu.memory_space<hbm>> -> memref<2x8x128xf32, #tpu.memory_space<hbm>>
      tpu.enqueue_dma source(%dma_start3A_2274 : memref<2x8x128xf32, #tpu.memory_space<hbm>>) target(%dma_start3A_2270 : memref<2x8x128xf32, #tpu.memory_space<vmem>>) target_semaphore(%arg16 : memref<!tpu.dma_semaphore, #tpu.memory_space<semaphore_mem>>)
      %dma_start3A_2275 = arith.constant 4 : i32
      %dma_start3A_2276 = arith.constant 0 : i32
      %dma_start3A_2277 = arith.constant 0 : i32
      %dma_start3A_2278 = arith.constant 0 : i32
      %dma_start3A_2279 = tpu.memref_slice %arg11[%dma_start3A_2275, %dma_start3A_2276, %dma_start3A_2277, %dma_start3A_2278] : memref<8x2x8x128xf32, #tpu.memory_space<vmem>> -> memref<1x2x8x128xf32, #tpu.memory_space<vmem>>
      %dma_start3A_2280 = tpu.memref_squeeze %dma_start3A_2279 : memref<1x2x8x128xf32, #tpu.memory_space<vmem>> -> memref<2x8x128xf32, #tpu.memory_space<vmem>>
      %dma_start3A_2281 = tpu.memref_reshape %arg5 : memref<16x1000000xf32, #tpu.memory_space<hbm>> -> memref<2x8x1000000xf32, #tpu.memory_space<hbm>>
      %dma_start3A_2282 = arith.constant 0 : i32
      %dma_start3A_2283 = arith.constant 0 : i32
      %dma_start3A_2284 = tpu.memref_slice %dma_start3A_2281[%dma_start3A_2282, %dma_start3A_2283, %multiple_of3A_2255] : memref<2x8x1000000xf32, #tpu.memory_space<hbm>> -> memref<2x8x128xf32, #tpu.memory_space<hbm>>
      %dma_start3A_2285 = arith.constant 0 : i32
      %dma_start3A_2286 = arith.constant 0 : i32
      %dma_start3A_2287 = arith.constant 0 : i32
      %dma_start3A_2288 = tpu.memref_slice %arg11[%dma_start3A_2275, %dma_start3A_2285, %dma_start3A_2286, %dma_start3A_2287] : memref<8x2x8x128xf32, #tpu.memory_space<vmem>> -> memref<1x2x8x128xf32, #tpu.memory_space<vmem>>
      %dma_start3A_2289 = tpu.memref_squeeze %dma_start3A_2288 : memref<1x2x8x128xf32, #tpu.memory_space<vmem>> -> memref<2x8x128xf32, #tpu.memory_space<vmem>>
      %dma_start3A_2290 = tpu.memref_reshape %arg5 : memref<16x1000000xf32, #tpu.memory_space<hbm>> -> memref<2x8x1000000xf32, #tpu.memory_space<hbm>>
      %dma_start3A_2291 = arith.constant 0 : i32
      %dma_start3A_2292 = arith.constant 0 : i32
      %dma_start3A_2293 = tpu.memref_slice %dma_start3A_2290[%dma_start3A_2291, %dma_start3A_2292, %multiple_of3A_2255] : memref<2x8x1000000xf32, #tpu.memory_space<hbm>> -> memref<2x8x128xf32, #tpu.memory_space<hbm>>
      tpu.enqueue_dma source(%dma_start3A_2293 : memref<2x8x128xf32, #tpu.memory_space<hbm>>) target(%dma_start3A_2289 : memref<2x8x128xf32, #tpu.memory_space<vmem>>) target_semaphore(%arg16 : memref<!tpu.dma_semaphore, #tpu.memory_space<semaphore_mem>>)
      %slice3A_2294 = vector.extract_strided_slice %shift_left3A_2065 {offsets = [5], sizes = [1], strides = [1]} : vector<16xi32> to vector<1xi32>
      %squeeze3A_2295 = vector.extract %slice3A_2294[0] : i32 from vector<1xi32>
      %multiple_of3A_2296 = tpu.assume_multiple %squeeze3A_2295, 128 : i32
      %slice3A_2297 = vector.extract_strided_slice %shift_left3A_2073 {offsets = [5], sizes = [1], strides = [1]} : vector<16xi32> to vector<1xi32>
      %squeeze3A_2298 = vector.extract %slice3A_2297[0] : i32 from vector<1xi32>
      %multiple_of3A_2299 = tpu.assume_multiple %squeeze3A_2298, 128 : i32
      %dma_start3A_2300 = arith.constant 5 : i32
      %dma_start3A_2301 = arith.constant 0 : i32
      %dma_start3A_2302 = arith.constant 0 : i32
      %dma_start3A_2303 = arith.constant 0 : i32
      %dma_start3A_2304 = tpu.memref_slice %arg10[%dma_start3A_2300, %dma_start3A_2301, %dma_start3A_2302, %dma_start3A_2303] : memref<8x2x8x128xf32, #tpu.memory_space<vmem>> -> memref<1x2x8x128xf32, #tpu.memory_space<vmem>>
      %dma_start3A_2305 = tpu.memref_squeeze %dma_start3A_2304 : memref<1x2x8x128xf32, #tpu.memory_space<vmem>> -> memref<2x8x128xf32, #tpu.memory_space<vmem>>
      %dma_start3A_2306 = tpu.memref_reshape %arg4 : memref<16x1000000xf32, #tpu.memory_space<hbm>> -> memref<2x8x1000000xf32, #tpu.memory_space<hbm>>
      %dma_start3A_2307 = arith.constant 0 : i32
      %dma_start3A_2308 = arith.constant 0 : i32
      %dma_start3A_2309 = tpu.memref_slice %dma_start3A_2306[%dma_start3A_2307, %dma_start3A_2308, %multiple_of3A_2296] : memref<2x8x1000000xf32, #tpu.memory_space<hbm>> -> memref<2x8x128xf32, #tpu.memory_space<hbm>>
      %dma_start3A_2310 = arith.constant 0 : i32
      %dma_start3A_2311 = arith.constant 0 : i32
      %dma_start3A_2312 = arith.constant 0 : i32
      %dma_start3A_2313 = tpu.memref_slice %arg10[%dma_start3A_2300, %dma_start3A_2310, %dma_start3A_2311, %dma_start3A_2312] : memref<8x2x8x128xf32, #tpu.memory_space<vmem>> -> memref<1x2x8x128xf32, #tpu.memory_space<vmem>>
      %dma_start3A_2314 = tpu.memref_squeeze %dma_start3A_2313 : memref<1x2x8x128xf32, #tpu.memory_space<vmem>> -> memref<2x8x128xf32, #tpu.memory_space<vmem>>
      %dma_start3A_2315 = tpu.memref_reshape %arg4 : memref<16x1000000xf32, #tpu.memory_space<hbm>> -> memref<2x8x1000000xf32, #tpu.memory_space<hbm>>
      %dma_start3A_2316 = arith.constant 0 : i32
      %dma_start3A_2317 = arith.constant 0 : i32
      %dma_start3A_2318 = tpu.memref_slice %dma_start3A_2315[%dma_start3A_2316, %dma_start3A_2317, %multiple_of3A_2296] : memref<2x8x1000000xf32, #tpu.memory_space<hbm>> -> memref<2x8x128xf32, #tpu.memory_space<hbm>>
      tpu.enqueue_dma source(%dma_start3A_2318 : memref<2x8x128xf32, #tpu.memory_space<hbm>>) target(%dma_start3A_2314 : memref<2x8x128xf32, #tpu.memory_space<vmem>>) target_semaphore(%arg16 : memref<!tpu.dma_semaphore, #tpu.memory_space<semaphore_mem>>)
      %dma_start3A_2319 = arith.constant 5 : i32
      %dma_start3A_2320 = arith.constant 0 : i32
      %dma_start3A_2321 = arith.constant 0 : i32
      %dma_start3A_2322 = arith.constant 0 : i32
      %dma_start3A_2323 = tpu.memref_slice %arg11[%dma_start3A_2319, %dma_start3A_2320, %dma_start3A_2321, %dma_start3A_2322] : memref<8x2x8x128xf32, #tpu.memory_space<vmem>> -> memref<1x2x8x128xf32, #tpu.memory_space<vmem>>
      %dma_start3A_2324 = tpu.memref_squeeze %dma_start3A_2323 : memref<1x2x8x128xf32, #tpu.memory_space<vmem>> -> memref<2x8x128xf32, #tpu.memory_space<vmem>>
      %dma_start3A_2325 = tpu.memref_reshape %arg5 : memref<16x1000000xf32, #tpu.memory_space<hbm>> -> memref<2x8x1000000xf32, #tpu.memory_space<hbm>>
      %dma_start3A_2326 = arith.constant 0 : i32
      %dma_start3A_2327 = arith.constant 0 : i32
      %dma_start3A_2328 = tpu.memref_slice %dma_start3A_2325[%dma_start3A_2326, %dma_start3A_2327, %multiple_of3A_2299] : memref<2x8x1000000xf32, #tpu.memory_space<hbm>> -> memref<2x8x128xf32, #tpu.memory_space<hbm>>
      %dma_start3A_2329 = arith.constant 0 : i32
      %dma_start3A_2330 = arith.constant 0 : i32
      %dma_start3A_2331 = arith.constant 0 : i32
      %dma_start3A_2332 = tpu.memref_slice %arg11[%dma_start3A_2319, %dma_start3A_2329, %dma_start3A_2330, %dma_start3A_2331] : memref<8x2x8x128xf32, #tpu.memory_space<vmem>> -> memref<1x2x8x128xf32, #tpu.memory_space<vmem>>
      %dma_start3A_2333 = tpu.memref_squeeze %dma_start3A_2332 : memref<1x2x8x128xf32, #tpu.memory_space<vmem>> -> memref<2x8x128xf32, #tpu.memory_space<vmem>>
      %dma_start3A_2334 = tpu.memref_reshape %arg5 : memref<16x1000000xf32, #tpu.memory_space<hbm>> -> memref<2x8x1000000xf32, #tpu.memory_space<hbm>>
      %dma_start3A_2335 = arith.constant 0 : i32
      %dma_start3A_2336 = arith.constant 0 : i32
      %dma_start3A_2337 = tpu.memref_slice %dma_start3A_2334[%dma_start3A_2335, %dma_start3A_2336, %multiple_of3A_2299] : memref<2x8x1000000xf32, #tpu.memory_space<hbm>> -> memref<2x8x128xf32, #tpu.memory_space<hbm>>
      tpu.enqueue_dma source(%dma_start3A_2337 : memref<2x8x128xf32, #tpu.memory_space<hbm>>) target(%dma_start3A_2333 : memref<2x8x128xf32, #tpu.memory_space<vmem>>) target_semaphore(%arg16 : memref<!tpu.dma_semaphore, #tpu.memory_space<semaphore_mem>>)
      %slice3A_2338 = vector.extract_strided_slice %shift_left3A_2065 {offsets = [6], sizes = [1], strides = [1]} : vector<16xi32> to vector<1xi32>
      %squeeze3A_2339 = vector.extract %slice3A_2338[0] : i32 from vector<1xi32>
      %multiple_of3A_2340 = tpu.assume_multiple %squeeze3A_2339, 128 : i32
      %slice3A_2341 = vector.extract_strided_slice %shift_left3A_2073 {offsets = [6], sizes = [1], strides = [1]} : vector<16xi32> to vector<1xi32>
      %squeeze3A_2342 = vector.extract %slice3A_2341[0] : i32 from vector<1xi32>
      %multiple_of3A_2343 = tpu.assume_multiple %squeeze3A_2342, 128 : i32
      %dma_start3A_2344 = arith.constant 6 : i32
      %dma_start3A_2345 = arith.constant 0 : i32
      %dma_start3A_2346 = arith.constant 0 : i32
      %dma_start3A_2347 = arith.constant 0 : i32
      %dma_start3A_2348 = tpu.memref_slice %arg10[%dma_start3A_2344, %dma_start3A_2345, %dma_start3A_2346, %dma_start3A_2347] : memref<8x2x8x128xf32, #tpu.memory_space<vmem>> -> memref<1x2x8x128xf32, #tpu.memory_space<vmem>>
      %dma_start3A_2349 = tpu.memref_squeeze %dma_start3A_2348 : memref<1x2x8x128xf32, #tpu.memory_space<vmem>> -> memref<2x8x128xf32, #tpu.memory_space<vmem>>
      %dma_start3A_2350 = tpu.memref_reshape %arg4 : memref<16x1000000xf32, #tpu.memory_space<hbm>> -> memref<2x8x1000000xf32, #tpu.memory_space<hbm>>
      %dma_start3A_2351 = arith.constant 0 : i32
      %dma_start3A_2352 = arith.constant 0 : i32
      %dma_start3A_2353 = tpu.memref_slice %dma_start3A_2350[%dma_start3A_2351, %dma_start3A_2352, %multiple_of3A_2340] : memref<2x8x1000000xf32, #tpu.memory_space<hbm>> -> memref<2x8x128xf32, #tpu.memory_space<hbm>>
      %dma_start3A_2354 = arith.constant 0 : i32
      %dma_start3A_2355 = arith.constant 0 : i32
      %dma_start3A_2356 = arith.constant 0 : i32
      %dma_start3A_2357 = tpu.memref_slice %arg10[%dma_start3A_2344, %dma_start3A_2354, %dma_start3A_2355, %dma_start3A_2356] : memref<8x2x8x128xf32, #tpu.memory_space<vmem>> -> memref<1x2x8x128xf32, #tpu.memory_space<vmem>>
      %dma_start3A_2358 = tpu.memref_squeeze %dma_start3A_2357 : memref<1x2x8x128xf32, #tpu.memory_space<vmem>> -> memref<2x8x128xf32, #tpu.memory_space<vmem>>
      %dma_start3A_2359 = tpu.memref_reshape %arg4 : memref<16x1000000xf32, #tpu.memory_space<hbm>> -> memref<2x8x1000000xf32, #tpu.memory_space<hbm>>
      %dma_start3A_2360 = arith.constant 0 : i32
      %dma_start3A_2361 = arith.constant 0 : i32
      %dma_start3A_2362 = tpu.memref_slice %dma_start3A_2359[%dma_start3A_2360, %dma_start3A_2361, %multiple_of3A_2340] : memref<2x8x1000000xf32, #tpu.memory_space<hbm>> -> memref<2x8x128xf32, #tpu.memory_space<hbm>>
      tpu.enqueue_dma source(%dma_start3A_2362 : memref<2x8x128xf32, #tpu.memory_space<hbm>>) target(%dma_start3A_2358 : memref<2x8x128xf32, #tpu.memory_space<vmem>>) target_semaphore(%arg16 : memref<!tpu.dma_semaphore, #tpu.memory_space<semaphore_mem>>)
      %dma_start3A_2363 = arith.constant 6 : i32
      %dma_start3A_2364 = arith.constant 0 : i32
      %dma_start3A_2365 = arith.constant 0 : i32
      %dma_start3A_2366 = arith.constant 0 : i32
      %dma_start3A_2367 = tpu.memref_slice %arg11[%dma_start3A_2363, %dma_start3A_2364, %dma_start3A_2365, %dma_start3A_2366] : memref<8x2x8x128xf32, #tpu.memory_space<vmem>> -> memref<1x2x8x128xf32, #tpu.memory_space<vmem>>
      %dma_start3A_2368 = tpu.memref_squeeze %dma_start3A_2367 : memref<1x2x8x128xf32, #tpu.memory_space<vmem>> -> memref<2x8x128xf32, #tpu.memory_space<vmem>>
      %dma_start3A_2369 = tpu.memref_reshape %arg5 : memref<16x1000000xf32, #tpu.memory_space<hbm>> -> memref<2x8x1000000xf32, #tpu.memory_space<hbm>>
      %dma_start3A_2370 = arith.constant 0 : i32
      %dma_start3A_2371 = arith.constant 0 : i32
      %dma_start3A_2372 = tpu.memref_slice %dma_start3A_2369[%dma_start3A_2370, %dma_start3A_2371, %multiple_of3A_2343] : memref<2x8x1000000xf32, #tpu.memory_space<hbm>> -> memref<2x8x128xf32, #tpu.memory_space<hbm>>
      %dma_start3A_2373 = arith.constant 0 : i32
      %dma_start3A_2374 = arith.constant 0 : i32
      %dma_start3A_2375 = arith.constant 0 : i32
      %dma_start3A_2376 = tpu.memref_slice %arg11[%dma_start3A_2363, %dma_start3A_2373, %dma_start3A_2374, %dma_start3A_2375] : memref<8x2x8x128xf32, #tpu.memory_space<vmem>> -> memref<1x2x8x128xf32, #tpu.memory_space<vmem>>
      %dma_start3A_2377 = tpu.memref_squeeze %dma_start3A_2376 : memref<1x2x8x128xf32, #tpu.memory_space<vmem>> -> memref<2x8x128xf32, #tpu.memory_space<vmem>>
      %dma_start3A_2378 = tpu.memref_reshape %arg5 : memref<16x1000000xf32, #tpu.memory_space<hbm>> -> memref<2x8x1000000xf32, #tpu.memory_space<hbm>>
      %dma_start3A_2379 = arith.constant 0 : i32
      %dma_start3A_2380 = arith.constant 0 : i32
      %dma_start3A_2381 = tpu.memref_slice %dma_start3A_2378[%dma_start3A_2379, %dma_start3A_2380, %multiple_of3A_2343] : memref<2x8x1000000xf32, #tpu.memory_space<hbm>> -> memref<2x8x128xf32, #tpu.memory_space<hbm>>
      tpu.enqueue_dma source(%dma_start3A_2381 : memref<2x8x128xf32, #tpu.memory_space<hbm>>) target(%dma_start3A_2377 : memref<2x8x128xf32, #tpu.memory_space<vmem>>) target_semaphore(%arg16 : memref<!tpu.dma_semaphore, #tpu.memory_space<semaphore_mem>>)
      %slice3A_2382 = vector.extract_strided_slice %shift_left3A_2065 {offsets = [7], sizes = [1], strides = [1]} : vector<16xi32> to vector<1xi32>
      %squeeze3A_2383 = vector.extract %slice3A_2382[0] : i32 from vector<1xi32>
      %multiple_of3A_2384 = tpu.assume_multiple %squeeze3A_2383, 128 : i32
      %slice3A_2385 = vector.extract_strided_slice %shift_left3A_2073 {offsets = [7], sizes = [1], strides = [1]} : vector<16xi32> to vector<1xi32>
      %squeeze3A_2386 = vector.extract %slice3A_2385[0] : i32 from vector<1xi32>
      %multiple_of3A_2387 = tpu.assume_multiple %squeeze3A_2386, 128 : i32
      %dma_start3A_2388 = arith.constant 7 : i32
      %dma_start3A_2389 = arith.constant 0 : i32
      %dma_start3A_2390 = arith.constant 0 : i32
      %dma_start3A_2391 = arith.constant 0 : i32
      %dma_start3A_2392 = tpu.memref_slice %arg10[%dma_start3A_2388, %dma_start3A_2389, %dma_start3A_2390, %dma_start3A_2391] : memref<8x2x8x128xf32, #tpu.memory_space<vmem>> -> memref<1x2x8x128xf32, #tpu.memory_space<vmem>>
      %dma_start3A_2393 = tpu.memref_squeeze %dma_start3A_2392 : memref<1x2x8x128xf32, #tpu.memory_space<vmem>> -> memref<2x8x128xf32, #tpu.memory_space<vmem>>
      %dma_start3A_2394 = tpu.memref_reshape %arg4 : memref<16x1000000xf32, #tpu.memory_space<hbm>> -> memref<2x8x1000000xf32, #tpu.memory_space<hbm>>
      %dma_start3A_2395 = arith.constant 0 : i32
      %dma_start3A_2396 = arith.constant 0 : i32
      %dma_start3A_2397 = tpu.memref_slice %dma_start3A_2394[%dma_start3A_2395, %dma_start3A_2396, %multiple_of3A_2384] : memref<2x8x1000000xf32, #tpu.memory_space<hbm>> -> memref<2x8x128xf32, #tpu.memory_space<hbm>>
      %dma_start3A_2398 = arith.constant 0 : i32
      %dma_start3A_2399 = arith.constant 0 : i32
      %dma_start3A_2400 = arith.constant 0 : i32
      %dma_start3A_2401 = tpu.memref_slice %arg10[%dma_start3A_2388, %dma_start3A_2398, %dma_start3A_2399, %dma_start3A_2400] : memref<8x2x8x128xf32, #tpu.memory_space<vmem>> -> memref<1x2x8x128xf32, #tpu.memory_space<vmem>>
      %dma_start3A_2402 = tpu.memref_squeeze %dma_start3A_2401 : memref<1x2x8x128xf32, #tpu.memory_space<vmem>> -> memref<2x8x128xf32, #tpu.memory_space<vmem>>
      %dma_start3A_2403 = tpu.memref_reshape %arg4 : memref<16x1000000xf32, #tpu.memory_space<hbm>> -> memref<2x8x1000000xf32, #tpu.memory_space<hbm>>
      %dma_start3A_2404 = arith.constant 0 : i32
      %dma_start3A_2405 = arith.constant 0 : i32
      %dma_start3A_2406 = tpu.memref_slice %dma_start3A_2403[%dma_start3A_2404, %dma_start3A_2405, %multiple_of3A_2384] : memref<2x8x1000000xf32, #tpu.memory_space<hbm>> -> memref<2x8x128xf32, #tpu.memory_space<hbm>>
      tpu.enqueue_dma source(%dma_start3A_2406 : memref<2x8x128xf32, #tpu.memory_space<hbm>>) target(%dma_start3A_2402 : memref<2x8x128xf32, #tpu.memory_space<vmem>>) target_semaphore(%arg16 : memref<!tpu.dma_semaphore, #tpu.memory_space<semaphore_mem>>)
      %dma_start3A_2407 = arith.constant 7 : i32
      %dma_start3A_2408 = arith.constant 0 : i32
      %dma_start3A_2409 = arith.constant 0 : i32
      %dma_start3A_2410 = arith.constant 0 : i32
      %dma_start3A_2411 = tpu.memref_slice %arg11[%dma_start3A_2407, %dma_start3A_2408, %dma_start3A_2409, %dma_start3A_2410] : memref<8x2x8x128xf32, #tpu.memory_space<vmem>> -> memref<1x2x8x128xf32, #tpu.memory_space<vmem>>
      %dma_start3A_2412 = tpu.memref_squeeze %dma_start3A_2411 : memref<1x2x8x128xf32, #tpu.memory_space<vmem>> -> memref<2x8x128xf32, #tpu.memory_space<vmem>>
      %dma_start3A_2413 = tpu.memref_reshape %arg5 : memref<16x1000000xf32, #tpu.memory_space<hbm>> -> memref<2x8x1000000xf32, #tpu.memory_space<hbm>>
      %dma_start3A_2414 = arith.constant 0 : i32
      %dma_start3A_2415 = arith.constant 0 : i32
      %dma_start3A_2416 = tpu.memref_slice %dma_start3A_2413[%dma_start3A_2414, %dma_start3A_2415, %multiple_of3A_2387] : memref<2x8x1000000xf32, #tpu.memory_space<hbm>> -> memref<2x8x128xf32, #tpu.memory_space<hbm>>
      %dma_start3A_2417 = arith.constant 0 : i32
      %dma_start3A_2418 = arith.constant 0 : i32
      %dma_start3A_2419 = arith.constant 0 : i32
      %dma_start3A_2420 = tpu.memref_slice %arg11[%dma_start3A_2407, %dma_start3A_2417, %dma_start3A_2418, %dma_start3A_2419] : memref<8x2x8x128xf32, #tpu.memory_space<vmem>> -> memref<1x2x8x128xf32, #tpu.memory_space<vmem>>
      %dma_start3A_2421 = tpu.memref_squeeze %dma_start3A_2420 : memref<1x2x8x128xf32, #tpu.memory_space<vmem>> -> memref<2x8x128xf32, #tpu.memory_space<vmem>>
      %dma_start3A_2422 = tpu.memref_reshape %arg5 : memref<16x1000000xf32, #tpu.memory_space<hbm>> -> memref<2x8x1000000xf32, #tpu.memory_space<hbm>>
      %dma_start3A_2423 = arith.constant 0 : i32
      %dma_start3A_2424 = arith.constant 0 : i32
      %dma_start3A_2425 = tpu.memref_slice %dma_start3A_2422[%dma_start3A_2423, %dma_start3A_2424, %multiple_of3A_2387] : memref<2x8x1000000xf32, #tpu.memory_space<hbm>> -> memref<2x8x128xf32, #tpu.memory_space<hbm>>
      tpu.enqueue_dma source(%dma_start3A_2425 : memref<2x8x128xf32, #tpu.memory_space<hbm>>) target(%dma_start3A_2421 : memref<2x8x128xf32, #tpu.memory_space<vmem>>) target_semaphore(%arg16 : memref<!tpu.dma_semaphore, #tpu.memory_space<semaphore_mem>>)
      %dma_wait3A_2426 = arith.constant 0 : i32
      %dma_wait3A_2427 = arith.constant 0 : i32
      %dma_wait3A_2428 = arith.constant 0 : i32
      %dma_wait3A_2429 = arith.constant 0 : i32
      %dma_wait3A_2430 = tpu.memref_slice %arg12[%dma_wait3A_2426, %dma_wait3A_2427, %dma_wait3A_2428, %dma_wait3A_2429] : memref<8x2x8x128xf32, #tpu.memory_space<vmem>> -> memref<1x2x8x128xf32, #tpu.memory_space<vmem>>
      %dma_wait3A_2431 = tpu.memref_squeeze %dma_wait3A_2430 : memref<1x2x8x128xf32, #tpu.memory_space<vmem>> -> memref<2x8x128xf32, #tpu.memory_space<vmem>>
      %dma_wait3A_2432 = tpu.memref_reshape %arg4 : memref<16x1000000xf32, #tpu.memory_space<hbm>> -> memref<2x8x1000000xf32, #tpu.memory_space<hbm>>
      %dma_wait3A_2433 = arith.constant 0 : i32
      %dma_wait3A_2434 = arith.constant 0 : i32
      %dma_wait3A_2435 = arith.constant 0 : i32
      %dma_wait3A_2436 = tpu.memref_slice %dma_wait3A_2432[%dma_wait3A_2433, %dma_wait3A_2434, %dma_wait3A_2435] : memref<2x8x1000000xf32, #tpu.memory_space<hbm>> -> memref<2x8x128xf32, #tpu.memory_space<hbm>>
      %dma_wait3A_2437 = arith.constant 0 : i32
      %dma_wait3A_2438 = arith.constant 0 : i32
      %dma_wait3A_2439 = arith.constant 0 : i32
      %dma_wait3A_2440 = tpu.memref_slice %arg12[%dma_wait3A_2426, %dma_wait3A_2437, %dma_wait3A_2438, %dma_wait3A_2439] : memref<8x2x8x128xf32, #tpu.memory_space<vmem>> -> memref<1x2x8x128xf32, #tpu.memory_space<vmem>>
      %dma_wait3A_2441 = tpu.memref_squeeze %dma_wait3A_2440 : memref<1x2x8x128xf32, #tpu.memory_space<vmem>> -> memref<2x8x128xf32, #tpu.memory_space<vmem>>
      %dma_wait3A_2442 = tpu.memref_reshape %arg4 : memref<16x1000000xf32, #tpu.memory_space<hbm>> -> memref<2x8x1000000xf32, #tpu.memory_space<hbm>>
      %dma_wait3A_2443 = arith.constant 0 : i32
      %dma_wait3A_2444 = arith.constant 0 : i32
      %dma_wait3A_2445 = arith.constant 0 : i32
      %dma_wait3A_2446 = tpu.memref_slice %dma_wait3A_2442[%dma_wait3A_2443, %dma_wait3A_2444, %dma_wait3A_2445] : memref<2x8x1000000xf32, #tpu.memory_space<hbm>> -> memref<2x8x128xf32, #tpu.memory_space<hbm>>
      tpu.wait_dma2 semaphore(%arg16 : memref<!tpu.dma_semaphore, #tpu.memory_space<semaphore_mem>>) src(%dma_wait3A_2446 : memref<2x8x128xf32, #tpu.memory_space<hbm>>) dst(%dma_wait3A_2441 : memref<2x8x128xf32, #tpu.memory_space<vmem>>)
      %dma_wait3A_2447 = arith.constant 0 : i32
      %dma_wait3A_2448 = arith.constant 0 : i32
      %dma_wait3A_2449 = arith.constant 0 : i32
      %dma_wait3A_2450 = arith.constant 0 : i32
      %dma_wait3A_2451 = tpu.memref_slice %arg13[%dma_wait3A_2447, %dma_wait3A_2448, %dma_wait3A_2449, %dma_wait3A_2450] : memref<8x2x8x128xf32, #tpu.memory_space<vmem>> -> memref<1x2x8x128xf32, #tpu.memory_space<vmem>>
      %dma_wait3A_2452 = tpu.memref_squeeze %dma_wait3A_2451 : memref<1x2x8x128xf32, #tpu.memory_space<vmem>> -> memref<2x8x128xf32, #tpu.memory_space<vmem>>
      %dma_wait3A_2453 = tpu.memref_reshape %arg5 : memref<16x1000000xf32, #tpu.memory_space<hbm>> -> memref<2x8x1000000xf32, #tpu.memory_space<hbm>>
      %dma_wait3A_2454 = arith.constant 0 : i32
      %dma_wait3A_2455 = arith.constant 0 : i32
      %dma_wait3A_2456 = arith.constant 0 : i32
      %dma_wait3A_2457 = tpu.memref_slice %dma_wait3A_2453[%dma_wait3A_2454, %dma_wait3A_2455, %dma_wait3A_2456] : memref<2x8x1000000xf32, #tpu.memory_space<hbm>> -> memref<2x8x128xf32, #tpu.memory_space<hbm>>
      %dma_wait3A_2458 = arith.constant 0 : i32
      %dma_wait3A_2459 = arith.constant 0 : i32
      %dma_wait3A_2460 = arith.constant 0 : i32
      %dma_wait3A_2461 = tpu.memref_slice %arg13[%dma_wait3A_2447, %dma_wait3A_2458, %dma_wait3A_2459, %dma_wait3A_2460] : memref<8x2x8x128xf32, #tpu.memory_space<vmem>> -> memref<1x2x8x128xf32, #tpu.memory_space<vmem>>
      %dma_wait3A_2462 = tpu.memref_squeeze %dma_wait3A_2461 : memref<1x2x8x128xf32, #tpu.memory_space<vmem>> -> memref<2x8x128xf32, #tpu.memory_space<vmem>>
      %dma_wait3A_2463 = tpu.memref_reshape %arg5 : memref<16x1000000xf32, #tpu.memory_space<hbm>> -> memref<2x8x1000000xf32, #tpu.memory_space<hbm>>
      %dma_wait3A_2464 = arith.constant 0 : i32
      %dma_wait3A_2465 = arith.constant 0 : i32
      %dma_wait3A_2466 = arith.constant 0 : i32
      %dma_wait3A_2467 = tpu.memref_slice %dma_wait3A_2463[%dma_wait3A_2464, %dma_wait3A_2465, %dma_wait3A_2466] : memref<2x8x1000000xf32, #tpu.memory_space<hbm>> -> memref<2x8x128xf32, #tpu.memory_space<hbm>>
      tpu.wait_dma2 semaphore(%arg16 : memref<!tpu.dma_semaphore, #tpu.memory_space<semaphore_mem>>) src(%dma_wait3A_2467 : memref<2x8x128xf32, #tpu.memory_space<hbm>>) dst(%dma_wait3A_2462 : memref<2x8x128xf32, #tpu.memory_space<vmem>>)
      %dma_wait3A_2468 = arith.constant 1 : i32
      %dma_wait3A_2469 = arith.constant 0 : i32
      %dma_wait3A_2470 = arith.constant 0 : i32
      %dma_wait3A_2471 = arith.constant 0 : i32
      %dma_wait3A_2472 = tpu.memref_slice %arg12[%dma_wait3A_2468, %dma_wait3A_2469, %dma_wait3A_2470, %dma_wait3A_2471] : memref<8x2x8x128xf32, #tpu.memory_space<vmem>> -> memref<1x2x8x128xf32, #tpu.memory_space<vmem>>
      %dma_wait3A_2473 = tpu.memref_squeeze %dma_wait3A_2472 : memref<1x2x8x128xf32, #tpu.memory_space<vmem>> -> memref<2x8x128xf32, #tpu.memory_space<vmem>>
      %dma_wait3A_2474 = tpu.memref_reshape %arg4 : memref<16x1000000xf32, #tpu.memory_space<hbm>> -> memref<2x8x1000000xf32, #tpu.memory_space<hbm>>
      %dma_wait3A_2475 = arith.constant 0 : i32
      %dma_wait3A_2476 = arith.constant 0 : i32
      %dma_wait3A_2477 = arith.constant 0 : i32
      %dma_wait3A_2478 = tpu.memref_slice %dma_wait3A_2474[%dma_wait3A_2475, %dma_wait3A_2476, %dma_wait3A_2477] : memref<2x8x1000000xf32, #tpu.memory_space<hbm>> -> memref<2x8x128xf32, #tpu.memory_space<hbm>>
      %dma_wait3A_2479 = arith.constant 0 : i32
      %dma_wait3A_2480 = arith.constant 0 : i32
      %dma_wait3A_2481 = arith.constant 0 : i32
      %dma_wait3A_2482 = tpu.memref_slice %arg12[%dma_wait3A_2468, %dma_wait3A_2479, %dma_wait3A_2480, %dma_wait3A_2481] : memref<8x2x8x128xf32, #tpu.memory_space<vmem>> -> memref<1x2x8x128xf32, #tpu.memory_space<vmem>>
      %dma_wait3A_2483 = tpu.memref_squeeze %dma_wait3A_2482 : memref<1x2x8x128xf32, #tpu.memory_space<vmem>> -> memref<2x8x128xf32, #tpu.memory_space<vmem>>
      %dma_wait3A_2484 = tpu.memref_reshape %arg4 : memref<16x1000000xf32, #tpu.memory_space<hbm>> -> memref<2x8x1000000xf32, #tpu.memory_space<hbm>>
      %dma_wait3A_2485 = arith.constant 0 : i32
      %dma_wait3A_2486 = arith.constant 0 : i32
      %dma_wait3A_2487 = arith.constant 0 : i32
      %dma_wait3A_2488 = tpu.memref_slice %dma_wait3A_2484[%dma_wait3A_2485, %dma_wait3A_2486, %dma_wait3A_2487] : memref<2x8x1000000xf32, #tpu.memory_space<hbm>> -> memref<2x8x128xf32, #tpu.memory_space<hbm>>
      tpu.wait_dma2 semaphore(%arg16 : memref<!tpu.dma_semaphore, #tpu.memory_space<semaphore_mem>>) src(%dma_wait3A_2488 : memref<2x8x128xf32, #tpu.memory_space<hbm>>) dst(%dma_wait3A_2483 : memref<2x8x128xf32, #tpu.memory_space<vmem>>)
      %dma_wait3A_2489 = arith.constant 1 : i32
      %dma_wait3A_2490 = arith.constant 0 : i32
      %dma_wait3A_2491 = arith.constant 0 : i32
      %dma_wait3A_2492 = arith.constant 0 : i32
      %dma_wait3A_2493 = tpu.memref_slice %arg13[%dma_wait3A_2489, %dma_wait3A_2490, %dma_wait3A_2491, %dma_wait3A_2492] : memref<8x2x8x128xf32, #tpu.memory_space<vmem>> -> memref<1x2x8x128xf32, #tpu.memory_space<vmem>>
      %dma_wait3A_2494 = tpu.memref_squeeze %dma_wait3A_2493 : memref<1x2x8x128xf32, #tpu.memory_space<vmem>> -> memref<2x8x128xf32, #tpu.memory_space<vmem>>
      %dma_wait3A_2495 = tpu.memref_reshape %arg5 : memref<16x1000000xf32, #tpu.memory_space<hbm>> -> memref<2x8x1000000xf32, #tpu.memory_space<hbm>>
      %dma_wait3A_2496 = arith.constant 0 : i32
      %dma_wait3A_2497 = arith.constant 0 : i32
      %dma_wait3A_2498 = arith.constant 0 : i32
      %dma_wait3A_2499 = tpu.memref_slice %dma_wait3A_2495[%dma_wait3A_2496, %dma_wait3A_2497, %dma_wait3A_2498] : memref<2x8x1000000xf32, #tpu.memory_space<hbm>> -> memref<2x8x128xf32, #tpu.memory_space<hbm>>
      %dma_wait3A_2500 = arith.constant 0 : i32
      %dma_wait3A_2501 = arith.constant 0 : i32
      %dma_wait3A_2502 = arith.constant 0 : i32
      %dma_wait3A_2503 = tpu.memref_slice %arg13[%dma_wait3A_2489, %dma_wait3A_2500, %dma_wait3A_2501, %dma_wait3A_2502] : memref<8x2x8x128xf32, #tpu.memory_space<vmem>> -> memref<1x2x8x128xf32, #tpu.memory_space<vmem>>
      %dma_wait3A_2504 = tpu.memref_squeeze %dma_wait3A_2503 : memref<1x2x8x128xf32, #tpu.memory_space<vmem>> -> memref<2x8x128xf32, #tpu.memory_space<vmem>>
      %dma_wait3A_2505 = tpu.memref_reshape %arg5 : memref<16x1000000xf32, #tpu.memory_space<hbm>> -> memref<2x8x1000000xf32, #tpu.memory_space<hbm>>
      %dma_wait3A_2506 = arith.constant 0 : i32
      %dma_wait3A_2507 = arith.constant 0 : i32
      %dma_wait3A_2508 = arith.constant 0 : i32
      %dma_wait3A_2509 = tpu.memref_slice %dma_wait3A_2505[%dma_wait3A_2506, %dma_wait3A_2507, %dma_wait3A_2508] : memref<2x8x1000000xf32, #tpu.memory_space<hbm>> -> memref<2x8x128xf32, #tpu.memory_space<hbm>>
      tpu.wait_dma2 semaphore(%arg16 : memref<!tpu.dma_semaphore, #tpu.memory_space<semaphore_mem>>) src(%dma_wait3A_2509 : memref<2x8x128xf32, #tpu.memory_space<hbm>>) dst(%dma_wait3A_2504 : memref<2x8x128xf32, #tpu.memory_space<vmem>>)
      %dma_wait3A_2510 = arith.constant 2 : i32
      %dma_wait3A_2511 = arith.constant 0 : i32
      %dma_wait3A_2512 = arith.constant 0 : i32
      %dma_wait3A_2513 = arith.constant 0 : i32
      %dma_wait3A_2514 = tpu.memref_slice %arg12[%dma_wait3A_2510, %dma_wait3A_2511, %dma_wait3A_2512, %dma_wait3A_2513] : memref<8x2x8x128xf32, #tpu.memory_space<vmem>> -> memref<1x2x8x128xf32, #tpu.memory_space<vmem>>
      %dma_wait3A_2515 = tpu.memref_squeeze %dma_wait3A_2514 : memref<1x2x8x128xf32, #tpu.memory_space<vmem>> -> memref<2x8x128xf32, #tpu.memory_space<vmem>>
      %dma_wait3A_2516 = tpu.memref_reshape %arg4 : memref<16x1000000xf32, #tpu.memory_space<hbm>> -> memref<2x8x1000000xf32, #tpu.memory_space<hbm>>
      %dma_wait3A_2517 = arith.constant 0 : i32
      %dma_wait3A_2518 = arith.constant 0 : i32
      %dma_wait3A_2519 = arith.constant 0 : i32
      %dma_wait3A_2520 = tpu.memref_slice %dma_wait3A_2516[%dma_wait3A_2517, %dma_wait3A_2518, %dma_wait3A_2519] : memref<2x8x1000000xf32, #tpu.memory_space<hbm>> -> memref<2x8x128xf32, #tpu.memory_space<hbm>>
      %dma_wait3A_2521 = arith.constant 0 : i32
      %dma_wait3A_2522 = arith.constant 0 : i32
      %dma_wait3A_2523 = arith.constant 0 : i32
      %dma_wait3A_2524 = tpu.memref_slice %arg12[%dma_wait3A_2510, %dma_wait3A_2521, %dma_wait3A_2522, %dma_wait3A_2523] : memref<8x2x8x128xf32, #tpu.memory_space<vmem>> -> memref<1x2x8x128xf32, #tpu.memory_space<vmem>>
      %dma_wait3A_2525 = tpu.memref_squeeze %dma_wait3A_2524 : memref<1x2x8x128xf32, #tpu.memory_space<vmem>> -> memref<2x8x128xf32, #tpu.memory_space<vmem>>
      %dma_wait3A_2526 = tpu.memref_reshape %arg4 : memref<16x1000000xf32, #tpu.memory_space<hbm>> -> memref<2x8x1000000xf32, #tpu.memory_space<hbm>>
      %dma_wait3A_2527 = arith.constant 0 : i32
      %dma_wait3A_2528 = arith.constant 0 : i32
      %dma_wait3A_2529 = arith.constant 0 : i32
      %dma_wait3A_2530 = tpu.memref_slice %dma_wait3A_2526[%dma_wait3A_2527, %dma_wait3A_2528, %dma_wait3A_2529] : memref<2x8x1000000xf32, #tpu.memory_space<hbm>> -> memref<2x8x128xf32, #tpu.memory_space<hbm>>
      tpu.wait_dma2 semaphore(%arg16 : memref<!tpu.dma_semaphore, #tpu.memory_space<semaphore_mem>>) src(%dma_wait3A_2530 : memref<2x8x128xf32, #tpu.memory_space<hbm>>) dst(%dma_wait3A_2525 : memref<2x8x128xf32, #tpu.memory_space<vmem>>)
      %dma_wait3A_2531 = arith.constant 2 : i32
      %dma_wait3A_2532 = arith.constant 0 : i32
      %dma_wait3A_2533 = arith.constant 0 : i32
      %dma_wait3A_2534 = arith.constant 0 : i32
      %dma_wait3A_2535 = tpu.memref_slice %arg13[%dma_wait3A_2531, %dma_wait3A_2532, %dma_wait3A_2533, %dma_wait3A_2534] : memref<8x2x8x128xf32, #tpu.memory_space<vmem>> -> memref<1x2x8x128xf32, #tpu.memory_space<vmem>>
      %dma_wait3A_2536 = tpu.memref_squeeze %dma_wait3A_2535 : memref<1x2x8x128xf32, #tpu.memory_space<vmem>> -> memref<2x8x128xf32, #tpu.memory_space<vmem>>
      %dma_wait3A_2537 = tpu.memref_reshape %arg5 : memref<16x1000000xf32, #tpu.memory_space<hbm>> -> memref<2x8x1000000xf32, #tpu.memory_space<hbm>>
      %dma_wait3A_2538 = arith.constant 0 : i32
      %dma_wait3A_2539 = arith.constant 0 : i32
      %dma_wait3A_2540 = arith.constant 0 : i32
      %dma_wait3A_2541 = tpu.memref_slice %dma_wait3A_2537[%dma_wait3A_2538, %dma_wait3A_2539, %dma_wait3A_2540] : memref<2x8x1000000xf32, #tpu.memory_space<hbm>> -> memref<2x8x128xf32, #tpu.memory_space<hbm>>
      %dma_wait3A_2542 = arith.constant 0 : i32
      %dma_wait3A_2543 = arith.constant 0 : i32
      %dma_wait3A_2544 = arith.constant 0 : i32
      %dma_wait3A_2545 = tpu.memref_slice %arg13[%dma_wait3A_2531, %dma_wait3A_2542, %dma_wait3A_2543, %dma_wait3A_2544] : memref<8x2x8x128xf32, #tpu.memory_space<vmem>> -> memref<1x2x8x128xf32, #tpu.memory_space<vmem>>
      %dma_wait3A_2546 = tpu.memref_squeeze %dma_wait3A_2545 : memref<1x2x8x128xf32, #tpu.memory_space<vmem>> -> memref<2x8x128xf32, #tpu.memory_space<vmem>>
      %dma_wait3A_2547 = tpu.memref_reshape %arg5 : memref<16x1000000xf32, #tpu.memory_space<hbm>> -> memref<2x8x1000000xf32, #tpu.memory_space<hbm>>
      %dma_wait3A_2548 = arith.constant 0 : i32
      %dma_wait3A_2549 = arith.constant 0 : i32
      %dma_wait3A_2550 = arith.constant 0 : i32
      %dma_wait3A_2551 = tpu.memref_slice %dma_wait3A_2547[%dma_wait3A_2548, %dma_wait3A_2549, %dma_wait3A_2550] : memref<2x8x1000000xf32, #tpu.memory_space<hbm>> -> memref<2x8x128xf32, #tpu.memory_space<hbm>>
      tpu.wait_dma2 semaphore(%arg16 : memref<!tpu.dma_semaphore, #tpu.memory_space<semaphore_mem>>) src(%dma_wait3A_2551 : memref<2x8x128xf32, #tpu.memory_space<hbm>>) dst(%dma_wait3A_2546 : memref<2x8x128xf32, #tpu.memory_space<vmem>>)
      %dma_wait3A_2552 = arith.constant 3 : i32
      %dma_wait3A_2553 = arith.constant 0 : i32
      %dma_wait3A_2554 = arith.constant 0 : i32
      %dma_wait3A_2555 = arith.constant 0 : i32
      %dma_wait3A_2556 = tpu.memref_slice %arg12[%dma_wait3A_2552, %dma_wait3A_2553, %dma_wait3A_2554, %dma_wait3A_2555] : memref<8x2x8x128xf32, #tpu.memory_space<vmem>> -> memref<1x2x8x128xf32, #tpu.memory_space<vmem>>
      %dma_wait3A_2557 = tpu.memref_squeeze %dma_wait3A_2556 : memref<1x2x8x128xf32, #tpu.memory_space<vmem>> -> memref<2x8x128xf32, #tpu.memory_space<vmem>>
      %dma_wait3A_2558 = tpu.memref_reshape %arg4 : memref<16x1000000xf32, #tpu.memory_space<hbm>> -> memref<2x8x1000000xf32, #tpu.memory_space<hbm>>
      %dma_wait3A_2559 = arith.constant 0 : i32
      %dma_wait3A_2560 = arith.constant 0 : i32
      %dma_wait3A_2561 = arith.constant 0 : i32
      %dma_wait3A_2562 = tpu.memref_slice %dma_wait3A_2558[%dma_wait3A_2559, %dma_wait3A_2560, %dma_wait3A_2561] : memref<2x8x1000000xf32, #tpu.memory_space<hbm>> -> memref<2x8x128xf32, #tpu.memory_space<hbm>>
      %dma_wait3A_2563 = arith.constant 0 : i32
      %dma_wait3A_2564 = arith.constant 0 : i32
      %dma_wait3A_2565 = arith.constant 0 : i32
      %dma_wait3A_2566 = tpu.memref_slice %arg12[%dma_wait3A_2552, %dma_wait3A_2563, %dma_wait3A_2564, %dma_wait3A_2565] : memref<8x2x8x128xf32, #tpu.memory_space<vmem>> -> memref<1x2x8x128xf32, #tpu.memory_space<vmem>>
      %dma_wait3A_2567 = tpu.memref_squeeze %dma_wait3A_2566 : memref<1x2x8x128xf32, #tpu.memory_space<vmem>> -> memref<2x8x128xf32, #tpu.memory_space<vmem>>
      %dma_wait3A_2568 = tpu.memref_reshape %arg4 : memref<16x1000000xf32, #tpu.memory_space<hbm>> -> memref<2x8x1000000xf32, #tpu.memory_space<hbm>>
      %dma_wait3A_2569 = arith.constant 0 : i32
      %dma_wait3A_2570 = arith.constant 0 : i32
      %dma_wait3A_2571 = arith.constant 0 : i32
      %dma_wait3A_2572 = tpu.memref_slice %dma_wait3A_2568[%dma_wait3A_2569, %dma_wait3A_2570, %dma_wait3A_2571] : memref<2x8x1000000xf32, #tpu.memory_space<hbm>> -> memref<2x8x128xf32, #tpu.memory_space<hbm>>
      tpu.wait_dma2 semaphore(%arg16 : memref<!tpu.dma_semaphore, #tpu.memory_space<semaphore_mem>>) src(%dma_wait3A_2572 : memref<2x8x128xf32, #tpu.memory_space<hbm>>) dst(%dma_wait3A_2567 : memref<2x8x128xf32, #tpu.memory_space<vmem>>)
      %dma_wait3A_2573 = arith.constant 3 : i32
      %dma_wait3A_2574 = arith.constant 0 : i32
      %dma_wait3A_2575 = arith.constant 0 : i32
      %dma_wait3A_2576 = arith.constant 0 : i32
      %dma_wait3A_2577 = tpu.memref_slice %arg13[%dma_wait3A_2573, %dma_wait3A_2574, %dma_wait3A_2575, %dma_wait3A_2576] : memref<8x2x8x128xf32, #tpu.memory_space<vmem>> -> memref<1x2x8x128xf32, #tpu.memory_space<vmem>>
      %dma_wait3A_2578 = tpu.memref_squeeze %dma_wait3A_2577 : memref<1x2x8x128xf32, #tpu.memory_space<vmem>> -> memref<2x8x128xf32, #tpu.memory_space<vmem>>
      %dma_wait3A_2579 = tpu.memref_reshape %arg5 : memref<16x1000000xf32, #tpu.memory_space<hbm>> -> memref<2x8x1000000xf32, #tpu.memory_space<hbm>>
      %dma_wait3A_2580 = arith.constant 0 : i32
      %dma_wait3A_2581 = arith.constant 0 : i32
      %dma_wait3A_2582 = arith.constant 0 : i32
      %dma_wait3A_2583 = tpu.memref_slice %dma_wait3A_2579[%dma_wait3A_2580, %dma_wait3A_2581, %dma_wait3A_2582] : memref<2x8x1000000xf32, #tpu.memory_space<hbm>> -> memref<2x8x128xf32, #tpu.memory_space<hbm>>
      %dma_wait3A_2584 = arith.constant 0 : i32
      %dma_wait3A_2585 = arith.constant 0 : i32
      %dma_wait3A_2586 = arith.constant 0 : i32
      %dma_wait3A_2587 = tpu.memref_slice %arg13[%dma_wait3A_2573, %dma_wait3A_2584, %dma_wait3A_2585, %dma_wait3A_2586] : memref<8x2x8x128xf32, #tpu.memory_space<vmem>> -> memref<1x2x8x128xf32, #tpu.memory_space<vmem>>
      %dma_wait3A_2588 = tpu.memref_squeeze %dma_wait3A_2587 : memref<1x2x8x128xf32, #tpu.memory_space<vmem>> -> memref<2x8x128xf32, #tpu.memory_space<vmem>>
      %dma_wait3A_2589 = tpu.memref_reshape %arg5 : memref<16x1000000xf32, #tpu.memory_space<hbm>> -> memref<2x8x1000000xf32, #tpu.memory_space<hbm>>
      %dma_wait3A_2590 = arith.constant 0 : i32
      %dma_wait3A_2591 = arith.constant 0 : i32
      %dma_wait3A_2592 = arith.constant 0 : i32
      %dma_wait3A_2593 = tpu.memref_slice %dma_wait3A_2589[%dma_wait3A_2590, %dma_wait3A_2591, %dma_wait3A_2592] : memref<2x8x1000000xf32, #tpu.memory_space<hbm>> -> memref<2x8x128xf32, #tpu.memory_space<hbm>>
      tpu.wait_dma2 semaphore(%arg16 : memref<!tpu.dma_semaphore, #tpu.memory_space<semaphore_mem>>) src(%dma_wait3A_2593 : memref<2x8x128xf32, #tpu.memory_space<hbm>>) dst(%dma_wait3A_2588 : memref<2x8x128xf32, #tpu.memory_space<vmem>>)
      %dma_wait3A_2594 = arith.constant 4 : i32
      %dma_wait3A_2595 = arith.constant 0 : i32
      %dma_wait3A_2596 = arith.constant 0 : i32
      %dma_wait3A_2597 = arith.constant 0 : i32
      %dma_wait3A_2598 = tpu.memref_slice %arg12[%dma_wait3A_2594, %dma_wait3A_2595, %dma_wait3A_2596, %dma_wait3A_2597] : memref<8x2x8x128xf32, #tpu.memory_space<vmem>> -> memref<1x2x8x128xf32, #tpu.memory_space<vmem>>
      %dma_wait3A_2599 = tpu.memref_squeeze %dma_wait3A_2598 : memref<1x2x8x128xf32, #tpu.memory_space<vmem>> -> memref<2x8x128xf32, #tpu.memory_space<vmem>>
      %dma_wait3A_2600 = tpu.memref_reshape %arg4 : memref<16x1000000xf32, #tpu.memory_space<hbm>> -> memref<2x8x1000000xf32, #tpu.memory_space<hbm>>
      %dma_wait3A_2601 = arith.constant 0 : i32
      %dma_wait3A_2602 = arith.constant 0 : i32
      %dma_wait3A_2603 = arith.constant 0 : i32
      %dma_wait3A_2604 = tpu.memref_slice %dma_wait3A_2600[%dma_wait3A_2601, %dma_wait3A_2602, %dma_wait3A_2603] : memref<2x8x1000000xf32, #tpu.memory_space<hbm>> -> memref<2x8x128xf32, #tpu.memory_space<hbm>>
      %dma_wait3A_2605 = arith.constant 0 : i32
      %dma_wait3A_2606 = arith.constant 0 : i32
      %dma_wait3A_2607 = arith.constant 0 : i32
      %dma_wait3A_2608 = tpu.memref_slice %arg12[%dma_wait3A_2594, %dma_wait3A_2605, %dma_wait3A_2606, %dma_wait3A_2607] : memref<8x2x8x128xf32, #tpu.memory_space<vmem>> -> memref<1x2x8x128xf32, #tpu.memory_space<vmem>>
      %dma_wait3A_2609 = tpu.memref_squeeze %dma_wait3A_2608 : memref<1x2x8x128xf32, #tpu.memory_space<vmem>> -> memref<2x8x128xf32, #tpu.memory_space<vmem>>
      %dma_wait3A_2610 = tpu.memref_reshape %arg4 : memref<16x1000000xf32, #tpu.memory_space<hbm>> -> memref<2x8x1000000xf32, #tpu.memory_space<hbm>>
      %dma_wait3A_2611 = arith.constant 0 : i32
      %dma_wait3A_2612 = arith.constant 0 : i32
      %dma_wait3A_2613 = arith.constant 0 : i32
      %dma_wait3A_2614 = tpu.memref_slice %dma_wait3A_2610[%dma_wait3A_2611, %dma_wait3A_2612, %dma_wait3A_2613] : memref<2x8x1000000xf32, #tpu.memory_space<hbm>> -> memref<2x8x128xf32, #tpu.memory_space<hbm>>
      tpu.wait_dma2 semaphore(%arg16 : memref<!tpu.dma_semaphore, #tpu.memory_space<semaphore_mem>>) src(%dma_wait3A_2614 : memref<2x8x128xf32, #tpu.memory_space<hbm>>) dst(%dma_wait3A_2609 : memref<2x8x128xf32, #tpu.memory_space<vmem>>)
      %dma_wait3A_2615 = arith.constant 4 : i32
      %dma_wait3A_2616 = arith.constant 0 : i32
      %dma_wait3A_2617 = arith.constant 0 : i32
      %dma_wait3A_2618 = arith.constant 0 : i32
      %dma_wait3A_2619 = tpu.memref_slice %arg13[%dma_wait3A_2615, %dma_wait3A_2616, %dma_wait3A_2617, %dma_wait3A_2618] : memref<8x2x8x128xf32, #tpu.memory_space<vmem>> -> memref<1x2x8x128xf32, #tpu.memory_space<vmem>>
      %dma_wait3A_2620 = tpu.memref_squeeze %dma_wait3A_2619 : memref<1x2x8x128xf32, #tpu.memory_space<vmem>> -> memref<2x8x128xf32, #tpu.memory_space<vmem>>
      %dma_wait3A_2621 = tpu.memref_reshape %arg5 : memref<16x1000000xf32, #tpu.memory_space<hbm>> -> memref<2x8x1000000xf32, #tpu.memory_space<hbm>>
      %dma_wait3A_2622 = arith.constant 0 : i32
      %dma_wait3A_2623 = arith.constant 0 : i32
      %dma_wait3A_2624 = arith.constant 0 : i32
      %dma_wait3A_2625 = tpu.memref_slice %dma_wait3A_2621[%dma_wait3A_2622, %dma_wait3A_2623, %dma_wait3A_2624] : memref<2x8x1000000xf32, #tpu.memory_space<hbm>> -> memref<2x8x128xf32, #tpu.memory_space<hbm>>
      %dma_wait3A_2626 = arith.constant 0 : i32
      %dma_wait3A_2627 = arith.constant 0 : i32
      %dma_wait3A_2628 = arith.constant 0 : i32
      %dma_wait3A_2629 = tpu.memref_slice %arg13[%dma_wait3A_2615, %dma_wait3A_2626, %dma_wait3A_2627, %dma_wait3A_2628] : memref<8x2x8x128xf32, #tpu.memory_space<vmem>> -> memref<1x2x8x128xf32, #tpu.memory_space<vmem>>
      %dma_wait3A_2630 = tpu.memref_squeeze %dma_wait3A_2629 : memref<1x2x8x128xf32, #tpu.memory_space<vmem>> -> memref<2x8x128xf32, #tpu.memory_space<vmem>>
      %dma_wait3A_2631 = tpu.memref_reshape %arg5 : memref<16x1000000xf32, #tpu.memory_space<hbm>> -> memref<2x8x1000000xf32, #tpu.memory_space<hbm>>
      %dma_wait3A_2632 = arith.constant 0 : i32
      %dma_wait3A_2633 = arith.constant 0 : i32
      %dma_wait3A_2634 = arith.constant 0 : i32
      %dma_wait3A_2635 = tpu.memref_slice %dma_wait3A_2631[%dma_wait3A_2632, %dma_wait3A_2633, %dma_wait3A_2634] : memref<2x8x1000000xf32, #tpu.memory_space<hbm>> -> memref<2x8x128xf32, #tpu.memory_space<hbm>>
      tpu.wait_dma2 semaphore(%arg16 : memref<!tpu.dma_semaphore, #tpu.memory_space<semaphore_mem>>) src(%dma_wait3A_2635 : memref<2x8x128xf32, #tpu.memory_space<hbm>>) dst(%dma_wait3A_2630 : memref<2x8x128xf32, #tpu.memory_space<vmem>>)
      %dma_wait3A_2636 = arith.constant 5 : i32
      %dma_wait3A_2637 = arith.constant 0 : i32
      %dma_wait3A_2638 = arith.constant 0 : i32
      %dma_wait3A_2639 = arith.constant 0 : i32
      %dma_wait3A_2640 = tpu.memref_slice %arg12[%dma_wait3A_2636, %dma_wait3A_2637, %dma_wait3A_2638, %dma_wait3A_2639] : memref<8x2x8x128xf32, #tpu.memory_space<vmem>> -> memref<1x2x8x128xf32, #tpu.memory_space<vmem>>
      %dma_wait3A_2641 = tpu.memref_squeeze %dma_wait3A_2640 : memref<1x2x8x128xf32, #tpu.memory_space<vmem>> -> memref<2x8x128xf32, #tpu.memory_space<vmem>>
      %dma_wait3A_2642 = tpu.memref_reshape %arg4 : memref<16x1000000xf32, #tpu.memory_space<hbm>> -> memref<2x8x1000000xf32, #tpu.memory_space<hbm>>
      %dma_wait3A_2643 = arith.constant 0 : i32
      %dma_wait3A_2644 = arith.constant 0 : i32
      %dma_wait3A_2645 = arith.constant 0 : i32
      %dma_wait3A_2646 = tpu.memref_slice %dma_wait3A_2642[%dma_wait3A_2643, %dma_wait3A_2644, %dma_wait3A_2645] : memref<2x8x1000000xf32, #tpu.memory_space<hbm>> -> memref<2x8x128xf32, #tpu.memory_space<hbm>>
      %dma_wait3A_2647 = arith.constant 0 : i32
      %dma_wait3A_2648 = arith.constant 0 : i32
      %dma_wait3A_2649 = arith.constant 0 : i32
      %dma_wait3A_2650 = tpu.memref_slice %arg12[%dma_wait3A_2636, %dma_wait3A_2647, %dma_wait3A_2648, %dma_wait3A_2649] : memref<8x2x8x128xf32, #tpu.memory_space<vmem>> -> memref<1x2x8x128xf32, #tpu.memory_space<vmem>>
      %dma_wait3A_2651 = tpu.memref_squeeze %dma_wait3A_2650 : memref<1x2x8x128xf32, #tpu.memory_space<vmem>> -> memref<2x8x128xf32, #tpu.memory_space<vmem>>
      %dma_wait3A_2652 = tpu.memref_reshape %arg4 : memref<16x1000000xf32, #tpu.memory_space<hbm>> -> memref<2x8x1000000xf32, #tpu.memory_space<hbm>>
      %dma_wait3A_2653 = arith.constant 0 : i32
      %dma_wait3A_2654 = arith.constant 0 : i32
      %dma_wait3A_2655 = arith.constant 0 : i32
      %dma_wait3A_2656 = tpu.memref_slice %dma_wait3A_2652[%dma_wait3A_2653, %dma_wait3A_2654, %dma_wait3A_2655] : memref<2x8x1000000xf32, #tpu.memory_space<hbm>> -> memref<2x8x128xf32, #tpu.memory_space<hbm>>
      tpu.wait_dma2 semaphore(%arg16 : memref<!tpu.dma_semaphore, #tpu.memory_space<semaphore_mem>>) src(%dma_wait3A_2656 : memref<2x8x128xf32, #tpu.memory_space<hbm>>) dst(%dma_wait3A_2651 : memref<2x8x128xf32, #tpu.memory_space<vmem>>)
      %dma_wait3A_2657 = arith.constant 5 : i32
      %dma_wait3A_2658 = arith.constant 0 : i32
      %dma_wait3A_2659 = arith.constant 0 : i32
      %dma_wait3A_2660 = arith.constant 0 : i32
      %dma_wait3A_2661 = tpu.memref_slice %arg13[%dma_wait3A_2657, %dma_wait3A_2658, %dma_wait3A_2659, %dma_wait3A_2660] : memref<8x2x8x128xf32, #tpu.memory_space<vmem>> -> memref<1x2x8x128xf32, #tpu.memory_space<vmem>>
      %dma_wait3A_2662 = tpu.memref_squeeze %dma_wait3A_2661 : memref<1x2x8x128xf32, #tpu.memory_space<vmem>> -> memref<2x8x128xf32, #tpu.memory_space<vmem>>
      %dma_wait3A_2663 = tpu.memref_reshape %arg5 : memref<16x1000000xf32, #tpu.memory_space<hbm>> -> memref<2x8x1000000xf32, #tpu.memory_space<hbm>>
      %dma_wait3A_2664 = arith.constant 0 : i32
      %dma_wait3A_2665 = arith.constant 0 : i32
      %dma_wait3A_2666 = arith.constant 0 : i32
      %dma_wait3A_2667 = tpu.memref_slice %dma_wait3A_2663[%dma_wait3A_2664, %dma_wait3A_2665, %dma_wait3A_2666] : memref<2x8x1000000xf32, #tpu.memory_space<hbm>> -> memref<2x8x128xf32, #tpu.memory_space<hbm>>
      %dma_wait3A_2668 = arith.constant 0 : i32
      %dma_wait3A_2669 = arith.constant 0 : i32
      %dma_wait3A_2670 = arith.constant 0 : i32
      %dma_wait3A_2671 = tpu.memref_slice %arg13[%dma_wait3A_2657, %dma_wait3A_2668, %dma_wait3A_2669, %dma_wait3A_2670] : memref<8x2x8x128xf32, #tpu.memory_space<vmem>> -> memref<1x2x8x128xf32, #tpu.memory_space<vmem>>
      %dma_wait3A_2672 = tpu.memref_squeeze %dma_wait3A_2671 : memref<1x2x8x128xf32, #tpu.memory_space<vmem>> -> memref<2x8x128xf32, #tpu.memory_space<vmem>>
      %dma_wait3A_2673 = tpu.memref_reshape %arg5 : memref<16x1000000xf32, #tpu.memory_space<hbm>> -> memref<2x8x1000000xf32, #tpu.memory_space<hbm>>
      %dma_wait3A_2674 = arith.constant 0 : i32
      %dma_wait3A_2675 = arith.constant 0 : i32
      %dma_wait3A_2676 = arith.constant 0 : i32
      %dma_wait3A_2677 = tpu.memref_slice %dma_wait3A_2673[%dma_wait3A_2674, %dma_wait3A_2675, %dma_wait3A_2676] : memref<2x8x1000000xf32, #tpu.memory_space<hbm>> -> memref<2x8x128xf32, #tpu.memory_space<hbm>>
      tpu.wait_dma2 semaphore(%arg16 : memref<!tpu.dma_semaphore, #tpu.memory_space<semaphore_mem>>) src(%dma_wait3A_2677 : memref<2x8x128xf32, #tpu.memory_space<hbm>>) dst(%dma_wait3A_2672 : memref<2x8x128xf32, #tpu.memory_space<vmem>>)
      %dma_wait3A_2678 = arith.constant 6 : i32
      %dma_wait3A_2679 = arith.constant 0 : i32
      %dma_wait3A_2680 = arith.constant 0 : i32
      %dma_wait3A_2681 = arith.constant 0 : i32
      %dma_wait3A_2682 = tpu.memref_slice %arg12[%dma_wait3A_2678, %dma_wait3A_2679, %dma_wait3A_2680, %dma_wait3A_2681] : memref<8x2x8x128xf32, #tpu.memory_space<vmem>> -> memref<1x2x8x128xf32, #tpu.memory_space<vmem>>
      %dma_wait3A_2683 = tpu.memref_squeeze %dma_wait3A_2682 : memref<1x2x8x128xf32, #tpu.memory_space<vmem>> -> memref<2x8x128xf32, #tpu.memory_space<vmem>>
      %dma_wait3A_2684 = tpu.memref_reshape %arg4 : memref<16x1000000xf32, #tpu.memory_space<hbm>> -> memref<2x8x1000000xf32, #tpu.memory_space<hbm>>
      %dma_wait3A_2685 = arith.constant 0 : i32
      %dma_wait3A_2686 = arith.constant 0 : i32
      %dma_wait3A_2687 = arith.constant 0 : i32
      %dma_wait3A_2688 = tpu.memref_slice %dma_wait3A_2684[%dma_wait3A_2685, %dma_wait3A_2686, %dma_wait3A_2687] : memref<2x8x1000000xf32, #tpu.memory_space<hbm>> -> memref<2x8x128xf32, #tpu.memory_space<hbm>>
      %dma_wait3A_2689 = arith.constant 0 : i32
      %dma_wait3A_2690 = arith.constant 0 : i32
      %dma_wait3A_2691 = arith.constant 0 : i32
      %dma_wait3A_2692 = tpu.memref_slice %arg12[%dma_wait3A_2678, %dma_wait3A_2689, %dma_wait3A_2690, %dma_wait3A_2691] : memref<8x2x8x128xf32, #tpu.memory_space<vmem>> -> memref<1x2x8x128xf32, #tpu.memory_space<vmem>>
      %dma_wait3A_2693 = tpu.memref_squeeze %dma_wait3A_2692 : memref<1x2x8x128xf32, #tpu.memory_space<vmem>> -> memref<2x8x128xf32, #tpu.memory_space<vmem>>
      %dma_wait3A_2694 = tpu.memref_reshape %arg4 : memref<16x1000000xf32, #tpu.memory_space<hbm>> -> memref<2x8x1000000xf32, #tpu.memory_space<hbm>>
      %dma_wait3A_2695 = arith.constant 0 : i32
      %dma_wait3A_2696 = arith.constant 0 : i32
      %dma_wait3A_2697 = arith.constant 0 : i32
      %dma_wait3A_2698 = tpu.memref_slice %dma_wait3A_2694[%dma_wait3A_2695, %dma_wait3A_2696, %dma_wait3A_2697] : memref<2x8x1000000xf32, #tpu.memory_space<hbm>> -> memref<2x8x128xf32, #tpu.memory_space<hbm>>
      tpu.wait_dma2 semaphore(%arg16 : memref<!tpu.dma_semaphore, #tpu.memory_space<semaphore_mem>>) src(%dma_wait3A_2698 : memref<2x8x128xf32, #tpu.memory_space<hbm>>) dst(%dma_wait3A_2693 : memref<2x8x128xf32, #tpu.memory_space<vmem>>)
      %dma_wait3A_2699 = arith.constant 6 : i32
      %dma_wait3A_2700 = arith.constant 0 : i32
      %dma_wait3A_2701 = arith.constant 0 : i32
      %dma_wait3A_2702 = arith.constant 0 : i32
      %dma_wait3A_2703 = tpu.memref_slice %arg13[%dma_wait3A_2699, %dma_wait3A_2700, %dma_wait3A_2701, %dma_wait3A_2702] : memref<8x2x8x128xf32, #tpu.memory_space<vmem>> -> memref<1x2x8x128xf32, #tpu.memory_space<vmem>>
      %dma_wait3A_2704 = tpu.memref_squeeze %dma_wait3A_2703 : memref<1x2x8x128xf32, #tpu.memory_space<vmem>> -> memref<2x8x128xf32, #tpu.memory_space<vmem>>
      %dma_wait3A_2705 = tpu.memref_reshape %arg5 : memref<16x1000000xf32, #tpu.memory_space<hbm>> -> memref<2x8x1000000xf32, #tpu.memory_space<hbm>>
      %dma_wait3A_2706 = arith.constant 0 : i32
      %dma_wait3A_2707 = arith.constant 0 : i32
      %dma_wait3A_2708 = arith.constant 0 : i32
      %dma_wait3A_2709 = tpu.memref_slice %dma_wait3A_2705[%dma_wait3A_2706, %dma_wait3A_2707, %dma_wait3A_2708] : memref<2x8x1000000xf32, #tpu.memory_space<hbm>> -> memref<2x8x128xf32, #tpu.memory_space<hbm>>
      %dma_wait3A_2710 = arith.constant 0 : i32
      %dma_wait3A_2711 = arith.constant 0 : i32
      %dma_wait3A_2712 = arith.constant 0 : i32
      %dma_wait3A_2713 = tpu.memref_slice %arg13[%dma_wait3A_2699, %dma_wait3A_2710, %dma_wait3A_2711, %dma_wait3A_2712] : memref<8x2x8x128xf32, #tpu.memory_space<vmem>> -> memref<1x2x8x128xf32, #tpu.memory_space<vmem>>
      %dma_wait3A_2714 = tpu.memref_squeeze %dma_wait3A_2713 : memref<1x2x8x128xf32, #tpu.memory_space<vmem>> -> memref<2x8x128xf32, #tpu.memory_space<vmem>>
      %dma_wait3A_2715 = tpu.memref_reshape %arg5 : memref<16x1000000xf32, #tpu.memory_space<hbm>> -> memref<2x8x1000000xf32, #tpu.memory_space<hbm>>
      %dma_wait3A_2716 = arith.constant 0 : i32
      %dma_wait3A_2717 = arith.constant 0 : i32
      %dma_wait3A_2718 = arith.constant 0 : i32
      %dma_wait3A_2719 = tpu.memref_slice %dma_wait3A_2715[%dma_wait3A_2716, %dma_wait3A_2717, %dma_wait3A_2718] : memref<2x8x1000000xf32, #tpu.memory_space<hbm>> -> memref<2x8x128xf32, #tpu.memory_space<hbm>>
      tpu.wait_dma2 semaphore(%arg16 : memref<!tpu.dma_semaphore, #tpu.memory_space<semaphore_mem>>) src(%dma_wait3A_2719 : memref<2x8x128xf32, #tpu.memory_space<hbm>>) dst(%dma_wait3A_2714 : memref<2x8x128xf32, #tpu.memory_space<vmem>>)
      %dma_wait3A_2720 = arith.constant 7 : i32
      %dma_wait3A_2721 = arith.constant 0 : i32
      %dma_wait3A_2722 = arith.constant 0 : i32
      %dma_wait3A_2723 = arith.constant 0 : i32
      %dma_wait3A_2724 = tpu.memref_slice %arg12[%dma_wait3A_2720, %dma_wait3A_2721, %dma_wait3A_2722, %dma_wait3A_2723] : memref<8x2x8x128xf32, #tpu.memory_space<vmem>> -> memref<1x2x8x128xf32, #tpu.memory_space<vmem>>
      %dma_wait3A_2725 = tpu.memref_squeeze %dma_wait3A_2724 : memref<1x2x8x128xf32, #tpu.memory_space<vmem>> -> memref<2x8x128xf32, #tpu.memory_space<vmem>>
      %dma_wait3A_2726 = tpu.memref_reshape %arg4 : memref<16x1000000xf32, #tpu.memory_space<hbm>> -> memref<2x8x1000000xf32, #tpu.memory_space<hbm>>
      %dma_wait3A_2727 = arith.constant 0 : i32
      %dma_wait3A_2728 = arith.constant 0 : i32
      %dma_wait3A_2729 = arith.constant 0 : i32
      %dma_wait3A_2730 = tpu.memref_slice %dma_wait3A_2726[%dma_wait3A_2727, %dma_wait3A_2728, %dma_wait3A_2729] : memref<2x8x1000000xf32, #tpu.memory_space<hbm>> -> memref<2x8x128xf32, #tpu.memory_space<hbm>>
      %dma_wait3A_2731 = arith.constant 0 : i32
      %dma_wait3A_2732 = arith.constant 0 : i32
      %dma_wait3A_2733 = arith.constant 0 : i32
      %dma_wait3A_2734 = tpu.memref_slice %arg12[%dma_wait3A_2720, %dma_wait3A_2731, %dma_wait3A_2732, %dma_wait3A_2733] : memref<8x2x8x128xf32, #tpu.memory_space<vmem>> -> memref<1x2x8x128xf32, #tpu.memory_space<vmem>>
      %dma_wait3A_2735 = tpu.memref_squeeze %dma_wait3A_2734 : memref<1x2x8x128xf32, #tpu.memory_space<vmem>> -> memref<2x8x128xf32, #tpu.memory_space<vmem>>
      %dma_wait3A_2736 = tpu.memref_reshape %arg4 : memref<16x1000000xf32, #tpu.memory_space<hbm>> -> memref<2x8x1000000xf32, #tpu.memory_space<hbm>>
      %dma_wait3A_2737 = arith.constant 0 : i32
      %dma_wait3A_2738 = arith.constant 0 : i32
      %dma_wait3A_2739 = arith.constant 0 : i32
      %dma_wait3A_2740 = tpu.memref_slice %dma_wait3A_2736[%dma_wait3A_2737, %dma_wait3A_2738, %dma_wait3A_2739] : memref<2x8x1000000xf32, #tpu.memory_space<hbm>> -> memref<2x8x128xf32, #tpu.memory_space<hbm>>
      tpu.wait_dma2 semaphore(%arg16 : memref<!tpu.dma_semaphore, #tpu.memory_space<semaphore_mem>>) src(%dma_wait3A_2740 : memref<2x8x128xf32, #tpu.memory_space<hbm>>) dst(%dma_wait3A_2735 : memref<2x8x128xf32, #tpu.memory_space<vmem>>)
      %dma_wait3A_2741 = arith.constant 7 : i32
      %dma_wait3A_2742 = arith.constant 0 : i32
      %dma_wait3A_2743 = arith.constant 0 : i32
      %dma_wait3A_2744 = arith.constant 0 : i32
      %dma_wait3A_2745 = tpu.memref_slice %arg13[%dma_wait3A_2741, %dma_wait3A_2742, %dma_wait3A_2743, %dma_wait3A_2744] : memref<8x2x8x128xf32, #tpu.memory_space<vmem>> -> memref<1x2x8x128xf32, #tpu.memory_space<vmem>>
      %dma_wait3A_2746 = tpu.memref_squeeze %dma_wait3A_2745 : memref<1x2x8x128xf32, #tpu.memory_space<vmem>> -> memref<2x8x128xf32, #tpu.memory_space<vmem>>
      %dma_wait3A_2747 = tpu.memref_reshape %arg5 : memref<16x1000000xf32, #tpu.memory_space<hbm>> -> memref<2x8x1000000xf32, #tpu.memory_space<hbm>>
      %dma_wait3A_2748 = arith.constant 0 : i32
      %dma_wait3A_2749 = arith.constant 0 : i32
      %dma_wait3A_2750 = arith.constant 0 : i32
      %dma_wait3A_2751 = tpu.memref_slice %dma_wait3A_2747[%dma_wait3A_2748, %dma_wait3A_2749, %dma_wait3A_2750] : memref<2x8x1000000xf32, #tpu.memory_space<hbm>> -> memref<2x8x128xf32, #tpu.memory_space<hbm>>
      %dma_wait3A_2752 = arith.constant 0 : i32
      %dma_wait3A_2753 = arith.constant 0 : i32
      %dma_wait3A_2754 = arith.constant 0 : i32
      %dma_wait3A_2755 = tpu.memref_slice %arg13[%dma_wait3A_2741, %dma_wait3A_2752, %dma_wait3A_2753, %dma_wait3A_2754] : memref<8x2x8x128xf32, #tpu.memory_space<vmem>> -> memref<1x2x8x128xf32, #tpu.memory_space<vmem>>
      %dma_wait3A_2756 = tpu.memref_squeeze %dma_wait3A_2755 : memref<1x2x8x128xf32, #tpu.memory_space<vmem>> -> memref<2x8x128xf32, #tpu.memory_space<vmem>>
      %dma_wait3A_2757 = tpu.memref_reshape %arg5 : memref<16x1000000xf32, #tpu.memory_space<hbm>> -> memref<2x8x1000000xf32, #tpu.memory_space<hbm>>
      %dma_wait3A_2758 = arith.constant 0 : i32
      %dma_wait3A_2759 = arith.constant 0 : i32
      %dma_wait3A_2760 = arith.constant 0 : i32
      %dma_wait3A_2761 = tpu.memref_slice %dma_wait3A_2757[%dma_wait3A_2758, %dma_wait3A_2759, %dma_wait3A_2760] : memref<2x8x1000000xf32, #tpu.memory_space<hbm>> -> memref<2x8x128xf32, #tpu.memory_space<hbm>>
      tpu.wait_dma2 semaphore(%arg16 : memref<!tpu.dma_semaphore, #tpu.memory_space<semaphore_mem>>) src(%dma_wait3A_2761 : memref<2x8x128xf32, #tpu.memory_space<hbm>>) dst(%dma_wait3A_2756 : memref<2x8x128xf32, #tpu.memory_space<vmem>>)
      %mul3A_2762 = arith.constant 8 : i32
      %mul3A_2763 = arith.muli %add3A_1486, %mul3A_2762 : i32
      %multiple_of3A_2764 = tpu.assume_multiple %mul3A_2763, 8 : i32
      %get3A_2765 = arith.index_cast %multiple_of3A_2764 : i32 to index
      %get3A_2766 = tpu.vector_load %arg8[%get3A_2765] {strides = array<i32>} : memref<528xi32, #tpu.memory_space<vmem>>, vector<16xi32>,
      %and3A_2767 = arith.constant 127 : i32
      %and3A_2768 = vector.broadcast %and3A_2767 : i32 to vector<16xi32>
      %and3A_2769 = arith.andi %get3A_2766, %and3A_2768 : vector<16xi32>
      %get3A_2770 = arith.index_cast %multiple_of3A_2764 : i32 to index
      %get3A_2771 = tpu.vector_load %arg9[%get3A_2770] {strides = array<i32>} : memref<528xi32, #tpu.memory_space<vmem>>, vector<16xi32>,
      %and3A_2772 = arith.constant 127 : i32
      %and3A_2773 = vector.broadcast %and3A_2772 : i32 to vector<16xi32>
      %and3A_2774 = arith.andi %get3A_2771, %and3A_2773 : vector<16xi32>
      %add3A_2775 = arith.constant 0 : i32
      %add3A_2776 = vector.broadcast %add3A_2775 : i32 to vector<16xi32>
      %add3A_2777 = arith.addi %mul3A_8, %add3A_2776 : vector<16xi32>
      %gather3A_2778 = tpu.memref_reshape %arg12 : memref<8x2x8x128xf32, #tpu.memory_space<vmem>> -> memref<128x128xf32, #tpu.memory_space<vmem>>
      %gather3A_2779 = tpu.vector_load_idx %gather3A_2778[%add3A_2777, %and3A_2769] : memref<128x128xf32, #tpu.memory_space<vmem>>[vector<16xi32>, vector<16xi32>], vector<16xf32>,
      %add3A_2780 = arith.constant 0 : i32
      %add3A_2781 = vector.broadcast %add3A_2780 : i32 to vector<16xi32>
      %add3A_2782 = arith.addi %mul3A_8, %add3A_2781 : vector<16xi32>
      %gather3A_2783 = tpu.memref_reshape %arg13 : memref<8x2x8x128xf32, #tpu.memory_space<vmem>> -> memref<128x128xf32, #tpu.memory_space<vmem>>
      %gather3A_2784 = tpu.vector_load_idx %gather3A_2783[%add3A_2782, %and3A_2774] : memref<128x128xf32, #tpu.memory_space<vmem>>[vector<16xi32>, vector<16xi32>], vector<16xf32>,
      %mul3A_2785 = arith.mulf %gather3A_2779, %gather3A_2784 : vector<16xf32>
      %mul3A_2786 = arith.mulf %mul3A_2785, %gather3A_10 : vector<16xf32>
      %add3A_2787 = arith.constant 1 : i32
      %add3A_2788 = vector.broadcast %add3A_2787 : i32 to vector<16xi32>
      %add3A_2789 = arith.addi %mul3A_8, %add3A_2788 : vector<16xi32>
      %gather3A_2790 = tpu.memref_reshape %arg12 : memref<8x2x8x128xf32, #tpu.memory_space<vmem>> -> memref<128x128xf32, #tpu.memory_space<vmem>>
      %gather3A_2791 = tpu.vector_load_idx %gather3A_2790[%add3A_2789, %and3A_2769] : memref<128x128xf32, #tpu.memory_space<vmem>>[vector<16xi32>, vector<16xi32>], vector<16xf32>,
      %add3A_2792 = arith.constant 1 : i32
      %add3A_2793 = vector.broadcast %add3A_2792 : i32 to vector<16xi32>
      %add3A_2794 = arith.addi %mul3A_8, %add3A_2793 : vector<16xi32>
      %gather3A_2795 = tpu.memref_reshape %arg13 : memref<8x2x8x128xf32, #tpu.memory_space<vmem>> -> memref<128x128xf32, #tpu.memory_space<vmem>>
      %gather3A_2796 = tpu.vector_load_idx %gather3A_2795[%add3A_2794, %and3A_2774] : memref<128x128xf32, #tpu.memory_space<vmem>>[vector<16xi32>, vector<16xi32>], vector<16xf32>,
      %mul3A_2797 = arith.mulf %gather3A_2791, %gather3A_2796 : vector<16xf32>
      %mul3A_2798 = arith.mulf %mul3A_2797, %gather3A_14 : vector<16xf32>
      %add3A_2799 = arith.addf %mul3A_2786, %mul3A_2798 : vector<16xf32>
      %add3A_2800 = arith.constant 2 : i32
      %add3A_2801 = vector.broadcast %add3A_2800 : i32 to vector<16xi32>
      %add3A_2802 = arith.addi %mul3A_8, %add3A_2801 : vector<16xi32>
      %gather3A_2803 = tpu.memref_reshape %arg12 : memref<8x2x8x128xf32, #tpu.memory_space<vmem>> -> memref<128x128xf32, #tpu.memory_space<vmem>>
      %gather3A_2804 = tpu.vector_load_idx %gather3A_2803[%add3A_2802, %and3A_2769] : memref<128x128xf32, #tpu.memory_space<vmem>>[vector<16xi32>, vector<16xi32>], vector<16xf32>,
      %add3A_2805 = arith.constant 2 : i32
      %add3A_2806 = vector.broadcast %add3A_2805 : i32 to vector<16xi32>
      %add3A_2807 = arith.addi %mul3A_8, %add3A_2806 : vector<16xi32>
      %gather3A_2808 = tpu.memref_reshape %arg13 : memref<8x2x8x128xf32, #tpu.memory_space<vmem>> -> memref<128x128xf32, #tpu.memory_space<vmem>>
      %gather3A_2809 = tpu.vector_load_idx %gather3A_2808[%add3A_2807, %and3A_2774] : memref<128x128xf32, #tpu.memory_space<vmem>>[vector<16xi32>, vector<16xi32>], vector<16xf32>,
      %mul3A_2810 = arith.mulf %gather3A_2804, %gather3A_2809 : vector<16xf32>
      %mul3A_2811 = arith.mulf %mul3A_2810, %gather3A_18 : vector<16xf32>
      %add3A_2812 = arith.addf %add3A_2799, %mul3A_2811 : vector<16xf32>
      %add3A_2813 = arith.constant 3 : i32
      %add3A_2814 = vector.broadcast %add3A_2813 : i32 to vector<16xi32>
      %add3A_2815 = arith.addi %mul3A_8, %add3A_2814 : vector<16xi32>
      %gather3A_2816 = tpu.memref_reshape %arg12 : memref<8x2x8x128xf32, #tpu.memory_space<vmem>> -> memref<128x128xf32, #tpu.memory_space<vmem>>
      %gather3A_2817 = tpu.vector_load_idx %gather3A_2816[%add3A_2815, %and3A_2769] : memref<128x128xf32, #tpu.memory_space<vmem>>[vector<16xi32>, vector<16xi32>], vector<16xf32>,
      %add3A_2818 = arith.constant 3 : i32
      %add3A_2819 = vector.broadcast %add3A_2818 : i32 to vector<16xi32>
      %add3A_2820 = arith.addi %mul3A_8, %add3A_2819 : vector<16xi32>
      %gather3A_2821 = tpu.memref_reshape %arg13 : memref<8x2x8x128xf32, #tpu.memory_space<vmem>> -> memref<128x128xf32, #tpu.memory_space<vmem>>
      %gather3A_2822 = tpu.vector_load_idx %gather3A_2821[%add3A_2820, %and3A_2774] : memref<128x128xf32, #tpu.memory_space<vmem>>[vector<16xi32>, vector<16xi32>], vector<16xf32>,
      %mul3A_2823 = arith.mulf %gather3A_2817, %gather3A_2822 : vector<16xf32>
      %mul3A_2824 = arith.mulf %mul3A_2823, %gather3A_22 : vector<16xf32>
      %add3A_2825 = arith.addf %add3A_2812, %mul3A_2824 : vector<16xf32>
      %add3A_2826 = arith.constant 4 : i32
      %add3A_2827 = vector.broadcast %add3A_2826 : i32 to vector<16xi32>
      %add3A_2828 = arith.addi %mul3A_8, %add3A_2827 : vector<16xi32>
      %gather3A_2829 = tpu.memref_reshape %arg12 : memref<8x2x8x128xf32, #tpu.memory_space<vmem>> -> memref<128x128xf32, #tpu.memory_space<vmem>>
      %gather3A_2830 = tpu.vector_load_idx %gather3A_2829[%add3A_2828, %and3A_2769] : memref<128x128xf32, #tpu.memory_space<vmem>>[vector<16xi32>, vector<16xi32>], vector<16xf32>,
      %add3A_2831 = arith.constant 4 : i32
      %add3A_2832 = vector.broadcast %add3A_2831 : i32 to vector<16xi32>
      %add3A_2833 = arith.addi %mul3A_8, %add3A_2832 : vector<16xi32>
      %gather3A_2834 = tpu.memref_reshape %arg13 : memref<8x2x8x128xf32, #tpu.memory_space<vmem>> -> memref<128x128xf32, #tpu.memory_space<vmem>>
      %gather3A_2835 = tpu.vector_load_idx %gather3A_2834[%add3A_2833, %and3A_2774] : memref<128x128xf32, #tpu.memory_space<vmem>>[vector<16xi32>, vector<16xi32>], vector<16xf32>,
      %mul3A_2836 = arith.mulf %gather3A_2830, %gather3A_2835 : vector<16xf32>
      %mul3A_2837 = arith.mulf %mul3A_2836, %gather3A_26 : vector<16xf32>
      %add3A_2838 = arith.addf %add3A_2825, %mul3A_2837 : vector<16xf32>
      %add3A_2839 = arith.constant 5 : i32
      %add3A_2840 = vector.broadcast %add3A_2839 : i32 to vector<16xi32>
      %add3A_2841 = arith.addi %mul3A_8, %add3A_2840 : vector<16xi32>
      %gather3A_2842 = tpu.memref_reshape %arg12 : memref<8x2x8x128xf32, #tpu.memory_space<vmem>> -> memref<128x128xf32, #tpu.memory_space<vmem>>
      %gather3A_2843 = tpu.vector_load_idx %gather3A_2842[%add3A_2841, %and3A_2769] : memref<128x128xf32, #tpu.memory_space<vmem>>[vector<16xi32>, vector<16xi32>], vector<16xf32>,
      %add3A_2844 = arith.constant 5 : i32
      %add3A_2845 = vector.broadcast %add3A_2844 : i32 to vector<16xi32>
      %add3A_2846 = arith.addi %mul3A_8, %add3A_2845 : vector<16xi32>
      %gather3A_2847 = tpu.memref_reshape %arg13 : memref<8x2x8x128xf32, #tpu.memory_space<vmem>> -> memref<128x128xf32, #tpu.memory_space<vmem>>
      %gather3A_2848 = tpu.vector_load_idx %gather3A_2847[%add3A_2846, %and3A_2774] : memref<128x128xf32, #tpu.memory_space<vmem>>[vector<16xi32>, vector<16xi32>], vector<16xf32>,
      %mul3A_2849 = arith.mulf %gather3A_2843, %gather3A_2848 : vector<16xf32>
      %mul3A_2850 = arith.mulf %mul3A_2849, %gather3A_30 : vector<16xf32>
      %add3A_2851 = arith.addf %add3A_2838, %mul3A_2850 : vector<16xf32>
      %add3A_2852 = arith.constant 6 : i32
      %add3A_2853 = vector.broadcast %add3A_2852 : i32 to vector<16xi32>
      %add3A_2854 = arith.addi %mul3A_8, %add3A_2853 : vector<16xi32>
      %gather3A_2855 = tpu.memref_reshape %arg12 : memref<8x2x8x128xf32, #tpu.memory_space<vmem>> -> memref<128x128xf32, #tpu.memory_space<vmem>>
      %gather3A_2856 = tpu.vector_load_idx %gather3A_2855[%add3A_2854, %and3A_2769] : memref<128x128xf32, #tpu.memory_space<vmem>>[vector<16xi32>, vector<16xi32>], vector<16xf32>,
      %add3A_2857 = arith.constant 6 : i32
      %add3A_2858 = vector.broadcast %add3A_2857 : i32 to vector<16xi32>
      %add3A_2859 = arith.addi %mul3A_8, %add3A_2858 : vector<16xi32>
      %gather3A_2860 = tpu.memref_reshape %arg13 : memref<8x2x8x128xf32, #tpu.memory_space<vmem>> -> memref<128x128xf32, #tpu.memory_space<vmem>>
      %gather3A_2861 = tpu.vector_load_idx %gather3A_2860[%add3A_2859, %and3A_2774] : memref<128x128xf32, #tpu.memory_space<vmem>>[vector<16xi32>, vector<16xi32>], vector<16xf32>,
      %mul3A_2862 = arith.mulf %gather3A_2856, %gather3A_2861 : vector<16xf32>
      %mul3A_2863 = arith.mulf %mul3A_2862, %gather3A_34 : vector<16xf32>
      %add3A_2864 = arith.addf %add3A_2851, %mul3A_2863 : vector<16xf32>
      %add3A_2865 = arith.constant 7 : i32
      %add3A_2866 = vector.broadcast %add3A_2865 : i32 to vector<16xi32>
      %add3A_2867 = arith.addi %mul3A_8, %add3A_2866 : vector<16xi32>
      %gather3A_2868 = tpu.memref_reshape %arg12 : memref<8x2x8x128xf32, #tpu.memory_space<vmem>> -> memref<128x128xf32, #tpu.memory_space<vmem>>
      %gather3A_2869 = tpu.vector_load_idx %gather3A_2868[%add3A_2867, %and3A_2769] : memref<128x128xf32, #tpu.memory_space<vmem>>[vector<16xi32>, vector<16xi32>], vector<16xf32>,
      %add3A_2870 = arith.constant 7 : i32
      %add3A_2871 = vector.broadcast %add3A_2870 : i32 to vector<16xi32>
      %add3A_2872 = arith.addi %mul3A_8, %add3A_2871 : vector<16xi32>
      %gather3A_2873 = tpu.memref_reshape %arg13 : memref<8x2x8x128xf32, #tpu.memory_space<vmem>> -> memref<128x128xf32, #tpu.memory_space<vmem>>
      %gather3A_2874 = tpu.vector_load_idx %gather3A_2873[%add3A_2872, %and3A_2774] : memref<128x128xf32, #tpu.memory_space<vmem>>[vector<16xi32>, vector<16xi32>], vector<16xf32>,
      %mul3A_2875 = arith.mulf %gather3A_2869, %gather3A_2874 : vector<16xf32>
      %mul3A_2876 = arith.mulf %mul3A_2875, %gather3A_38 : vector<16xf32>
      %add3A_2877 = arith.addf %add3A_2864, %mul3A_2876 : vector<16xf32>
      %add3A_2878 = arith.constant 8 : i32
      %add3A_2879 = vector.broadcast %add3A_2878 : i32 to vector<16xi32>
      %add3A_2880 = arith.addi %mul3A_8, %add3A_2879 : vector<16xi32>
      %gather3A_2881 = tpu.memref_reshape %arg12 : memref<8x2x8x128xf32, #tpu.memory_space<vmem>> -> memref<128x128xf32, #tpu.memory_space<vmem>>
      %gather3A_2882 = tpu.vector_load_idx %gather3A_2881[%add3A_2880, %and3A_2769] : memref<128x128xf32, #tpu.memory_space<vmem>>[vector<16xi32>, vector<16xi32>], vector<16xf32>,
      %add3A_2883 = arith.constant 8 : i32
      %add3A_2884 = vector.broadcast %add3A_2883 : i32 to vector<16xi32>
      %add3A_2885 = arith.addi %mul3A_8, %add3A_2884 : vector<16xi32>
      %gather3A_2886 = tpu.memref_reshape %arg13 : memref<8x2x8x128xf32, #tpu.memory_space<vmem>> -> memref<128x128xf32, #tpu.memory_space<vmem>>
      %gather3A_2887 = tpu.vector_load_idx %gather3A_2886[%add3A_2885, %and3A_2774] : memref<128x128xf32, #tpu.memory_space<vmem>>[vector<16xi32>, vector<16xi32>], vector<16xf32>,
      %mul3A_2888 = arith.mulf %gather3A_2882, %gather3A_2887 : vector<16xf32>
      %mul3A_2889 = arith.mulf %mul3A_2888, %gather3A_42 : vector<16xf32>
      %add3A_2890 = arith.addf %add3A_2877, %mul3A_2889 : vector<16xf32>
      %add3A_2891 = arith.constant 9 : i32
      %add3A_2892 = vector.broadcast %add3A_2891 : i32 to vector<16xi32>
      %add3A_2893 = arith.addi %mul3A_8, %add3A_2892 : vector<16xi32>
      %gather3A_2894 = tpu.memref_reshape %arg12 : memref<8x2x8x128xf32, #tpu.memory_space<vmem>> -> memref<128x128xf32, #tpu.memory_space<vmem>>
      %gather3A_2895 = tpu.vector_load_idx %gather3A_2894[%add3A_2893, %and3A_2769] : memref<128x128xf32, #tpu.memory_space<vmem>>[vector<16xi32>, vector<16xi32>], vector<16xf32>,
      %add3A_2896 = arith.constant 9 : i32
      %add3A_2897 = vector.broadcast %add3A_2896 : i32 to vector<16xi32>
      %add3A_2898 = arith.addi %mul3A_8, %add3A_2897 : vector<16xi32>
      %gather3A_2899 = tpu.memref_reshape %arg13 : memref<8x2x8x128xf32, #tpu.memory_space<vmem>> -> memref<128x128xf32, #tpu.memory_space<vmem>>
      %gather3A_2900 = tpu.vector_load_idx %gather3A_2899[%add3A_2898, %and3A_2774] : memref<128x128xf32, #tpu.memory_space<vmem>>[vector<16xi32>, vector<16xi32>], vector<16xf32>,
      %mul3A_2901 = arith.mulf %gather3A_2895, %gather3A_2900 : vector<16xf32>
      %mul3A_2902 = arith.mulf %mul3A_2901, %gather3A_46 : vector<16xf32>
      %add3A_2903 = arith.addf %add3A_2890, %mul3A_2902 : vector<16xf32>
      %add3A_2904 = arith.constant 10 : i32
      %add3A_2905 = vector.broadcast %add3A_2904 : i32 to vector<16xi32>
      %add3A_2906 = arith.addi %mul3A_8, %add3A_2905 : vector<16xi32>
      %gather3A_2907 = tpu.memref_reshape %arg12 : memref<8x2x8x128xf32, #tpu.memory_space<vmem>> -> memref<128x128xf32, #tpu.memory_space<vmem>>
      %gather3A_2908 = tpu.vector_load_idx %gather3A_2907[%add3A_2906, %and3A_2769] : memref<128x128xf32, #tpu.memory_space<vmem>>[vector<16xi32>, vector<16xi32>], vector<16xf32>,
      %add3A_2909 = arith.constant 10 : i32
      %add3A_2910 = vector.broadcast %add3A_2909 : i32 to vector<16xi32>
      %add3A_2911 = arith.addi %mul3A_8, %add3A_2910 : vector<16xi32>
      %gather3A_2912 = tpu.memref_reshape %arg13 : memref<8x2x8x128xf32, #tpu.memory_space<vmem>> -> memref<128x128xf32, #tpu.memory_space<vmem>>
      %gather3A_2913 = tpu.vector_load_idx %gather3A_2912[%add3A_2911, %and3A_2774] : memref<128x128xf32, #tpu.memory_space<vmem>>[vector<16xi32>, vector<16xi32>], vector<16xf32>,
      %mul3A_2914 = arith.mulf %gather3A_2908, %gather3A_2913 : vector<16xf32>
      %mul3A_2915 = arith.mulf %mul3A_2914, %gather3A_50 : vector<16xf32>
      %add3A_2916 = arith.addf %add3A_2903, %mul3A_2915 : vector<16xf32>
      %add3A_2917 = arith.constant 11 : i32
      %add3A_2918 = vector.broadcast %add3A_2917 : i32 to vector<16xi32>
      %add3A_2919 = arith.addi %mul3A_8, %add3A_2918 : vector<16xi32>
      %gather3A_2920 = tpu.memref_reshape %arg12 : memref<8x2x8x128xf32, #tpu.memory_space<vmem>> -> memref<128x128xf32, #tpu.memory_space<vmem>>
      %gather3A_2921 = tpu.vector_load_idx %gather3A_2920[%add3A_2919, %and3A_2769] : memref<128x128xf32, #tpu.memory_space<vmem>>[vector<16xi32>, vector<16xi32>], vector<16xf32>,
      %add3A_2922 = arith.constant 11 : i32
      %add3A_2923 = vector.broadcast %add3A_2922 : i32 to vector<16xi32>
      %add3A_2924 = arith.addi %mul3A_8, %add3A_2923 : vector<16xi32>
      %gather3A_2925 = tpu.memref_reshape %arg13 : memref<8x2x8x128xf32, #tpu.memory_space<vmem>> -> memref<128x128xf32, #tpu.memory_space<vmem>>
      %gather3A_2926 = tpu.vector_load_idx %gather3A_2925[%add3A_2924, %and3A_2774] : memref<128x128xf32, #tpu.memory_space<vmem>>[vector<16xi32>, vector<16xi32>], vector<16xf32>,
      %mul3A_2927 = arith.mulf %gather3A_2921, %gather3A_2926 : vector<16xf32>
      %mul3A_2928 = arith.mulf %mul3A_2927, %gather3A_54 : vector<16xf32>
      %add3A_2929 = arith.addf %add3A_2916, %mul3A_2928 : vector<16xf32>
      %add3A_2930 = arith.constant 12 : i32
      %add3A_2931 = vector.broadcast %add3A_2930 : i32 to vector<16xi32>
      %add3A_2932 = arith.addi %mul3A_8, %add3A_2931 : vector<16xi32>
      %gather3A_2933 = tpu.memref_reshape %arg12 : memref<8x2x8x128xf32, #tpu.memory_space<vmem>> -> memref<128x128xf32, #tpu.memory_space<vmem>>
      %gather3A_2934 = tpu.vector_load_idx %gather3A_2933[%add3A_2932, %and3A_2769] : memref<128x128xf32, #tpu.memory_space<vmem>>[vector<16xi32>, vector<16xi32>], vector<16xf32>,
      %add3A_2935 = arith.constant 12 : i32
      %add3A_2936 = vector.broadcast %add3A_2935 : i32 to vector<16xi32>
      %add3A_2937 = arith.addi %mul3A_8, %add3A_2936 : vector<16xi32>
      %gather3A_2938 = tpu.memref_reshape %arg13 : memref<8x2x8x128xf32, #tpu.memory_space<vmem>> -> memref<128x128xf32, #tpu.memory_space<vmem>>
      %gather3A_2939 = tpu.vector_load_idx %gather3A_2938[%add3A_2937, %and3A_2774] : memref<128x128xf32, #tpu.memory_space<vmem>>[vector<16xi32>, vector<16xi32>], vector<16xf32>,
      %mul3A_2940 = arith.mulf %gather3A_2934, %gather3A_2939 : vector<16xf32>
      %mul3A_2941 = arith.mulf %mul3A_2940, %gather3A_58 : vector<16xf32>
      %add3A_2942 = arith.addf %add3A_2929, %mul3A_2941 : vector<16xf32>
      %add3A_2943 = arith.constant 13 : i32
      %add3A_2944 = vector.broadcast %add3A_2943 : i32 to vector<16xi32>
      %add3A_2945 = arith.addi %mul3A_8, %add3A_2944 : vector<16xi32>
      %gather3A_2946 = tpu.memref_reshape %arg12 : memref<8x2x8x128xf32, #tpu.memory_space<vmem>> -> memref<128x128xf32, #tpu.memory_space<vmem>>
      %gather3A_2947 = tpu.vector_load_idx %gather3A_2946[%add3A_2945, %and3A_2769] : memref<128x128xf32, #tpu.memory_space<vmem>>[vector<16xi32>, vector<16xi32>], vector<16xf32>,
      %add3A_2948 = arith.constant 13 : i32
      %add3A_2949 = vector.broadcast %add3A_2948 : i32 to vector<16xi32>
      %add3A_2950 = arith.addi %mul3A_8, %add3A_2949 : vector<16xi32>
      %gather3A_2951 = tpu.memref_reshape %arg13 : memref<8x2x8x128xf32, #tpu.memory_space<vmem>> -> memref<128x128xf32, #tpu.memory_space<vmem>>
      %gather3A_2952 = tpu.vector_load_idx %gather3A_2951[%add3A_2950, %and3A_2774] : memref<128x128xf32, #tpu.memory_space<vmem>>[vector<16xi32>, vector<16xi32>], vector<16xf32>,
      %mul3A_2953 = arith.mulf %gather3A_2947, %gather3A_2952 : vector<16xf32>
      %mul3A_2954 = arith.mulf %mul3A_2953, %gather3A_62 : vector<16xf32>
      %add3A_2955 = arith.addf %add3A_2942, %mul3A_2954 : vector<16xf32>
      %add3A_2956 = arith.constant 14 : i32
      %add3A_2957 = vector.broadcast %add3A_2956 : i32 to vector<16xi32>
      %add3A_2958 = arith.addi %mul3A_8, %add3A_2957 : vector<16xi32>
      %gather3A_2959 = tpu.memref_reshape %arg12 : memref<8x2x8x128xf32, #tpu.memory_space<vmem>> -> memref<128x128xf32, #tpu.memory_space<vmem>>
      %gather3A_2960 = tpu.vector_load_idx %gather3A_2959[%add3A_2958, %and3A_2769] : memref<128x128xf32, #tpu.memory_space<vmem>>[vector<16xi32>, vector<16xi32>], vector<16xf32>,
      %add3A_2961 = arith.constant 14 : i32
      %add3A_2962 = vector.broadcast %add3A_2961 : i32 to vector<16xi32>
      %add3A_2963 = arith.addi %mul3A_8, %add3A_2962 : vector<16xi32>
      %gather3A_2964 = tpu.memref_reshape %arg13 : memref<8x2x8x128xf32, #tpu.memory_space<vmem>> -> memref<128x128xf32, #tpu.memory_space<vmem>>
      %gather3A_2965 = tpu.vector_load_idx %gather3A_2964[%add3A_2963, %and3A_2774] : memref<128x128xf32, #tpu.memory_space<vmem>>[vector<16xi32>, vector<16xi32>], vector<16xf32>,
      %mul3A_2966 = arith.mulf %gather3A_2960, %gather3A_2965 : vector<16xf32>
      %mul3A_2967 = arith.mulf %mul3A_2966, %gather3A_66 : vector<16xf32>
      %add3A_2968 = arith.addf %add3A_2955, %mul3A_2967 : vector<16xf32>
      %add3A_2969 = arith.constant 15 : i32
      %add3A_2970 = vector.broadcast %add3A_2969 : i32 to vector<16xi32>
      %add3A_2971 = arith.addi %mul3A_8, %add3A_2970 : vector<16xi32>
      %gather3A_2972 = tpu.memref_reshape %arg12 : memref<8x2x8x128xf32, #tpu.memory_space<vmem>> -> memref<128x128xf32, #tpu.memory_space<vmem>>
      %gather3A_2973 = tpu.vector_load_idx %gather3A_2972[%add3A_2971, %and3A_2769] : memref<128x128xf32, #tpu.memory_space<vmem>>[vector<16xi32>, vector<16xi32>], vector<16xf32>,
      %add3A_2974 = arith.constant 15 : i32
      %add3A_2975 = vector.broadcast %add3A_2974 : i32 to vector<16xi32>
      %add3A_2976 = arith.addi %mul3A_8, %add3A_2975 : vector<16xi32>
      %gather3A_2977 = tpu.memref_reshape %arg13 : memref<8x2x8x128xf32, #tpu.memory_space<vmem>> -> memref<128x128xf32, #tpu.memory_space<vmem>>
      %gather3A_2978 = tpu.vector_load_idx %gather3A_2977[%add3A_2976, %and3A_2774] : memref<128x128xf32, #tpu.memory_space<vmem>>[vector<16xi32>, vector<16xi32>], vector<16xf32>,
      %mul3A_2979 = arith.mulf %gather3A_2973, %gather3A_2978 : vector<16xf32>
      %mul3A_2980 = arith.mulf %mul3A_2979, %gather3A_70 : vector<16xf32>
      %add3A_2981 = arith.addf %add3A_2968, %mul3A_2980 : vector<16xf32>
      %neg3A_2982 = arith.constant 0.000000e+00 : f32
      %neg3A_2983 = vector.broadcast %neg3A_2982 : f32 to vector<16xf32>
      %neg3A_2984 = arith.subf %neg3A_2983, %add3A_2981 : vector<16xf32>
      %exp3A_2985 = math.exp %neg3A_2984 : vector<16xf32>
      %add3A_2986 = arith.constant 1.000000e+00 : f32
      %add3A_2987 = vector.broadcast %add3A_2986 : f32 to vector<16xf32>
      %add3A_2988 = arith.addf %add3A_2987, %exp3A_2985 : vector<16xf32>
      %div3A_2989 = arith.constant 1.000000e+00 : f32
      %div3A_2990 = vector.broadcast %div3A_2989 : f32 to vector<16xf32>
      %div3A_2991 = arith.divf %div3A_2990, %add3A_2988 : vector<16xf32>
      %swap3A_2992 = arith.index_cast %multiple_of3A_2764 : i32 to index
      %swap3A_2993 = tpu.vector_load %arg14[%swap3A_2992] {strides = array<i32>} : memref<528xf32, #tpu.memory_space<vmem>>, vector<16xf32>,
      tpu.vector_store %arg14[%swap3A_2992], %div3A_2991 {strides = array<i32>} : memref<528xf32, #tpu.memory_space<vmem>>, vector<16xf32>,
      %add3A_2994 = arith.constant 2 : i32
      %add3A_2995 = arith.addi %add3A_1486, %add3A_2994 : i32
      %and3A_2996 = arith.constant 63 : i32
      %and3A_2997 = arith.andi %add3A_2995, %and3A_2996 : i32
      %mul3A_2998 = arith.constant 8 : i32
      %mul3A_2999 = arith.muli %and3A_2997, %mul3A_2998 : i32
      %multiple_of3A_3000 = tpu.assume_multiple %mul3A_2999, 8 : i32
      %get3A_3001 = arith.index_cast %multiple_of3A_3000 : i32 to index
      %get3A_3002 = tpu.vector_load %arg8[%get3A_3001] {strides = array<i32>} : memref<528xi32, #tpu.memory_space<vmem>>, vector<16xi32>,
      %shift_right_arithmetic3A_3003 = arith.constant 7 : i32
      %shift_right_arithmetic3A_3004 = vector.broadcast %shift_right_arithmetic3A_3003 : i32 to vector<16xi32>
      %shift_right_arithmetic3A_3005 = arith.shrsi %get3A_3002, %shift_right_arithmetic3A_3004 : vector<16xi32>
      %shift_left3A_3006 = arith.constant 7 : i32
      %shift_left3A_3007 = vector.broadcast %shift_left3A_3006 : i32 to vector<16xi32>
      %shift_left3A_3008 = arith.shli %shift_right_arithmetic3A_3005, %shift_left3A_3007 : vector<16xi32>
      %get3A_3009 = arith.index_cast %multiple_of3A_3000 : i32 to index
      %get3A_3010 = tpu.vector_load %arg9[%get3A_3009] {strides = array<i32>} : memref<528xi32, #tpu.memory_space<vmem>>, vector<16xi32>,
      %shift_right_arithmetic3A_3011 = arith.constant 7 : i32
      %shift_right_arithmetic3A_3012 = vector.broadcast %shift_right_arithmetic3A_3011 : i32 to vector<16xi32>
      %shift_right_arithmetic3A_3013 = arith.shrsi %get3A_3010, %shift_right_arithmetic3A_3012 : vector<16xi32>
      %shift_left3A_3014 = arith.constant 7 : i32
      %shift_left3A_3015 = vector.broadcast %shift_left3A_3014 : i32 to vector<16xi32>
      %shift_left3A_3016 = arith.shli %shift_right_arithmetic3A_3013, %shift_left3A_3015 : vector<16xi32>
      %slice3A_3017 = vector.extract_strided_slice %shift_left3A_3008 {offsets = [0], sizes = [1], strides = [1]} : vector<16xi32> to vector<1xi32>
      %squeeze3A_3018 = vector.extract %slice3A_3017[0] : i32 from vector<1xi32>
      %multiple_of3A_3019 = tpu.assume_multiple %squeeze3A_3018, 128 : i32
      %slice3A_3020 = vector.extract_strided_slice %shift_left3A_3016 {offsets = [0], sizes = [1], strides = [1]} : vector<16xi32> to vector<1xi32>
      %squeeze3A_3021 = vector.extract %slice3A_3020[0] : i32 from vector<1xi32>
      %multiple_of3A_3022 = tpu.assume_multiple %squeeze3A_3021, 128 : i32
      %dma_start3A_3023 = arith.constant 0 : i32
      %dma_start3A_3024 = arith.constant 0 : i32
      %dma_start3A_3025 = arith.constant 0 : i32
      %dma_start3A_3026 = arith.constant 0 : i32
      %dma_start3A_3027 = tpu.memref_slice %arg12[%dma_start3A_3023, %dma_start3A_3024, %dma_start3A_3025, %dma_start3A_3026] : memref<8x2x8x128xf32, #tpu.memory_space<vmem>> -> memref<1x2x8x128xf32, #tpu.memory_space<vmem>>
      %dma_start3A_3028 = tpu.memref_squeeze %dma_start3A_3027 : memref<1x2x8x128xf32, #tpu.memory_space<vmem>> -> memref<2x8x128xf32, #tpu.memory_space<vmem>>
      %dma_start3A_3029 = tpu.memref_reshape %arg4 : memref<16x1000000xf32, #tpu.memory_space<hbm>> -> memref<2x8x1000000xf32, #tpu.memory_space<hbm>>
      %dma_start3A_3030 = arith.constant 0 : i32
      %dma_start3A_3031 = arith.constant 0 : i32
      %dma_start3A_3032 = tpu.memref_slice %dma_start3A_3029[%dma_start3A_3030, %dma_start3A_3031, %multiple_of3A_3019] : memref<2x8x1000000xf32, #tpu.memory_space<hbm>> -> memref<2x8x128xf32, #tpu.memory_space<hbm>>
      %dma_start3A_3033 = arith.constant 0 : i32
      %dma_start3A_3034 = arith.constant 0 : i32
      %dma_start3A_3035 = arith.constant 0 : i32
      %dma_start3A_3036 = tpu.memref_slice %arg12[%dma_start3A_3023, %dma_start3A_3033, %dma_start3A_3034, %dma_start3A_3035] : memref<8x2x8x128xf32, #tpu.memory_space<vmem>> -> memref<1x2x8x128xf32, #tpu.memory_space<vmem>>
      %dma_start3A_3037 = tpu.memref_squeeze %dma_start3A_3036 : memref<1x2x8x128xf32, #tpu.memory_space<vmem>> -> memref<2x8x128xf32, #tpu.memory_space<vmem>>
      %dma_start3A_3038 = tpu.memref_reshape %arg4 : memref<16x1000000xf32, #tpu.memory_space<hbm>> -> memref<2x8x1000000xf32, #tpu.memory_space<hbm>>
      %dma_start3A_3039 = arith.constant 0 : i32
      %dma_start3A_3040 = arith.constant 0 : i32
      %dma_start3A_3041 = tpu.memref_slice %dma_start3A_3038[%dma_start3A_3039, %dma_start3A_3040, %multiple_of3A_3019] : memref<2x8x1000000xf32, #tpu.memory_space<hbm>> -> memref<2x8x128xf32, #tpu.memory_space<hbm>>
      tpu.enqueue_dma source(%dma_start3A_3041 : memref<2x8x128xf32, #tpu.memory_space<hbm>>) target(%dma_start3A_3037 : memref<2x8x128xf32, #tpu.memory_space<vmem>>) target_semaphore(%arg16 : memref<!tpu.dma_semaphore, #tpu.memory_space<semaphore_mem>>)
      %dma_start3A_3042 = arith.constant 0 : i32
      %dma_start3A_3043 = arith.constant 0 : i32
      %dma_start3A_3044 = arith.constant 0 : i32
      %dma_start3A_3045 = arith.constant 0 : i32
      %dma_start3A_3046 = tpu.memref_slice %arg13[%dma_start3A_3042, %dma_start3A_3043, %dma_start3A_3044, %dma_start3A_3045] : memref<8x2x8x128xf32, #tpu.memory_space<vmem>> -> memref<1x2x8x128xf32, #tpu.memory_space<vmem>>
      %dma_start3A_3047 = tpu.memref_squeeze %dma_start3A_3046 : memref<1x2x8x128xf32, #tpu.memory_space<vmem>> -> memref<2x8x128xf32, #tpu.memory_space<vmem>>
      %dma_start3A_3048 = tpu.memref_reshape %arg5 : memref<16x1000000xf32, #tpu.memory_space<hbm>> -> memref<2x8x1000000xf32, #tpu.memory_space<hbm>>
      %dma_start3A_3049 = arith.constant 0 : i32
      %dma_start3A_3050 = arith.constant 0 : i32
      %dma_start3A_3051 = tpu.memref_slice %dma_start3A_3048[%dma_start3A_3049, %dma_start3A_3050, %multiple_of3A_3022] : memref<2x8x1000000xf32, #tpu.memory_space<hbm>> -> memref<2x8x128xf32, #tpu.memory_space<hbm>>
      %dma_start3A_3052 = arith.constant 0 : i32
      %dma_start3A_3053 = arith.constant 0 : i32
      %dma_start3A_3054 = arith.constant 0 : i32
      %dma_start3A_3055 = tpu.memref_slice %arg13[%dma_start3A_3042, %dma_start3A_3052, %dma_start3A_3053, %dma_start3A_3054] : memref<8x2x8x128xf32, #tpu.memory_space<vmem>> -> memref<1x2x8x128xf32, #tpu.memory_space<vmem>>
      %dma_start3A_3056 = tpu.memref_squeeze %dma_start3A_3055 : memref<1x2x8x128xf32, #tpu.memory_space<vmem>> -> memref<2x8x128xf32, #tpu.memory_space<vmem>>
      %dma_start3A_3057 = tpu.memref_reshape %arg5 : memref<16x1000000xf32, #tpu.memory_space<hbm>> -> memref<2x8x1000000xf32, #tpu.memory_space<hbm>>
      %dma_start3A_3058 = arith.constant 0 : i32
      %dma_start3A_3059 = arith.constant 0 : i32
      %dma_start3A_3060 = tpu.memref_slice %dma_start3A_3057[%dma_start3A_3058, %dma_start3A_3059, %multiple_of3A_3022] : memref<2x8x1000000xf32, #tpu.memory_space<hbm>> -> memref<2x8x128xf32, #tpu.memory_space<hbm>>
      tpu.enqueue_dma source(%dma_start3A_3060 : memref<2x8x128xf32, #tpu.memory_space<hbm>>) target(%dma_start3A_3056 : memref<2x8x128xf32, #tpu.memory_space<vmem>>) target_semaphore(%arg16 : memref<!tpu.dma_semaphore, #tpu.memory_space<semaphore_mem>>)
      %slice3A_3061 = vector.extract_strided_slice %shift_left3A_3008 {offsets = [1], sizes = [1], strides = [1]} : vector<16xi32> to vector<1xi32>
      %squeeze3A_3062 = vector.extract %slice3A_3061[0] : i32 from vector<1xi32>
      %multiple_of3A_3063 = tpu.assume_multiple %squeeze3A_3062, 128 : i32
      %slice3A_3064 = vector.extract_strided_slice %shift_left3A_3016 {offsets = [1], sizes = [1], strides = [1]} : vector<16xi32> to vector<1xi32>
      %squeeze3A_3065 = vector.extract %slice3A_3064[0] : i32 from vector<1xi32>
      %multiple_of3A_3066 = tpu.assume_multiple %squeeze3A_3065, 128 : i32
      %dma_start3A_3067 = arith.constant 1 : i32
      %dma_start3A_3068 = arith.constant 0 : i32
      %dma_start3A_3069 = arith.constant 0 : i32
      %dma_start3A_3070 = arith.constant 0 : i32
      %dma_start3A_3071 = tpu.memref_slice %arg12[%dma_start3A_3067, %dma_start3A_3068, %dma_start3A_3069, %dma_start3A_3070] : memref<8x2x8x128xf32, #tpu.memory_space<vmem>> -> memref<1x2x8x128xf32, #tpu.memory_space<vmem>>
      %dma_start3A_3072 = tpu.memref_squeeze %dma_start3A_3071 : memref<1x2x8x128xf32, #tpu.memory_space<vmem>> -> memref<2x8x128xf32, #tpu.memory_space<vmem>>
      %dma_start3A_3073 = tpu.memref_reshape %arg4 : memref<16x1000000xf32, #tpu.memory_space<hbm>> -> memref<2x8x1000000xf32, #tpu.memory_space<hbm>>
      %dma_start3A_3074 = arith.constant 0 : i32
      %dma_start3A_3075 = arith.constant 0 : i32
      %dma_start3A_3076 = tpu.memref_slice %dma_start3A_3073[%dma_start3A_3074, %dma_start3A_3075, %multiple_of3A_3063] : memref<2x8x1000000xf32, #tpu.memory_space<hbm>> -> memref<2x8x128xf32, #tpu.memory_space<hbm>>
      %dma_start3A_3077 = arith.constant 0 : i32
      %dma_start3A_3078 = arith.constant 0 : i32
      %dma_start3A_3079 = arith.constant 0 : i32
      %dma_start3A_3080 = tpu.memref_slice %arg12[%dma_start3A_3067, %dma_start3A_3077, %dma_start3A_3078, %dma_start3A_3079] : memref<8x2x8x128xf32, #tpu.memory_space<vmem>> -> memref<1x2x8x128xf32, #tpu.memory_space<vmem>>
      %dma_start3A_3081 = tpu.memref_squeeze %dma_start3A_3080 : memref<1x2x8x128xf32, #tpu.memory_space<vmem>> -> memref<2x8x128xf32, #tpu.memory_space<vmem>>
      %dma_start3A_3082 = tpu.memref_reshape %arg4 : memref<16x1000000xf32, #tpu.memory_space<hbm>> -> memref<2x8x1000000xf32, #tpu.memory_space<hbm>>
      %dma_start3A_3083 = arith.constant 0 : i32
      %dma_start3A_3084 = arith.constant 0 : i32
      %dma_start3A_3085 = tpu.memref_slice %dma_start3A_3082[%dma_start3A_3083, %dma_start3A_3084, %multiple_of3A_3063] : memref<2x8x1000000xf32, #tpu.memory_space<hbm>> -> memref<2x8x128xf32, #tpu.memory_space<hbm>>
      tpu.enqueue_dma source(%dma_start3A_3085 : memref<2x8x128xf32, #tpu.memory_space<hbm>>) target(%dma_start3A_3081 : memref<2x8x128xf32, #tpu.memory_space<vmem>>) target_semaphore(%arg16 : memref<!tpu.dma_semaphore, #tpu.memory_space<semaphore_mem>>)
      %dma_start3A_3086 = arith.constant 1 : i32
      %dma_start3A_3087 = arith.constant 0 : i32
      %dma_start3A_3088 = arith.constant 0 : i32
      %dma_start3A_3089 = arith.constant 0 : i32
      %dma_start3A_3090 = tpu.memref_slice %arg13[%dma_start3A_3086, %dma_start3A_3087, %dma_start3A_3088, %dma_start3A_3089] : memref<8x2x8x128xf32, #tpu.memory_space<vmem>> -> memref<1x2x8x128xf32, #tpu.memory_space<vmem>>
      %dma_start3A_3091 = tpu.memref_squeeze %dma_start3A_3090 : memref<1x2x8x128xf32, #tpu.memory_space<vmem>> -> memref<2x8x128xf32, #tpu.memory_space<vmem>>
      %dma_start3A_3092 = tpu.memref_reshape %arg5 : memref<16x1000000xf32, #tpu.memory_space<hbm>> -> memref<2x8x1000000xf32, #tpu.memory_space<hbm>>
      %dma_start3A_3093 = arith.constant 0 : i32
      %dma_start3A_3094 = arith.constant 0 : i32
      %dma_start3A_3095 = tpu.memref_slice %dma_start3A_3092[%dma_start3A_3093, %dma_start3A_3094, %multiple_of3A_3066] : memref<2x8x1000000xf32, #tpu.memory_space<hbm>> -> memref<2x8x128xf32, #tpu.memory_space<hbm>>
      %dma_start3A_3096 = arith.constant 0 : i32
      %dma_start3A_3097 = arith.constant 0 : i32
      %dma_start3A_3098 = arith.constant 0 : i32
      %dma_start3A_3099 = tpu.memref_slice %arg13[%dma_start3A_3086, %dma_start3A_3096, %dma_start3A_3097, %dma_start3A_3098] : memref<8x2x8x128xf32, #tpu.memory_space<vmem>> -> memref<1x2x8x128xf32, #tpu.memory_space<vmem>>
      %dma_start3A_3100 = tpu.memref_squeeze %dma_start3A_3099 : memref<1x2x8x128xf32, #tpu.memory_space<vmem>> -> memref<2x8x128xf32, #tpu.memory_space<vmem>>
      %dma_start3A_3101 = tpu.memref_reshape %arg5 : memref<16x1000000xf32, #tpu.memory_space<hbm>> -> memref<2x8x1000000xf32, #tpu.memory_space<hbm>>
      %dma_start3A_3102 = arith.constant 0 : i32
      %dma_start3A_3103 = arith.constant 0 : i32
      %dma_start3A_3104 = tpu.memref_slice %dma_start3A_3101[%dma_start3A_3102, %dma_start3A_3103, %multiple_of3A_3066] : memref<2x8x1000000xf32, #tpu.memory_space<hbm>> -> memref<2x8x128xf32, #tpu.memory_space<hbm>>
      tpu.enqueue_dma source(%dma_start3A_3104 : memref<2x8x128xf32, #tpu.memory_space<hbm>>) target(%dma_start3A_3100 : memref<2x8x128xf32, #tpu.memory_space<vmem>>) target_semaphore(%arg16 : memref<!tpu.dma_semaphore, #tpu.memory_space<semaphore_mem>>)
      %slice3A_3105 = vector.extract_strided_slice %shift_left3A_3008 {offsets = [2], sizes = [1], strides = [1]} : vector<16xi32> to vector<1xi32>
      %squeeze3A_3106 = vector.extract %slice3A_3105[0] : i32 from vector<1xi32>
      %multiple_of3A_3107 = tpu.assume_multiple %squeeze3A_3106, 128 : i32
      %slice3A_3108 = vector.extract_strided_slice %shift_left3A_3016 {offsets = [2], sizes = [1], strides = [1]} : vector<16xi32> to vector<1xi32>
      %squeeze3A_3109 = vector.extract %slice3A_3108[0] : i32 from vector<1xi32>
      %multiple_of3A_3110 = tpu.assume_multiple %squeeze3A_3109, 128 : i32
      %dma_start3A_3111 = arith.constant 2 : i32
      %dma_start3A_3112 = arith.constant 0 : i32
      %dma_start3A_3113 = arith.constant 0 : i32
      %dma_start3A_3114 = arith.constant 0 : i32
      %dma_start3A_3115 = tpu.memref_slice %arg12[%dma_start3A_3111, %dma_start3A_3112, %dma_start3A_3113, %dma_start3A_3114] : memref<8x2x8x128xf32, #tpu.memory_space<vmem>> -> memref<1x2x8x128xf32, #tpu.memory_space<vmem>>
      %dma_start3A_3116 = tpu.memref_squeeze %dma_start3A_3115 : memref<1x2x8x128xf32, #tpu.memory_space<vmem>> -> memref<2x8x128xf32, #tpu.memory_space<vmem>>
      %dma_start3A_3117 = tpu.memref_reshape %arg4 : memref<16x1000000xf32, #tpu.memory_space<hbm>> -> memref<2x8x1000000xf32, #tpu.memory_space<hbm>>
      %dma_start3A_3118 = arith.constant 0 : i32
      %dma_start3A_3119 = arith.constant 0 : i32
      %dma_start3A_3120 = tpu.memref_slice %dma_start3A_3117[%dma_start3A_3118, %dma_start3A_3119, %multiple_of3A_3107] : memref<2x8x1000000xf32, #tpu.memory_space<hbm>> -> memref<2x8x128xf32, #tpu.memory_space<hbm>>
      %dma_start3A_3121 = arith.constant 0 : i32
      %dma_start3A_3122 = arith.constant 0 : i32
      %dma_start3A_3123 = arith.constant 0 : i32
      %dma_start3A_3124 = tpu.memref_slice %arg12[%dma_start3A_3111, %dma_start3A_3121, %dma_start3A_3122, %dma_start3A_3123] : memref<8x2x8x128xf32, #tpu.memory_space<vmem>> -> memref<1x2x8x128xf32, #tpu.memory_space<vmem>>
      %dma_start3A_3125 = tpu.memref_squeeze %dma_start3A_3124 : memref<1x2x8x128xf32, #tpu.memory_space<vmem>> -> memref<2x8x128xf32, #tpu.memory_space<vmem>>
      %dma_start3A_3126 = tpu.memref_reshape %arg4 : memref<16x1000000xf32, #tpu.memory_space<hbm>> -> memref<2x8x1000000xf32, #tpu.memory_space<hbm>>
      %dma_start3A_3127 = arith.constant 0 : i32
      %dma_start3A_3128 = arith.constant 0 : i32
      %dma_start3A_3129 = tpu.memref_slice %dma_start3A_3126[%dma_start3A_3127, %dma_start3A_3128, %multiple_of3A_3107] : memref<2x8x1000000xf32, #tpu.memory_space<hbm>> -> memref<2x8x128xf32, #tpu.memory_space<hbm>>
      tpu.enqueue_dma source(%dma_start3A_3129 : memref<2x8x128xf32, #tpu.memory_space<hbm>>) target(%dma_start3A_3125 : memref<2x8x128xf32, #tpu.memory_space<vmem>>) target_semaphore(%arg16 : memref<!tpu.dma_semaphore, #tpu.memory_space<semaphore_mem>>)
      %dma_start3A_3130 = arith.constant 2 : i32
      %dma_start3A_3131 = arith.constant 0 : i32
      %dma_start3A_3132 = arith.constant 0 : i32
      %dma_start3A_3133 = arith.constant 0 : i32
      %dma_start3A_3134 = tpu.memref_slice %arg13[%dma_start3A_3130, %dma_start3A_3131, %dma_start3A_3132, %dma_start3A_3133] : memref<8x2x8x128xf32, #tpu.memory_space<vmem>> -> memref<1x2x8x128xf32, #tpu.memory_space<vmem>>
      %dma_start3A_3135 = tpu.memref_squeeze %dma_start3A_3134 : memref<1x2x8x128xf32, #tpu.memory_space<vmem>> -> memref<2x8x128xf32, #tpu.memory_space<vmem>>
      %dma_start3A_3136 = tpu.memref_reshape %arg5 : memref<16x1000000xf32, #tpu.memory_space<hbm>> -> memref<2x8x1000000xf32, #tpu.memory_space<hbm>>
      %dma_start3A_3137 = arith.constant 0 : i32
      %dma_start3A_3138 = arith.constant 0 : i32
      %dma_start3A_3139 = tpu.memref_slice %dma_start3A_3136[%dma_start3A_3137, %dma_start3A_3138, %multiple_of3A_3110] : memref<2x8x1000000xf32, #tpu.memory_space<hbm>> -> memref<2x8x128xf32, #tpu.memory_space<hbm>>
      %dma_start3A_3140 = arith.constant 0 : i32
      %dma_start3A_3141 = arith.constant 0 : i32
      %dma_start3A_3142 = arith.constant 0 : i32
      %dma_start3A_3143 = tpu.memref_slice %arg13[%dma_start3A_3130, %dma_start3A_3140, %dma_start3A_3141, %dma_start3A_3142] : memref<8x2x8x128xf32, #tpu.memory_space<vmem>> -> memref<1x2x8x128xf32, #tpu.memory_space<vmem>>
      %dma_start3A_3144 = tpu.memref_squeeze %dma_start3A_3143 : memref<1x2x8x128xf32, #tpu.memory_space<vmem>> -> memref<2x8x128xf32, #tpu.memory_space<vmem>>
      %dma_start3A_3145 = tpu.memref_reshape %arg5 : memref<16x1000000xf32, #tpu.memory_space<hbm>> -> memref<2x8x1000000xf32, #tpu.memory_space<hbm>>
      %dma_start3A_3146 = arith.constant 0 : i32
      %dma_start3A_3147 = arith.constant 0 : i32
      %dma_start3A_3148 = tpu.memref_slice %dma_start3A_3145[%dma_start3A_3146, %dma_start3A_3147, %multiple_of3A_3110] : memref<2x8x1000000xf32, #tpu.memory_space<hbm>> -> memref<2x8x128xf32, #tpu.memory_space<hbm>>
      tpu.enqueue_dma source(%dma_start3A_3148 : memref<2x8x128xf32, #tpu.memory_space<hbm>>) target(%dma_start3A_3144 : memref<2x8x128xf32, #tpu.memory_space<vmem>>) target_semaphore(%arg16 : memref<!tpu.dma_semaphore, #tpu.memory_space<semaphore_mem>>)
      %slice3A_3149 = vector.extract_strided_slice %shift_left3A_3008 {offsets = [3], sizes = [1], strides = [1]} : vector<16xi32> to vector<1xi32>
      %squeeze3A_3150 = vector.extract %slice3A_3149[0] : i32 from vector<1xi32>
      %multiple_of3A_3151 = tpu.assume_multiple %squeeze3A_3150, 128 : i32
      %slice3A_3152 = vector.extract_strided_slice %shift_left3A_3016 {offsets = [3], sizes = [1], strides = [1]} : vector<16xi32> to vector<1xi32>
      %squeeze3A_3153 = vector.extract %slice3A_3152[0] : i32 from vector<1xi32>
      %multiple_of3A_3154 = tpu.assume_multiple %squeeze3A_3153, 128 : i32
      %dma_start3A_3155 = arith.constant 3 : i32
      %dma_start3A_3156 = arith.constant 0 : i32
      %dma_start3A_3157 = arith.constant 0 : i32
      %dma_start3A_3158 = arith.constant 0 : i32
      %dma_start3A_3159 = tpu.memref_slice %arg12[%dma_start3A_3155, %dma_start3A_3156, %dma_start3A_3157, %dma_start3A_3158] : memref<8x2x8x128xf32, #tpu.memory_space<vmem>> -> memref<1x2x8x128xf32, #tpu.memory_space<vmem>>
      %dma_start3A_3160 = tpu.memref_squeeze %dma_start3A_3159 : memref<1x2x8x128xf32, #tpu.memory_space<vmem>> -> memref<2x8x128xf32, #tpu.memory_space<vmem>>
      %dma_start3A_3161 = tpu.memref_reshape %arg4 : memref<16x1000000xf32, #tpu.memory_space<hbm>> -> memref<2x8x1000000xf32, #tpu.memory_space<hbm>>
      %dma_start3A_3162 = arith.constant 0 : i32
      %dma_start3A_3163 = arith.constant 0 : i32
      %dma_start3A_3164 = tpu.memref_slice %dma_start3A_3161[%dma_start3A_3162, %dma_start3A_3163, %multiple_of3A_3151] : memref<2x8x1000000xf32, #tpu.memory_space<hbm>> -> memref<2x8x128xf32, #tpu.memory_space<hbm>>
      %dma_start3A_3165 = arith.constant 0 : i32
      %dma_start3A_3166 = arith.constant 0 : i32
      %dma_start3A_3167 = arith.constant 0 : i32
      %dma_start3A_3168 = tpu.memref_slice %arg12[%dma_start3A_3155, %dma_start3A_3165, %dma_start3A_3166, %dma_start3A_3167] : memref<8x2x8x128xf32, #tpu.memory_space<vmem>> -> memref<1x2x8x128xf32, #tpu.memory_space<vmem>>
      %dma_start3A_3169 = tpu.memref_squeeze %dma_start3A_3168 : memref<1x2x8x128xf32, #tpu.memory_space<vmem>> -> memref<2x8x128xf32, #tpu.memory_space<vmem>>
      %dma_start3A_3170 = tpu.memref_reshape %arg4 : memref<16x1000000xf32, #tpu.memory_space<hbm>> -> memref<2x8x1000000xf32, #tpu.memory_space<hbm>>
      %dma_start3A_3171 = arith.constant 0 : i32
      %dma_start3A_3172 = arith.constant 0 : i32
      %dma_start3A_3173 = tpu.memref_slice %dma_start3A_3170[%dma_start3A_3171, %dma_start3A_3172, %multiple_of3A_3151] : memref<2x8x1000000xf32, #tpu.memory_space<hbm>> -> memref<2x8x128xf32, #tpu.memory_space<hbm>>
      tpu.enqueue_dma source(%dma_start3A_3173 : memref<2x8x128xf32, #tpu.memory_space<hbm>>) target(%dma_start3A_3169 : memref<2x8x128xf32, #tpu.memory_space<vmem>>) target_semaphore(%arg16 : memref<!tpu.dma_semaphore, #tpu.memory_space<semaphore_mem>>)
      %dma_start3A_3174 = arith.constant 3 : i32
      %dma_start3A_3175 = arith.constant 0 : i32
      %dma_start3A_3176 = arith.constant 0 : i32
      %dma_start3A_3177 = arith.constant 0 : i32
      %dma_start3A_3178 = tpu.memref_slice %arg13[%dma_start3A_3174, %dma_start3A_3175, %dma_start3A_3176, %dma_start3A_3177] : memref<8x2x8x128xf32, #tpu.memory_space<vmem>> -> memref<1x2x8x128xf32, #tpu.memory_space<vmem>>
      %dma_start3A_3179 = tpu.memref_squeeze %dma_start3A_3178 : memref<1x2x8x128xf32, #tpu.memory_space<vmem>> -> memref<2x8x128xf32, #tpu.memory_space<vmem>>
      %dma_start3A_3180 = tpu.memref_reshape %arg5 : memref<16x1000000xf32, #tpu.memory_space<hbm>> -> memref<2x8x1000000xf32, #tpu.memory_space<hbm>>
      %dma_start3A_3181 = arith.constant 0 : i32
      %dma_start3A_3182 = arith.constant 0 : i32
      %dma_start3A_3183 = tpu.memref_slice %dma_start3A_3180[%dma_start3A_3181, %dma_start3A_3182, %multiple_of3A_3154] : memref<2x8x1000000xf32, #tpu.memory_space<hbm>> -> memref<2x8x128xf32, #tpu.memory_space<hbm>>
      %dma_start3A_3184 = arith.constant 0 : i32
      %dma_start3A_3185 = arith.constant 0 : i32
      %dma_start3A_3186 = arith.constant 0 : i32
      %dma_start3A_3187 = tpu.memref_slice %arg13[%dma_start3A_3174, %dma_start3A_3184, %dma_start3A_3185, %dma_start3A_3186] : memref<8x2x8x128xf32, #tpu.memory_space<vmem>> -> memref<1x2x8x128xf32, #tpu.memory_space<vmem>>
      %dma_start3A_3188 = tpu.memref_squeeze %dma_start3A_3187 : memref<1x2x8x128xf32, #tpu.memory_space<vmem>> -> memref<2x8x128xf32, #tpu.memory_space<vmem>>
      %dma_start3A_3189 = tpu.memref_reshape %arg5 : memref<16x1000000xf32, #tpu.memory_space<hbm>> -> memref<2x8x1000000xf32, #tpu.memory_space<hbm>>
      %dma_start3A_3190 = arith.constant 0 : i32
      %dma_start3A_3191 = arith.constant 0 : i32
      %dma_start3A_3192 = tpu.memref_slice %dma_start3A_3189[%dma_start3A_3190, %dma_start3A_3191, %multiple_of3A_3154] : memref<2x8x1000000xf32, #tpu.memory_space<hbm>> -> memref<2x8x128xf32, #tpu.memory_space<hbm>>
      tpu.enqueue_dma source(%dma_start3A_3192 : memref<2x8x128xf32, #tpu.memory_space<hbm>>) target(%dma_start3A_3188 : memref<2x8x128xf32, #tpu.memory_space<vmem>>) target_semaphore(%arg16 : memref<!tpu.dma_semaphore, #tpu.memory_space<semaphore_mem>>)
      %slice3A_3193 = vector.extract_strided_slice %shift_left3A_3008 {offsets = [4], sizes = [1], strides = [1]} : vector<16xi32> to vector<1xi32>
      %squeeze3A_3194 = vector.extract %slice3A_3193[0] : i32 from vector<1xi32>
      %multiple_of3A_3195 = tpu.assume_multiple %squeeze3A_3194, 128 : i32
      %slice3A_3196 = vector.extract_strided_slice %shift_left3A_3016 {offsets = [4], sizes = [1], strides = [1]} : vector<16xi32> to vector<1xi32>
      %squeeze3A_3197 = vector.extract %slice3A_3196[0] : i32 from vector<1xi32>
      %multiple_of3A_3198 = tpu.assume_multiple %squeeze3A_3197, 128 : i32
      %dma_start3A_3199 = arith.constant 4 : i32
      %dma_start3A_3200 = arith.constant 0 : i32
      %dma_start3A_3201 = arith.constant 0 : i32
      %dma_start3A_3202 = arith.constant 0 : i32
      %dma_start3A_3203 = tpu.memref_slice %arg12[%dma_start3A_3199, %dma_start3A_3200, %dma_start3A_3201, %dma_start3A_3202] : memref<8x2x8x128xf32, #tpu.memory_space<vmem>> -> memref<1x2x8x128xf32, #tpu.memory_space<vmem>>
      %dma_start3A_3204 = tpu.memref_squeeze %dma_start3A_3203 : memref<1x2x8x128xf32, #tpu.memory_space<vmem>> -> memref<2x8x128xf32, #tpu.memory_space<vmem>>
      %dma_start3A_3205 = tpu.memref_reshape %arg4 : memref<16x1000000xf32, #tpu.memory_space<hbm>> -> memref<2x8x1000000xf32, #tpu.memory_space<hbm>>
      %dma_start3A_3206 = arith.constant 0 : i32
      %dma_start3A_3207 = arith.constant 0 : i32
      %dma_start3A_3208 = tpu.memref_slice %dma_start3A_3205[%dma_start3A_3206, %dma_start3A_3207, %multiple_of3A_3195] : memref<2x8x1000000xf32, #tpu.memory_space<hbm>> -> memref<2x8x128xf32, #tpu.memory_space<hbm>>
      %dma_start3A_3209 = arith.constant 0 : i32
      %dma_start3A_3210 = arith.constant 0 : i32
      %dma_start3A_3211 = arith.constant 0 : i32
      %dma_start3A_3212 = tpu.memref_slice %arg12[%dma_start3A_3199, %dma_start3A_3209, %dma_start3A_3210, %dma_start3A_3211] : memref<8x2x8x128xf32, #tpu.memory_space<vmem>> -> memref<1x2x8x128xf32, #tpu.memory_space<vmem>>
      %dma_start3A_3213 = tpu.memref_squeeze %dma_start3A_3212 : memref<1x2x8x128xf32, #tpu.memory_space<vmem>> -> memref<2x8x128xf32, #tpu.memory_space<vmem>>
      %dma_start3A_3214 = tpu.memref_reshape %arg4 : memref<16x1000000xf32, #tpu.memory_space<hbm>> -> memref<2x8x1000000xf32, #tpu.memory_space<hbm>>
      %dma_start3A_3215 = arith.constant 0 : i32
      %dma_start3A_3216 = arith.constant 0 : i32
      %dma_start3A_3217 = tpu.memref_slice %dma_start3A_3214[%dma_start3A_3215, %dma_start3A_3216, %multiple_of3A_3195] : memref<2x8x1000000xf32, #tpu.memory_space<hbm>> -> memref<2x8x128xf32, #tpu.memory_space<hbm>>
      tpu.enqueue_dma source(%dma_start3A_3217 : memref<2x8x128xf32, #tpu.memory_space<hbm>>) target(%dma_start3A_3213 : memref<2x8x128xf32, #tpu.memory_space<vmem>>) target_semaphore(%arg16 : memref<!tpu.dma_semaphore, #tpu.memory_space<semaphore_mem>>)
      %dma_start3A_3218 = arith.constant 4 : i32
      %dma_start3A_3219 = arith.constant 0 : i32
      %dma_start3A_3220 = arith.constant 0 : i32
      %dma_start3A_3221 = arith.constant 0 : i32
      %dma_start3A_3222 = tpu.memref_slice %arg13[%dma_start3A_3218, %dma_start3A_3219, %dma_start3A_3220, %dma_start3A_3221] : memref<8x2x8x128xf32, #tpu.memory_space<vmem>> -> memref<1x2x8x128xf32, #tpu.memory_space<vmem>>
      %dma_start3A_3223 = tpu.memref_squeeze %dma_start3A_3222 : memref<1x2x8x128xf32, #tpu.memory_space<vmem>> -> memref<2x8x128xf32, #tpu.memory_space<vmem>>
      %dma_start3A_3224 = tpu.memref_reshape %arg5 : memref<16x1000000xf32, #tpu.memory_space<hbm>> -> memref<2x8x1000000xf32, #tpu.memory_space<hbm>>
      %dma_start3A_3225 = arith.constant 0 : i32
      %dma_start3A_3226 = arith.constant 0 : i32
      %dma_start3A_3227 = tpu.memref_slice %dma_start3A_3224[%dma_start3A_3225, %dma_start3A_3226, %multiple_of3A_3198] : memref<2x8x1000000xf32, #tpu.memory_space<hbm>> -> memref<2x8x128xf32, #tpu.memory_space<hbm>>
      %dma_start3A_3228 = arith.constant 0 : i32
      %dma_start3A_3229 = arith.constant 0 : i32
      %dma_start3A_3230 = arith.constant 0 : i32
      %dma_start3A_3231 = tpu.memref_slice %arg13[%dma_start3A_3218, %dma_start3A_3228, %dma_start3A_3229, %dma_start3A_3230] : memref<8x2x8x128xf32, #tpu.memory_space<vmem>> -> memref<1x2x8x128xf32, #tpu.memory_space<vmem>>
      %dma_start3A_3232 = tpu.memref_squeeze %dma_start3A_3231 : memref<1x2x8x128xf32, #tpu.memory_space<vmem>> -> memref<2x8x128xf32, #tpu.memory_space<vmem>>
      %dma_start3A_3233 = tpu.memref_reshape %arg5 : memref<16x1000000xf32, #tpu.memory_space<hbm>> -> memref<2x8x1000000xf32, #tpu.memory_space<hbm>>
      %dma_start3A_3234 = arith.constant 0 : i32
      %dma_start3A_3235 = arith.constant 0 : i32
      %dma_start3A_3236 = tpu.memref_slice %dma_start3A_3233[%dma_start3A_3234, %dma_start3A_3235, %multiple_of3A_3198] : memref<2x8x1000000xf32, #tpu.memory_space<hbm>> -> memref<2x8x128xf32, #tpu.memory_space<hbm>>
      tpu.enqueue_dma source(%dma_start3A_3236 : memref<2x8x128xf32, #tpu.memory_space<hbm>>) target(%dma_start3A_3232 : memref<2x8x128xf32, #tpu.memory_space<vmem>>) target_semaphore(%arg16 : memref<!tpu.dma_semaphore, #tpu.memory_space<semaphore_mem>>)
      %slice3A_3237 = vector.extract_strided_slice %shift_left3A_3008 {offsets = [5], sizes = [1], strides = [1]} : vector<16xi32> to vector<1xi32>
      %squeeze3A_3238 = vector.extract %slice3A_3237[0] : i32 from vector<1xi32>
      %multiple_of3A_3239 = tpu.assume_multiple %squeeze3A_3238, 128 : i32
      %slice3A_3240 = vector.extract_strided_slice %shift_left3A_3016 {offsets = [5], sizes = [1], strides = [1]} : vector<16xi32> to vector<1xi32>
      %squeeze3A_3241 = vector.extract %slice3A_3240[0] : i32 from vector<1xi32>
      %multiple_of3A_3242 = tpu.assume_multiple %squeeze3A_3241, 128 : i32
      %dma_start3A_3243 = arith.constant 5 : i32
      %dma_start3A_3244 = arith.constant 0 : i32
      %dma_start3A_3245 = arith.constant 0 : i32
      %dma_start3A_3246 = arith.constant 0 : i32
      %dma_start3A_3247 = tpu.memref_slice %arg12[%dma_start3A_3243, %dma_start3A_3244, %dma_start3A_3245, %dma_start3A_3246] : memref<8x2x8x128xf32, #tpu.memory_space<vmem>> -> memref<1x2x8x128xf32, #tpu.memory_space<vmem>>
      %dma_start3A_3248 = tpu.memref_squeeze %dma_start3A_3247 : memref<1x2x8x128xf32, #tpu.memory_space<vmem>> -> memref<2x8x128xf32, #tpu.memory_space<vmem>>
      %dma_start3A_3249 = tpu.memref_reshape %arg4 : memref<16x1000000xf32, #tpu.memory_space<hbm>> -> memref<2x8x1000000xf32, #tpu.memory_space<hbm>>
      %dma_start3A_3250 = arith.constant 0 : i32
      %dma_start3A_3251 = arith.constant 0 : i32
      %dma_start3A_3252 = tpu.memref_slice %dma_start3A_3249[%dma_start3A_3250, %dma_start3A_3251, %multiple_of3A_3239] : memref<2x8x1000000xf32, #tpu.memory_space<hbm>> -> memref<2x8x128xf32, #tpu.memory_space<hbm>>
      %dma_start3A_3253 = arith.constant 0 : i32
      %dma_start3A_3254 = arith.constant 0 : i32
      %dma_start3A_3255 = arith.constant 0 : i32
      %dma_start3A_3256 = tpu.memref_slice %arg12[%dma_start3A_3243, %dma_start3A_3253, %dma_start3A_3254, %dma_start3A_3255] : memref<8x2x8x128xf32, #tpu.memory_space<vmem>> -> memref<1x2x8x128xf32, #tpu.memory_space<vmem>>
      %dma_start3A_3257 = tpu.memref_squeeze %dma_start3A_3256 : memref<1x2x8x128xf32, #tpu.memory_space<vmem>> -> memref<2x8x128xf32, #tpu.memory_space<vmem>>
      %dma_start3A_3258 = tpu.memref_reshape %arg4 : memref<16x1000000xf32, #tpu.memory_space<hbm>> -> memref<2x8x1000000xf32, #tpu.memory_space<hbm>>
      %dma_start3A_3259 = arith.constant 0 : i32
      %dma_start3A_3260 = arith.constant 0 : i32
      %dma_start3A_3261 = tpu.memref_slice %dma_start3A_3258[%dma_start3A_3259, %dma_start3A_3260, %multiple_of3A_3239] : memref<2x8x1000000xf32, #tpu.memory_space<hbm>> -> memref<2x8x128xf32, #tpu.memory_space<hbm>>
      tpu.enqueue_dma source(%dma_start3A_3261 : memref<2x8x128xf32, #tpu.memory_space<hbm>>) target(%dma_start3A_3257 : memref<2x8x128xf32, #tpu.memory_space<vmem>>) target_semaphore(%arg16 : memref<!tpu.dma_semaphore, #tpu.memory_space<semaphore_mem>>)
      %dma_start3A_3262 = arith.constant 5 : i32
      %dma_start3A_3263 = arith.constant 0 : i32
      %dma_start3A_3264 = arith.constant 0 : i32
      %dma_start3A_3265 = arith.constant 0 : i32
      %dma_start3A_3266 = tpu.memref_slice %arg13[%dma_start3A_3262, %dma_start3A_3263, %dma_start3A_3264, %dma_start3A_3265] : memref<8x2x8x128xf32, #tpu.memory_space<vmem>> -> memref<1x2x8x128xf32, #tpu.memory_space<vmem>>
      %dma_start3A_3267 = tpu.memref_squeeze %dma_start3A_3266 : memref<1x2x8x128xf32, #tpu.memory_space<vmem>> -> memref<2x8x128xf32, #tpu.memory_space<vmem>>
      %dma_start3A_3268 = tpu.memref_reshape %arg5 : memref<16x1000000xf32, #tpu.memory_space<hbm>> -> memref<2x8x1000000xf32, #tpu.memory_space<hbm>>
      %dma_start3A_3269 = arith.constant 0 : i32
      %dma_start3A_3270 = arith.constant 0 : i32
      %dma_start3A_3271 = tpu.memref_slice %dma_start3A_3268[%dma_start3A_3269, %dma_start3A_3270, %multiple_of3A_3242] : memref<2x8x1000000xf32, #tpu.memory_space<hbm>> -> memref<2x8x128xf32, #tpu.memory_space<hbm>>
      %dma_start3A_3272 = arith.constant 0 : i32
      %dma_start3A_3273 = arith.constant 0 : i32
      %dma_start3A_3274 = arith.constant 0 : i32
      %dma_start3A_3275 = tpu.memref_slice %arg13[%dma_start3A_3262, %dma_start3A_3272, %dma_start3A_3273, %dma_start3A_3274] : memref<8x2x8x128xf32, #tpu.memory_space<vmem>> -> memref<1x2x8x128xf32, #tpu.memory_space<vmem>>
      %dma_start3A_3276 = tpu.memref_squeeze %dma_start3A_3275 : memref<1x2x8x128xf32, #tpu.memory_space<vmem>> -> memref<2x8x128xf32, #tpu.memory_space<vmem>>
      %dma_start3A_3277 = tpu.memref_reshape %arg5 : memref<16x1000000xf32, #tpu.memory_space<hbm>> -> memref<2x8x1000000xf32, #tpu.memory_space<hbm>>
      %dma_start3A_3278 = arith.constant 0 : i32
      %dma_start3A_3279 = arith.constant 0 : i32
      %dma_start3A_3280 = tpu.memref_slice %dma_start3A_3277[%dma_start3A_3278, %dma_start3A_3279, %multiple_of3A_3242] : memref<2x8x1000000xf32, #tpu.memory_space<hbm>> -> memref<2x8x128xf32, #tpu.memory_space<hbm>>
      tpu.enqueue_dma source(%dma_start3A_3280 : memref<2x8x128xf32, #tpu.memory_space<hbm>>) target(%dma_start3A_3276 : memref<2x8x128xf32, #tpu.memory_space<vmem>>) target_semaphore(%arg16 : memref<!tpu.dma_semaphore, #tpu.memory_space<semaphore_mem>>)
      %slice3A_3281 = vector.extract_strided_slice %shift_left3A_3008 {offsets = [6], sizes = [1], strides = [1]} : vector<16xi32> to vector<1xi32>
      %squeeze3A_3282 = vector.extract %slice3A_3281[0] : i32 from vector<1xi32>
      %multiple_of3A_3283 = tpu.assume_multiple %squeeze3A_3282, 128 : i32
      %slice3A_3284 = vector.extract_strided_slice %shift_left3A_3016 {offsets = [6], sizes = [1], strides = [1]} : vector<16xi32> to vector<1xi32>
      %squeeze3A_3285 = vector.extract %slice3A_3284[0] : i32 from vector<1xi32>
      %multiple_of3A_3286 = tpu.assume_multiple %squeeze3A_3285, 128 : i32
      %dma_start3A_3287 = arith.constant 6 : i32
      %dma_start3A_3288 = arith.constant 0 : i32
      %dma_start3A_3289 = arith.constant 0 : i32
      %dma_start3A_3290 = arith.constant 0 : i32
      %dma_start3A_3291 = tpu.memref_slice %arg12[%dma_start3A_3287, %dma_start3A_3288, %dma_start3A_3289, %dma_start3A_3290] : memref<8x2x8x128xf32, #tpu.memory_space<vmem>> -> memref<1x2x8x128xf32, #tpu.memory_space<vmem>>
      %dma_start3A_3292 = tpu.memref_squeeze %dma_start3A_3291 : memref<1x2x8x128xf32, #tpu.memory_space<vmem>> -> memref<2x8x128xf32, #tpu.memory_space<vmem>>
      %dma_start3A_3293 = tpu.memref_reshape %arg4 : memref<16x1000000xf32, #tpu.memory_space<hbm>> -> memref<2x8x1000000xf32, #tpu.memory_space<hbm>>
      %dma_start3A_3294 = arith.constant 0 : i32
      %dma_start3A_3295 = arith.constant 0 : i32
      %dma_start3A_3296 = tpu.memref_slice %dma_start3A_3293[%dma_start3A_3294, %dma_start3A_3295, %multiple_of3A_3283] : memref<2x8x1000000xf32, #tpu.memory_space<hbm>> -> memref<2x8x128xf32, #tpu.memory_space<hbm>>
      %dma_start3A_3297 = arith.constant 0 : i32
      %dma_start3A_3298 = arith.constant 0 : i32
      %dma_start3A_3299 = arith.constant 0 : i32
      %dma_start3A_3300 = tpu.memref_slice %arg12[%dma_start3A_3287, %dma_start3A_3297, %dma_start3A_3298, %dma_start3A_3299] : memref<8x2x8x128xf32, #tpu.memory_space<vmem>> -> memref<1x2x8x128xf32, #tpu.memory_space<vmem>>
      %dma_start3A_3301 = tpu.memref_squeeze %dma_start3A_3300 : memref<1x2x8x128xf32, #tpu.memory_space<vmem>> -> memref<2x8x128xf32, #tpu.memory_space<vmem>>
      %dma_start3A_3302 = tpu.memref_reshape %arg4 : memref<16x1000000xf32, #tpu.memory_space<hbm>> -> memref<2x8x1000000xf32, #tpu.memory_space<hbm>>
      %dma_start3A_3303 = arith.constant 0 : i32
      %dma_start3A_3304 = arith.constant 0 : i32
      %dma_start3A_3305 = tpu.memref_slice %dma_start3A_3302[%dma_start3A_3303, %dma_start3A_3304, %multiple_of3A_3283] : memref<2x8x1000000xf32, #tpu.memory_space<hbm>> -> memref<2x8x128xf32, #tpu.memory_space<hbm>>
      tpu.enqueue_dma source(%dma_start3A_3305 : memref<2x8x128xf32, #tpu.memory_space<hbm>>) target(%dma_start3A_3301 : memref<2x8x128xf32, #tpu.memory_space<vmem>>) target_semaphore(%arg16 : memref<!tpu.dma_semaphore, #tpu.memory_space<semaphore_mem>>)
      %dma_start3A_3306 = arith.constant 6 : i32
      %dma_start3A_3307 = arith.constant 0 : i32
      %dma_start3A_3308 = arith.constant 0 : i32
      %dma_start3A_3309 = arith.constant 0 : i32
      %dma_start3A_3310 = tpu.memref_slice %arg13[%dma_start3A_3306, %dma_start3A_3307, %dma_start3A_3308, %dma_start3A_3309] : memref<8x2x8x128xf32, #tpu.memory_space<vmem>> -> memref<1x2x8x128xf32, #tpu.memory_space<vmem>>
      %dma_start3A_3311 = tpu.memref_squeeze %dma_start3A_3310 : memref<1x2x8x128xf32, #tpu.memory_space<vmem>> -> memref<2x8x128xf32, #tpu.memory_space<vmem>>
      %dma_start3A_3312 = tpu.memref_reshape %arg5 : memref<16x1000000xf32, #tpu.memory_space<hbm>> -> memref<2x8x1000000xf32, #tpu.memory_space<hbm>>
      %dma_start3A_3313 = arith.constant 0 : i32
      %dma_start3A_3314 = arith.constant 0 : i32
      %dma_start3A_3315 = tpu.memref_slice %dma_start3A_3312[%dma_start3A_3313, %dma_start3A_3314, %multiple_of3A_3286] : memref<2x8x1000000xf32, #tpu.memory_space<hbm>> -> memref<2x8x128xf32, #tpu.memory_space<hbm>>
      %dma_start3A_3316 = arith.constant 0 : i32
      %dma_start3A_3317 = arith.constant 0 : i32
      %dma_start3A_3318 = arith.constant 0 : i32
      %dma_start3A_3319 = tpu.memref_slice %arg13[%dma_start3A_3306, %dma_start3A_3316, %dma_start3A_3317, %dma_start3A_3318] : memref<8x2x8x128xf32, #tpu.memory_space<vmem>> -> memref<1x2x8x128xf32, #tpu.memory_space<vmem>>
      %dma_start3A_3320 = tpu.memref_squeeze %dma_start3A_3319 : memref<1x2x8x128xf32, #tpu.memory_space<vmem>> -> memref<2x8x128xf32, #tpu.memory_space<vmem>>
      %dma_start3A_3321 = tpu.memref_reshape %arg5 : memref<16x1000000xf32, #tpu.memory_space<hbm>> -> memref<2x8x1000000xf32, #tpu.memory_space<hbm>>
      %dma_start3A_3322 = arith.constant 0 : i32
      %dma_start3A_3323 = arith.constant 0 : i32
      %dma_start3A_3324 = tpu.memref_slice %dma_start3A_3321[%dma_start3A_3322, %dma_start3A_3323, %multiple_of3A_3286] : memref<2x8x1000000xf32, #tpu.memory_space<hbm>> -> memref<2x8x128xf32, #tpu.memory_space<hbm>>
      tpu.enqueue_dma source(%dma_start3A_3324 : memref<2x8x128xf32, #tpu.memory_space<hbm>>) target(%dma_start3A_3320 : memref<2x8x128xf32, #tpu.memory_space<vmem>>) target_semaphore(%arg16 : memref<!tpu.dma_semaphore, #tpu.memory_space<semaphore_mem>>)
      %slice3A_3325 = vector.extract_strided_slice %shift_left3A_3008 {offsets = [7], sizes = [1], strides = [1]} : vector<16xi32> to vector<1xi32>
      %squeeze3A_3326 = vector.extract %slice3A_3325[0] : i32 from vector<1xi32>
      %multiple_of3A_3327 = tpu.assume_multiple %squeeze3A_3326, 128 : i32
      %slice3A_3328 = vector.extract_strided_slice %shift_left3A_3016 {offsets = [7], sizes = [1], strides = [1]} : vector<16xi32> to vector<1xi32>
      %squeeze3A_3329 = vector.extract %slice3A_3328[0] : i32 from vector<1xi32>
      %multiple_of3A_3330 = tpu.assume_multiple %squeeze3A_3329, 128 : i32
      %dma_start3A_3331 = arith.constant 7 : i32
      %dma_start3A_3332 = arith.constant 0 : i32
      %dma_start3A_3333 = arith.constant 0 : i32
      %dma_start3A_3334 = arith.constant 0 : i32
      %dma_start3A_3335 = tpu.memref_slice %arg12[%dma_start3A_3331, %dma_start3A_3332, %dma_start3A_3333, %dma_start3A_3334] : memref<8x2x8x128xf32, #tpu.memory_space<vmem>> -> memref<1x2x8x128xf32, #tpu.memory_space<vmem>>
      %dma_start3A_3336 = tpu.memref_squeeze %dma_start3A_3335 : memref<1x2x8x128xf32, #tpu.memory_space<vmem>> -> memref<2x8x128xf32, #tpu.memory_space<vmem>>
      %dma_start3A_3337 = tpu.memref_reshape %arg4 : memref<16x1000000xf32, #tpu.memory_space<hbm>> -> memref<2x8x1000000xf32, #tpu.memory_space<hbm>>
      %dma_start3A_3338 = arith.constant 0 : i32
      %dma_start3A_3339 = arith.constant 0 : i32
      %dma_start3A_3340 = tpu.memref_slice %dma_start3A_3337[%dma_start3A_3338, %dma_start3A_3339, %multiple_of3A_3327] : memref<2x8x1000000xf32, #tpu.memory_space<hbm>> -> memref<2x8x128xf32, #tpu.memory_space<hbm>>
      %dma_start3A_3341 = arith.constant 0 : i32
      %dma_start3A_3342 = arith.constant 0 : i32
      %dma_start3A_3343 = arith.constant 0 : i32
      %dma_start3A_3344 = tpu.memref_slice %arg12[%dma_start3A_3331, %dma_start3A_3341, %dma_start3A_3342, %dma_start3A_3343] : memref<8x2x8x128xf32, #tpu.memory_space<vmem>> -> memref<1x2x8x128xf32, #tpu.memory_space<vmem>>
      %dma_start3A_3345 = tpu.memref_squeeze %dma_start3A_3344 : memref<1x2x8x128xf32, #tpu.memory_space<vmem>> -> memref<2x8x128xf32, #tpu.memory_space<vmem>>
      %dma_start3A_3346 = tpu.memref_reshape %arg4 : memref<16x1000000xf32, #tpu.memory_space<hbm>> -> memref<2x8x1000000xf32, #tpu.memory_space<hbm>>
      %dma_start3A_3347 = arith.constant 0 : i32
      %dma_start3A_3348 = arith.constant 0 : i32
      %dma_start3A_3349 = tpu.memref_slice %dma_start3A_3346[%dma_start3A_3347, %dma_start3A_3348, %multiple_of3A_3327] : memref<2x8x1000000xf32, #tpu.memory_space<hbm>> -> memref<2x8x128xf32, #tpu.memory_space<hbm>>
      tpu.enqueue_dma source(%dma_start3A_3349 : memref<2x8x128xf32, #tpu.memory_space<hbm>>) target(%dma_start3A_3345 : memref<2x8x128xf32, #tpu.memory_space<vmem>>) target_semaphore(%arg16 : memref<!tpu.dma_semaphore, #tpu.memory_space<semaphore_mem>>)
      %dma_start3A_3350 = arith.constant 7 : i32
      %dma_start3A_3351 = arith.constant 0 : i32
      %dma_start3A_3352 = arith.constant 0 : i32
      %dma_start3A_3353 = arith.constant 0 : i32
      %dma_start3A_3354 = tpu.memref_slice %arg13[%dma_start3A_3350, %dma_start3A_3351, %dma_start3A_3352, %dma_start3A_3353] : memref<8x2x8x128xf32, #tpu.memory_space<vmem>> -> memref<1x2x8x128xf32, #tpu.memory_space<vmem>>
      %dma_start3A_3355 = tpu.memref_squeeze %dma_start3A_3354 : memref<1x2x8x128xf32, #tpu.memory_space<vmem>> -> memref<2x8x128xf32, #tpu.memory_space<vmem>>
      %dma_start3A_3356 = tpu.memref_reshape %arg5 : memref<16x1000000xf32, #tpu.memory_space<hbm>> -> memref<2x8x1000000xf32, #tpu.memory_space<hbm>>
      %dma_start3A_3357 = arith.constant 0 : i32
      %dma_start3A_3358 = arith.constant 0 : i32
      %dma_start3A_3359 = tpu.memref_slice %dma_start3A_3356[%dma_start3A_3357, %dma_start3A_3358, %multiple_of3A_3330] : memref<2x8x1000000xf32, #tpu.memory_space<hbm>> -> memref<2x8x128xf32, #tpu.memory_space<hbm>>
      %dma_start3A_3360 = arith.constant 0 : i32
      %dma_start3A_3361 = arith.constant 0 : i32
      %dma_start3A_3362 = arith.constant 0 : i32
      %dma_start3A_3363 = tpu.memref_slice %arg13[%dma_start3A_3350, %dma_start3A_3360, %dma_start3A_3361, %dma_start3A_3362] : memref<8x2x8x128xf32, #tpu.memory_space<vmem>> -> memref<1x2x8x128xf32, #tpu.memory_space<vmem>>
      %dma_start3A_3364 = tpu.memref_squeeze %dma_start3A_3363 : memref<1x2x8x128xf32, #tpu.memory_space<vmem>> -> memref<2x8x128xf32, #tpu.memory_space<vmem>>
      %dma_start3A_3365 = tpu.memref_reshape %arg5 : memref<16x1000000xf32, #tpu.memory_space<hbm>> -> memref<2x8x1000000xf32, #tpu.memory_space<hbm>>
      %dma_start3A_3366 = arith.constant 0 : i32
      %dma_start3A_3367 = arith.constant 0 : i32
      %dma_start3A_3368 = tpu.memref_slice %dma_start3A_3365[%dma_start3A_3366, %dma_start3A_3367, %multiple_of3A_3330] : memref<2x8x1000000xf32, #tpu.memory_space<hbm>> -> memref<2x8x128xf32, #tpu.memory_space<hbm>>
      tpu.enqueue_dma source(%dma_start3A_3368 : memref<2x8x128xf32, #tpu.memory_space<hbm>>) target(%dma_start3A_3364 : memref<2x8x128xf32, #tpu.memory_space<vmem>>) target_semaphore(%arg16 : memref<!tpu.dma_semaphore, #tpu.memory_space<semaphore_mem>>)
    }
    %scan3A_810 = arith.constant 32 : i32
    %dma_wait3A = arith.constant 0 : i32
    %dma_wait3A_811 = arith.constant 0 : i32
    %dma_wait3A_812 = arith.constant 0 : i32
    %dma_wait3A_813 = arith.constant 0 : i32
    %dma_wait3A_814 = tpu.memref_slice %arg10[%dma_wait3A, %dma_wait3A_811, %dma_wait3A_812, %dma_wait3A_813] : memref<8x2x8x128xf32, #tpu.memory_space<vmem>> -> memref<1x2x8x128xf32, #tpu.memory_space<vmem>>
    %dma_wait3A_815 = tpu.memref_squeeze %dma_wait3A_814 : memref<1x2x8x128xf32, #tpu.memory_space<vmem>> -> memref<2x8x128xf32, #tpu.memory_space<vmem>>
    %dma_wait3A_816 = tpu.memref_reshape %arg4 : memref<16x1000000xf32, #tpu.memory_space<hbm>> -> memref<2x8x1000000xf32, #tpu.memory_space<hbm>>
    %dma_wait3A_817 = arith.constant 0 : i32
    %dma_wait3A_818 = arith.constant 0 : i32
    %dma_wait3A_819 = arith.constant 0 : i32
    %dma_wait3A_820 = tpu.memref_slice %dma_wait3A_816[%dma_wait3A_817, %dma_wait3A_818, %dma_wait3A_819] : memref<2x8x1000000xf32, #tpu.memory_space<hbm>> -> memref<2x8x128xf32, #tpu.memory_space<hbm>>
    %dma_wait3A_821 = arith.constant 0 : i32
    %dma_wait3A_822 = arith.constant 0 : i32
    %dma_wait3A_823 = arith.constant 0 : i32
    %dma_wait3A_824 = tpu.memref_slice %arg10[%dma_wait3A, %dma_wait3A_821, %dma_wait3A_822, %dma_wait3A_823] : memref<8x2x8x128xf32, #tpu.memory_space<vmem>> -> memref<1x2x8x128xf32, #tpu.memory_space<vmem>>
    %dma_wait3A_825 = tpu.memref_squeeze %dma_wait3A_824 : memref<1x2x8x128xf32, #tpu.memory_space<vmem>> -> memref<2x8x128xf32, #tpu.memory_space<vmem>>
    %dma_wait3A_826 = tpu.memref_reshape %arg4 : memref<16x1000000xf32, #tpu.memory_space<hbm>> -> memref<2x8x1000000xf32, #tpu.memory_space<hbm>>
    %dma_wait3A_827 = arith.constant 0 : i32
    %dma_wait3A_828 = arith.constant 0 : i32
    %dma_wait3A_829 = arith.constant 0 : i32
    %dma_wait3A_830 = tpu.memref_slice %dma_wait3A_826[%dma_wait3A_827, %dma_wait3A_828, %dma_wait3A_829] : memref<2x8x1000000xf32, #tpu.memory_space<hbm>> -> memref<2x8x128xf32, #tpu.memory_space<hbm>>
    tpu.wait_dma2 semaphore(%arg16 : memref<!tpu.dma_semaphore, #tpu.memory_space<semaphore_mem>>) src(%dma_wait3A_830 : memref<2x8x128xf32, #tpu.memory_space<hbm>>) dst(%dma_wait3A_825 : memref<2x8x128xf32, #tpu.memory_space<vmem>>)
    %dma_wait3A_831 = arith.constant 0 : i32
    %dma_wait3A_832 = arith.constant 0 : i32
    %dma_wait3A_833 = arith.constant 0 : i32
    %dma_wait3A_834 = arith.constant 0 : i32
    %dma_wait3A_835 = tpu.memref_slice %arg11[%dma_wait3A_831, %dma_wait3A_832, %dma_wait3A_833, %dma_wait3A_834] : memref<8x2x8x128xf32, #tpu.memory_space<vmem>> -> memref<1x2x8x128xf32, #tpu.memory_space<vmem>>
    %dma_wait3A_836 = tpu.memref_squeeze %dma_wait3A_835 : memref<1x2x8x128xf32, #tpu.memory_space<vmem>> -> memref<2x8x128xf32, #tpu.memory_space<vmem>>
    %dma_wait3A_837 = tpu.memref_reshape %arg5 : memref<16x1000000xf32, #tpu.memory_space<hbm>> -> memref<2x8x1000000xf32, #tpu.memory_space<hbm>>
    %dma_wait3A_838 = arith.constant 0 : i32
    %dma_wait3A_839 = arith.constant 0 : i32
    %dma_wait3A_840 = arith.constant 0 : i32
    %dma_wait3A_841 = tpu.memref_slice %dma_wait3A_837[%dma_wait3A_838, %dma_wait3A_839, %dma_wait3A_840] : memref<2x8x1000000xf32, #tpu.memory_space<hbm>> -> memref<2x8x128xf32, #tpu.memory_space<hbm>>
    %dma_wait3A_842 = arith.constant 0 : i32
    %dma_wait3A_843 = arith.constant 0 : i32
    %dma_wait3A_844 = arith.constant 0 : i32
    %dma_wait3A_845 = tpu.memref_slice %arg11[%dma_wait3A_831, %dma_wait3A_842, %dma_wait3A_843, %dma_wait3A_844] : memref<8x2x8x128xf32, #tpu.memory_space<vmem>> -> memref<1x2x8x128xf32, #tpu.memory_space<vmem>>
    %dma_wait3A_846 = tpu.memref_squeeze %dma_wait3A_845 : memref<1x2x8x128xf32, #tpu.memory_space<vmem>> -> memref<2x8x128xf32, #tpu.memory_space<vmem>>
    %dma_wait3A_847 = tpu.memref_reshape %arg5 : memref<16x1000000xf32, #tpu.memory_space<hbm>> -> memref<2x8x1000000xf32, #tpu.memory_space<hbm>>
    %dma_wait3A_848 = arith.constant 0 : i32
    %dma_wait3A_849 = arith.constant 0 : i32
    %dma_wait3A_850 = arith.constant 0 : i32
    %dma_wait3A_851 = tpu.memref_slice %dma_wait3A_847[%dma_wait3A_848, %dma_wait3A_849, %dma_wait3A_850] : memref<2x8x1000000xf32, #tpu.memory_space<hbm>> -> memref<2x8x128xf32, #tpu.memory_space<hbm>>
    tpu.wait_dma2 semaphore(%arg16 : memref<!tpu.dma_semaphore, #tpu.memory_space<semaphore_mem>>) src(%dma_wait3A_851 : memref<2x8x128xf32, #tpu.memory_space<hbm>>) dst(%dma_wait3A_846 : memref<2x8x128xf32, #tpu.memory_space<vmem>>)
    %dma_wait3A_852 = arith.constant 1 : i32
    %dma_wait3A_853 = arith.constant 0 : i32
    %dma_wait3A_854 = arith.constant 0 : i32
    %dma_wait3A_855 = arith.constant 0 : i32
    %dma_wait3A_856 = tpu.memref_slice %arg10[%dma_wait3A_852, %dma_wait3A_853, %dma_wait3A_854, %dma_wait3A_855] : memref<8x2x8x128xf32, #tpu.memory_space<vmem>> -> memref<1x2x8x128xf32, #tpu.memory_space<vmem>>
    %dma_wait3A_857 = tpu.memref_squeeze %dma_wait3A_856 : memref<1x2x8x128xf32, #tpu.memory_space<vmem>> -> memref<2x8x128xf32, #tpu.memory_space<vmem>>
    %dma_wait3A_858 = tpu.memref_reshape %arg4 : memref<16x1000000xf32, #tpu.memory_space<hbm>> -> memref<2x8x1000000xf32, #tpu.memory_space<hbm>>
    %dma_wait3A_859 = arith.constant 0 : i32
    %dma_wait3A_860 = arith.constant 0 : i32
    %dma_wait3A_861 = arith.constant 0 : i32
    %dma_wait3A_862 = tpu.memref_slice %dma_wait3A_858[%dma_wait3A_859, %dma_wait3A_860, %dma_wait3A_861] : memref<2x8x1000000xf32, #tpu.memory_space<hbm>> -> memref<2x8x128xf32, #tpu.memory_space<hbm>>
    %dma_wait3A_863 = arith.constant 0 : i32
    %dma_wait3A_864 = arith.constant 0 : i32
    %dma_wait3A_865 = arith.constant 0 : i32
    %dma_wait3A_866 = tpu.memref_slice %arg10[%dma_wait3A_852, %dma_wait3A_863, %dma_wait3A_864, %dma_wait3A_865] : memref<8x2x8x128xf32, #tpu.memory_space<vmem>> -> memref<1x2x8x128xf32, #tpu.memory_space<vmem>>
    %dma_wait3A_867 = tpu.memref_squeeze %dma_wait3A_866 : memref<1x2x8x128xf32, #tpu.memory_space<vmem>> -> memref<2x8x128xf32, #tpu.memory_space<vmem>>
    %dma_wait3A_868 = tpu.memref_reshape %arg4 : memref<16x1000000xf32, #tpu.memory_space<hbm>> -> memref<2x8x1000000xf32, #tpu.memory_space<hbm>>
    %dma_wait3A_869 = arith.constant 0 : i32
    %dma_wait3A_870 = arith.constant 0 : i32
    %dma_wait3A_871 = arith.constant 0 : i32
    %dma_wait3A_872 = tpu.memref_slice %dma_wait3A_868[%dma_wait3A_869, %dma_wait3A_870, %dma_wait3A_871] : memref<2x8x1000000xf32, #tpu.memory_space<hbm>> -> memref<2x8x128xf32, #tpu.memory_space<hbm>>
    tpu.wait_dma2 semaphore(%arg16 : memref<!tpu.dma_semaphore, #tpu.memory_space<semaphore_mem>>) src(%dma_wait3A_872 : memref<2x8x128xf32, #tpu.memory_space<hbm>>) dst(%dma_wait3A_867 : memref<2x8x128xf32, #tpu.memory_space<vmem>>)
    %dma_wait3A_873 = arith.constant 1 : i32
    %dma_wait3A_874 = arith.constant 0 : i32
    %dma_wait3A_875 = arith.constant 0 : i32
    %dma_wait3A_876 = arith.constant 0 : i32
    %dma_wait3A_877 = tpu.memref_slice %arg11[%dma_wait3A_873, %dma_wait3A_874, %dma_wait3A_875, %dma_wait3A_876] : memref<8x2x8x128xf32, #tpu.memory_space<vmem>> -> memref<1x2x8x128xf32, #tpu.memory_space<vmem>>
    %dma_wait3A_878 = tpu.memref_squeeze %dma_wait3A_877 : memref<1x2x8x128xf32, #tpu.memory_space<vmem>> -> memref<2x8x128xf32, #tpu.memory_space<vmem>>
    %dma_wait3A_879 = tpu.memref_reshape %arg5 : memref<16x1000000xf32, #tpu.memory_space<hbm>> -> memref<2x8x1000000xf32, #tpu.memory_space<hbm>>
    %dma_wait3A_880 = arith.constant 0 : i32
    %dma_wait3A_881 = arith.constant 0 : i32
    %dma_wait3A_882 = arith.constant 0 : i32
    %dma_wait3A_883 = tpu.memref_slice %dma_wait3A_879[%dma_wait3A_880, %dma_wait3A_881, %dma_wait3A_882] : memref<2x8x1000000xf32, #tpu.memory_space<hbm>> -> memref<2x8x128xf32, #tpu.memory_space<hbm>>
    %dma_wait3A_884 = arith.constant 0 : i32
    %dma_wait3A_885 = arith.constant 0 : i32
    %dma_wait3A_886 = arith.constant 0 : i32
    %dma_wait3A_887 = tpu.memref_slice %arg11[%dma_wait3A_873, %dma_wait3A_884, %dma_wait3A_885, %dma_wait3A_886] : memref<8x2x8x128xf32, #tpu.memory_space<vmem>> -> memref<1x2x8x128xf32, #tpu.memory_space<vmem>>
    %dma_wait3A_888 = tpu.memref_squeeze %dma_wait3A_887 : memref<1x2x8x128xf32, #tpu.memory_space<vmem>> -> memref<2x8x128xf32, #tpu.memory_space<vmem>>
    %dma_wait3A_889 = tpu.memref_reshape %arg5 : memref<16x1000000xf32, #tpu.memory_space<hbm>> -> memref<2x8x1000000xf32, #tpu.memory_space<hbm>>
    %dma_wait3A_890 = arith.constant 0 : i32
    %dma_wait3A_891 = arith.constant 0 : i32
    %dma_wait3A_892 = arith.constant 0 : i32
    %dma_wait3A_893 = tpu.memref_slice %dma_wait3A_889[%dma_wait3A_890, %dma_wait3A_891, %dma_wait3A_892] : memref<2x8x1000000xf32, #tpu.memory_space<hbm>> -> memref<2x8x128xf32, #tpu.memory_space<hbm>>
    tpu.wait_dma2 semaphore(%arg16 : memref<!tpu.dma_semaphore, #tpu.memory_space<semaphore_mem>>) src(%dma_wait3A_893 : memref<2x8x128xf32, #tpu.memory_space<hbm>>) dst(%dma_wait3A_888 : memref<2x8x128xf32, #tpu.memory_space<vmem>>)
    %dma_wait3A_894 = arith.constant 2 : i32
    %dma_wait3A_895 = arith.constant 0 : i32
    %dma_wait3A_896 = arith.constant 0 : i32
    %dma_wait3A_897 = arith.constant 0 : i32
    %dma_wait3A_898 = tpu.memref_slice %arg10[%dma_wait3A_894, %dma_wait3A_895, %dma_wait3A_896, %dma_wait3A_897] : memref<8x2x8x128xf32, #tpu.memory_space<vmem>> -> memref<1x2x8x128xf32, #tpu.memory_space<vmem>>
    %dma_wait3A_899 = tpu.memref_squeeze %dma_wait3A_898 : memref<1x2x8x128xf32, #tpu.memory_space<vmem>> -> memref<2x8x128xf32, #tpu.memory_space<vmem>>
    %dma_wait3A_900 = tpu.memref_reshape %arg4 : memref<16x1000000xf32, #tpu.memory_space<hbm>> -> memref<2x8x1000000xf32, #tpu.memory_space<hbm>>
    %dma_wait3A_901 = arith.constant 0 : i32
    %dma_wait3A_902 = arith.constant 0 : i32
    %dma_wait3A_903 = arith.constant 0 : i32
    %dma_wait3A_904 = tpu.memref_slice %dma_wait3A_900[%dma_wait3A_901, %dma_wait3A_902, %dma_wait3A_903] : memref<2x8x1000000xf32, #tpu.memory_space<hbm>> -> memref<2x8x128xf32, #tpu.memory_space<hbm>>
    %dma_wait3A_905 = arith.constant 0 : i32
    %dma_wait3A_906 = arith.constant 0 : i32
    %dma_wait3A_907 = arith.constant 0 : i32
    %dma_wait3A_908 = tpu.memref_slice %arg10[%dma_wait3A_894, %dma_wait3A_905, %dma_wait3A_906, %dma_wait3A_907] : memref<8x2x8x128xf32, #tpu.memory_space<vmem>> -> memref<1x2x8x128xf32, #tpu.memory_space<vmem>>
    %dma_wait3A_909 = tpu.memref_squeeze %dma_wait3A_908 : memref<1x2x8x128xf32, #tpu.memory_space<vmem>> -> memref<2x8x128xf32, #tpu.memory_space<vmem>>
    %dma_wait3A_910 = tpu.memref_reshape %arg4 : memref<16x1000000xf32, #tpu.memory_space<hbm>> -> memref<2x8x1000000xf32, #tpu.memory_space<hbm>>
    %dma_wait3A_911 = arith.constant 0 : i32
    %dma_wait3A_912 = arith.constant 0 : i32
    %dma_wait3A_913 = arith.constant 0 : i32
    %dma_wait3A_914 = tpu.memref_slice %dma_wait3A_910[%dma_wait3A_911, %dma_wait3A_912, %dma_wait3A_913] : memref<2x8x1000000xf32, #tpu.memory_space<hbm>> -> memref<2x8x128xf32, #tpu.memory_space<hbm>>
    tpu.wait_dma2 semaphore(%arg16 : memref<!tpu.dma_semaphore, #tpu.memory_space<semaphore_mem>>) src(%dma_wait3A_914 : memref<2x8x128xf32, #tpu.memory_space<hbm>>) dst(%dma_wait3A_909 : memref<2x8x128xf32, #tpu.memory_space<vmem>>)
    %dma_wait3A_915 = arith.constant 2 : i32
    %dma_wait3A_916 = arith.constant 0 : i32
    %dma_wait3A_917 = arith.constant 0 : i32
    %dma_wait3A_918 = arith.constant 0 : i32
    %dma_wait3A_919 = tpu.memref_slice %arg11[%dma_wait3A_915, %dma_wait3A_916, %dma_wait3A_917, %dma_wait3A_918] : memref<8x2x8x128xf32, #tpu.memory_space<vmem>> -> memref<1x2x8x128xf32, #tpu.memory_space<vmem>>
    %dma_wait3A_920 = tpu.memref_squeeze %dma_wait3A_919 : memref<1x2x8x128xf32, #tpu.memory_space<vmem>> -> memref<2x8x128xf32, #tpu.memory_space<vmem>>
    %dma_wait3A_921 = tpu.memref_reshape %arg5 : memref<16x1000000xf32, #tpu.memory_space<hbm>> -> memref<2x8x1000000xf32, #tpu.memory_space<hbm>>
    %dma_wait3A_922 = arith.constant 0 : i32
    %dma_wait3A_923 = arith.constant 0 : i32
    %dma_wait3A_924 = arith.constant 0 : i32
    %dma_wait3A_925 = tpu.memref_slice %dma_wait3A_921[%dma_wait3A_922, %dma_wait3A_923, %dma_wait3A_924] : memref<2x8x1000000xf32, #tpu.memory_space<hbm>> -> memref<2x8x128xf32, #tpu.memory_space<hbm>>
    %dma_wait3A_926 = arith.constant 0 : i32
    %dma_wait3A_927 = arith.constant 0 : i32
    %dma_wait3A_928 = arith.constant 0 : i32
    %dma_wait3A_929 = tpu.memref_slice %arg11[%dma_wait3A_915, %dma_wait3A_926, %dma_wait3A_927, %dma_wait3A_928] : memref<8x2x8x128xf32, #tpu.memory_space<vmem>> -> memref<1x2x8x128xf32, #tpu.memory_space<vmem>>
    %dma_wait3A_930 = tpu.memref_squeeze %dma_wait3A_929 : memref<1x2x8x128xf32, #tpu.memory_space<vmem>> -> memref<2x8x128xf32, #tpu.memory_space<vmem>>
    %dma_wait3A_931 = tpu.memref_reshape %arg5 : memref<16x1000000xf32, #tpu.memory_space<hbm>> -> memref<2x8x1000000xf32, #tpu.memory_space<hbm>>
    %dma_wait3A_932 = arith.constant 0 : i32
    %dma_wait3A_933 = arith.constant 0 : i32
    %dma_wait3A_934 = arith.constant 0 : i32
    %dma_wait3A_935 = tpu.memref_slice %dma_wait3A_931[%dma_wait3A_932, %dma_wait3A_933, %dma_wait3A_934] : memref<2x8x1000000xf32, #tpu.memory_space<hbm>> -> memref<2x8x128xf32, #tpu.memory_space<hbm>>
    tpu.wait_dma2 semaphore(%arg16 : memref<!tpu.dma_semaphore, #tpu.memory_space<semaphore_mem>>) src(%dma_wait3A_935 : memref<2x8x128xf32, #tpu.memory_space<hbm>>) dst(%dma_wait3A_930 : memref<2x8x128xf32, #tpu.memory_space<vmem>>)
    %dma_wait3A_936 = arith.constant 3 : i32
    %dma_wait3A_937 = arith.constant 0 : i32
    %dma_wait3A_938 = arith.constant 0 : i32
    %dma_wait3A_939 = arith.constant 0 : i32
    %dma_wait3A_940 = tpu.memref_slice %arg10[%dma_wait3A_936, %dma_wait3A_937, %dma_wait3A_938, %dma_wait3A_939] : memref<8x2x8x128xf32, #tpu.memory_space<vmem>> -> memref<1x2x8x128xf32, #tpu.memory_space<vmem>>
    %dma_wait3A_941 = tpu.memref_squeeze %dma_wait3A_940 : memref<1x2x8x128xf32, #tpu.memory_space<vmem>> -> memref<2x8x128xf32, #tpu.memory_space<vmem>>
    %dma_wait3A_942 = tpu.memref_reshape %arg4 : memref<16x1000000xf32, #tpu.memory_space<hbm>> -> memref<2x8x1000000xf32, #tpu.memory_space<hbm>>
    %dma_wait3A_943 = arith.constant 0 : i32
    %dma_wait3A_944 = arith.constant 0 : i32
    %dma_wait3A_945 = arith.constant 0 : i32
    %dma_wait3A_946 = tpu.memref_slice %dma_wait3A_942[%dma_wait3A_943, %dma_wait3A_944, %dma_wait3A_945] : memref<2x8x1000000xf32, #tpu.memory_space<hbm>> -> memref<2x8x128xf32, #tpu.memory_space<hbm>>
    %dma_wait3A_947 = arith.constant 0 : i32
    %dma_wait3A_948 = arith.constant 0 : i32
    %dma_wait3A_949 = arith.constant 0 : i32
    %dma_wait3A_950 = tpu.memref_slice %arg10[%dma_wait3A_936, %dma_wait3A_947, %dma_wait3A_948, %dma_wait3A_949] : memref<8x2x8x128xf32, #tpu.memory_space<vmem>> -> memref<1x2x8x128xf32, #tpu.memory_space<vmem>>
    %dma_wait3A_951 = tpu.memref_squeeze %dma_wait3A_950 : memref<1x2x8x128xf32, #tpu.memory_space<vmem>> -> memref<2x8x128xf32, #tpu.memory_space<vmem>>
    %dma_wait3A_952 = tpu.memref_reshape %arg4 : memref<16x1000000xf32, #tpu.memory_space<hbm>> -> memref<2x8x1000000xf32, #tpu.memory_space<hbm>>
    %dma_wait3A_953 = arith.constant 0 : i32
    %dma_wait3A_954 = arith.constant 0 : i32
    %dma_wait3A_955 = arith.constant 0 : i32
    %dma_wait3A_956 = tpu.memref_slice %dma_wait3A_952[%dma_wait3A_953, %dma_wait3A_954, %dma_wait3A_955] : memref<2x8x1000000xf32, #tpu.memory_space<hbm>> -> memref<2x8x128xf32, #tpu.memory_space<hbm>>
    tpu.wait_dma2 semaphore(%arg16 : memref<!tpu.dma_semaphore, #tpu.memory_space<semaphore_mem>>) src(%dma_wait3A_956 : memref<2x8x128xf32, #tpu.memory_space<hbm>>) dst(%dma_wait3A_951 : memref<2x8x128xf32, #tpu.memory_space<vmem>>)
    %dma_wait3A_957 = arith.constant 3 : i32
    %dma_wait3A_958 = arith.constant 0 : i32
    %dma_wait3A_959 = arith.constant 0 : i32
    %dma_wait3A_960 = arith.constant 0 : i32
    %dma_wait3A_961 = tpu.memref_slice %arg11[%dma_wait3A_957, %dma_wait3A_958, %dma_wait3A_959, %dma_wait3A_960] : memref<8x2x8x128xf32, #tpu.memory_space<vmem>> -> memref<1x2x8x128xf32, #tpu.memory_space<vmem>>
    %dma_wait3A_962 = tpu.memref_squeeze %dma_wait3A_961 : memref<1x2x8x128xf32, #tpu.memory_space<vmem>> -> memref<2x8x128xf32, #tpu.memory_space<vmem>>
    %dma_wait3A_963 = tpu.memref_reshape %arg5 : memref<16x1000000xf32, #tpu.memory_space<hbm>> -> memref<2x8x1000000xf32, #tpu.memory_space<hbm>>
    %dma_wait3A_964 = arith.constant 0 : i32
    %dma_wait3A_965 = arith.constant 0 : i32
    %dma_wait3A_966 = arith.constant 0 : i32
    %dma_wait3A_967 = tpu.memref_slice %dma_wait3A_963[%dma_wait3A_964, %dma_wait3A_965, %dma_wait3A_966] : memref<2x8x1000000xf32, #tpu.memory_space<hbm>> -> memref<2x8x128xf32, #tpu.memory_space<hbm>>
    %dma_wait3A_968 = arith.constant 0 : i32
    %dma_wait3A_969 = arith.constant 0 : i32
    %dma_wait3A_970 = arith.constant 0 : i32
    %dma_wait3A_971 = tpu.memref_slice %arg11[%dma_wait3A_957, %dma_wait3A_968, %dma_wait3A_969, %dma_wait3A_970] : memref<8x2x8x128xf32, #tpu.memory_space<vmem>> -> memref<1x2x8x128xf32, #tpu.memory_space<vmem>>
    %dma_wait3A_972 = tpu.memref_squeeze %dma_wait3A_971 : memref<1x2x8x128xf32, #tpu.memory_space<vmem>> -> memref<2x8x128xf32, #tpu.memory_space<vmem>>
    %dma_wait3A_973 = tpu.memref_reshape %arg5 : memref<16x1000000xf32, #tpu.memory_space<hbm>> -> memref<2x8x1000000xf32, #tpu.memory_space<hbm>>
    %dma_wait3A_974 = arith.constant 0 : i32
    %dma_wait3A_975 = arith.constant 0 : i32
    %dma_wait3A_976 = arith.constant 0 : i32
    %dma_wait3A_977 = tpu.memref_slice %dma_wait3A_973[%dma_wait3A_974, %dma_wait3A_975, %dma_wait3A_976] : memref<2x8x1000000xf32, #tpu.memory_space<hbm>> -> memref<2x8x128xf32, #tpu.memory_space<hbm>>
    tpu.wait_dma2 semaphore(%arg16 : memref<!tpu.dma_semaphore, #tpu.memory_space<semaphore_mem>>) src(%dma_wait3A_977 : memref<2x8x128xf32, #tpu.memory_space<hbm>>) dst(%dma_wait3A_972 : memref<2x8x128xf32, #tpu.memory_space<vmem>>)
    %dma_wait3A_978 = arith.constant 4 : i32
    %dma_wait3A_979 = arith.constant 0 : i32
    %dma_wait3A_980 = arith.constant 0 : i32
    %dma_wait3A_981 = arith.constant 0 : i32
    %dma_wait3A_982 = tpu.memref_slice %arg10[%dma_wait3A_978, %dma_wait3A_979, %dma_wait3A_980, %dma_wait3A_981] : memref<8x2x8x128xf32, #tpu.memory_space<vmem>> -> memref<1x2x8x128xf32, #tpu.memory_space<vmem>>
    %dma_wait3A_983 = tpu.memref_squeeze %dma_wait3A_982 : memref<1x2x8x128xf32, #tpu.memory_space<vmem>> -> memref<2x8x128xf32, #tpu.memory_space<vmem>>
    %dma_wait3A_984 = tpu.memref_reshape %arg4 : memref<16x1000000xf32, #tpu.memory_space<hbm>> -> memref<2x8x1000000xf32, #tpu.memory_space<hbm>>
    %dma_wait3A_985 = arith.constant 0 : i32
    %dma_wait3A_986 = arith.constant 0 : i32
    %dma_wait3A_987 = arith.constant 0 : i32
    %dma_wait3A_988 = tpu.memref_slice %dma_wait3A_984[%dma_wait3A_985, %dma_wait3A_986, %dma_wait3A_987] : memref<2x8x1000000xf32, #tpu.memory_space<hbm>> -> memref<2x8x128xf32, #tpu.memory_space<hbm>>
    %dma_wait3A_989 = arith.constant 0 : i32
    %dma_wait3A_990 = arith.constant 0 : i32
    %dma_wait3A_991 = arith.constant 0 : i32
    %dma_wait3A_992 = tpu.memref_slice %arg10[%dma_wait3A_978, %dma_wait3A_989, %dma_wait3A_990, %dma_wait3A_991] : memref<8x2x8x128xf32, #tpu.memory_space<vmem>> -> memref<1x2x8x128xf32, #tpu.memory_space<vmem>>
    %dma_wait3A_993 = tpu.memref_squeeze %dma_wait3A_992 : memref<1x2x8x128xf32, #tpu.memory_space<vmem>> -> memref<2x8x128xf32, #tpu.memory_space<vmem>>
    %dma_wait3A_994 = tpu.memref_reshape %arg4 : memref<16x1000000xf32, #tpu.memory_space<hbm>> -> memref<2x8x1000000xf32, #tpu.memory_space<hbm>>
    %dma_wait3A_995 = arith.constant 0 : i32
    %dma_wait3A_996 = arith.constant 0 : i32
    %dma_wait3A_997 = arith.constant 0 : i32
    %dma_wait3A_998 = tpu.memref_slice %dma_wait3A_994[%dma_wait3A_995, %dma_wait3A_996, %dma_wait3A_997] : memref<2x8x1000000xf32, #tpu.memory_space<hbm>> -> memref<2x8x128xf32, #tpu.memory_space<hbm>>
    tpu.wait_dma2 semaphore(%arg16 : memref<!tpu.dma_semaphore, #tpu.memory_space<semaphore_mem>>) src(%dma_wait3A_998 : memref<2x8x128xf32, #tpu.memory_space<hbm>>) dst(%dma_wait3A_993 : memref<2x8x128xf32, #tpu.memory_space<vmem>>)
    %dma_wait3A_999 = arith.constant 4 : i32
    %dma_wait3A_1000 = arith.constant 0 : i32
    %dma_wait3A_1001 = arith.constant 0 : i32
    %dma_wait3A_1002 = arith.constant 0 : i32
    %dma_wait3A_1003 = tpu.memref_slice %arg11[%dma_wait3A_999, %dma_wait3A_1000, %dma_wait3A_1001, %dma_wait3A_1002] : memref<8x2x8x128xf32, #tpu.memory_space<vmem>> -> memref<1x2x8x128xf32, #tpu.memory_space<vmem>>
    %dma_wait3A_1004 = tpu.memref_squeeze %dma_wait3A_1003 : memref<1x2x8x128xf32, #tpu.memory_space<vmem>> -> memref<2x8x128xf32, #tpu.memory_space<vmem>>
    %dma_wait3A_1005 = tpu.memref_reshape %arg5 : memref<16x1000000xf32, #tpu.memory_space<hbm>> -> memref<2x8x1000000xf32, #tpu.memory_space<hbm>>
    %dma_wait3A_1006 = arith.constant 0 : i32
    %dma_wait3A_1007 = arith.constant 0 : i32
    %dma_wait3A_1008 = arith.constant 0 : i32
    %dma_wait3A_1009 = tpu.memref_slice %dma_wait3A_1005[%dma_wait3A_1006, %dma_wait3A_1007, %dma_wait3A_1008] : memref<2x8x1000000xf32, #tpu.memory_space<hbm>> -> memref<2x8x128xf32, #tpu.memory_space<hbm>>
    %dma_wait3A_1010 = arith.constant 0 : i32
    %dma_wait3A_1011 = arith.constant 0 : i32
    %dma_wait3A_1012 = arith.constant 0 : i32
    %dma_wait3A_1013 = tpu.memref_slice %arg11[%dma_wait3A_999, %dma_wait3A_1010, %dma_wait3A_1011, %dma_wait3A_1012] : memref<8x2x8x128xf32, #tpu.memory_space<vmem>> -> memref<1x2x8x128xf32, #tpu.memory_space<vmem>>
    %dma_wait3A_1014 = tpu.memref_squeeze %dma_wait3A_1013 : memref<1x2x8x128xf32, #tpu.memory_space<vmem>> -> memref<2x8x128xf32, #tpu.memory_space<vmem>>
    %dma_wait3A_1015 = tpu.memref_reshape %arg5 : memref<16x1000000xf32, #tpu.memory_space<hbm>> -> memref<2x8x1000000xf32, #tpu.memory_space<hbm>>
    %dma_wait3A_1016 = arith.constant 0 : i32
    %dma_wait3A_1017 = arith.constant 0 : i32
    %dma_wait3A_1018 = arith.constant 0 : i32
    %dma_wait3A_1019 = tpu.memref_slice %dma_wait3A_1015[%dma_wait3A_1016, %dma_wait3A_1017, %dma_wait3A_1018] : memref<2x8x1000000xf32, #tpu.memory_space<hbm>> -> memref<2x8x128xf32, #tpu.memory_space<hbm>>
    tpu.wait_dma2 semaphore(%arg16 : memref<!tpu.dma_semaphore, #tpu.memory_space<semaphore_mem>>) src(%dma_wait3A_1019 : memref<2x8x128xf32, #tpu.memory_space<hbm>>) dst(%dma_wait3A_1014 : memref<2x8x128xf32, #tpu.memory_space<vmem>>)
    %dma_wait3A_1020 = arith.constant 5 : i32
    %dma_wait3A_1021 = arith.constant 0 : i32
    %dma_wait3A_1022 = arith.constant 0 : i32
    %dma_wait3A_1023 = arith.constant 0 : i32
    %dma_wait3A_1024 = tpu.memref_slice %arg10[%dma_wait3A_1020, %dma_wait3A_1021, %dma_wait3A_1022, %dma_wait3A_1023] : memref<8x2x8x128xf32, #tpu.memory_space<vmem>> -> memref<1x2x8x128xf32, #tpu.memory_space<vmem>>
    %dma_wait3A_1025 = tpu.memref_squeeze %dma_wait3A_1024 : memref<1x2x8x128xf32, #tpu.memory_space<vmem>> -> memref<2x8x128xf32, #tpu.memory_space<vmem>>
    %dma_wait3A_1026 = tpu.memref_reshape %arg4 : memref<16x1000000xf32, #tpu.memory_space<hbm>> -> memref<2x8x1000000xf32, #tpu.memory_space<hbm>>
    %dma_wait3A_1027 = arith.constant 0 : i32
    %dma_wait3A_1028 = arith.constant 0 : i32
    %dma_wait3A_1029 = arith.constant 0 : i32
    %dma_wait3A_1030 = tpu.memref_slice %dma_wait3A_1026[%dma_wait3A_1027, %dma_wait3A_1028, %dma_wait3A_1029] : memref<2x8x1000000xf32, #tpu.memory_space<hbm>> -> memref<2x8x128xf32, #tpu.memory_space<hbm>>
    %dma_wait3A_1031 = arith.constant 0 : i32
    %dma_wait3A_1032 = arith.constant 0 : i32
    %dma_wait3A_1033 = arith.constant 0 : i32
    %dma_wait3A_1034 = tpu.memref_slice %arg10[%dma_wait3A_1020, %dma_wait3A_1031, %dma_wait3A_1032, %dma_wait3A_1033] : memref<8x2x8x128xf32, #tpu.memory_space<vmem>> -> memref<1x2x8x128xf32, #tpu.memory_space<vmem>>
    %dma_wait3A_1035 = tpu.memref_squeeze %dma_wait3A_1034 : memref<1x2x8x128xf32, #tpu.memory_space<vmem>> -> memref<2x8x128xf32, #tpu.memory_space<vmem>>
    %dma_wait3A_1036 = tpu.memref_reshape %arg4 : memref<16x1000000xf32, #tpu.memory_space<hbm>> -> memref<2x8x1000000xf32, #tpu.memory_space<hbm>>
    %dma_wait3A_1037 = arith.constant 0 : i32
    %dma_wait3A_1038 = arith.constant 0 : i32
    %dma_wait3A_1039 = arith.constant 0 : i32
    %dma_wait3A_1040 = tpu.memref_slice %dma_wait3A_1036[%dma_wait3A_1037, %dma_wait3A_1038, %dma_wait3A_1039] : memref<2x8x1000000xf32, #tpu.memory_space<hbm>> -> memref<2x8x128xf32, #tpu.memory_space<hbm>>
    tpu.wait_dma2 semaphore(%arg16 : memref<!tpu.dma_semaphore, #tpu.memory_space<semaphore_mem>>) src(%dma_wait3A_1040 : memref<2x8x128xf32, #tpu.memory_space<hbm>>) dst(%dma_wait3A_1035 : memref<2x8x128xf32, #tpu.memory_space<vmem>>)
    %dma_wait3A_1041 = arith.constant 5 : i32
    %dma_wait3A_1042 = arith.constant 0 : i32
    %dma_wait3A_1043 = arith.constant 0 : i32
    %dma_wait3A_1044 = arith.constant 0 : i32
    %dma_wait3A_1045 = tpu.memref_slice %arg11[%dma_wait3A_1041, %dma_wait3A_1042, %dma_wait3A_1043, %dma_wait3A_1044] : memref<8x2x8x128xf32, #tpu.memory_space<vmem>> -> memref<1x2x8x128xf32, #tpu.memory_space<vmem>>
    %dma_wait3A_1046 = tpu.memref_squeeze %dma_wait3A_1045 : memref<1x2x8x128xf32, #tpu.memory_space<vmem>> -> memref<2x8x128xf32, #tpu.memory_space<vmem>>
    %dma_wait3A_1047 = tpu.memref_reshape %arg5 : memref<16x1000000xf32, #tpu.memory_space<hbm>> -> memref<2x8x1000000xf32, #tpu.memory_space<hbm>>
    %dma_wait3A_1048 = arith.constant 0 : i32
    %dma_wait3A_1049 = arith.constant 0 : i32
    %dma_wait3A_1050 = arith.constant 0 : i32
    %dma_wait3A_1051 = tpu.memref_slice %dma_wait3A_1047[%dma_wait3A_1048, %dma_wait3A_1049, %dma_wait3A_1050] : memref<2x8x1000000xf32, #tpu.memory_space<hbm>> -> memref<2x8x128xf32, #tpu.memory_space<hbm>>
    %dma_wait3A_1052 = arith.constant 0 : i32
    %dma_wait3A_1053 = arith.constant 0 : i32
    %dma_wait3A_1054 = arith.constant 0 : i32
    %dma_wait3A_1055 = tpu.memref_slice %arg11[%dma_wait3A_1041, %dma_wait3A_1052, %dma_wait3A_1053, %dma_wait3A_1054] : memref<8x2x8x128xf32, #tpu.memory_space<vmem>> -> memref<1x2x8x128xf32, #tpu.memory_space<vmem>>
    %dma_wait3A_1056 = tpu.memref_squeeze %dma_wait3A_1055 : memref<1x2x8x128xf32, #tpu.memory_space<vmem>> -> memref<2x8x128xf32, #tpu.memory_space<vmem>>
    %dma_wait3A_1057 = tpu.memref_reshape %arg5 : memref<16x1000000xf32, #tpu.memory_space<hbm>> -> memref<2x8x1000000xf32, #tpu.memory_space<hbm>>
    %dma_wait3A_1058 = arith.constant 0 : i32
    %dma_wait3A_1059 = arith.constant 0 : i32
    %dma_wait3A_1060 = arith.constant 0 : i32
    %dma_wait3A_1061 = tpu.memref_slice %dma_wait3A_1057[%dma_wait3A_1058, %dma_wait3A_1059, %dma_wait3A_1060] : memref<2x8x1000000xf32, #tpu.memory_space<hbm>> -> memref<2x8x128xf32, #tpu.memory_space<hbm>>
    tpu.wait_dma2 semaphore(%arg16 : memref<!tpu.dma_semaphore, #tpu.memory_space<semaphore_mem>>) src(%dma_wait3A_1061 : memref<2x8x128xf32, #tpu.memory_space<hbm>>) dst(%dma_wait3A_1056 : memref<2x8x128xf32, #tpu.memory_space<vmem>>)
    %dma_wait3A_1062 = arith.constant 6 : i32
    %dma_wait3A_1063 = arith.constant 0 : i32
    %dma_wait3A_1064 = arith.constant 0 : i32
    %dma_wait3A_1065 = arith.constant 0 : i32
    %dma_wait3A_1066 = tpu.memref_slice %arg10[%dma_wait3A_1062, %dma_wait3A_1063, %dma_wait3A_1064, %dma_wait3A_1065] : memref<8x2x8x128xf32, #tpu.memory_space<vmem>> -> memref<1x2x8x128xf32, #tpu.memory_space<vmem>>
    %dma_wait3A_1067 = tpu.memref_squeeze %dma_wait3A_1066 : memref<1x2x8x128xf32, #tpu.memory_space<vmem>> -> memref<2x8x128xf32, #tpu.memory_space<vmem>>
    %dma_wait3A_1068 = tpu.memref_reshape %arg4 : memref<16x1000000xf32, #tpu.memory_space<hbm>> -> memref<2x8x1000000xf32, #tpu.memory_space<hbm>>
    %dma_wait3A_1069 = arith.constant 0 : i32
    %dma_wait3A_1070 = arith.constant 0 : i32
    %dma_wait3A_1071 = arith.constant 0 : i32
    %dma_wait3A_1072 = tpu.memref_slice %dma_wait3A_1068[%dma_wait3A_1069, %dma_wait3A_1070, %dma_wait3A_1071] : memref<2x8x1000000xf32, #tpu.memory_space<hbm>> -> memref<2x8x128xf32, #tpu.memory_space<hbm>>
    %dma_wait3A_1073 = arith.constant 0 : i32
    %dma_wait3A_1074 = arith.constant 0 : i32
    %dma_wait3A_1075 = arith.constant 0 : i32
    %dma_wait3A_1076 = tpu.memref_slice %arg10[%dma_wait3A_1062, %dma_wait3A_1073, %dma_wait3A_1074, %dma_wait3A_1075] : memref<8x2x8x128xf32, #tpu.memory_space<vmem>> -> memref<1x2x8x128xf32, #tpu.memory_space<vmem>>
    %dma_wait3A_1077 = tpu.memref_squeeze %dma_wait3A_1076 : memref<1x2x8x128xf32, #tpu.memory_space<vmem>> -> memref<2x8x128xf32, #tpu.memory_space<vmem>>
    %dma_wait3A_1078 = tpu.memref_reshape %arg4 : memref<16x1000000xf32, #tpu.memory_space<hbm>> -> memref<2x8x1000000xf32, #tpu.memory_space<hbm>>
    %dma_wait3A_1079 = arith.constant 0 : i32
    %dma_wait3A_1080 = arith.constant 0 : i32
    %dma_wait3A_1081 = arith.constant 0 : i32
    %dma_wait3A_1082 = tpu.memref_slice %dma_wait3A_1078[%dma_wait3A_1079, %dma_wait3A_1080, %dma_wait3A_1081] : memref<2x8x1000000xf32, #tpu.memory_space<hbm>> -> memref<2x8x128xf32, #tpu.memory_space<hbm>>
    tpu.wait_dma2 semaphore(%arg16 : memref<!tpu.dma_semaphore, #tpu.memory_space<semaphore_mem>>) src(%dma_wait3A_1082 : memref<2x8x128xf32, #tpu.memory_space<hbm>>) dst(%dma_wait3A_1077 : memref<2x8x128xf32, #tpu.memory_space<vmem>>)
    %dma_wait3A_1083 = arith.constant 6 : i32
    %dma_wait3A_1084 = arith.constant 0 : i32
    %dma_wait3A_1085 = arith.constant 0 : i32
    %dma_wait3A_1086 = arith.constant 0 : i32
    %dma_wait3A_1087 = tpu.memref_slice %arg11[%dma_wait3A_1083, %dma_wait3A_1084, %dma_wait3A_1085, %dma_wait3A_1086] : memref<8x2x8x128xf32, #tpu.memory_space<vmem>> -> memref<1x2x8x128xf32, #tpu.memory_space<vmem>>
    %dma_wait3A_1088 = tpu.memref_squeeze %dma_wait3A_1087 : memref<1x2x8x128xf32, #tpu.memory_space<vmem>> -> memref<2x8x128xf32, #tpu.memory_space<vmem>>
    %dma_wait3A_1089 = tpu.memref_reshape %arg5 : memref<16x1000000xf32, #tpu.memory_space<hbm>> -> memref<2x8x1000000xf32, #tpu.memory_space<hbm>>
    %dma_wait3A_1090 = arith.constant 0 : i32
    %dma_wait3A_1091 = arith.constant 0 : i32
    %dma_wait3A_1092 = arith.constant 0 : i32
    %dma_wait3A_1093 = tpu.memref_slice %dma_wait3A_1089[%dma_wait3A_1090, %dma_wait3A_1091, %dma_wait3A_1092] : memref<2x8x1000000xf32, #tpu.memory_space<hbm>> -> memref<2x8x128xf32, #tpu.memory_space<hbm>>
    %dma_wait3A_1094 = arith.constant 0 : i32
    %dma_wait3A_1095 = arith.constant 0 : i32
    %dma_wait3A_1096 = arith.constant 0 : i32
    %dma_wait3A_1097 = tpu.memref_slice %arg11[%dma_wait3A_1083, %dma_wait3A_1094, %dma_wait3A_1095, %dma_wait3A_1096] : memref<8x2x8x128xf32, #tpu.memory_space<vmem>> -> memref<1x2x8x128xf32, #tpu.memory_space<vmem>>
    %dma_wait3A_1098 = tpu.memref_squeeze %dma_wait3A_1097 : memref<1x2x8x128xf32, #tpu.memory_space<vmem>> -> memref<2x8x128xf32, #tpu.memory_space<vmem>>
    %dma_wait3A_1099 = tpu.memref_reshape %arg5 : memref<16x1000000xf32, #tpu.memory_space<hbm>> -> memref<2x8x1000000xf32, #tpu.memory_space<hbm>>
    %dma_wait3A_1100 = arith.constant 0 : i32
    %dma_wait3A_1101 = arith.constant 0 : i32
    %dma_wait3A_1102 = arith.constant 0 : i32
    %dma_wait3A_1103 = tpu.memref_slice %dma_wait3A_1099[%dma_wait3A_1100, %dma_wait3A_1101, %dma_wait3A_1102] : memref<2x8x1000000xf32, #tpu.memory_space<hbm>> -> memref<2x8x128xf32, #tpu.memory_space<hbm>>
    tpu.wait_dma2 semaphore(%arg16 : memref<!tpu.dma_semaphore, #tpu.memory_space<semaphore_mem>>) src(%dma_wait3A_1103 : memref<2x8x128xf32, #tpu.memory_space<hbm>>) dst(%dma_wait3A_1098 : memref<2x8x128xf32, #tpu.memory_space<vmem>>)
    %dma_wait3A_1104 = arith.constant 7 : i32
    %dma_wait3A_1105 = arith.constant 0 : i32
    %dma_wait3A_1106 = arith.constant 0 : i32
    %dma_wait3A_1107 = arith.constant 0 : i32
    %dma_wait3A_1108 = tpu.memref_slice %arg10[%dma_wait3A_1104, %dma_wait3A_1105, %dma_wait3A_1106, %dma_wait3A_1107] : memref<8x2x8x128xf32, #tpu.memory_space<vmem>> -> memref<1x2x8x128xf32, #tpu.memory_space<vmem>>
    %dma_wait3A_1109 = tpu.memref_squeeze %dma_wait3A_1108 : memref<1x2x8x128xf32, #tpu.memory_space<vmem>> -> memref<2x8x128xf32, #tpu.memory_space<vmem>>
    %dma_wait3A_1110 = tpu.memref_reshape %arg4 : memref<16x1000000xf32, #tpu.memory_space<hbm>> -> memref<2x8x1000000xf32, #tpu.memory_space<hbm>>
    %dma_wait3A_1111 = arith.constant 0 : i32
    %dma_wait3A_1112 = arith.constant 0 : i32
    %dma_wait3A_1113 = arith.constant 0 : i32
    %dma_wait3A_1114 = tpu.memref_slice %dma_wait3A_1110[%dma_wait3A_1111, %dma_wait3A_1112, %dma_wait3A_1113] : memref<2x8x1000000xf32, #tpu.memory_space<hbm>> -> memref<2x8x128xf32, #tpu.memory_space<hbm>>
    %dma_wait3A_1115 = arith.constant 0 : i32
    %dma_wait3A_1116 = arith.constant 0 : i32
    %dma_wait3A_1117 = arith.constant 0 : i32
    %dma_wait3A_1118 = tpu.memref_slice %arg10[%dma_wait3A_1104, %dma_wait3A_1115, %dma_wait3A_1116, %dma_wait3A_1117] : memref<8x2x8x128xf32, #tpu.memory_space<vmem>> -> memref<1x2x8x128xf32, #tpu.memory_space<vmem>>
    %dma_wait3A_1119 = tpu.memref_squeeze %dma_wait3A_1118 : memref<1x2x8x128xf32, #tpu.memory_space<vmem>> -> memref<2x8x128xf32, #tpu.memory_space<vmem>>
    %dma_wait3A_1120 = tpu.memref_reshape %arg4 : memref<16x1000000xf32, #tpu.memory_space<hbm>> -> memref<2x8x1000000xf32, #tpu.memory_space<hbm>>
    %dma_wait3A_1121 = arith.constant 0 : i32
    %dma_wait3A_1122 = arith.constant 0 : i32
    %dma_wait3A_1123 = arith.constant 0 : i32
    %dma_wait3A_1124 = tpu.memref_slice %dma_wait3A_1120[%dma_wait3A_1121, %dma_wait3A_1122, %dma_wait3A_1123] : memref<2x8x1000000xf32, #tpu.memory_space<hbm>> -> memref<2x8x128xf32, #tpu.memory_space<hbm>>
    tpu.wait_dma2 semaphore(%arg16 : memref<!tpu.dma_semaphore, #tpu.memory_space<semaphore_mem>>) src(%dma_wait3A_1124 : memref<2x8x128xf32, #tpu.memory_space<hbm>>) dst(%dma_wait3A_1119 : memref<2x8x128xf32, #tpu.memory_space<vmem>>)
    %dma_wait3A_1125 = arith.constant 7 : i32
    %dma_wait3A_1126 = arith.constant 0 : i32
    %dma_wait3A_1127 = arith.constant 0 : i32
    %dma_wait3A_1128 = arith.constant 0 : i32
    %dma_wait3A_1129 = tpu.memref_slice %arg11[%dma_wait3A_1125, %dma_wait3A_1126, %dma_wait3A_1127, %dma_wait3A_1128] : memref<8x2x8x128xf32, #tpu.memory_space<vmem>> -> memref<1x2x8x128xf32, #tpu.memory_space<vmem>>
    %dma_wait3A_1130 = tpu.memref_squeeze %dma_wait3A_1129 : memref<1x2x8x128xf32, #tpu.memory_space<vmem>> -> memref<2x8x128xf32, #tpu.memory_space<vmem>>
    %dma_wait3A_1131 = tpu.memref_reshape %arg5 : memref<16x1000000xf32, #tpu.memory_space<hbm>> -> memref<2x8x1000000xf32, #tpu.memory_space<hbm>>
    %dma_wait3A_1132 = arith.constant 0 : i32
    %dma_wait3A_1133 = arith.constant 0 : i32
    %dma_wait3A_1134 = arith.constant 0 : i32
    %dma_wait3A_1135 = tpu.memref_slice %dma_wait3A_1131[%dma_wait3A_1132, %dma_wait3A_1133, %dma_wait3A_1134] : memref<2x8x1000000xf32, #tpu.memory_space<hbm>> -> memref<2x8x128xf32, #tpu.memory_space<hbm>>
    %dma_wait3A_1136 = arith.constant 0 : i32
    %dma_wait3A_1137 = arith.constant 0 : i32
    %dma_wait3A_1138 = arith.constant 0 : i32
    %dma_wait3A_1139 = tpu.memref_slice %arg11[%dma_wait3A_1125, %dma_wait3A_1136, %dma_wait3A_1137, %dma_wait3A_1138] : memref<8x2x8x128xf32, #tpu.memory_space<vmem>> -> memref<1x2x8x128xf32, #tpu.memory_space<vmem>>
    %dma_wait3A_1140 = tpu.memref_squeeze %dma_wait3A_1139 : memref<1x2x8x128xf32, #tpu.memory_space<vmem>> -> memref<2x8x128xf32, #tpu.memory_space<vmem>>
    %dma_wait3A_1141 = tpu.memref_reshape %arg5 : memref<16x1000000xf32, #tpu.memory_space<hbm>> -> memref<2x8x1000000xf32, #tpu.memory_space<hbm>>
    %dma_wait3A_1142 = arith.constant 0 : i32
    %dma_wait3A_1143 = arith.constant 0 : i32
    %dma_wait3A_1144 = arith.constant 0 : i32
    %dma_wait3A_1145 = tpu.memref_slice %dma_wait3A_1141[%dma_wait3A_1142, %dma_wait3A_1143, %dma_wait3A_1144] : memref<2x8x1000000xf32, #tpu.memory_space<hbm>> -> memref<2x8x128xf32, #tpu.memory_space<hbm>>
    tpu.wait_dma2 semaphore(%arg16 : memref<!tpu.dma_semaphore, #tpu.memory_space<semaphore_mem>>) src(%dma_wait3A_1145 : memref<2x8x128xf32, #tpu.memory_space<hbm>>) dst(%dma_wait3A_1140 : memref<2x8x128xf32, #tpu.memory_space<vmem>>)
    %dma_wait3A_1146 = arith.constant 0 : i32
    %dma_wait3A_1147 = arith.constant 0 : i32
    %dma_wait3A_1148 = arith.constant 0 : i32
    %dma_wait3A_1149 = arith.constant 0 : i32
    %dma_wait3A_1150 = tpu.memref_slice %arg12[%dma_wait3A_1146, %dma_wait3A_1147, %dma_wait3A_1148, %dma_wait3A_1149] : memref<8x2x8x128xf32, #tpu.memory_space<vmem>> -> memref<1x2x8x128xf32, #tpu.memory_space<vmem>>
    %dma_wait3A_1151 = tpu.memref_squeeze %dma_wait3A_1150 : memref<1x2x8x128xf32, #tpu.memory_space<vmem>> -> memref<2x8x128xf32, #tpu.memory_space<vmem>>
    %dma_wait3A_1152 = tpu.memref_reshape %arg4 : memref<16x1000000xf32, #tpu.memory_space<hbm>> -> memref<2x8x1000000xf32, #tpu.memory_space<hbm>>
    %dma_wait3A_1153 = arith.constant 0 : i32
    %dma_wait3A_1154 = arith.constant 0 : i32
    %dma_wait3A_1155 = arith.constant 0 : i32
    %dma_wait3A_1156 = tpu.memref_slice %dma_wait3A_1152[%dma_wait3A_1153, %dma_wait3A_1154, %dma_wait3A_1155] : memref<2x8x1000000xf32, #tpu.memory_space<hbm>> -> memref<2x8x128xf32, #tpu.memory_space<hbm>>
    %dma_wait3A_1157 = arith.constant 0 : i32
    %dma_wait3A_1158 = arith.constant 0 : i32
    %dma_wait3A_1159 = arith.constant 0 : i32
    %dma_wait3A_1160 = tpu.memref_slice %arg12[%dma_wait3A_1146, %dma_wait3A_1157, %dma_wait3A_1158, %dma_wait3A_1159] : memref<8x2x8x128xf32, #tpu.memory_space<vmem>> -> memref<1x2x8x128xf32, #tpu.memory_space<vmem>>
    %dma_wait3A_1161 = tpu.memref_squeeze %dma_wait3A_1160 : memref<1x2x8x128xf32, #tpu.memory_space<vmem>> -> memref<2x8x128xf32, #tpu.memory_space<vmem>>
    %dma_wait3A_1162 = tpu.memref_reshape %arg4 : memref<16x1000000xf32, #tpu.memory_space<hbm>> -> memref<2x8x1000000xf32, #tpu.memory_space<hbm>>
    %dma_wait3A_1163 = arith.constant 0 : i32
    %dma_wait3A_1164 = arith.constant 0 : i32
    %dma_wait3A_1165 = arith.constant 0 : i32
    %dma_wait3A_1166 = tpu.memref_slice %dma_wait3A_1162[%dma_wait3A_1163, %dma_wait3A_1164, %dma_wait3A_1165] : memref<2x8x1000000xf32, #tpu.memory_space<hbm>> -> memref<2x8x128xf32, #tpu.memory_space<hbm>>
    tpu.wait_dma2 semaphore(%arg16 : memref<!tpu.dma_semaphore, #tpu.memory_space<semaphore_mem>>) src(%dma_wait3A_1166 : memref<2x8x128xf32, #tpu.memory_space<hbm>>) dst(%dma_wait3A_1161 : memref<2x8x128xf32, #tpu.memory_space<vmem>>)
    %dma_wait3A_1167 = arith.constant 0 : i32
    %dma_wait3A_1168 = arith.constant 0 : i32
    %dma_wait3A_1169 = arith.constant 0 : i32
    %dma_wait3A_1170 = arith.constant 0 : i32
    %dma_wait3A_1171 = tpu.memref_slice %arg13[%dma_wait3A_1167, %dma_wait3A_1168, %dma_wait3A_1169, %dma_wait3A_1170] : memref<8x2x8x128xf32, #tpu.memory_space<vmem>> -> memref<1x2x8x128xf32, #tpu.memory_space<vmem>>
    %dma_wait3A_1172 = tpu.memref_squeeze %dma_wait3A_1171 : memref<1x2x8x128xf32, #tpu.memory_space<vmem>> -> memref<2x8x128xf32, #tpu.memory_space<vmem>>
    %dma_wait3A_1173 = tpu.memref_reshape %arg5 : memref<16x1000000xf32, #tpu.memory_space<hbm>> -> memref<2x8x1000000xf32, #tpu.memory_space<hbm>>
    %dma_wait3A_1174 = arith.constant 0 : i32
    %dma_wait3A_1175 = arith.constant 0 : i32
    %dma_wait3A_1176 = arith.constant 0 : i32
    %dma_wait3A_1177 = tpu.memref_slice %dma_wait3A_1173[%dma_wait3A_1174, %dma_wait3A_1175, %dma_wait3A_1176] : memref<2x8x1000000xf32, #tpu.memory_space<hbm>> -> memref<2x8x128xf32, #tpu.memory_space<hbm>>
    %dma_wait3A_1178 = arith.constant 0 : i32
    %dma_wait3A_1179 = arith.constant 0 : i32
    %dma_wait3A_1180 = arith.constant 0 : i32
    %dma_wait3A_1181 = tpu.memref_slice %arg13[%dma_wait3A_1167, %dma_wait3A_1178, %dma_wait3A_1179, %dma_wait3A_1180] : memref<8x2x8x128xf32, #tpu.memory_space<vmem>> -> memref<1x2x8x128xf32, #tpu.memory_space<vmem>>
    %dma_wait3A_1182 = tpu.memref_squeeze %dma_wait3A_1181 : memref<1x2x8x128xf32, #tpu.memory_space<vmem>> -> memref<2x8x128xf32, #tpu.memory_space<vmem>>
    %dma_wait3A_1183 = tpu.memref_reshape %arg5 : memref<16x1000000xf32, #tpu.memory_space<hbm>> -> memref<2x8x1000000xf32, #tpu.memory_space<hbm>>
    %dma_wait3A_1184 = arith.constant 0 : i32
    %dma_wait3A_1185 = arith.constant 0 : i32
    %dma_wait3A_1186 = arith.constant 0 : i32
    %dma_wait3A_1187 = tpu.memref_slice %dma_wait3A_1183[%dma_wait3A_1184, %dma_wait3A_1185, %dma_wait3A_1186] : memref<2x8x1000000xf32, #tpu.memory_space<hbm>> -> memref<2x8x128xf32, #tpu.memory_space<hbm>>
    tpu.wait_dma2 semaphore(%arg16 : memref<!tpu.dma_semaphore, #tpu.memory_space<semaphore_mem>>) src(%dma_wait3A_1187 : memref<2x8x128xf32, #tpu.memory_space<hbm>>) dst(%dma_wait3A_1182 : memref<2x8x128xf32, #tpu.memory_space<vmem>>)
    %dma_wait3A_1188 = arith.constant 1 : i32
    %dma_wait3A_1189 = arith.constant 0 : i32
    %dma_wait3A_1190 = arith.constant 0 : i32
    %dma_wait3A_1191 = arith.constant 0 : i32
    %dma_wait3A_1192 = tpu.memref_slice %arg12[%dma_wait3A_1188, %dma_wait3A_1189, %dma_wait3A_1190, %dma_wait3A_1191] : memref<8x2x8x128xf32, #tpu.memory_space<vmem>> -> memref<1x2x8x128xf32, #tpu.memory_space<vmem>>
    %dma_wait3A_1193 = tpu.memref_squeeze %dma_wait3A_1192 : memref<1x2x8x128xf32, #tpu.memory_space<vmem>> -> memref<2x8x128xf32, #tpu.memory_space<vmem>>
    %dma_wait3A_1194 = tpu.memref_reshape %arg4 : memref<16x1000000xf32, #tpu.memory_space<hbm>> -> memref<2x8x1000000xf32, #tpu.memory_space<hbm>>
    %dma_wait3A_1195 = arith.constant 0 : i32
    %dma_wait3A_1196 = arith.constant 0 : i32
    %dma_wait3A_1197 = arith.constant 0 : i32
    %dma_wait3A_1198 = tpu.memref_slice %dma_wait3A_1194[%dma_wait3A_1195, %dma_wait3A_1196, %dma_wait3A_1197] : memref<2x8x1000000xf32, #tpu.memory_space<hbm>> -> memref<2x8x128xf32, #tpu.memory_space<hbm>>
    %dma_wait3A_1199 = arith.constant 0 : i32
    %dma_wait3A_1200 = arith.constant 0 : i32
    %dma_wait3A_1201 = arith.constant 0 : i32
    %dma_wait3A_1202 = tpu.memref_slice %arg12[%dma_wait3A_1188, %dma_wait3A_1199, %dma_wait3A_1200, %dma_wait3A_1201] : memref<8x2x8x128xf32, #tpu.memory_space<vmem>> -> memref<1x2x8x128xf32, #tpu.memory_space<vmem>>
    %dma_wait3A_1203 = tpu.memref_squeeze %dma_wait3A_1202 : memref<1x2x8x128xf32, #tpu.memory_space<vmem>> -> memref<2x8x128xf32, #tpu.memory_space<vmem>>
    %dma_wait3A_1204 = tpu.memref_reshape %arg4 : memref<16x1000000xf32, #tpu.memory_space<hbm>> -> memref<2x8x1000000xf32, #tpu.memory_space<hbm>>
    %dma_wait3A_1205 = arith.constant 0 : i32
    %dma_wait3A_1206 = arith.constant 0 : i32
    %dma_wait3A_1207 = arith.constant 0 : i32
    %dma_wait3A_1208 = tpu.memref_slice %dma_wait3A_1204[%dma_wait3A_1205, %dma_wait3A_1206, %dma_wait3A_1207] : memref<2x8x1000000xf32, #tpu.memory_space<hbm>> -> memref<2x8x128xf32, #tpu.memory_space<hbm>>
    tpu.wait_dma2 semaphore(%arg16 : memref<!tpu.dma_semaphore, #tpu.memory_space<semaphore_mem>>) src(%dma_wait3A_1208 : memref<2x8x128xf32, #tpu.memory_space<hbm>>) dst(%dma_wait3A_1203 : memref<2x8x128xf32, #tpu.memory_space<vmem>>)
    %dma_wait3A_1209 = arith.constant 1 : i32
    %dma_wait3A_1210 = arith.constant 0 : i32
    %dma_wait3A_1211 = arith.constant 0 : i32
    %dma_wait3A_1212 = arith.constant 0 : i32
    %dma_wait3A_1213 = tpu.memref_slice %arg13[%dma_wait3A_1209, %dma_wait3A_1210, %dma_wait3A_1211, %dma_wait3A_1212] : memref<8x2x8x128xf32, #tpu.memory_space<vmem>> -> memref<1x2x8x128xf32, #tpu.memory_space<vmem>>
    %dma_wait3A_1214 = tpu.memref_squeeze %dma_wait3A_1213 : memref<1x2x8x128xf32, #tpu.memory_space<vmem>> -> memref<2x8x128xf32, #tpu.memory_space<vmem>>
    %dma_wait3A_1215 = tpu.memref_reshape %arg5 : memref<16x1000000xf32, #tpu.memory_space<hbm>> -> memref<2x8x1000000xf32, #tpu.memory_space<hbm>>
    %dma_wait3A_1216 = arith.constant 0 : i32
    %dma_wait3A_1217 = arith.constant 0 : i32
    %dma_wait3A_1218 = arith.constant 0 : i32
    %dma_wait3A_1219 = tpu.memref_slice %dma_wait3A_1215[%dma_wait3A_1216, %dma_wait3A_1217, %dma_wait3A_1218] : memref<2x8x1000000xf32, #tpu.memory_space<hbm>> -> memref<2x8x128xf32, #tpu.memory_space<hbm>>
    %dma_wait3A_1220 = arith.constant 0 : i32
    %dma_wait3A_1221 = arith.constant 0 : i32
    %dma_wait3A_1222 = arith.constant 0 : i32
    %dma_wait3A_1223 = tpu.memref_slice %arg13[%dma_wait3A_1209, %dma_wait3A_1220, %dma_wait3A_1221, %dma_wait3A_1222] : memref<8x2x8x128xf32, #tpu.memory_space<vmem>> -> memref<1x2x8x128xf32, #tpu.memory_space<vmem>>
    %dma_wait3A_1224 = tpu.memref_squeeze %dma_wait3A_1223 : memref<1x2x8x128xf32, #tpu.memory_space<vmem>> -> memref<2x8x128xf32, #tpu.memory_space<vmem>>
    %dma_wait3A_1225 = tpu.memref_reshape %arg5 : memref<16x1000000xf32, #tpu.memory_space<hbm>> -> memref<2x8x1000000xf32, #tpu.memory_space<hbm>>
    %dma_wait3A_1226 = arith.constant 0 : i32
    %dma_wait3A_1227 = arith.constant 0 : i32
    %dma_wait3A_1228 = arith.constant 0 : i32
    %dma_wait3A_1229 = tpu.memref_slice %dma_wait3A_1225[%dma_wait3A_1226, %dma_wait3A_1227, %dma_wait3A_1228] : memref<2x8x1000000xf32, #tpu.memory_space<hbm>> -> memref<2x8x128xf32, #tpu.memory_space<hbm>>
    tpu.wait_dma2 semaphore(%arg16 : memref<!tpu.dma_semaphore, #tpu.memory_space<semaphore_mem>>) src(%dma_wait3A_1229 : memref<2x8x128xf32, #tpu.memory_space<hbm>>) dst(%dma_wait3A_1224 : memref<2x8x128xf32, #tpu.memory_space<vmem>>)
    %dma_wait3A_1230 = arith.constant 2 : i32
    %dma_wait3A_1231 = arith.constant 0 : i32
    %dma_wait3A_1232 = arith.constant 0 : i32
    %dma_wait3A_1233 = arith.constant 0 : i32
    %dma_wait3A_1234 = tpu.memref_slice %arg12[%dma_wait3A_1230, %dma_wait3A_1231, %dma_wait3A_1232, %dma_wait3A_1233] : memref<8x2x8x128xf32, #tpu.memory_space<vmem>> -> memref<1x2x8x128xf32, #tpu.memory_space<vmem>>
    %dma_wait3A_1235 = tpu.memref_squeeze %dma_wait3A_1234 : memref<1x2x8x128xf32, #tpu.memory_space<vmem>> -> memref<2x8x128xf32, #tpu.memory_space<vmem>>
    %dma_wait3A_1236 = tpu.memref_reshape %arg4 : memref<16x1000000xf32, #tpu.memory_space<hbm>> -> memref<2x8x1000000xf32, #tpu.memory_space<hbm>>
    %dma_wait3A_1237 = arith.constant 0 : i32
    %dma_wait3A_1238 = arith.constant 0 : i32
    %dma_wait3A_1239 = arith.constant 0 : i32
    %dma_wait3A_1240 = tpu.memref_slice %dma_wait3A_1236[%dma_wait3A_1237, %dma_wait3A_1238, %dma_wait3A_1239] : memref<2x8x1000000xf32, #tpu.memory_space<hbm>> -> memref<2x8x128xf32, #tpu.memory_space<hbm>>
    %dma_wait3A_1241 = arith.constant 0 : i32
    %dma_wait3A_1242 = arith.constant 0 : i32
    %dma_wait3A_1243 = arith.constant 0 : i32
    %dma_wait3A_1244 = tpu.memref_slice %arg12[%dma_wait3A_1230, %dma_wait3A_1241, %dma_wait3A_1242, %dma_wait3A_1243] : memref<8x2x8x128xf32, #tpu.memory_space<vmem>> -> memref<1x2x8x128xf32, #tpu.memory_space<vmem>>
    %dma_wait3A_1245 = tpu.memref_squeeze %dma_wait3A_1244 : memref<1x2x8x128xf32, #tpu.memory_space<vmem>> -> memref<2x8x128xf32, #tpu.memory_space<vmem>>
    %dma_wait3A_1246 = tpu.memref_reshape %arg4 : memref<16x1000000xf32, #tpu.memory_space<hbm>> -> memref<2x8x1000000xf32, #tpu.memory_space<hbm>>
    %dma_wait3A_1247 = arith.constant 0 : i32
    %dma_wait3A_1248 = arith.constant 0 : i32
    %dma_wait3A_1249 = arith.constant 0 : i32
    %dma_wait3A_1250 = tpu.memref_slice %dma_wait3A_1246[%dma_wait3A_1247, %dma_wait3A_1248, %dma_wait3A_1249] : memref<2x8x1000000xf32, #tpu.memory_space<hbm>> -> memref<2x8x128xf32, #tpu.memory_space<hbm>>
    tpu.wait_dma2 semaphore(%arg16 : memref<!tpu.dma_semaphore, #tpu.memory_space<semaphore_mem>>) src(%dma_wait3A_1250 : memref<2x8x128xf32, #tpu.memory_space<hbm>>) dst(%dma_wait3A_1245 : memref<2x8x128xf32, #tpu.memory_space<vmem>>)
    %dma_wait3A_1251 = arith.constant 2 : i32
    %dma_wait3A_1252 = arith.constant 0 : i32
    %dma_wait3A_1253 = arith.constant 0 : i32
    %dma_wait3A_1254 = arith.constant 0 : i32
    %dma_wait3A_1255 = tpu.memref_slice %arg13[%dma_wait3A_1251, %dma_wait3A_1252, %dma_wait3A_1253, %dma_wait3A_1254] : memref<8x2x8x128xf32, #tpu.memory_space<vmem>> -> memref<1x2x8x128xf32, #tpu.memory_space<vmem>>
    %dma_wait3A_1256 = tpu.memref_squeeze %dma_wait3A_1255 : memref<1x2x8x128xf32, #tpu.memory_space<vmem>> -> memref<2x8x128xf32, #tpu.memory_space<vmem>>
    %dma_wait3A_1257 = tpu.memref_reshape %arg5 : memref<16x1000000xf32, #tpu.memory_space<hbm>> -> memref<2x8x1000000xf32, #tpu.memory_space<hbm>>
    %dma_wait3A_1258 = arith.constant 0 : i32
    %dma_wait3A_1259 = arith.constant 0 : i32
    %dma_wait3A_1260 = arith.constant 0 : i32
    %dma_wait3A_1261 = tpu.memref_slice %dma_wait3A_1257[%dma_wait3A_1258, %dma_wait3A_1259, %dma_wait3A_1260] : memref<2x8x1000000xf32, #tpu.memory_space<hbm>> -> memref<2x8x128xf32, #tpu.memory_space<hbm>>
    %dma_wait3A_1262 = arith.constant 0 : i32
    %dma_wait3A_1263 = arith.constant 0 : i32
    %dma_wait3A_1264 = arith.constant 0 : i32
    %dma_wait3A_1265 = tpu.memref_slice %arg13[%dma_wait3A_1251, %dma_wait3A_1262, %dma_wait3A_1263, %dma_wait3A_1264] : memref<8x2x8x128xf32, #tpu.memory_space<vmem>> -> memref<1x2x8x128xf32, #tpu.memory_space<vmem>>
    %dma_wait3A_1266 = tpu.memref_squeeze %dma_wait3A_1265 : memref<1x2x8x128xf32, #tpu.memory_space<vmem>> -> memref<2x8x128xf32, #tpu.memory_space<vmem>>
    %dma_wait3A_1267 = tpu.memref_reshape %arg5 : memref<16x1000000xf32, #tpu.memory_space<hbm>> -> memref<2x8x1000000xf32, #tpu.memory_space<hbm>>
    %dma_wait3A_1268 = arith.constant 0 : i32
    %dma_wait3A_1269 = arith.constant 0 : i32
    %dma_wait3A_1270 = arith.constant 0 : i32
    %dma_wait3A_1271 = tpu.memref_slice %dma_wait3A_1267[%dma_wait3A_1268, %dma_wait3A_1269, %dma_wait3A_1270] : memref<2x8x1000000xf32, #tpu.memory_space<hbm>> -> memref<2x8x128xf32, #tpu.memory_space<hbm>>
    tpu.wait_dma2 semaphore(%arg16 : memref<!tpu.dma_semaphore, #tpu.memory_space<semaphore_mem>>) src(%dma_wait3A_1271 : memref<2x8x128xf32, #tpu.memory_space<hbm>>) dst(%dma_wait3A_1266 : memref<2x8x128xf32, #tpu.memory_space<vmem>>)
    %dma_wait3A_1272 = arith.constant 3 : i32
    %dma_wait3A_1273 = arith.constant 0 : i32
    %dma_wait3A_1274 = arith.constant 0 : i32
    %dma_wait3A_1275 = arith.constant 0 : i32
    %dma_wait3A_1276 = tpu.memref_slice %arg12[%dma_wait3A_1272, %dma_wait3A_1273, %dma_wait3A_1274, %dma_wait3A_1275] : memref<8x2x8x128xf32, #tpu.memory_space<vmem>> -> memref<1x2x8x128xf32, #tpu.memory_space<vmem>>
    %dma_wait3A_1277 = tpu.memref_squeeze %dma_wait3A_1276 : memref<1x2x8x128xf32, #tpu.memory_space<vmem>> -> memref<2x8x128xf32, #tpu.memory_space<vmem>>
    %dma_wait3A_1278 = tpu.memref_reshape %arg4 : memref<16x1000000xf32, #tpu.memory_space<hbm>> -> memref<2x8x1000000xf32, #tpu.memory_space<hbm>>
    %dma_wait3A_1279 = arith.constant 0 : i32
    %dma_wait3A_1280 = arith.constant 0 : i32
    %dma_wait3A_1281 = arith.constant 0 : i32
    %dma_wait3A_1282 = tpu.memref_slice %dma_wait3A_1278[%dma_wait3A_1279, %dma_wait3A_1280, %dma_wait3A_1281] : memref<2x8x1000000xf32, #tpu.memory_space<hbm>> -> memref<2x8x128xf32, #tpu.memory_space<hbm>>
    %dma_wait3A_1283 = arith.constant 0 : i32
    %dma_wait3A_1284 = arith.constant 0 : i32
    %dma_wait3A_1285 = arith.constant 0 : i32
    %dma_wait3A_1286 = tpu.memref_slice %arg12[%dma_wait3A_1272, %dma_wait3A_1283, %dma_wait3A_1284, %dma_wait3A_1285] : memref<8x2x8x128xf32, #tpu.memory_space<vmem>> -> memref<1x2x8x128xf32, #tpu.memory_space<vmem>>
    %dma_wait3A_1287 = tpu.memref_squeeze %dma_wait3A_1286 : memref<1x2x8x128xf32, #tpu.memory_space<vmem>> -> memref<2x8x128xf32, #tpu.memory_space<vmem>>
    %dma_wait3A_1288 = tpu.memref_reshape %arg4 : memref<16x1000000xf32, #tpu.memory_space<hbm>> -> memref<2x8x1000000xf32, #tpu.memory_space<hbm>>
    %dma_wait3A_1289 = arith.constant 0 : i32
    %dma_wait3A_1290 = arith.constant 0 : i32
    %dma_wait3A_1291 = arith.constant 0 : i32
    %dma_wait3A_1292 = tpu.memref_slice %dma_wait3A_1288[%dma_wait3A_1289, %dma_wait3A_1290, %dma_wait3A_1291] : memref<2x8x1000000xf32, #tpu.memory_space<hbm>> -> memref<2x8x128xf32, #tpu.memory_space<hbm>>
    tpu.wait_dma2 semaphore(%arg16 : memref<!tpu.dma_semaphore, #tpu.memory_space<semaphore_mem>>) src(%dma_wait3A_1292 : memref<2x8x128xf32, #tpu.memory_space<hbm>>) dst(%dma_wait3A_1287 : memref<2x8x128xf32, #tpu.memory_space<vmem>>)
    %dma_wait3A_1293 = arith.constant 3 : i32
    %dma_wait3A_1294 = arith.constant 0 : i32
    %dma_wait3A_1295 = arith.constant 0 : i32
    %dma_wait3A_1296 = arith.constant 0 : i32
    %dma_wait3A_1297 = tpu.memref_slice %arg13[%dma_wait3A_1293, %dma_wait3A_1294, %dma_wait3A_1295, %dma_wait3A_1296] : memref<8x2x8x128xf32, #tpu.memory_space<vmem>> -> memref<1x2x8x128xf32, #tpu.memory_space<vmem>>
    %dma_wait3A_1298 = tpu.memref_squeeze %dma_wait3A_1297 : memref<1x2x8x128xf32, #tpu.memory_space<vmem>> -> memref<2x8x128xf32, #tpu.memory_space<vmem>>
    %dma_wait3A_1299 = tpu.memref_reshape %arg5 : memref<16x1000000xf32, #tpu.memory_space<hbm>> -> memref<2x8x1000000xf32, #tpu.memory_space<hbm>>
    %dma_wait3A_1300 = arith.constant 0 : i32
    %dma_wait3A_1301 = arith.constant 0 : i32
    %dma_wait3A_1302 = arith.constant 0 : i32
    %dma_wait3A_1303 = tpu.memref_slice %dma_wait3A_1299[%dma_wait3A_1300, %dma_wait3A_1301, %dma_wait3A_1302] : memref<2x8x1000000xf32, #tpu.memory_space<hbm>> -> memref<2x8x128xf32, #tpu.memory_space<hbm>>
    %dma_wait3A_1304 = arith.constant 0 : i32
    %dma_wait3A_1305 = arith.constant 0 : i32
    %dma_wait3A_1306 = arith.constant 0 : i32
    %dma_wait3A_1307 = tpu.memref_slice %arg13[%dma_wait3A_1293, %dma_wait3A_1304, %dma_wait3A_1305, %dma_wait3A_1306] : memref<8x2x8x128xf32, #tpu.memory_space<vmem>> -> memref<1x2x8x128xf32, #tpu.memory_space<vmem>>
    %dma_wait3A_1308 = tpu.memref_squeeze %dma_wait3A_1307 : memref<1x2x8x128xf32, #tpu.memory_space<vmem>> -> memref<2x8x128xf32, #tpu.memory_space<vmem>>
    %dma_wait3A_1309 = tpu.memref_reshape %arg5 : memref<16x1000000xf32, #tpu.memory_space<hbm>> -> memref<2x8x1000000xf32, #tpu.memory_space<hbm>>
    %dma_wait3A_1310 = arith.constant 0 : i32
    %dma_wait3A_1311 = arith.constant 0 : i32
    %dma_wait3A_1312 = arith.constant 0 : i32
    %dma_wait3A_1313 = tpu.memref_slice %dma_wait3A_1309[%dma_wait3A_1310, %dma_wait3A_1311, %dma_wait3A_1312] : memref<2x8x1000000xf32, #tpu.memory_space<hbm>> -> memref<2x8x128xf32, #tpu.memory_space<hbm>>
    tpu.wait_dma2 semaphore(%arg16 : memref<!tpu.dma_semaphore, #tpu.memory_space<semaphore_mem>>) src(%dma_wait3A_1313 : memref<2x8x128xf32, #tpu.memory_space<hbm>>) dst(%dma_wait3A_1308 : memref<2x8x128xf32, #tpu.memory_space<vmem>>)
    %dma_wait3A_1314 = arith.constant 4 : i32
    %dma_wait3A_1315 = arith.constant 0 : i32
    %dma_wait3A_1316 = arith.constant 0 : i32
    %dma_wait3A_1317 = arith.constant 0 : i32
    %dma_wait3A_1318 = tpu.memref_slice %arg12[%dma_wait3A_1314, %dma_wait3A_1315, %dma_wait3A_1316, %dma_wait3A_1317] : memref<8x2x8x128xf32, #tpu.memory_space<vmem>> -> memref<1x2x8x128xf32, #tpu.memory_space<vmem>>
    %dma_wait3A_1319 = tpu.memref_squeeze %dma_wait3A_1318 : memref<1x2x8x128xf32, #tpu.memory_space<vmem>> -> memref<2x8x128xf32, #tpu.memory_space<vmem>>
    %dma_wait3A_1320 = tpu.memref_reshape %arg4 : memref<16x1000000xf32, #tpu.memory_space<hbm>> -> memref<2x8x1000000xf32, #tpu.memory_space<hbm>>
    %dma_wait3A_1321 = arith.constant 0 : i32
    %dma_wait3A_1322 = arith.constant 0 : i32
    %dma_wait3A_1323 = arith.constant 0 : i32
    %dma_wait3A_1324 = tpu.memref_slice %dma_wait3A_1320[%dma_wait3A_1321, %dma_wait3A_1322, %dma_wait3A_1323] : memref<2x8x1000000xf32, #tpu.memory_space<hbm>> -> memref<2x8x128xf32, #tpu.memory_space<hbm>>
    %dma_wait3A_1325 = arith.constant 0 : i32
    %dma_wait3A_1326 = arith.constant 0 : i32
    %dma_wait3A_1327 = arith.constant 0 : i32
    %dma_wait3A_1328 = tpu.memref_slice %arg12[%dma_wait3A_1314, %dma_wait3A_1325, %dma_wait3A_1326, %dma_wait3A_1327] : memref<8x2x8x128xf32, #tpu.memory_space<vmem>> -> memref<1x2x8x128xf32, #tpu.memory_space<vmem>>
    %dma_wait3A_1329 = tpu.memref_squeeze %dma_wait3A_1328 : memref<1x2x8x128xf32, #tpu.memory_space<vmem>> -> memref<2x8x128xf32, #tpu.memory_space<vmem>>
    %dma_wait3A_1330 = tpu.memref_reshape %arg4 : memref<16x1000000xf32, #tpu.memory_space<hbm>> -> memref<2x8x1000000xf32, #tpu.memory_space<hbm>>
    %dma_wait3A_1331 = arith.constant 0 : i32
    %dma_wait3A_1332 = arith.constant 0 : i32
    %dma_wait3A_1333 = arith.constant 0 : i32
    %dma_wait3A_1334 = tpu.memref_slice %dma_wait3A_1330[%dma_wait3A_1331, %dma_wait3A_1332, %dma_wait3A_1333] : memref<2x8x1000000xf32, #tpu.memory_space<hbm>> -> memref<2x8x128xf32, #tpu.memory_space<hbm>>
    tpu.wait_dma2 semaphore(%arg16 : memref<!tpu.dma_semaphore, #tpu.memory_space<semaphore_mem>>) src(%dma_wait3A_1334 : memref<2x8x128xf32, #tpu.memory_space<hbm>>) dst(%dma_wait3A_1329 : memref<2x8x128xf32, #tpu.memory_space<vmem>>)
    %dma_wait3A_1335 = arith.constant 4 : i32
    %dma_wait3A_1336 = arith.constant 0 : i32
    %dma_wait3A_1337 = arith.constant 0 : i32
    %dma_wait3A_1338 = arith.constant 0 : i32
    %dma_wait3A_1339 = tpu.memref_slice %arg13[%dma_wait3A_1335, %dma_wait3A_1336, %dma_wait3A_1337, %dma_wait3A_1338] : memref<8x2x8x128xf32, #tpu.memory_space<vmem>> -> memref<1x2x8x128xf32, #tpu.memory_space<vmem>>
    %dma_wait3A_1340 = tpu.memref_squeeze %dma_wait3A_1339 : memref<1x2x8x128xf32, #tpu.memory_space<vmem>> -> memref<2x8x128xf32, #tpu.memory_space<vmem>>
    %dma_wait3A_1341 = tpu.memref_reshape %arg5 : memref<16x1000000xf32, #tpu.memory_space<hbm>> -> memref<2x8x1000000xf32, #tpu.memory_space<hbm>>
    %dma_wait3A_1342 = arith.constant 0 : i32
    %dma_wait3A_1343 = arith.constant 0 : i32
    %dma_wait3A_1344 = arith.constant 0 : i32
    %dma_wait3A_1345 = tpu.memref_slice %dma_wait3A_1341[%dma_wait3A_1342, %dma_wait3A_1343, %dma_wait3A_1344] : memref<2x8x1000000xf32, #tpu.memory_space<hbm>> -> memref<2x8x128xf32, #tpu.memory_space<hbm>>
    %dma_wait3A_1346 = arith.constant 0 : i32
    %dma_wait3A_1347 = arith.constant 0 : i32
    %dma_wait3A_1348 = arith.constant 0 : i32
    %dma_wait3A_1349 = tpu.memref_slice %arg13[%dma_wait3A_1335, %dma_wait3A_1346, %dma_wait3A_1347, %dma_wait3A_1348] : memref<8x2x8x128xf32, #tpu.memory_space<vmem>> -> memref<1x2x8x128xf32, #tpu.memory_space<vmem>>
    %dma_wait3A_1350 = tpu.memref_squeeze %dma_wait3A_1349 : memref<1x2x8x128xf32, #tpu.memory_space<vmem>> -> memref<2x8x128xf32, #tpu.memory_space<vmem>>
    %dma_wait3A_1351 = tpu.memref_reshape %arg5 : memref<16x1000000xf32, #tpu.memory_space<hbm>> -> memref<2x8x1000000xf32, #tpu.memory_space<hbm>>
    %dma_wait3A_1352 = arith.constant 0 : i32
    %dma_wait3A_1353 = arith.constant 0 : i32
    %dma_wait3A_1354 = arith.constant 0 : i32
    %dma_wait3A_1355 = tpu.memref_slice %dma_wait3A_1351[%dma_wait3A_1352, %dma_wait3A_1353, %dma_wait3A_1354] : memref<2x8x1000000xf32, #tpu.memory_space<hbm>> -> memref<2x8x128xf32, #tpu.memory_space<hbm>>
    tpu.wait_dma2 semaphore(%arg16 : memref<!tpu.dma_semaphore, #tpu.memory_space<semaphore_mem>>) src(%dma_wait3A_1355 : memref<2x8x128xf32, #tpu.memory_space<hbm>>) dst(%dma_wait3A_1350 : memref<2x8x128xf32, #tpu.memory_space<vmem>>)
    %dma_wait3A_1356 = arith.constant 5 : i32
    %dma_wait3A_1357 = arith.constant 0 : i32
    %dma_wait3A_1358 = arith.constant 0 : i32
    %dma_wait3A_1359 = arith.constant 0 : i32
    %dma_wait3A_1360 = tpu.memref_slice %arg12[%dma_wait3A_1356, %dma_wait3A_1357, %dma_wait3A_1358, %dma_wait3A_1359] : memref<8x2x8x128xf32, #tpu.memory_space<vmem>> -> memref<1x2x8x128xf32, #tpu.memory_space<vmem>>
    %dma_wait3A_1361 = tpu.memref_squeeze %dma_wait3A_1360 : memref<1x2x8x128xf32, #tpu.memory_space<vmem>> -> memref<2x8x128xf32, #tpu.memory_space<vmem>>
    %dma_wait3A_1362 = tpu.memref_reshape %arg4 : memref<16x1000000xf32, #tpu.memory_space<hbm>> -> memref<2x8x1000000xf32, #tpu.memory_space<hbm>>
    %dma_wait3A_1363 = arith.constant 0 : i32
    %dma_wait3A_1364 = arith.constant 0 : i32
    %dma_wait3A_1365 = arith.constant 0 : i32
    %dma_wait3A_1366 = tpu.memref_slice %dma_wait3A_1362[%dma_wait3A_1363, %dma_wait3A_1364, %dma_wait3A_1365] : memref<2x8x1000000xf32, #tpu.memory_space<hbm>> -> memref<2x8x128xf32, #tpu.memory_space<hbm>>
    %dma_wait3A_1367 = arith.constant 0 : i32
    %dma_wait3A_1368 = arith.constant 0 : i32
    %dma_wait3A_1369 = arith.constant 0 : i32
    %dma_wait3A_1370 = tpu.memref_slice %arg12[%dma_wait3A_1356, %dma_wait3A_1367, %dma_wait3A_1368, %dma_wait3A_1369] : memref<8x2x8x128xf32, #tpu.memory_space<vmem>> -> memref<1x2x8x128xf32, #tpu.memory_space<vmem>>
    %dma_wait3A_1371 = tpu.memref_squeeze %dma_wait3A_1370 : memref<1x2x8x128xf32, #tpu.memory_space<vmem>> -> memref<2x8x128xf32, #tpu.memory_space<vmem>>
    %dma_wait3A_1372 = tpu.memref_reshape %arg4 : memref<16x1000000xf32, #tpu.memory_space<hbm>> -> memref<2x8x1000000xf32, #tpu.memory_space<hbm>>
    %dma_wait3A_1373 = arith.constant 0 : i32
    %dma_wait3A_1374 = arith.constant 0 : i32
    %dma_wait3A_1375 = arith.constant 0 : i32
    %dma_wait3A_1376 = tpu.memref_slice %dma_wait3A_1372[%dma_wait3A_1373, %dma_wait3A_1374, %dma_wait3A_1375] : memref<2x8x1000000xf32, #tpu.memory_space<hbm>> -> memref<2x8x128xf32, #tpu.memory_space<hbm>>
    tpu.wait_dma2 semaphore(%arg16 : memref<!tpu.dma_semaphore, #tpu.memory_space<semaphore_mem>>) src(%dma_wait3A_1376 : memref<2x8x128xf32, #tpu.memory_space<hbm>>) dst(%dma_wait3A_1371 : memref<2x8x128xf32, #tpu.memory_space<vmem>>)
    %dma_wait3A_1377 = arith.constant 5 : i32
    %dma_wait3A_1378 = arith.constant 0 : i32
    %dma_wait3A_1379 = arith.constant 0 : i32
    %dma_wait3A_1380 = arith.constant 0 : i32
    %dma_wait3A_1381 = tpu.memref_slice %arg13[%dma_wait3A_1377, %dma_wait3A_1378, %dma_wait3A_1379, %dma_wait3A_1380] : memref<8x2x8x128xf32, #tpu.memory_space<vmem>> -> memref<1x2x8x128xf32, #tpu.memory_space<vmem>>
    %dma_wait3A_1382 = tpu.memref_squeeze %dma_wait3A_1381 : memref<1x2x8x128xf32, #tpu.memory_space<vmem>> -> memref<2x8x128xf32, #tpu.memory_space<vmem>>
    %dma_wait3A_1383 = tpu.memref_reshape %arg5 : memref<16x1000000xf32, #tpu.memory_space<hbm>> -> memref<2x8x1000000xf32, #tpu.memory_space<hbm>>
    %dma_wait3A_1384 = arith.constant 0 : i32
    %dma_wait3A_1385 = arith.constant 0 : i32
    %dma_wait3A_1386 = arith.constant 0 : i32
    %dma_wait3A_1387 = tpu.memref_slice %dma_wait3A_1383[%dma_wait3A_1384, %dma_wait3A_1385, %dma_wait3A_1386] : memref<2x8x1000000xf32, #tpu.memory_space<hbm>> -> memref<2x8x128xf32, #tpu.memory_space<hbm>>
    %dma_wait3A_1388 = arith.constant 0 : i32
    %dma_wait3A_1389 = arith.constant 0 : i32
    %dma_wait3A_1390 = arith.constant 0 : i32
    %dma_wait3A_1391 = tpu.memref_slice %arg13[%dma_wait3A_1377, %dma_wait3A_1388, %dma_wait3A_1389, %dma_wait3A_1390] : memref<8x2x8x128xf32, #tpu.memory_space<vmem>> -> memref<1x2x8x128xf32, #tpu.memory_space<vmem>>
    %dma_wait3A_1392 = tpu.memref_squeeze %dma_wait3A_1391 : memref<1x2x8x128xf32, #tpu.memory_space<vmem>> -> memref<2x8x128xf32, #tpu.memory_space<vmem>>
    %dma_wait3A_1393 = tpu.memref_reshape %arg5 : memref<16x1000000xf32, #tpu.memory_space<hbm>> -> memref<2x8x1000000xf32, #tpu.memory_space<hbm>>
    %dma_wait3A_1394 = arith.constant 0 : i32
    %dma_wait3A_1395 = arith.constant 0 : i32
    %dma_wait3A_1396 = arith.constant 0 : i32
    %dma_wait3A_1397 = tpu.memref_slice %dma_wait3A_1393[%dma_wait3A_1394, %dma_wait3A_1395, %dma_wait3A_1396] : memref<2x8x1000000xf32, #tpu.memory_space<hbm>> -> memref<2x8x128xf32, #tpu.memory_space<hbm>>
    tpu.wait_dma2 semaphore(%arg16 : memref<!tpu.dma_semaphore, #tpu.memory_space<semaphore_mem>>) src(%dma_wait3A_1397 : memref<2x8x128xf32, #tpu.memory_space<hbm>>) dst(%dma_wait3A_1392 : memref<2x8x128xf32, #tpu.memory_space<vmem>>)
    %dma_wait3A_1398 = arith.constant 6 : i32
    %dma_wait3A_1399 = arith.constant 0 : i32
    %dma_wait3A_1400 = arith.constant 0 : i32
    %dma_wait3A_1401 = arith.constant 0 : i32
    %dma_wait3A_1402 = tpu.memref_slice %arg12[%dma_wait3A_1398, %dma_wait3A_1399, %dma_wait3A_1400, %dma_wait3A_1401] : memref<8x2x8x128xf32, #tpu.memory_space<vmem>> -> memref<1x2x8x128xf32, #tpu.memory_space<vmem>>
    %dma_wait3A_1403 = tpu.memref_squeeze %dma_wait3A_1402 : memref<1x2x8x128xf32, #tpu.memory_space<vmem>> -> memref<2x8x128xf32, #tpu.memory_space<vmem>>
    %dma_wait3A_1404 = tpu.memref_reshape %arg4 : memref<16x1000000xf32, #tpu.memory_space<hbm>> -> memref<2x8x1000000xf32, #tpu.memory_space<hbm>>
    %dma_wait3A_1405 = arith.constant 0 : i32
    %dma_wait3A_1406 = arith.constant 0 : i32
    %dma_wait3A_1407 = arith.constant 0 : i32
    %dma_wait3A_1408 = tpu.memref_slice %dma_wait3A_1404[%dma_wait3A_1405, %dma_wait3A_1406, %dma_wait3A_1407] : memref<2x8x1000000xf32, #tpu.memory_space<hbm>> -> memref<2x8x128xf32, #tpu.memory_space<hbm>>
    %dma_wait3A_1409 = arith.constant 0 : i32
    %dma_wait3A_1410 = arith.constant 0 : i32
    %dma_wait3A_1411 = arith.constant 0 : i32
    %dma_wait3A_1412 = tpu.memref_slice %arg12[%dma_wait3A_1398, %dma_wait3A_1409, %dma_wait3A_1410, %dma_wait3A_1411] : memref<8x2x8x128xf32, #tpu.memory_space<vmem>> -> memref<1x2x8x128xf32, #tpu.memory_space<vmem>>
    %dma_wait3A_1413 = tpu.memref_squeeze %dma_wait3A_1412 : memref<1x2x8x128xf32, #tpu.memory_space<vmem>> -> memref<2x8x128xf32, #tpu.memory_space<vmem>>
    %dma_wait3A_1414 = tpu.memref_reshape %arg4 : memref<16x1000000xf32, #tpu.memory_space<hbm>> -> memref<2x8x1000000xf32, #tpu.memory_space<hbm>>
    %dma_wait3A_1415 = arith.constant 0 : i32
    %dma_wait3A_1416 = arith.constant 0 : i32
    %dma_wait3A_1417 = arith.constant 0 : i32
    %dma_wait3A_1418 = tpu.memref_slice %dma_wait3A_1414[%dma_wait3A_1415, %dma_wait3A_1416, %dma_wait3A_1417] : memref<2x8x1000000xf32, #tpu.memory_space<hbm>> -> memref<2x8x128xf32, #tpu.memory_space<hbm>>
    tpu.wait_dma2 semaphore(%arg16 : memref<!tpu.dma_semaphore, #tpu.memory_space<semaphore_mem>>) src(%dma_wait3A_1418 : memref<2x8x128xf32, #tpu.memory_space<hbm>>) dst(%dma_wait3A_1413 : memref<2x8x128xf32, #tpu.memory_space<vmem>>)
    %dma_wait3A_1419 = arith.constant 6 : i32
    %dma_wait3A_1420 = arith.constant 0 : i32
    %dma_wait3A_1421 = arith.constant 0 : i32
    %dma_wait3A_1422 = arith.constant 0 : i32
    %dma_wait3A_1423 = tpu.memref_slice %arg13[%dma_wait3A_1419, %dma_wait3A_1420, %dma_wait3A_1421, %dma_wait3A_1422] : memref<8x2x8x128xf32, #tpu.memory_space<vmem>> -> memref<1x2x8x128xf32, #tpu.memory_space<vmem>>
    %dma_wait3A_1424 = tpu.memref_squeeze %dma_wait3A_1423 : memref<1x2x8x128xf32, #tpu.memory_space<vmem>> -> memref<2x8x128xf32, #tpu.memory_space<vmem>>
    %dma_wait3A_1425 = tpu.memref_reshape %arg5 : memref<16x1000000xf32, #tpu.memory_space<hbm>> -> memref<2x8x1000000xf32, #tpu.memory_space<hbm>>
    %dma_wait3A_1426 = arith.constant 0 : i32
    %dma_wait3A_1427 = arith.constant 0 : i32
    %dma_wait3A_1428 = arith.constant 0 : i32
    %dma_wait3A_1429 = tpu.memref_slice %dma_wait3A_1425[%dma_wait3A_1426, %dma_wait3A_1427, %dma_wait3A_1428] : memref<2x8x1000000xf32, #tpu.memory_space<hbm>> -> memref<2x8x128xf32, #tpu.memory_space<hbm>>
    %dma_wait3A_1430 = arith.constant 0 : i32
    %dma_wait3A_1431 = arith.constant 0 : i32
    %dma_wait3A_1432 = arith.constant 0 : i32
    %dma_wait3A_1433 = tpu.memref_slice %arg13[%dma_wait3A_1419, %dma_wait3A_1430, %dma_wait3A_1431, %dma_wait3A_1432] : memref<8x2x8x128xf32, #tpu.memory_space<vmem>> -> memref<1x2x8x128xf32, #tpu.memory_space<vmem>>
    %dma_wait3A_1434 = tpu.memref_squeeze %dma_wait3A_1433 : memref<1x2x8x128xf32, #tpu.memory_space<vmem>> -> memref<2x8x128xf32, #tpu.memory_space<vmem>>
    %dma_wait3A_1435 = tpu.memref_reshape %arg5 : memref<16x1000000xf32, #tpu.memory_space<hbm>> -> memref<2x8x1000000xf32, #tpu.memory_space<hbm>>
    %dma_wait3A_1436 = arith.constant 0 : i32
    %dma_wait3A_1437 = arith.constant 0 : i32
    %dma_wait3A_1438 = arith.constant 0 : i32
    %dma_wait3A_1439 = tpu.memref_slice %dma_wait3A_1435[%dma_wait3A_1436, %dma_wait3A_1437, %dma_wait3A_1438] : memref<2x8x1000000xf32, #tpu.memory_space<hbm>> -> memref<2x8x128xf32, #tpu.memory_space<hbm>>
    tpu.wait_dma2 semaphore(%arg16 : memref<!tpu.dma_semaphore, #tpu.memory_space<semaphore_mem>>) src(%dma_wait3A_1439 : memref<2x8x128xf32, #tpu.memory_space<hbm>>) dst(%dma_wait3A_1434 : memref<2x8x128xf32, #tpu.memory_space<vmem>>)
    %dma_wait3A_1440 = arith.constant 7 : i32
    %dma_wait3A_1441 = arith.constant 0 : i32
    %dma_wait3A_1442 = arith.constant 0 : i32
    %dma_wait3A_1443 = arith.constant 0 : i32
    %dma_wait3A_1444 = tpu.memref_slice %arg12[%dma_wait3A_1440, %dma_wait3A_1441, %dma_wait3A_1442, %dma_wait3A_1443] : memref<8x2x8x128xf32, #tpu.memory_space<vmem>> -> memref<1x2x8x128xf32, #tpu.memory_space<vmem>>
    %dma_wait3A_1445 = tpu.memref_squeeze %dma_wait3A_1444 : memref<1x2x8x128xf32, #tpu.memory_space<vmem>> -> memref<2x8x128xf32, #tpu.memory_space<vmem>>
    %dma_wait3A_1446 = tpu.memref_reshape %arg4 : memref<16x1000000xf32, #tpu.memory_space<hbm>> -> memref<2x8x1000000xf32, #tpu.memory_space<hbm>>
    %dma_wait3A_1447 = arith.constant 0 : i32
    %dma_wait3A_1448 = arith.constant 0 : i32
    %dma_wait3A_1449 = arith.constant 0 : i32
    %dma_wait3A_1450 = tpu.memref_slice %dma_wait3A_1446[%dma_wait3A_1447, %dma_wait3A_1448, %dma_wait3A_1449] : memref<2x8x1000000xf32, #tpu.memory_space<hbm>> -> memref<2x8x128xf32, #tpu.memory_space<hbm>>
    %dma_wait3A_1451 = arith.constant 0 : i32
    %dma_wait3A_1452 = arith.constant 0 : i32
    %dma_wait3A_1453 = arith.constant 0 : i32
    %dma_wait3A_1454 = tpu.memref_slice %arg12[%dma_wait3A_1440, %dma_wait3A_1451, %dma_wait3A_1452, %dma_wait3A_1453] : memref<8x2x8x128xf32, #tpu.memory_space<vmem>> -> memref<1x2x8x128xf32, #tpu.memory_space<vmem>>
    %dma_wait3A_1455 = tpu.memref_squeeze %dma_wait3A_1454 : memref<1x2x8x128xf32, #tpu.memory_space<vmem>> -> memref<2x8x128xf32, #tpu.memory_space<vmem>>
    %dma_wait3A_1456 = tpu.memref_reshape %arg4 : memref<16x1000000xf32, #tpu.memory_space<hbm>> -> memref<2x8x1000000xf32, #tpu.memory_space<hbm>>
    %dma_wait3A_1457 = arith.constant 0 : i32
    %dma_wait3A_1458 = arith.constant 0 : i32
    %dma_wait3A_1459 = arith.constant 0 : i32
    %dma_wait3A_1460 = tpu.memref_slice %dma_wait3A_1456[%dma_wait3A_1457, %dma_wait3A_1458, %dma_wait3A_1459] : memref<2x8x1000000xf32, #tpu.memory_space<hbm>> -> memref<2x8x128xf32, #tpu.memory_space<hbm>>
    tpu.wait_dma2 semaphore(%arg16 : memref<!tpu.dma_semaphore, #tpu.memory_space<semaphore_mem>>) src(%dma_wait3A_1460 : memref<2x8x128xf32, #tpu.memory_space<hbm>>) dst(%dma_wait3A_1455 : memref<2x8x128xf32, #tpu.memory_space<vmem>>)
    %dma_wait3A_1461 = arith.constant 7 : i32
    %dma_wait3A_1462 = arith.constant 0 : i32
    %dma_wait3A_1463 = arith.constant 0 : i32
    %dma_wait3A_1464 = arith.constant 0 : i32
    %dma_wait3A_1465 = tpu.memref_slice %arg13[%dma_wait3A_1461, %dma_wait3A_1462, %dma_wait3A_1463, %dma_wait3A_1464] : memref<8x2x8x128xf32, #tpu.memory_space<vmem>> -> memref<1x2x8x128xf32, #tpu.memory_space<vmem>>
    %dma_wait3A_1466 = tpu.memref_squeeze %dma_wait3A_1465 : memref<1x2x8x128xf32, #tpu.memory_space<vmem>> -> memref<2x8x128xf32, #tpu.memory_space<vmem>>
    %dma_wait3A_1467 = tpu.memref_reshape %arg5 : memref<16x1000000xf32, #tpu.memory_space<hbm>> -> memref<2x8x1000000xf32, #tpu.memory_space<hbm>>
    %dma_wait3A_1468 = arith.constant 0 : i32
    %dma_wait3A_1469 = arith.constant 0 : i32
    %dma_wait3A_1470 = arith.constant 0 : i32
    %dma_wait3A_1471 = tpu.memref_slice %dma_wait3A_1467[%dma_wait3A_1468, %dma_wait3A_1469, %dma_wait3A_1470] : memref<2x8x1000000xf32, #tpu.memory_space<hbm>> -> memref<2x8x128xf32, #tpu.memory_space<hbm>>
    %dma_wait3A_1472 = arith.constant 0 : i32
    %dma_wait3A_1473 = arith.constant 0 : i32
    %dma_wait3A_1474 = arith.constant 0 : i32
    %dma_wait3A_1475 = tpu.memref_slice %arg13[%dma_wait3A_1461, %dma_wait3A_1472, %dma_wait3A_1473, %dma_wait3A_1474] : memref<8x2x8x128xf32, #tpu.memory_space<vmem>> -> memref<1x2x8x128xf32, #tpu.memory_space<vmem>>
    %dma_wait3A_1476 = tpu.memref_squeeze %dma_wait3A_1475 : memref<1x2x8x128xf32, #tpu.memory_space<vmem>> -> memref<2x8x128xf32, #tpu.memory_space<vmem>>
    %dma_wait3A_1477 = tpu.memref_reshape %arg5 : memref<16x1000000xf32, #tpu.memory_space<hbm>> -> memref<2x8x1000000xf32, #tpu.memory_space<hbm>>
    %dma_wait3A_1478 = arith.constant 0 : i32
    %dma_wait3A_1479 = arith.constant 0 : i32
    %dma_wait3A_1480 = arith.constant 0 : i32
    %dma_wait3A_1481 = tpu.memref_slice %dma_wait3A_1477[%dma_wait3A_1478, %dma_wait3A_1479, %dma_wait3A_1480] : memref<2x8x1000000xf32, #tpu.memory_space<hbm>> -> memref<2x8x128xf32, #tpu.memory_space<hbm>>
    tpu.wait_dma2 semaphore(%arg16 : memref<!tpu.dma_semaphore, #tpu.memory_space<semaphore_mem>>) src(%dma_wait3A_1481 : memref<2x8x128xf32, #tpu.memory_space<hbm>>) dst(%dma_wait3A_1476 : memref<2x8x128xf32, #tpu.memory_space<vmem>>)
    "tpu.region"() ({
      %run_scoped3A = tpu.sem_alloc : memref<!tpu.dma_semaphore, #tpu.memory_space<semaphore_mem>>
      %dma_start3A_1482 = arith.constant 0 : i32
      %dma_start3A_1483 = tpu.memref_slice %arg14[%dma_start3A_1482] : memref<528xf32, #tpu.memory_space<vmem>> -> memref<512xf32, #tpu.memory_space<vmem>>
      %dma_start3A_1484 = tpu.memref_slice %arg7[%multiple_of3A] : memref<16384xf32, #tpu.memory_space<hbm>> -> memref<512xf32, #tpu.memory_space<hbm>>
      %dma_start3A_1485 = tpu.memref_slice %arg7[%multiple_of3A] : memref<16384xf32, #tpu.memory_space<hbm>> -> memref<512xf32, #tpu.memory_space<hbm>>
      %dma_start3A_1486 = arith.constant 0 : i32
      %dma_start3A_1487 = tpu.memref_slice %arg14[%dma_start3A_1486] : memref<528xf32, #tpu.memory_space<vmem>> -> memref<512xf32, #tpu.memory_space<vmem>>
      tpu.enqueue_dma source(%dma_start3A_1487 : memref<512xf32, #tpu.memory_space<vmem>>) target(%dma_start3A_1485 : memref<512xf32, #tpu.memory_space<hbm>>) target_semaphore(%run_scoped3A : memref<!tpu.dma_semaphore, #tpu.memory_space<semaphore_mem>>)
      %dma_wait3A_1488 = arith.constant 0 : i32
      %dma_wait3A_1489 = tpu.memref_slice %arg14[%dma_wait3A_1488] : memref<528xf32, #tpu.memory_space<vmem>> -> memref<512xf32, #tpu.memory_space<vmem>>
      %dma_wait3A_1490 = tpu.memref_slice %arg7[%multiple_of3A] : memref<16384xf32, #tpu.memory_space<hbm>> -> memref<512xf32, #tpu.memory_space<hbm>>
      %dma_wait3A_1491 = tpu.memref_slice %arg7[%multiple_of3A] : memref<16384xf32, #tpu.memory_space<hbm>> -> memref<512xf32, #tpu.memory_space<hbm>>
      %dma_wait3A_1492 = arith.constant 0 : i32
      %dma_wait3A_1493 = tpu.memref_slice %arg14[%dma_wait3A_1492] : memref<528xf32, #tpu.memory_space<vmem>> -> memref<512xf32, #tpu.memory_space<vmem>>
      tpu.wait_dma2 semaphore(%run_scoped3A : memref<!tpu.dma_semaphore, #tpu.memory_space<semaphore_mem>>) src(%dma_wait3A_1493 : memref<512xf32, #tpu.memory_space<vmem>>) dst(%dma_wait3A_1491 : memref<512xf32, #tpu.memory_space<hbm>>)
      tpu.yield
    }) : () -> ()
    return
  }
}

</mosaic_0001>

<sc_bundles>
// kernel: _run.3.cloned.1.call-start
scs
__scs_entry_jumppad:
0x0: {  	(pc) =	sbr.rel $0x88, $3  }
0x1: {  	(tag) =	ssettag $0x0;
	lr =	simm.s32 $0x1  }
0x2: {  	[smem:$0x3F9C] =	sst lr;
	_ =	strace $0xD0000000  }
0x3: {  	_ = 	snop  }
0x4: {  	_ = 	snop  }
0x5: {  	_ = 	snop  }
0x6: {  	_ = 	snop  }
0x7: {  	_ = 	snop  }
__scs_overlays_trampoline_lowered:
0x8: {  	[smem:$0x3FAB] =	sst s0  }
0x9: {  	[smem:$0x3FAC] =	sst s1  }
0xa: {  	[smem:$0x3FAD] =	sst s2  }
0xb: {  	[smem:$0x3FAE] =	sst s3  }
0xc: {  	[smem:$0x3FAF] =	sst s4  }
0xd: {  	[smem:$0x3FB0] =	sst s5  }
0xe: {  	[smem:$0x3FB1] =	sst s6  }
0xf: {  	[smem:$0x3FB2] =	sst s7  }
0x10: {  	[smem:$0x3FB3] =	sst s8  }
0x11: {  	[smem:$0x3FB4] =	sst s9;
	s0 =	simm.s32 @!p0 $0x0  }
0x12: {  	s1 =	sld [smem:$0x3F9A];
	s0 =	simm.s32 @p0 $0x1  }
0x13: {  	[smem:$0x3FB5] =	sst s0;
	s0 =	simm.s32 @!p1 $0x0  }
0x14: {  	s2 =	sld [smem:$0x3F99];
	s0 =	simm.s32 @p1 $0x1  }
0x15: {  	[smem:$0x3FB6] =	sst s0;
	s0 =	simm.s32 @!p2 $0x0  }
0x16: {  	s3 =	sld [smem:$0x3FDB];
	s0 =	simm.s32 @p2 $0x1  }
0x17: {  	s4 =	simm.s32 $0x1BF5;
	[smem:$0x3FB8] =	sst s0  }
0x18: {  	s0 =	sld [smem:$0x3F9B];
	_ =	swait.ge [sflag:s4], $0x0  }
0x19: {  	s7 =	sld [smem:$0x3F9C]  }
0x1a: {  	s8 =	sadd.s32 $0xFFFFE003, lr  }
0x1b: {  	s9 =	sadd.s32 $0xFFFFFEF7, lr;
	s5 =	simm.s32 $0xFFFFFFFF;
	p2 =	slt.u32 s8, $0xFFFFF086  }
0x1c: {  	p1 =	slt.u32 s9, $0xF7A;
	s5 =	simm.s32 @!p2 $0x0  }
0x1d: {  	s5 =	simm.s32 @p1 $0x1;
	p0 =	seq.s32 s7, s2  }
0x1e: {  	s7 =	smul.u32 @!p0 $0xF7A, s2;
	p2 =	seq.s32 @!p0 s5, $0x0  }
0x1f: {  	s9 =	smul.u32 $0xF7A, s1;
	s8 =	simm.s32 @!p0 $0x1BF5;
	p2 =	por !p2, p0  }
0x20: {  	[sflag:s8] =	ssyncset.s32 @!p0 $0xFFFFF086;
	s6 =	sadd.s32 @!p0 s3, s7;
	s7 =	simm.s32 @!p0 $0x108  }
0x21: {  	s3 =	sadd.s32 s3, s9;
	s6 =	sadd.s32 @!p0 $0x88, s6;
	s7 =	simm.s32 @p2 $0x1082  }
0x22: {  	[simem:s7], [sflag:s8] =	dma.local @!p0 [hbm:s6], $0xF7A  }
0x23: {  	s9 =	sor.u32 $0xD0000000, s2;
	s6 =	simm.s32 $0x108;
	_ =	swait.ge @!p0 [sflag:s8], $0x0  }
0x24: {  	s3 =	sadd.s32 $0x88, s3;
	s6 =	simm.s32 @!p1 $0x1082;
	[sflag:s4] =	ssyncset.s32 $0xFFFFF086  }
0x25: {  	[simem:s6], [sflag:s4] =	dma.local [hbm:s3], $0xF7A  }
0x26: {  	[smem:$0x3F9C] =	sst s1;
	(tag) =	ssettag s2;
	_ =	strace s9  }
0x27: {  	s1 =	sld [smem:$0x3FAC]  }
0x28: {  	s2 =	sld [smem:$0x3FAD]  }
0x29: {  	s4 =	sld [smem:$0x3FAF]  }
0x2a: {  	p0 =	seq.s32 s5, $0x0;
	s5 =	sld [smem:$0x3FB0]  }
0x2b: {  	s6 =	sld [smem:$0x3FB1]  }
0x2c: {  	s7 =	sld [smem:$0x3FB2]  }
0x2d: {  	s3 =	simm.s32 $0x108;
	s8 =	sld [smem:$0x3FB3]  }
0x2e: {  	s3 =	simm.s32 @!p0 $0x1082;
	s9 =	sld [smem:$0x3FB4]  }
0x2f: {  	lr =	sadd.s32 s0, s3;
	s0 =	sld [smem:$0x3FAB]  }
0x30: {  	s3 =	sld [smem:$0x3FAE]  }
0x31: {  	[smem:$0x3FB7] =	sst s10  }
0x32: {  	s10 =	sld [smem:$0x3FB5];
	_ =	sdelay $0x3  }
0x33: {  	p0 =	seq.s32 s10, $0x1;
	s10 =	sld [smem:$0x3FB7];
	_ =	sdelay $0x3  }
0x34: {  	[smem:$0x3FB7] =	sst s10  }
0x35: {  	s10 =	sld [smem:$0x3FB6];
	_ =	sdelay $0x3  }
0x36: {  	p1 =	seq.s32 s10, $0x1;
	s10 =	sld [smem:$0x3FB7];
	_ =	sdelay $0x3  }
0x37: {  	[smem:$0x3FB7] =	sst s10  }
0x38: {  	s10 =	sld [smem:$0x3FB8]  }
0x39: {  	_ = 	snop;
	(pc) =	sbr.ind lr, $3  }
0x3a: {  	_ = 	snop  }
0x3b: {  	_ = 	snop  }
0x3c: {  	p2 =	seq.s32 s10, $0x1;
	s10 =	sld [smem:$0x3FB7]  }
0x3d: {  	_ =	shalt  }
0x3e: {  	_ =	shalt  }
0x3f: {  	_ =	shalt  }
0x40: {  	_ =	shalt  }
0x41: {  	_ =	shalt  }
0x42: {  	_ =	shalt  }
0x43: {  	_ =	shalt  }
0x44: {  	_ =	shalt  }
0x45: {  	_ =	shalt  }
0x46: {  	_ =	shalt  }
0x47: {  	_ =	shalt  }
0x48: {  	_ =	shalt  }
0x49: {  	_ =	shalt  }
0x4a: {  	_ =	shalt  }
0x4b: {  	_ =	shalt  }
0x4c: {  	_ =	shalt  }
0x4d: {  	_ =	shalt  }
0x4e: {  	_ =	shalt  }
0x4f: {  	_ =	shalt  }
0x50: {  	_ =	shalt  }
0x51: {  	_ =	shalt  }
0x52: {  	_ =	shalt  }
0x53: {  	_ =	shalt  }
0x54: {  	_ =	shalt  }
0x55: {  	_ =	shalt  }
0x56: {  	_ =	shalt  }
0x57: {  	_ =	shalt  }
0x58: {  	_ =	shalt  }
0x59: {  	_ =	shalt  }
0x5a: {  	_ =	shalt  }
0x5b: {  	_ =	shalt  }
0x5c: {  	_ =	shalt  }
0x5d: {  	_ =	shalt  }
0x5e: {  	_ =	shalt  }
0x5f: {  	_ =	shalt  }
0x60: {  	_ =	shalt  }
0x61: {  	_ =	shalt  }
0x62: {  	_ =	shalt  }
0x63: {  	_ =	shalt  }
0x64: {  	_ =	shalt  }
0x65: {  	_ =	shalt  }
0x66: {  	_ =	shalt  }
0x67: {  	_ =	shalt  }
0x68: {  	_ =	shalt  }
0x69: {  	_ =	shalt  }
0x6a: {  	_ =	shalt  }
0x6b: {  	_ =	shalt  }
0x6c: {  	_ =	shalt  }
0x6d: {  	_ =	shalt  }
0x6e: {  	_ =	shalt  }
0x6f: {  	_ =	shalt  }
0x70: {  	_ =	shalt  }
0x71: {  	_ =	shalt  }
0x72: {  	_ =	shalt  }
0x73: {  	_ =	shalt  }
0x74: {  	_ =	shalt  }
0x75: {  	_ =	shalt  }
0x76: {  	_ =	shalt  }
0x77: {  	_ =	shalt  }
0x78: {  	_ =	shalt  }
0x79: {  	_ =	shalt  }
0x7a: {  	_ =	shalt  }
0x7b: {  	_ =	shalt  }
0x7c: {  	_ =	shalt  }
0x7d: {  	_ =	shalt  }
0x7e: {  	_ =	shalt  }
0x7f: {  	_ =	shalt  }
0x80: {  	_ =	shalt  }
0x81: {  	_ =	shalt  }
0x82: {  	_ =	shalt  }
0x83: {  	_ =	shalt  }
0x84: {  	_ =	shalt  }
0x85: {  	_ =	shalt  }
0x86: {  	_ =	shalt  }
0x87: {  	_ =	shalt  }
.Lfunc_end0:
.L_simem_size_0:
called_computation_lowered:
.L_overlay_start_0:
0x88: {  	s2 =	sld [smem:$0x3FD9]  }
0x89: {  	s3 =	sld [smem:$0x3FFE];
	_ =	sdelay $0x1  }
0x8a: {  	s1 =	srdreg.scid  }
0x8b: {  	s0 =	sand.u32 $0x1, s1  }
0x8c: {  	s18 =	sshll.u32 s0, $0xA;
	s2 =	sadd.s32 s3, s2  }
0x8d: {  	s2 =	sadd.s32 s2, s18  }
0x8e: {  	[smem:$0x3FC3] =	sst s2  }
0x8f: {  	_ = 	snop  }
0x90: {  	s2 =	sld [smem:$0x3FC9]  }
0x91: {  	s19 =	sld [smem:$0x3FC8]  }
0x92: {  	s4 =	sld [smem:$0x3FC7]  }
0x93: {  	s5 =	sld [smem:$0x3FC6]  }
0x94: {  	s6 =	sld [smem:$0x3FC5]  }
0x95: {  	s7 =	sld [smem:$0x3FD0];
	(tm) =	ssettm $0x1  }
0x96: {  	s8 =	sld [smem:$0x3FFB];
	_ =	sdelay $0x3  }
0x97: {  	_ =	strace s8  }
0x98: {  	s8 =	sld [smem:$0x3FFC];
	_ =	sdelay $0x3  }
0x99: {  	_ =	strace s8  }
0x9a: {  	s8 =	sld [smem:$0x3FFD];
	_ =	sdelay $0x3  }
0x9b: {  	_ =	strace s8  }
0x9c: {  	_ =	strace $0x8FFFFFFF  }
0x9d: {  	s20 =	sld [smem:$0x3FDB];
	_ =	sdelay $0x1  }
0x9e: {  	s9 =	simm.s32 $_scs_section_size  }
0x9f: {  	s10 =	simm.s32 $_size__tile_overlayer_lowered;
	s11 =	simm.s32 $_tile_overlayer_lowered  }
0xa0: {  	s23 =	simm.s32 $0x1BFF;
	s22 =	sshll.u32 s11, $0x1;
	s8 =	sadd.s32 s9, s20  }
0xa1: {  	s12 =	simm.s32 $0x0;
	s21 =	sshll.u32 s10, $0x1;
	s10 =	sadd.s32 s22, s8  }
0xa2: {  	[timem:s12], [sflag:s23] =	dma.local [hbm:s10], s21  }
0xa3: {  	_ =	swait.ge [sflag:s23], s21  }
0xa4: {  	s9 =	ssub.s32 $0x0, s21;
	[sflag:s23] =	ssyncset.done $0x0  }
0xa5: {  	[sflag:s23] =	ssyncadd.s32 s9;
	_ =	sdelay $0x1  }
0xa6: {  	s24 =	simm.s32 $0x1B8B  }
0xa7: {  	_ =	swait.ge [sflag:s24], $0x1  }
0xa8: {  	[sflag:s24] =	ssyncset.done $0x0  }
0xa9: {  	s25 =	simm.s32 $0x1B8E;
	[sflag:s24] =	ssyncadd.s32 $0xFFFFFFFF  }
0xaa: {  	s26 =	simm.s32 $execute0_lowered;
	[smem:$0x3FD2] =	sst s25  }
0xab: {  	s9 =	sshll.u32 s26, $0x1;
	_ =	strace $0x80000046;
	[dreg:$0x1] =	wrdreg $0xFFFFFFFF  }
0xac: {  	s28 =	simm.s32 $_size_execute0_lowered;
	s8 =	sadd.s32 s8, s9;
	[dreg:$0x0] =	wrdreg $0x0  }
0xad: {  	s9 =	sshll.u32 s28, $0x1;
	[dreg:$0x2] =	wrdreg s8  }
0xae: {  	[dreg:$0x3] =	wrdreg s9  }
0xaf: {  	[dreg:$0x4] =	wrdreg $0xC0  }
0xb0: {  	_ =	task [dreg:s12], $0x5FFFF  }
0xb1: {  	[dreg:$0x1] =	wrdreg $0xFFFFFFFF  }
0xb2: {  	[dreg:$0x0] =	wrdreg $0x60  }
0xb3: {  	[dreg:$0x2] =	wrdreg s2  }
0xb4: {  	[dreg:$0x3] =	wrdreg s19  }
0xb5: {  	[dreg:$0x4] =	wrdreg s4  }
0xb6: {  	[dreg:$0x5] =	wrdreg s5  }
0xb7: {  	[dreg:$0x6] =	wrdreg s6  }
0xb8: {  	[dreg:$0x7] =	wrdreg s7  }
0xb9: {  	[dreg:$0x8] =	wrdreg $0x9  }
0xba: {  	_ =	task.clear_ibuf [dreg:s12], $0x9FFFF;
	_ =	strace $0x90000046  }
0xbb: {  	s29 =	simm.s32 $0x9;
	_ =	strace $0x80000048  }
0xbc: {  	_ =	swait.ge [sflag:s29], $0x1  }
0xbd: {  	[sflag:s29] =	ssyncadd.s32 $0xFFFFFFFF  }
0xbe: {  	_ =	strace $0x90000048  }
0xbf: {  	_ =	sfence  }
0xc0: {  	s30 =	sld [smem:$0x0];
	_ =	sdelay $0x2  }
0xc1: {  	s31 =	sshll.u32 s1, $0xD;
	s1 =	sshrl.u32 s1, $0x2  }
0xc2: {  	s3 =	sand.u32 $0x4000, s31;
	s1 =	sadd.s32 s1, s30  }
0xc3: {  	s0 =	sor.u32 s3, s0;
	s1 =	sshll.u32 s1, $0x11  }
0xc4: {  	s0 =	sor.u32 s1, s0  }
0xc5: {  	s0 =	sadd.s32 $0x8F2B, s0  }
0xc6: {  	[sflag:s0] =	ssyncadd.remote.s32 $0x1  }
0xc7: {  	_ =	sfence.sel $0xFFFF  }
0xc8: {  	[dreg:$0x0] =	wrdreg $0xFFFFFFFF;
	(pc) =	sbr.abs _section_cstart, $3  }
0xc9: {  	[dreg:$0x1] =	wrdreg $0xFFFFFFFF  }
0xca: {  	_ =	task.clear_ibuf [dreg:s12], $0x2FFFF;
	_ =	strace $0x9FFFFFFF  }
0xcb: {  	(tm) =	ssettm $0x7FFFFFFF  }
tec
execute0_lowered:
.L_overlay_start_1:
0x0: {  	(tag) =	ssettag $0x1  }
0x1: {  	s0 =	rddreg [dreg:$0x0]  }
0x2: {  	s3 =	rddreg [dreg:$0x1]  }
0x3: {  	s1 =	rddreg [dreg:$0x2]  }
0x4: {  	s2 =	rddreg [dreg:$0x3]  }
0x5: {  	s4 =	rddreg [dreg:$0x5];
	s24 =	simm.s32 $0x0;
	s5 =	srdreg.scid  }
0x6: {  	s7 =	stileid.u32;
	s13 =	simm.s32 $0x400;
	s14 =	simm.s32 $0x7A1400  }
0x7: {  	s15 =	simm.s32 $0x500;
	s16 =	simm.s32 $0x4500;
	s28 =	simm.s32 $0xD00  }
0x8: {  	s29 =	simm.s32 $0x4D00;
	s30 =	simm.s32 $0x1500;
	s11 =	simm.s32 $0x1D00  }
0x9: {  	v0 =	vimm.s32 $0x0;
	s12 =	simm.s32 $0x5D00;
	s9 =	simm.s32 $0x6D00;
	s10 =	simm.s32 $0x7500  }
0xa: {  	v1 =	vimm.s32 $0x1;
	v2 =	vimm.s32 $0x2;
	v3 =	vimm.s32 $0x3;
	s17 =	simm.s32 $0x3D00;
	s18 =	simm.s32 $0x7D00;
	s19 =	simm.s32 $0x8D00  }
0xb: {  	v4 =	vimm.s32 $0x4;
	v5 =	vimm.s32 $0x5;
	v6 =	vimm.s32 $0x6;
	s20 =	simm.s32 $0xCD00;
	s21 =	simm.s32 $0x9500;
	s31 =	simm.s32 $0xD500  }
0xc: {  	v7 =	vimm.s32 $0x7;
	v8 =	vimm.s32 $0x8;
	v11 =	vlaneseq.u32;
	s22 =	simm.s32 $0x1;
	[smem:$0x7FF] =	sst s24;
	s5 =	sand.u32 $0x1, s5  }
0xd: {  	v9 =	vimm.s32 $0x9;
	v10 =	vimm.s32 $0xA;
	s7 =	sshll.u32 s7, $0x7;
	v13 =	vand.u32 $0x7, v11;
	s6 =	ssub.s32 $0x2, s5;
	s5 =	sshll.u32 s5, $0x6  }
0xe: {  	v12 =	vimm.s32 $0xC;
	v14 =	vimm.s32 $0xD;
	_ =	strace $0x80000047;
	v13 =	vmul.u32 $0x800, v13;
	s8 =	sshrl.u32 s6, $0x1;
	s5 =	sor.u32 s5, s7  }
0xf: {  	v15 =	vimm.s32 $0xE;
	v16 =	vimm.s32 $0xF;
	v11 =	vimm.s32 $0xB;
	s7 =	simm.s32 $0x6500;
	s6 =	ssub.s32 s6, s8;
	s0 =	sadd.s32 s0, s5  }
0x10: {  	s23 =	sadd.s32 s3, s5;
	s25 =	sadd.s32 s4, s5;
	v17 =	vor.u32 $0x80, v13;
	v18 =	vor.u32 $0x100, v13;
	v19 =	vor.u32 $0x180, v13;
	[dreg:$0x7] =	wrdreg s0  }
0x11: {  	s3 =	simm.s32 $0x5500;
	s8 =	simm.s32 $0x2D00;
	v20 =	vor.u32 $0x200, v13;
	v21 =	vor.u32 $0x280, v13;
	v22 =	vor.u32 $0x300, v13;
	[dreg:$0x8] =	wrdreg s23  }
0x12: {  	s5 =	simm.s32 $0x3500;
	s4 =	simm.s32 $0xC500;
	v23 =	vor.u32 $0x380, v13;
	v24 =	vor.u32 $0x400, v13;
	v25 =	vor.u32 $0x480, v13;
	[dreg:$0x9] =	wrdreg s25  }
0x13: {  	v26 =	vor.u32 $0x500, v13;
	v27 =	vor.u32 $0x580, v13;
	v28 =	vor.u32 $0x600, v13;
	s26 =	smax.u32 s6, $0x1;
	s25 =	simm.s32 $0x2;
	s6 =	simm.s32 $0x2500  }
0x14: {  	v29 =	vor.u32 $0x680, v13;
	v30 =	vor.u32 $0x700, v13;
	v31 =	vor.u32 $0x780, v13;
	s0 =	simm.s32 $0x8500;
	[dreg:$0xa] =	wrdreg s26;
	s26 =	simm.s32 $0x0  }
.LBB2_1:
0x15: {  	[dreg:$0xb] =	wrdreg s26  }
0x16: {  	s23 =	rddreg [dreg:$0x7]  }
0x17: {  	[tilespmem:s24], [sflag:$0x2] =	stream.linear.gather [hbm4b:s23+s24], $0x200, $0x38;
	[tilespmem:$0x10800] =	vst v63  }
0x18: {  	_ =	swait.ge [sflag:s25], $0x200  }
0x19: {  	[sflag:s25] =	ssyncset.done $0x0  }
0x1a: {  	s26 =	simm.s32 $0x280;
	s23 =	rddreg [dreg:$0x8];
	[sflag:s25] =	ssyncadd.s32 $0xFFFFFE00  }
0x1b: {  	[tilespmem:s26], [sflag:$0x2] =	stream.linear.gather [hbm4b:s23+s24], $0x200, $0x38;
	[tilespmem:$0x10800] =	vst v63  }
0x1c: {  	_ =	swait.ge [sflag:s25], $0x200  }
0x1d: {  	[sflag:s25] =	ssyncset.done $0x0  }
0x1e: {  	[sflag:s25] =	ssyncadd.s32 $0xFFFFFE00  }
0x1f: {  	s26 =	simm.s32 $0x10780;
	s23 =	rddreg [dreg:$0x4]  }
0x20: {  	[tilespmem:s26], [sflag:$0x2] =	stream.linear.gather [hbm4b:s23+s24], $0x80, $0x38;
	[tilespmem:$0x10800] =	vst v63  }
0x21: {  	_ =	swait.ge [sflag:s25], $0x80  }
0x22: {  	[sflag:s25] =	ssyncset.done $0x0  }
0x23: {  	[sflag:s25] =	ssyncadd.s32 $0xFFFFFF80  }
0x24: {  	v32 =	vld [tilespmem:$0x0];
	_ =	sdelay $0x1  }
0x25: {  	v33 =	vld [tilespmem:$0x280];
	_ =	sdelay $0x2  }
0x26: {  	v32 =	vand.u32 $0xFFFFFF80, v32  }
0x27: {  	v32 =	vadd.s32 s1, v32  }
0x28: {  	v33 =	vand.u32 $0xFFFFFF80, v33;
	(v2sf) =	vpush v32, $0x0  }
0x29: {  	v33 =	vadd.s32 s2, v33  }
0x2a: {  	(v2sf) =	vpush v33, $0x0;
	_ =	sdelay $0x1  }
0x2b: {  	(v2sf) =	vpush v32, $0x1;
	_ =	sdelay $0x1  }
0x2c: {  	(v2sf) =	vpush v33, $0x1;
	_ =	sdelay $0x1  }
0x2d: {  	(v2sf) =	vpush v32, $0x2;
	_ =	sdelay $0x1  }
0x2e: {  	(v2sf) =	vpush v33, $0x2;
	_ =	sdelay $0x1  }
0x2f: {  	(v2sf) =	vpush v32, $0x3;
	_ =	sdelay $0x1  }
0x30: {  	(v2sf) =	vpush v33, $0x3  }
0x31: {  	s24 =	spop (v2sf)  }
0x32: {  	v47 =	vld [tilespmem:$0x10780];
	(v2sf) =	vpush v32, $0x4;
	[tilespmem:s15], [sflag:$0x1] =	stream.strided.gather [hbm4b:s24+s13], $0x800, s14, s13, $0x38  }
0x33: {  	s25 =	spop (v2sf)  }
0x34: {  	(v2sf) =	vpush v33, $0x4;
	[tilespmem:s16], [sflag:$0x1] =	stream.strided.gather [hbm4b:s25+s13], $0x800, s14, s13, $0x38;
	[tilespmem:$0x10800] =	vst v63  }
0x35: {  	s26 =	spop (v2sf)  }
0x36: {  	(v2sf) =	vpush v32, $0x5;
	[tilespmem:s28], [sflag:$0x1] =	stream.strided.gather [hbm4b:s26+s13], $0x800, s14, s13, $0x38;
	[tilespmem:$0x10800] =	vst v63  }
0x37: {  	s24 =	spop (v2sf)  }
0x38: {  	(v2sf) =	vpush v33, $0x5;
	[tilespmem:s29], [sflag:$0x1] =	stream.strided.gather [hbm4b:s24+s13], $0x800, s14, s13, $0x38;
	[tilespmem:$0x10800] =	vst v63  }
0x39: {  	s25 =	spop (v2sf)  }
0x3a: {  	(v2sf) =	vpush v32, $0x6;
	[tilespmem:s30], [sflag:$0x1] =	stream.strided.gather [hbm4b:s25+s13], $0x800, s14, s13, $0x38;
	[tilespmem:$0x10800] =	vst v63  }
0x3b: {  	s26 =	spop (v2sf)  }
0x3c: {  	(v2sf) =	vpush v33, $0x6;
	[tilespmem:s3], [sflag:$0x1] =	stream.strided.gather [hbm4b:s26+s13], $0x800, s14, s13, $0x38;
	[tilespmem:$0x10800] =	vst v63  }
0x3d: {  	s28 =	spop (v2sf)  }
0x3e: {  	(v2sf) =	vpush v32, $0x7;
	[tilespmem:s11], [sflag:$0x1] =	stream.strided.gather [hbm4b:s28+s13], $0x800, s14, s13, $0x38;
	[tilespmem:$0x10800] =	vst v63  }
0x3f: {  	s29 =	spop (v2sf)  }
0x40: {  	(v2sf) =	vpush v33, $0x7;
	[tilespmem:s12], [sflag:$0x1] =	stream.strided.gather [hbm4b:s29+s13], $0x800, s14, s13, $0x38;
	[tilespmem:$0x10800] =	vst v63  }
0x41: {  	s3 =	spop (v2sf)  }
0x42: {  	[tilespmem:s6], [sflag:$0x1] =	stream.strided.gather [hbm4b:s3+s13], $0x800, s14, s13, $0x38;
	[tilespmem:$0x10800] =	vst v63  }
0x43: {  	s6 =	spop (v2sf)  }
0x44: {  	[tilespmem:s7], [sflag:$0x1] =	stream.strided.gather [hbm4b:s6+s13], $0x800, s14, s13, $0x38;
	[tilespmem:$0x10800] =	vst v63  }
0x45: {  	s7 =	spop (v2sf)  }
0x46: {  	[tilespmem:s8], [sflag:$0x1] =	stream.strided.gather [hbm4b:s7+s13], $0x800, s14, s13, $0x38;
	[tilespmem:$0x10800] =	vst v63  }
0x47: {  	s8 =	spop (v2sf)  }
0x48: {  	[tilespmem:s9], [sflag:$0x1] =	stream.strided.gather [hbm4b:s8+s13], $0x800, s14, s13, $0x38;
	[tilespmem:$0x10800] =	vst v63  }
0x49: {  	s9 =	spop (v2sf)  }
0x4a: {  	[tilespmem:s5], [sflag:$0x1] =	stream.strided.gather [hbm4b:s9+s13], $0x800, s14, s13, $0x38;
	[tilespmem:$0x10800] =	vst v63  }
0x4b: {  	s11 =	spop (v2sf)  }
0x4c: {  	[tilespmem:s10], [sflag:$0x1] =	stream.strided.gather [hbm4b:s11+s13], $0x800, s14, s13, $0x38;
	[tilespmem:$0x10800] =	vst v63  }
0x4d: {  	s12 =	spop (v2sf)  }
0x4e: {  	[tilespmem:s17], [sflag:$0x1] =	stream.strided.gather [hbm4b:s12+s13], $0x800, s14, s13, $0x38;
	[tilespmem:$0x10800] =	vst v63  }
0x4f: {  	s17 =	spop (v2sf)  }
0x50: {  	[tilespmem:s18], [sflag:$0x1] =	stream.strided.gather [hbm4b:s17+s13], $0x800, s14, s13, $0x38;
	[tilespmem:$0x10800] =	vst v63  }
0x51: {  	v62 =	vld [tilespmem:$0x8];
	_ =	sdelay $0x1  }
0x52: {  	v63 =	vld [tilespmem:$0x288];
	_ =	sdelay $0x2  }
0x53: {  	v32 =	vand.u32 $0xFFFFFF80, v62  }
0x54: {  	v32 =	vadd.s32 s1, v32  }
0x55: {  	v33 =	vand.u32 $0xFFFFFF80, v63;
	(v2sf) =	vpush v32, $0x0  }
0x56: {  	v33 =	vadd.s32 s2, v33  }
0x57: {  	(v2sf) =	vpush v33, $0x0  }
0x58: {  	(v2sf) =	vpush v32, $0x1;
	_ =	sdelay $0x1  }
0x59: {  	(v2sf) =	vpush v33, $0x1;
	_ =	sdelay $0x1  }
0x5a: {  	(v2sf) =	vpush v32, $0x2;
	_ =	sdelay $0x1  }
0x5b: {  	(v2sf) =	vpush v33, $0x2;
	_ =	sdelay $0x1  }
0x5c: {  	(v2sf) =	vpush v32, $0x3;
	_ =	sdelay $0x1  }
0x5d: {  	(v2sf) =	vpush v33, $0x3;
	_ =	sdelay $0x1  }
0x5e: {  	s18 =	spop (v2sf)  }
0x5f: {  	[tilespmem:s0], [sflag:$0x1] =	stream.strided.gather [hbm4b:s18+s13], $0x800, s14, s13, $0x38;
	[tilespmem:$0x10800] =	vst v63  }
0x60: {  	(v2sf) =	vpush v32, $0x4;
	s24 =	spop (v2sf)  }
0x61: {  	(v2sf) =	vpush v33, $0x4;
	s25 =	spop (v2sf)  }
0x62: {  	[tilespmem:s4], [sflag:$0x1] =	stream.strided.gather [hbm4b:s24+s13], $0x800, s14, s13, $0x38;
	[tilespmem:$0x10800] =	vst v63  }
0x63: {  	(v2sf) =	vpush v32, $0x5;
	s26 =	spop (v2sf)  }
0x64: {  	(v2sf) =	vpush v33, $0x5;
	[tilespmem:s19], [sflag:$0x1] =	stream.strided.gather [hbm4b:s25+s13], $0x800, s14, s13, $0x38;
	[tilespmem:$0x10800] =	vst v63  }
0x65: {  	s28 =	spop (v2sf)  }
0x66: {  	(v2sf) =	vpush v32, $0x6;
	[tilespmem:s20], [sflag:$0x1] =	stream.strided.gather [hbm4b:s26+s13], $0x800, s14, s13, $0x38;
	[tilespmem:$0x10800] =	vst v63  }
0x67: {  	s29 =	spop (v2sf)  }
0x68: {  	(v2sf) =	vpush v33, $0x6;
	[tilespmem:s21], [sflag:$0x1] =	stream.strided.gather [hbm4b:s28+s13], $0x800, s14, s13, $0x38;
	[tilespmem:$0x10800] =	vst v63  }
0x69: {  	s23 =	simm.s32 $0x18;
	s30 =	simm.s32 $0xFD00;
	s3 =	spop (v2sf)  }
0x6a: {  	(v2sf) =	vpush v32, $0x7;
	[tilespmem:s31], [sflag:$0x1] =	stream.strided.gather [hbm4b:s29+s13], $0x800, s14, s13, $0x38;
	[tilespmem:$0x10800] =	vst v63  }
0x6b: {  	s7 =	simm.s32 $0xDD00;
	s5 =	simm.s32 $0x9D00;
	s6 =	spop (v2sf)  }
0x6c: {  	(v2sf) =	vpush v33, $0x7;
	[tilespmem:s5], [sflag:$0x1] =	stream.strided.gather [hbm4b:s3+s13], $0x800, s14, s13, $0x38;
	[tilespmem:$0x10800] =	vst v63  }
0x6d: {  	s9 =	simm.s32 $0xA500;
	s11 =	simm.s32 $0xE500;
	s17 =	simm.s32 $0xAD00  }
0x6e: {  	[tilespmem:s7], [sflag:$0x1] =	stream.strided.gather [hbm4b:s6+s13], $0x800, s14, s13, $0x38;
	[tilespmem:$0x10800] =	vst v63  }
0x6f: {  	s19 =	simm.s32 $0xED00;
	s25 =	simm.s32 $0xF500;
	s8 =	spop (v2sf)  }
0x70: {  	s21 =	simm.s32 $0xB500;
	s28 =	simm.s32 $0xBD00;
	s10 =	spop (v2sf)  }
0x71: {  	[tilespmem:s9], [sflag:$0x1] =	stream.strided.gather [hbm4b:s8+s13], $0x800, s14, s13, $0x38;
	[tilespmem:$0x10800] =	vst v63  }
0x72: {  	s31 =	simm.s32 $0x1500;
	s5 =	simm.s32 $0x3500;
	s12 =	spop (v2sf)  }
0x73: {  	s3 =	simm.s32 $0xD500;
	s6 =	simm.s32 $0x2500;
	s18 =	spop (v2sf)  }
0x74: {  	[tilespmem:s11], [sflag:$0x1] =	stream.strided.gather [hbm4b:s10+s13], $0x800, s14, s13, $0x38;
	[tilespmem:$0x10800] =	vst v63  }
0x75: {  	s7 =	simm.s32 $0x6500;
	s8 =	simm.s32 $0x2D00;
	s20 =	spop (v2sf)  }
0x76: {  	[tilespmem:s17], [sflag:$0x1] =	stream.strided.gather [hbm4b:s12+s13], $0x800, s14, s13, $0x38;
	[tilespmem:$0x10800] =	vst v63  }
0x77: {  	s9 =	simm.s32 $0x6D00;
	s11 =	simm.s32 $0x1D00;
	s24 =	spop (v2sf)  }
0x78: {  	[tilespmem:s19], [sflag:$0x1] =	stream.strided.gather [hbm4b:s18+s13], $0x800, s14, s13, $0x38;
	[tilespmem:$0x10800] =	vst v63  }
0x79: {  	v34 =	vperm.xlane v47, v2;
	v35 =	vperm.xlane v47, v3;
	s10 =	simm.s32 $0x7500;
	s26 =	spop (v2sf);
	s12 =	simm.s32 $0x5D00  }
0x7a: {  	v36 =	vperm.xlane v47, v4;
	v37 =	vperm.xlane v47, v5;
	[tilespmem:s21], [sflag:$0x1] =	stream.strided.gather [hbm4b:s20+s13], $0x800, s14, s13, $0x38;
	[tilespmem:$0x10800] =	vst v63  }
0x7b: {  	v38 =	vperm.xlane v47, v6;
	v39 =	vperm.xlane v47, v7;
	s17 =	simm.s32 $0x3D00;
	s29 =	spop (v2sf);
	s18 =	simm.s32 $0x7D00  }
0x7c: {  	v40 =	vperm.xlane v47, v8;
	v41 =	vperm.xlane v47, v9;
	[tilespmem:s25], [sflag:$0x1] =	stream.strided.gather [hbm4b:s24+s13], $0x800, s14, s13, $0x38;
	[tilespmem:$0x10800] =	vst v63  }
0x7d: {  	v42 =	vperm.xlane v47, v10;
	v43 =	vperm.xlane v47, v11;
	s19 =	simm.s32 $0x8D00;
	s20 =	simm.s32 $0xCD00;
	s21 =	simm.s32 $0x9500  }
0x7e: {  	v44 =	vperm.xlane v47, v12;
	v45 =	vperm.xlane v47, v14;
	[tilespmem:s28], [sflag:$0x1] =	stream.strided.gather [hbm4b:s26+s13], $0x800, s14, s13, $0x38;
	[tilespmem:$0x10800] =	vst v63  }
0x7f: {  	v46 =	vperm.xlane v47, v15;
	v32 =	vperm.xlane v47, v0;
	s24 =	simm.s32 $0x288;
	s25 =	simm.s32 $0x8;
	s26 =	simm.s32 $0x10508  }
0x80: {  	v33 =	vperm.xlane v47, v1;
	v47 =	vperm.xlane v47, v16;
	[tilespmem:s30], [sflag:$0x1] =	stream.strided.gather [hbm4b:s29+s13], $0x800, s14, s13, $0x38;
	[tilespmem:$0x10800] =	vst v63  }
.LBB2_2:
0x81: {  	_ =	swait.ge [sflag:s22], $0x800  }
0x82: {  	[sflag:s22] =	ssyncset.done $0x0  }
0x83: {  	[sflag:s22] =	ssyncadd.s32 $0xFFFFF800  }
0x84: {  	_ =	swait.ge [sflag:s22], $0x800  }
0x85: {  	[sflag:s22] =	ssyncset.done $0x0  }
0x86: {  	[sflag:s22] =	ssyncadd.s32 $0xFFFFF800  }
0x87: {  	_ =	swait.ge [sflag:s22], $0x800  }
0x88: {  	[sflag:s22] =	ssyncset.done $0x0  }
0x89: {  	[sflag:s22] =	ssyncadd.s32 $0xFFFFF800  }
0x8a: {  	_ =	swait.ge [sflag:s22], $0x800  }
0x8b: {  	[sflag:s22] =	ssyncset.done $0x0  }
0x8c: {  	[sflag:s22] =	ssyncadd.s32 $0xFFFFF800  }
0x8d: {  	_ =	swait.ge [sflag:s22], $0x800  }
0x8e: {  	[sflag:s22] =	ssyncset.done $0x0  }
0x8f: {  	[sflag:s22] =	ssyncadd.s32 $0xFFFFF800  }
0x90: {  	_ =	swait.ge [sflag:s22], $0x800  }
0x91: {  	[sflag:s22] =	ssyncset.done $0x0  }
0x92: {  	[sflag:s22] =	ssyncadd.s32 $0xFFFFF800  }
0x93: {  	_ =	swait.ge [sflag:s22], $0x800  }
0x94: {  	[sflag:s22] =	ssyncset.done $0x0  }
0x95: {  	[sflag:s22] =	ssyncadd.s32 $0xFFFFF800  }
0x96: {  	_ =	swait.ge [sflag:s22], $0x800  }
0x97: {  	[sflag:s22] =	ssyncset.done $0x0  }
0x98: {  	[sflag:s22] =	ssyncadd.s32 $0xFFFFF800  }
0x99: {  	_ =	swait.ge [sflag:s22], $0x800  }
0x9a: {  	[sflag:s22] =	ssyncset.done $0x0  }
0x9b: {  	[sflag:s22] =	ssyncadd.s32 $0xFFFFF800  }
0x9c: {  	_ =	swait.ge [sflag:s22], $0x800  }
0x9d: {  	[sflag:s22] =	ssyncset.done $0x0  }
0x9e: {  	[sflag:s22] =	ssyncadd.s32 $0xFFFFF800  }
0x9f: {  	_ =	swait.ge [sflag:s22], $0x800  }
0xa0: {  	[sflag:s22] =	ssyncset.done $0x0  }
0xa1: {  	[sflag:s22] =	ssyncadd.s32 $0xFFFFF800  }
0xa2: {  	_ =	swait.ge [sflag:s22], $0x800  }
0xa3: {  	[sflag:s22] =	ssyncset.done $0x0  }
0xa4: {  	[sflag:s22] =	ssyncadd.s32 $0xFFFFF800  }
0xa5: {  	_ =	swait.ge [sflag:s22], $0x800  }
0xa6: {  	[sflag:s22] =	ssyncset.done $0x0  }
0xa7: {  	[sflag:s22] =	ssyncadd.s32 $0xFFFFF800  }
0xa8: {  	_ =	swait.ge [sflag:s22], $0x800  }
0xa9: {  	[sflag:s22] =	ssyncset.done $0x0  }
0xaa: {  	[sflag:s22] =	ssyncadd.s32 $0xFFFFF800  }
0xab: {  	_ =	swait.ge [sflag:s22], $0x800  }
0xac: {  	[sflag:s22] =	ssyncset.done $0x0  }
0xad: {  	[sflag:s22] =	ssyncadd.s32 $0xFFFFF800  }
0xae: {  	_ =	swait.ge [sflag:s22], $0x800  }
0xaf: {  	[sflag:s22] =	ssyncset.done $0x0  }
0xb0: {  	[sflag:s22] =	ssyncadd.s32 $0xFFFFF800  }
0xb1: {  	v48 =	vld [tilespmem:s25+$0xFFFFFFF8]  }
0xb2: {  	v49 =	vld [tilespmem:s24+$0xFFFFFFF8];
	_ =	sdelay $0x3  }
0xb3: {  	v48 =	vand.u32 $0x7F, v48  }
0xb4: {  	v49 =	vand.u32 $0x7F, v49;
	v50 =	vor.u32 v13, v48  }
0xb5: {  	v51 =	vor.u32 v13, v49  }
0xb6: {  	v52 =	vor.u32 v17, v48  }
0xb7: {  	v53 =	vor.u32 v17, v49  }
0xb8: {  	v54 =	vor.u32 v18, v48  }
0xb9: {  	v55 =	vor.u32 v18, v49;
	v50 =	vld.idx.msk [tilespmem:v50+s15+$0x0], $0xffff  }
0xba: {  	v51 =	vld.idx.msk [tilespmem:v51+s16+$0x0], $0xffff  }
0xbb: {  	v52 =	vld.idx.msk [tilespmem:v52+s15+$0x0], $0xffff  }
0xbc: {  	v58 =	vor.u32 v20, v48;
	v53 =	vld.idx.msk [tilespmem:v53+s16+$0x0], $0xffff  }
0xbd: {  	v56 =	vor.u32 v19, v48;
	v54 =	vld.idx.msk [tilespmem:v54+s15+$0x0], $0xffff  }
0xbe: {  	v57 =	vor.u32 v19, v49;
	v55 =	vld.idx.msk [tilespmem:v55+s16+$0x0], $0xffff  }
0xbf: {  	v59 =	vor.u32 v20, v49;
	_ =	sdelay $0x1  }
0xc0: {  	v60 =	vor.u32 v22, v48;
	v58 =	vld.idx.msk [tilespmem:v58+s15+$0x0], $0xffff  }
0xc1: {  	v50 =	vmul.f32 v51, v50;
	v51 =	vld.idx.msk [tilespmem:v56+s15+$0x0], $0xffff;
	v56 =	vor.u32 v21, v48;
	v52 =	vmul.f32 v53, v52  }
0xc2: {  	v53 =	vld.idx.msk [tilespmem:v57+s16+$0x0], $0xffff;
	v57 =	vor.u32 v21, v49;
	v54 =	vmul.f32 v55, v54  }
0xc3: {  	v55 =	vld.idx.msk [tilespmem:v59+s16+$0x0], $0xffff;
	v59 =	vor.u32 v22, v49;
	v50 =	vmul.f32 v50, v32;
	v52 =	vmul.f32 v52, v33;
	_ =	sdelay $0x1  }
0xc4: {  	v50 =	vadd.f32 v52, v50;
	v52 =	vld.idx.msk [tilespmem:v60+s15+$0x0], $0xffff  }
0xc5: {  	v61 =	vmul.f32 v54, v34;
	v54 =	vld.idx.msk [tilespmem:v56+s15+$0x0], $0xffff;
	v56 =	vor.u32 v23, v48  }
0xc6: {  	v51 =	vmul.f32 v53, v51;
	v53 =	vld.idx.msk [tilespmem:v57+s16+$0x0], $0xffff;
	v57 =	vor.u32 v23, v49  }
0xc7: {  	v60 =	vor.u32 v24, v48;
	v55 =	vmul.f32 v55, v58;
	v58 =	vld.idx.msk [tilespmem:v59+s16+$0x0], $0xffff  }
0xc8: {  	v59 =	vor.u32 v24, v49  }
0xc9: {  	v50 =	vadd.f32 v61, v50;
	v51 =	vmul.f32 v51, v35  }
0xca: {  	v62 =	vmul.f32 v55, v36;
	v55 =	vld.idx.msk [tilespmem:v56+s15+$0x0], $0xffff;
	v56 =	vor.u32 v25, v48  }
0xcb: {  	v50 =	vadd.f32 v51, v50;
	v53 =	vmul.f32 v53, v54;
	v54 =	vld.idx.msk [tilespmem:v57+s16+$0x0], $0xffff;
	v57 =	vor.u32 v25, v49  }
0xcc: {  	v51 =	vld.idx.msk [tilespmem:v60+s15+$0x0], $0xffff;
	v60 =	vor.u32 v26, v48;
	v52 =	vmul.f32 v58, v52  }
0xcd: {  	v58 =	vld.idx.msk [tilespmem:v59+s16+$0x0], $0xffff;
	v59 =	vor.u32 v26, v49;
	v50 =	vadd.f32 v62, v50;
	v53 =	vmul.f32 v53, v37  }
0xce: {  	v61 =	vor.u32 v27, v48  }
0xcf: {  	v52 =	vmul.f32 v52, v38;
	v50 =	vadd.f32 v53, v50;
	v53 =	vld.idx.msk [tilespmem:v56+s15+$0x0], $0xffff;
	v56 =	vor.u32 v27, v49  }
0xd0: {  	v54 =	vmul.f32 v54, v55;
	v55 =	vld.idx.msk [tilespmem:v57+s16+$0x0], $0xffff;
	v57 =	vor.u32 v28, v48  }
0xd1: {  	v50 =	vadd.f32 v52, v50;
	v52 =	vld.idx.msk [tilespmem:v60+s15+$0x0], $0xffff;
	v60 =	vor.u32 v28, v49  }
0xd2: {  	v51 =	vmul.f32 v58, v51;
	v58 =	vld.idx.msk [tilespmem:v59+s16+$0x0], $0xffff;
	v59 =	vor.u32 v29, v48;
	v54 =	vmul.f32 v54, v39  }
0xd3: {  	v61 =	vld.idx.msk [tilespmem:v61+s15+$0x0], $0xffff;
	v62 =	vor.u32 v29, v49  }
0xd4: {  	v63 =	vor.u32 v30, v49;
	v51 =	vmul.f32 v51, v40;
	v50 =	vadd.f32 v54, v50;
	v54 =	vld.idx.msk [tilespmem:v56+s16+$0x0], $0xffff  }
0xd5: {  	v56 =	vor.u32 v30, v48;
	v53 =	vmul.f32 v55, v53;
	v55 =	vld.idx.msk [tilespmem:v57+s15+$0x0], $0xffff  }
0xd6: {  	v49 =	vor.u32 v31, v49;
	v50 =	vadd.f32 v51, v50;
	v51 =	vld.idx.msk [tilespmem:v60+s16+$0x0], $0xffff  }
0xd7: {  	v48 =	vor.u32 v31, v48;
	v52 =	vmul.f32 v58, v52;
	v58 =	vld.idx.msk [tilespmem:v59+s15+$0x0], $0xffff;
	v53 =	vmul.f32 v53, v41  }
0xd8: {  	v60 =	vld.idx.msk [tilespmem:v62+s16+$0x0], $0xffff  }
0xd9: {  	v63 =	vld.idx.msk [tilespmem:v63+s16+$0x0], $0xffff;
	v52 =	vmul.f32 v52, v42;
	v50 =	vadd.f32 v53, v50;
	v61 =	vmul.f32 v54, v61  }
0xda: {  	v62 =	vld.idx.msk [tilespmem:v56+s15+$0x0], $0xffff  }
0xdb: {  	v49 =	vld.idx.msk [tilespmem:v49+s16+$0x0], $0xffff;
	v50 =	vadd.f32 v52, v50;
	v51 =	vmul.f32 v51, v55;
	v57 =	vmul.f32 v61, v43  }
0xdc: {  	v48 =	vld.idx.msk [tilespmem:v48+s15+$0x0], $0xffff  }
0xdd: {  	v60 =	vmul.f32 v60, v58;
	v51 =	vmul.f32 v51, v44;
	v50 =	vadd.f32 v57, v50;
	_ =	sdelay $0x1  }
0xde: {  	v61 =	vmul.f32 v60, v45;
	v62 =	vmul.f32 v63, v62;
	v50 =	vadd.f32 v51, v50;
	_ =	sdelay $0x1  }
0xdf: {  	v48 =	vmul.f32 v49, v48;
	v63 =	vmul.f32 v62, v46;
	v50 =	vadd.f32 v61, v50;
	_ =	sdelay $0x1  }
0xe0: {  	v48 =	vmul.f32 v48, v47;
	v54 =	vadd.f32 v63, v50;
	_ =	sdelay $0x1  }
0xe1: {  	v48 =	vadd.f32 v48, v54;
	_ =	sdelay $0x1  }
0xe2: {  	v48 =	vsub.f32 $0.0e+00, v48;
	_ =	sdelay $0x1  }
0xe3: {  	v48 =	vmul.f32 $1.442695020e+00, v48;
	_ =	sdelay $0x1  }
0xe4: {  	(erf) = vpow2.f32 v48;
	_ =	sdelay $0x8  }
0xe5: {  	v48 =	vpop (erf)  }
0xe6: {  	v48 =	vadd.f32 $1.000000000e+00, v48;
	_ =	sdelay $0x1  }
0xe7: {  	(erf) = vrcp.f32 v48;
	_ =	sdelay $0x8  }
0xe8: {  	s28 =	sadd.s32 $0xFFFFFFF8, s23;
	v48 =	vpop (erf)  }
0xe9: {  	s28 =	sand.u32 $0x1F0, s28;
	[tilespmem:s26+$0xFFFFFFF8] =	vst v48  }
0xea: {  	v48 =	vld [tilespmem:s28+$0x0];
	_ =	sdelay $0x1  }
0xeb: {  	v55 =	vld [tilespmem:s28+$0x280];
	_ =	sdelay $0x2  }
0xec: {  	v48 =	vand.u32 $0xFFFFFF80, v48  }
0xed: {  	v48 =	vadd.s32 s1, v48  }
0xee: {  	v49 =	vand.u32 $0xFFFFFF80, v55;
	(v2sf) =	vpush v48, $0x0  }
0xef: {  	v49 =	vadd.s32 s2, v49  }
0xf0: {  	(v2sf) =	vpush v49, $0x0;
	_ =	sdelay $0x1  }
0xf1: {  	(v2sf) =	vpush v48, $0x1;
	_ =	sdelay $0x1  }
0xf2: {  	(v2sf) =	vpush v49, $0x1;
	_ =	sdelay $0x1  }
0xf3: {  	(v2sf) =	vpush v48, $0x2;
	_ =	sdelay $0x1  }
0xf4: {  	(v2sf) =	vpush v49, $0x2;
	_ =	sdelay $0x1  }
0xf5: {  	(v2sf) =	vpush v48, $0x3;
	_ =	sdelay $0x1  }
0xf6: {  	(v2sf) =	vpush v49, $0x3  }
0xf7: {  	s29 =	spop (v2sf)  }
0xf8: {  	(v2sf) =	vpush v48, $0x4;
	[tilespmem:s15], [sflag:$0x1] =	stream.strided.gather [hbm4b:s29+s13], $0x800, s14, s13, $0x38;
	[tilespmem:$0x10800] =	vst v63  }
0xf9: {  	s29 =	spop (v2sf)  }
0xfa: {  	(v2sf) =	vpush v49, $0x4;
	[tilespmem:s16], [sflag:$0x1] =	stream.strided.gather [hbm4b:s29+s13], $0x800, s14, s13, $0x38;
	[tilespmem:$0x10800] =	vst v63  }
0xfb: {  	s28 =	spop (v2sf);
	s29 =	simm.s32 $0xD00  }
0xfc: {  	(v2sf) =	vpush v48, $0x5;
	[tilespmem:s29], [sflag:$0x1] =	stream.strided.gather [hbm4b:s28+s13], $0x800, s14, s13, $0x38;
	[tilespmem:$0x10800] =	vst v63  }
0xfd: {  	s28 =	spop (v2sf);
	s29 =	simm.s32 $0x4D00  }
0xfe: {  	(v2sf) =	vpush v49, $0x5;
	[tilespmem:s29], [sflag:$0x1] =	stream.strided.gather [hbm4b:s28+s13], $0x800, s14, s13, $0x38;
	[tilespmem:$0x10800] =	vst v63  }
0xff: {  	s29 =	spop (v2sf)  }
0x100: {  	(v2sf) =	vpush v48, $0x6;
	[tilespmem:s31], [sflag:$0x1] =	stream.strided.gather [hbm4b:s29+s13], $0x800, s14, s13, $0x38;
	[tilespmem:$0x10800] =	vst v63  }
0x101: {  	s28 =	spop (v2sf);
	s29 =	simm.s32 $0x5500  }
0x102: {  	(v2sf) =	vpush v49, $0x6;
	[tilespmem:s29], [sflag:$0x1] =	stream.strided.gather [hbm4b:s28+s13], $0x800, s14, s13, $0x38;
	[tilespmem:$0x10800] =	vst v63  }
0x103: {  	s29 =	spop (v2sf)  }
0x104: {  	(v2sf) =	vpush v48, $0x7;
	[tilespmem:s11], [sflag:$0x1] =	stream.strided.gather [hbm4b:s29+s13], $0x800, s14, s13, $0x38;
	[tilespmem:$0x10800] =	vst v63  }
0x105: {  	s29 =	spop (v2sf)  }
0x106: {  	(v2sf) =	vpush v49, $0x7;
	[tilespmem:s12], [sflag:$0x1] =	stream.strided.gather [hbm4b:s29+s13], $0x800, s14, s13, $0x38;
	[tilespmem:$0x10800] =	vst v63  }
0x107: {  	s29 =	spop (v2sf)  }
0x108: {  	[tilespmem:s6], [sflag:$0x1] =	stream.strided.gather [hbm4b:s29+s13], $0x800, s14, s13, $0x38;
	[tilespmem:$0x10800] =	vst v63  }
0x109: {  	s29 =	spop (v2sf)  }
0x10a: {  	[tilespmem:s7], [sflag:$0x1] =	stream.strided.gather [hbm4b:s29+s13], $0x800, s14, s13, $0x38;
	[tilespmem:$0x10800] =	vst v63  }
0x10b: {  	s29 =	spop (v2sf)  }
0x10c: {  	[tilespmem:s8], [sflag:$0x1] =	stream.strided.gather [hbm4b:s29+s13], $0x800, s14, s13, $0x38;
	[tilespmem:$0x10800] =	vst v63  }
0x10d: {  	s29 =	spop (v2sf)  }
0x10e: {  	[tilespmem:s9], [sflag:$0x1] =	stream.strided.gather [hbm4b:s29+s13], $0x800, s14, s13, $0x38;
	[tilespmem:$0x10800] =	vst v63  }
0x10f: {  	s29 =	spop (v2sf)  }
0x110: {  	[tilespmem:s5], [sflag:$0x1] =	stream.strided.gather [hbm4b:s29+s13], $0x800, s14, s13, $0x38;
	[tilespmem:$0x10800] =	vst v63  }
0x111: {  	s29 =	spop (v2sf)  }
0x112: {  	[tilespmem:s10], [sflag:$0x1] =	stream.strided.gather [hbm4b:s29+s13], $0x800, s14, s13, $0x38;
	[tilespmem:$0x10800] =	vst v63  }
0x113: {  	s29 =	spop (v2sf)  }
0x114: {  	[tilespmem:s17], [sflag:$0x1] =	stream.strided.gather [hbm4b:s29+s13], $0x800, s14, s13, $0x38;
	[tilespmem:$0x10800] =	vst v63  }
0x115: {  	s29 =	spop (v2sf)  }
0x116: {  	[tilespmem:s18], [sflag:$0x1] =	stream.strided.gather [hbm4b:s29+s13], $0x800, s14, s13, $0x38;
	[tilespmem:$0x10800] =	vst v63  }
0x117: {  	_ =	swait.ge [sflag:s22], $0x800  }
0x118: {  	[sflag:s22] =	ssyncset.done $0x0  }
0x119: {  	[sflag:s22] =	ssyncadd.s32 $0xFFFFF800  }
0x11a: {  	_ =	swait.ge [sflag:s22], $0x800  }
0x11b: {  	[sflag:s22] =	ssyncset.done $0x0  }
0x11c: {  	[sflag:s22] =	ssyncadd.s32 $0xFFFFF800  }
0x11d: {  	_ =	swait.ge [sflag:s22], $0x800  }
0x11e: {  	[sflag:s22] =	ssyncset.done $0x0  }
0x11f: {  	[sflag:s22] =	ssyncadd.s32 $0xFFFFF800  }
0x120: {  	_ =	swait.ge [sflag:s22], $0x800  }
0x121: {  	[sflag:s22] =	ssyncset.done $0x0  }
0x122: {  	[sflag:s22] =	ssyncadd.s32 $0xFFFFF800  }
0x123: {  	_ =	swait.ge [sflag:s22], $0x800  }
0x124: {  	[sflag:s22] =	ssyncset.done $0x0  }
0x125: {  	[sflag:s22] =	ssyncadd.s32 $0xFFFFF800  }
0x126: {  	_ =	swait.ge [sflag:s22], $0x800  }
0x127: {  	[sflag:s22] =	ssyncset.done $0x0  }
0x128: {  	[sflag:s22] =	ssyncadd.s32 $0xFFFFF800  }
0x129: {  	_ =	swait.ge [sflag:s22], $0x800  }
0x12a: {  	[sflag:s22] =	ssyncset.done $0x0  }
0x12b: {  	[sflag:s22] =	ssyncadd.s32 $0xFFFFF800  }
0x12c: {  	_ =	swait.ge [sflag:s22], $0x800  }
0x12d: {  	[sflag:s22] =	ssyncset.done $0x0  }
0x12e: {  	[sflag:s22] =	ssyncadd.s32 $0xFFFFF800  }
0x12f: {  	_ =	swait.ge [sflag:s22], $0x800  }
0x130: {  	[sflag:s22] =	ssyncset.done $0x0  }
0x131: {  	[sflag:s22] =	ssyncadd.s32 $0xFFFFF800  }
0x132: {  	_ =	swait.ge [sflag:s22], $0x800  }
0x133: {  	[sflag:s22] =	ssyncset.done $0x0  }
0x134: {  	[sflag:s22] =	ssyncadd.s32 $0xFFFFF800  }
0x135: {  	_ =	swait.ge [sflag:s22], $0x800  }
0x136: {  	[sflag:s22] =	ssyncset.done $0x0  }
0x137: {  	[sflag:s22] =	ssyncadd.s32 $0xFFFFF800  }
0x138: {  	_ =	swait.ge [sflag:s22], $0x800  }
0x139: {  	[sflag:s22] =	ssyncset.done $0x0  }
0x13a: {  	[sflag:s22] =	ssyncadd.s32 $0xFFFFF800  }
0x13b: {  	_ =	swait.ge [sflag:s22], $0x800  }
0x13c: {  	[sflag:s22] =	ssyncset.done $0x0  }
0x13d: {  	[sflag:s22] =	ssyncadd.s32 $0xFFFFF800  }
0x13e: {  	_ =	swait.ge [sflag:s22], $0x800  }
0x13f: {  	[sflag:s22] =	ssyncset.done $0x0  }
0x140: {  	[sflag:s22] =	ssyncadd.s32 $0xFFFFF800  }
0x141: {  	_ =	swait.ge [sflag:s22], $0x800  }
0x142: {  	[sflag:s22] =	ssyncset.done $0x0  }
0x143: {  	[sflag:s22] =	ssyncadd.s32 $0xFFFFF800  }
0x144: {  	_ =	swait.ge [sflag:s22], $0x800  }
0x145: {  	[sflag:s22] =	ssyncset.done $0x0  }
0x146: {  	[sflag:s22] =	ssyncadd.s32 $0xFFFFF800  }
0x147: {  	v56 =	vld [tilespmem:s25+$0x0]  }
0x148: {  	v57 =	vld [tilespmem:s24+$0x0];
	_ =	sdelay $0x3  }
0x149: {  	v48 =	vand.u32 $0x7F, v56  }
0x14a: {  	v49 =	vand.u32 $0x7F, v57;
	v58 =	vor.u32 v13, v48  }
0x14b: {  	v59 =	vor.u32 v13, v49  }
0x14c: {  	v62 =	vor.u32 v17, v48  }
0x14d: {  	v63 =	vor.u32 v17, v49  }
0x14e: {  	v60 =	vor.u32 v18, v48  }
0x14f: {  	v61 =	vor.u32 v18, v49;
	v50 =	vld.idx.msk [tilespmem:v58+s0+$0x0], $0xffff  }
0x150: {  	v51 =	vld.idx.msk [tilespmem:v59+s4+$0x0], $0xffff  }
0x151: {  	v52 =	vld.idx.msk [tilespmem:v62+s0+$0x0], $0xffff;
	v62 =	vor.u32 v19, v48  }
0x152: {  	v53 =	vld.idx.msk [tilespmem:v63+s4+$0x0], $0xffff;
	v63 =	vor.u32 v19, v49  }
0x153: {  	v54 =	vld.idx.msk [tilespmem:v60+s0+$0x0], $0xffff;
	v60 =	vor.u32 v20, v48  }
0x154: {  	v55 =	vld.idx.msk [tilespmem:v61+s4+$0x0], $0xffff;
	v59 =	vor.u32 v20, v49;
	_ =	sdelay $0x1  }
0x155: {  	v56 =	vor.u32 v21, v48;
	v50 =	vmul.f32 v51, v50;
	v51 =	vld.idx.msk [tilespmem:v62+s0+$0x0], $0xffff  }
0x156: {  	v57 =	vor.u32 v21, v49;
	v52 =	vmul.f32 v53, v52;
	v53 =	vld.idx.msk [tilespmem:v63+s4+$0x0], $0xffff  }
0x157: {  	v58 =	vld.idx.msk [tilespmem:v60+s0+$0x0], $0xffff;
	v60 =	vor.u32 v22, v48  }
0x158: {  	v54 =	vmul.f32 v55, v54;
	v55 =	vld.idx.msk [tilespmem:v59+s4+$0x0], $0xffff;
	v59 =	vor.u32 v22, v49  }
0x159: {  	v50 =	vmul.f32 v50, v32  }
0x15a: {  	v52 =	vmul.f32 v52, v33;
	v61 =	vmul.f32 v54, v34;
	v54 =	vld.idx.msk [tilespmem:v56+s0+$0x0], $0xffff  }
0x15b: {  	v56 =	vor.u32 v23, v48;
	v51 =	vmul.f32 v53, v51;
	v53 =	vld.idx.msk [tilespmem:v57+s4+$0x0], $0xffff  }
0x15c: {  	v50 =	vadd.f32 v52, v50;
	v57 =	vor.u32 v23, v49;
	v52 =	vld.idx.msk [tilespmem:v60+s0+$0x0], $0xffff  }
0x15d: {  	v60 =	vor.u32 v24, v48;
	v55 =	vmul.f32 v55, v58;
	v58 =	vld.idx.msk [tilespmem:v59+s4+$0x0], $0xffff  }
0x15e: {  	v59 =	vor.u32 v24, v49  }
0x15f: {  	v50 =	vadd.f32 v61, v50;
	v51 =	vmul.f32 v51, v35  }
0x160: {  	v62 =	vmul.f32 v55, v36;
	v55 =	vld.idx.msk [tilespmem:v56+s0+$0x0], $0xffff;
	v56 =	vor.u32 v25, v48  }
0x161: {  	v50 =	vadd.f32 v51, v50;
	v53 =	vmul.f32 v53, v54;
	v54 =	vld.idx.msk [tilespmem:v57+s4+$0x0], $0xffff;
	v57 =	vor.u32 v25, v49  }
0x162: {  	v51 =	vld.idx.msk [tilespmem:v60+s0+$0x0], $0xffff;
	v60 =	vor.u32 v26, v48;
	v52 =	vmul.f32 v58, v52  }
0x163: {  	v58 =	vld.idx.msk [tilespmem:v59+s4+$0x0], $0xffff;
	v59 =	vor.u32 v26, v49;
	v50 =	vadd.f32 v62, v50;
	v53 =	vmul.f32 v53, v37  }
0x164: {  	v61 =	vor.u32 v27, v48  }
0x165: {  	v52 =	vmul.f32 v52, v38;
	v50 =	vadd.f32 v53, v50;
	v53 =	vld.idx.msk [tilespmem:v56+s0+$0x0], $0xffff;
	v56 =	vor.u32 v27, v49  }
0x166: {  	v54 =	vmul.f32 v54, v55;
	v55 =	vld.idx.msk [tilespmem:v57+s4+$0x0], $0xffff;
	v57 =	vor.u32 v28, v48  }
0x167: {  	v50 =	vadd.f32 v52, v50;
	v52 =	vld.idx.msk [tilespmem:v60+s0+$0x0], $0xffff;
	v60 =	vor.u32 v28, v49  }
0x168: {  	v51 =	vmul.f32 v58, v51;
	v58 =	vld.idx.msk [tilespmem:v59+s4+$0x0], $0xffff;
	v59 =	vor.u32 v29, v48;
	v54 =	vmul.f32 v54, v39  }
0x169: {  	v61 =	vld.idx.msk [tilespmem:v61+s0+$0x0], $0xffff;
	v62 =	vor.u32 v29, v49  }
0x16a: {  	v63 =	vor.u32 v30, v49;
	v51 =	vmul.f32 v51, v40;
	v50 =	vadd.f32 v54, v50;
	v54 =	vld.idx.msk [tilespmem:v56+s4+$0x0], $0xffff  }
0x16b: {  	v56 =	vor.u32 v30, v48;
	v53 =	vmul.f32 v55, v53;
	v55 =	vld.idx.msk [tilespmem:v57+s0+$0x0], $0xffff  }
0x16c: {  	v49 =	vor.u32 v31, v49;
	v50 =	vadd.f32 v51, v50;
	v51 =	vld.idx.msk [tilespmem:v60+s4+$0x0], $0xffff  }
0x16d: {  	v48 =	vor.u32 v31, v48;
	v52 =	vmul.f32 v58, v52;
	v58 =	vld.idx.msk [tilespmem:v59+s0+$0x0], $0xffff;
	v53 =	vmul.f32 v53, v41  }
0x16e: {  	v60 =	vld.idx.msk [tilespmem:v62+s4+$0x0], $0xffff  }
0x16f: {  	v63 =	vld.idx.msk [tilespmem:v63+s4+$0x0], $0xffff;
	v52 =	vmul.f32 v52, v42;
	v50 =	vadd.f32 v53, v50;
	v61 =	vmul.f32 v54, v61  }
0x170: {  	v62 =	vld.idx.msk [tilespmem:v56+s0+$0x0], $0xffff  }
0x171: {  	v49 =	vld.idx.msk [tilespmem:v49+s4+$0x0], $0xffff;
	v50 =	vadd.f32 v52, v50;
	v51 =	vmul.f32 v51, v55;
	v57 =	vmul.f32 v61, v43  }
0x172: {  	v48 =	vld.idx.msk [tilespmem:v48+s0+$0x0], $0xffff  }
0x173: {  	v60 =	vmul.f32 v60, v58;
	v50 =	vadd.f32 v57, v50;
	v51 =	vmul.f32 v51, v44;
	_ =	sdelay $0x1  }
0x174: {  	v52 =	vmul.f32 v60, v45;
	v61 =	vmul.f32 v63, v62;
	v50 =	vadd.f32 v51, v50;
	_ =	sdelay $0x1  }
0x175: {  	v48 =	vmul.f32 v49, v48;
	v51 =	vmul.f32 v61, v46;
	v50 =	vadd.f32 v52, v50;
	_ =	sdelay $0x1  }
0x176: {  	v48 =	vmul.f32 v48, v47;
	v62 =	vadd.f32 v51, v50;
	_ =	sdelay $0x1  }
0x177: {  	v48 =	vadd.f32 v48, v62;
	_ =	sdelay $0x1  }
0x178: {  	v48 =	vsub.f32 $0.0e+00, v48;
	_ =	sdelay $0x1  }
0x179: {  	v48 =	vmul.f32 $1.442695020e+00, v48;
	_ =	sdelay $0x1  }
0x17a: {  	(erf) = vpow2.f32 v48;
	_ =	sdelay $0x8  }
0x17b: {  	v48 =	vpop (erf)  }
0x17c: {  	v48 =	vadd.f32 $1.000000000e+00, v48;
	_ =	sdelay $0x1  }
0x17d: {  	(erf) = vrcp.f32 v48;
	_ =	sdelay $0x8  }
0x17e: {  	v48 =	vpop (erf)  }
0x17f: {  	s29 =	sand.u32 $0x1F8, s23;
	[tilespmem:s26+$0x0] =	vst v48  }
0x180: {  	v48 =	vld [tilespmem:s29+$0x0];
	_ =	sdelay $0x1  }
0x181: {  	v63 =	vld [tilespmem:s29+$0x280];
	_ =	sdelay $0x2  }
0x182: {  	v48 =	vand.u32 $0xFFFFFF80, v48  }
0x183: {  	v48 =	vadd.s32 s1, v48  }
0x184: {  	v49 =	vand.u32 $0xFFFFFF80, v63;
	(v2sf) =	vpush v48, $0x0  }
0x185: {  	v49 =	vadd.s32 s2, v49  }
0x186: {  	(v2sf) =	vpush v49, $0x0;
	_ =	sdelay $0x1  }
0x187: {  	(v2sf) =	vpush v48, $0x1;
	_ =	sdelay $0x1  }
0x188: {  	(v2sf) =	vpush v49, $0x1;
	_ =	sdelay $0x1  }
0x189: {  	(v2sf) =	vpush v48, $0x2;
	_ =	sdelay $0x1  }
0x18a: {  	(v2sf) =	vpush v49, $0x2;
	_ =	sdelay $0x1  }
0x18b: {  	(v2sf) =	vpush v48, $0x3;
	_ =	sdelay $0x1  }
0x18c: {  	(v2sf) =	vpush v49, $0x3  }
0x18d: {  	s29 =	spop (v2sf)  }
0x18e: {  	(v2sf) =	vpush v48, $0x4;
	[tilespmem:s0], [sflag:$0x1] =	stream.strided.gather [hbm4b:s29+s13], $0x800, s14, s13, $0x38;
	[tilespmem:$0x10800] =	vst v63  }
0x18f: {  	s29 =	spop (v2sf)  }
0x190: {  	(v2sf) =	vpush v49, $0x4;
	[tilespmem:s4], [sflag:$0x1] =	stream.strided.gather [hbm4b:s29+s13], $0x800, s14, s13, $0x38;
	[tilespmem:$0x10800] =	vst v63  }
0x191: {  	s29 =	spop (v2sf)  }
0x192: {  	(v2sf) =	vpush v48, $0x5;
	[tilespmem:s19], [sflag:$0x1] =	stream.strided.gather [hbm4b:s29+s13], $0x800, s14, s13, $0x38;
	[tilespmem:$0x10800] =	vst v63  }
0x193: {  	s29 =	spop (v2sf)  }
0x194: {  	(v2sf) =	vpush v49, $0x5;
	[tilespmem:s20], [sflag:$0x1] =	stream.strided.gather [hbm4b:s29+s13], $0x800, s14, s13, $0x38;
	[tilespmem:$0x10800] =	vst v63  }
0x195: {  	s29 =	spop (v2sf)  }
0x196: {  	(v2sf) =	vpush v48, $0x6;
	[tilespmem:s21], [sflag:$0x1] =	stream.strided.gather [hbm4b:s29+s13], $0x800, s14, s13, $0x38;
	[tilespmem:$0x10800] =	vst v63  }
0x197: {  	s29 =	spop (v2sf)  }
0x198: {  	(v2sf) =	vpush v49, $0x6;
	[tilespmem:s3], [sflag:$0x1] =	stream.strided.gather [hbm4b:s29+s13], $0x800, s14, s13, $0x38;
	[tilespmem:$0x10800] =	vst v63  }
0x199: {  	s28 =	spop (v2sf);
	s29 =	simm.s32 $0x9D00  }
0x19a: {  	[tilespmem:s29], [sflag:$0x1] =	stream.strided.gather [hbm4b:s28+s13], $0x800, s14, s13, $0x38;
	[tilespmem:$0x10800] =	vst v63  }
0x19b: {  	(v2sf) =	vpush v48, $0x7;
	s28 =	spop (v2sf);
	s29 =	simm.s32 $0xDD00  }
0x19c: {  	[tilespmem:s29], [sflag:$0x1] =	stream.strided.gather [hbm4b:s28+s13], $0x800, s14, s13, $0x38;
	[tilespmem:$0x10800] =	vst v63  }
0x19d: {  	(v2sf) =	vpush v49, $0x7;
	s28 =	spop (v2sf);
	s29 =	simm.s32 $0xA500  }
0x19e: {  	[tilespmem:s29], [sflag:$0x1] =	stream.strided.gather [hbm4b:s28+s13], $0x800, s14, s13, $0x38;
	[tilespmem:$0x10800] =	vst v63  }
0x19f: {  	s28 =	spop (v2sf);
	s29 =	simm.s32 $0xE500  }
0x1a0: {  	[tilespmem:s29], [sflag:$0x1] =	stream.strided.gather [hbm4b:s28+s13], $0x800, s14, s13, $0x38;
	[tilespmem:$0x10800] =	vst v63  }
0x1a1: {  	s28 =	spop (v2sf);
	s29 =	simm.s32 $0xAD00  }
0x1a2: {  	[tilespmem:s29], [sflag:$0x1] =	stream.strided.gather [hbm4b:s28+s13], $0x800, s14, s13, $0x38;
	[tilespmem:$0x10800] =	vst v63  }
0x1a3: {  	s28 =	spop (v2sf);
	s29 =	simm.s32 $0xED00  }
0x1a4: {  	[tilespmem:s29], [sflag:$0x1] =	stream.strided.gather [hbm4b:s28+s13], $0x800, s14, s13, $0x38;
	[tilespmem:$0x10800] =	vst v63  }
0x1a5: {  	s28 =	spop (v2sf);
	s29 =	simm.s32 $0xB500  }
0x1a6: {  	[tilespmem:s29], [sflag:$0x1] =	stream.strided.gather [hbm4b:s28+s13], $0x800, s14, s13, $0x38;
	[tilespmem:$0x10800] =	vst v63  }
0x1a7: {  	p0 =	sne.s32 s23, $0x208;
	s28 =	spop (v2sf);
	s29 =	simm.s32 $0xF500  }
0x1a8: {  	[tilespmem:s29], [sflag:$0x1] =	stream.strided.gather [hbm4b:s28+s13], $0x800, s14, s13, $0x38;
	[tilespmem:$0x10800] =	vst v63  }
.Ltmp0:
0x1a9: {  	s23 =	sadd.s32 $0x10, s23;
	(pc) =	sbr.rel @p0 .LBB2_2-.Ltmp0, $4  }
0x1aa: {  	s24 =	sadd.s32 $0x10, s24;
	s28 =	spop (v2sf);
	s29 =	simm.s32 $0xBD00  }
0x1ab: {  	[tilespmem:s29], [sflag:$0x1] =	stream.strided.gather [hbm4b:s28+s13], $0x800, s14, s13, $0x38;
	[tilespmem:$0x10800] =	vst v63  }
0x1ac: {  	s25 =	sadd.s32 $0x10, s25;
	s26 =	sadd.s32 $0x10, s26;
	s29 =	spop (v2sf)  }
0x1ad: {  	[tilespmem:s30], [sflag:$0x1] =	stream.strided.gather [hbm4b:s29+s13], $0x800, s14, s13, $0x38;
	[tilespmem:$0x10800] =	vst v63  }
0x1ae: {  	_ =	swait.ge [sflag:s22], $0x800  }
0x1af: {  	[sflag:s22] =	ssyncset.done $0x0  }
0x1b0: {  	[sflag:s22] =	ssyncadd.s32 $0xFFFFF800  }
0x1b1: {  	_ =	swait.ge [sflag:s22], $0x800  }
0x1b2: {  	[sflag:s22] =	ssyncset.done $0x0  }
0x1b3: {  	[sflag:s22] =	ssyncadd.s32 $0xFFFFF800  }
0x1b4: {  	_ =	swait.ge [sflag:s22], $0x800  }
0x1b5: {  	[sflag:s22] =	ssyncset.done $0x0  }
0x1b6: {  	[sflag:s22] =	ssyncadd.s32 $0xFFFFF800  }
0x1b7: {  	_ =	swait.ge [sflag:s22], $0x800  }
0x1b8: {  	[sflag:s22] =	ssyncset.done $0x0  }
0x1b9: {  	[sflag:s22] =	ssyncadd.s32 $0xFFFFF800  }
0x1ba: {  	_ =	swait.ge [sflag:s22], $0x800  }
0x1bb: {  	[sflag:s22] =	ssyncset.done $0x0  }
0x1bc: {  	[sflag:s22] =	ssyncadd.s32 $0xFFFFF800  }
0x1bd: {  	_ =	swait.ge [sflag:s22], $0x800  }
0x1be: {  	[sflag:s22] =	ssyncset.done $0x0  }
0x1bf: {  	[sflag:s22] =	ssyncadd.s32 $0xFFFFF800  }
0x1c0: {  	_ =	swait.ge [sflag:s22], $0x800  }
0x1c1: {  	[sflag:s22] =	ssyncset.done $0x0  }
0x1c2: {  	[sflag:s22] =	ssyncadd.s32 $0xFFFFF800  }
0x1c3: {  	_ =	swait.ge [sflag:s22], $0x800  }
0x1c4: {  	[sflag:s22] =	ssyncset.done $0x0  }
0x1c5: {  	[sflag:s22] =	ssyncadd.s32 $0xFFFFF800  }
0x1c6: {  	_ =	swait.ge [sflag:s22], $0x800  }
0x1c7: {  	[sflag:s22] =	ssyncset.done $0x0  }
0x1c8: {  	[sflag:s22] =	ssyncadd.s32 $0xFFFFF800  }
0x1c9: {  	_ =	swait.ge [sflag:s22], $0x800  }
0x1ca: {  	[sflag:s22] =	ssyncset.done $0x0  }
0x1cb: {  	[sflag:s22] =	ssyncadd.s32 $0xFFFFF800  }
0x1cc: {  	_ =	swait.ge [sflag:s22], $0x800  }
0x1cd: {  	[sflag:s22] =	ssyncset.done $0x0  }
0x1ce: {  	[sflag:s22] =	ssyncadd.s32 $0xFFFFF800  }
0x1cf: {  	_ =	swait.ge [sflag:s22], $0x800  }
0x1d0: {  	[sflag:s22] =	ssyncset.done $0x0  }
0x1d1: {  	[sflag:s22] =	ssyncadd.s32 $0xFFFFF800  }
0x1d2: {  	_ =	swait.ge [sflag:s22], $0x800  }
0x1d3: {  	[sflag:s22] =	ssyncset.done $0x0  }
0x1d4: {  	[sflag:s22] =	ssyncadd.s32 $0xFFFFF800  }
0x1d5: {  	_ =	swait.ge [sflag:s22], $0x800  }
0x1d6: {  	[sflag:s22] =	ssyncset.done $0x0  }
0x1d7: {  	[sflag:s22] =	ssyncadd.s32 $0xFFFFF800  }
0x1d8: {  	_ =	swait.ge [sflag:s22], $0x800  }
0x1d9: {  	[sflag:s22] =	ssyncset.done $0x0  }
0x1da: {  	[sflag:s22] =	ssyncadd.s32 $0xFFFFF800  }
0x1db: {  	_ =	swait.ge [sflag:s22], $0x800  }
0x1dc: {  	[sflag:s22] =	ssyncset.done $0x0  }
0x1dd: {  	[sflag:s22] =	ssyncadd.s32 $0xFFFFF800  }
0x1de: {  	_ =	swait.ge [sflag:s22], $0x800  }
0x1df: {  	[sflag:s22] =	ssyncset.done $0x0  }
0x1e0: {  	[sflag:s22] =	ssyncadd.s32 $0xFFFFF800  }
0x1e1: {  	_ =	swait.ge [sflag:s22], $0x800  }
0x1e2: {  	[sflag:s22] =	ssyncset.done $0x0  }
0x1e3: {  	[sflag:s22] =	ssyncadd.s32 $0xFFFFF800  }
0x1e4: {  	_ =	swait.ge [sflag:s22], $0x800  }
0x1e5: {  	[sflag:s22] =	ssyncset.done $0x0  }
0x1e6: {  	[sflag:s22] =	ssyncadd.s32 $0xFFFFF800  }
0x1e7: {  	_ =	swait.ge [sflag:s22], $0x800  }
0x1e8: {  	[sflag:s22] =	ssyncset.done $0x0  }
0x1e9: {  	[sflag:s22] =	ssyncadd.s32 $0xFFFFF800  }
0x1ea: {  	_ =	swait.ge [sflag:s22], $0x800  }
0x1eb: {  	[sflag:s22] =	ssyncset.done $0x0  }
0x1ec: {  	[sflag:s22] =	ssyncadd.s32 $0xFFFFF800  }
0x1ed: {  	_ =	swait.ge [sflag:s22], $0x800  }
0x1ee: {  	[sflag:s22] =	ssyncset.done $0x0  }
0x1ef: {  	[sflag:s22] =	ssyncadd.s32 $0xFFFFF800  }
0x1f0: {  	_ =	swait.ge [sflag:s22], $0x800  }
0x1f1: {  	[sflag:s22] =	ssyncset.done $0x0  }
0x1f2: {  	[sflag:s22] =	ssyncadd.s32 $0xFFFFF800  }
0x1f3: {  	_ =	swait.ge [sflag:s22], $0x800  }
0x1f4: {  	[sflag:s22] =	ssyncset.done $0x0  }
0x1f5: {  	[sflag:s22] =	ssyncadd.s32 $0xFFFFF800  }
0x1f6: {  	_ =	swait.ge [sflag:s22], $0x800  }
0x1f7: {  	[sflag:s22] =	ssyncset.done $0x0  }
0x1f8: {  	[sflag:s22] =	ssyncadd.s32 $0xFFFFF800  }
0x1f9: {  	_ =	swait.ge [sflag:s22], $0x800  }
0x1fa: {  	[sflag:s22] =	ssyncset.done $0x0  }
0x1fb: {  	[sflag:s22] =	ssyncadd.s32 $0xFFFFF800  }
0x1fc: {  	_ =	swait.ge [sflag:s22], $0x800  }
0x1fd: {  	[sflag:s22] =	ssyncset.done $0x0  }
0x1fe: {  	[sflag:s22] =	ssyncadd.s32 $0xFFFFF800  }
0x1ff: {  	_ =	swait.ge [sflag:s22], $0x800  }
0x200: {  	[sflag:s22] =	ssyncset.done $0x0  }
0x201: {  	[sflag:s22] =	ssyncadd.s32 $0xFFFFF800  }
0x202: {  	_ =	swait.ge [sflag:s22], $0x800  }
0x203: {  	[sflag:s22] =	ssyncset.done $0x0  }
0x204: {  	[sflag:s22] =	ssyncadd.s32 $0xFFFFF800  }
0x205: {  	_ =	swait.ge [sflag:s22], $0x800  }
0x206: {  	[sflag:s22] =	ssyncset.done $0x0  }
0x207: {  	[sflag:s22] =	ssyncadd.s32 $0xFFFFF800  }
0x208: {  	_ =	swait.ge [sflag:s22], $0x800  }
0x209: {  	[sflag:s22] =	ssyncset.done $0x0  }
0x20a: {  	[sflag:s22] =	ssyncadd.s32 $0xFFFFF800  }
0x20b: {  	_ =	swait.ge [sflag:s22], $0x800  }
0x20c: {  	s24 =	simm.s32 $0x0;
	s3 =	simm.s32 $0x10500;
	[sflag:s22] =	ssyncset.done $0x0  }
0x20d: {  	s25 =	simm.s32 $0x2;
	s23 =	rddreg [dreg:$0x9];
	[sflag:s22] =	ssyncadd.s32 $0xFFFFF800  }
0x20e: {  	[hbm4b:s23+s24] =	stream.linear.scatter [tilespmem:s3], [sflag:$0x2], $0x200, $0x38;
	[tilespmem:$0x10800] =	vst v63  }
0x20f: {  	s28 =	simm.s32 $0xD00;
	_ =	swait.ge [sflag:s25], $0x200  }
0x210: {  	s29 =	simm.s32 $0x4D00;
	s30 =	simm.s32 $0x1500;
	s26 =	rddreg [dreg:$0xb]  }
0x211: {  	s11 =	simm.s32 $0x1D00;
	s21 =	rddreg [dreg:$0xa];
	s26 =	sadd.s32 $0x1, s26  }
0x212: {  	s12 =	simm.s32 $0x5D00;
	s6 =	simm.s32 $0x2500;
	p0 =	sne.s32 s26, s21  }
.Ltmp1:
0x213: {  	s7 =	simm.s32 $0x6500;
	s8 =	simm.s32 $0x2D00;
	(pc) =	sbr.rel @p0 .LBB2_1-.Ltmp1, $4  }
0x214: {  	s9 =	simm.s32 $0x6D00;
	s5 =	simm.s32 $0x3500;
	s10 =	simm.s32 $0x7500  }
0x215: {  	s17 =	simm.s32 $0x3D00;
	s18 =	simm.s32 $0x7D00;
	s19 =	simm.s32 $0x8D00  }
0x216: {  	s20 =	simm.s32 $0xCD00;
	s31 =	simm.s32 $0xD500;
	[sflag:s25] =	ssyncset.done $0x0  }
0x217: {  	s3 =	simm.s32 $0x5500;
	[sflag:s25] =	ssyncadd.s32 $0xFFFFFE00;
	s21 =	simm.s32 $0x9500  }
0x218: {  	_ =	sfence.sel $0x180000  }
0x219: {  	[bflag:$0x0] =	sbarrier.arrive $0xFFFF  }
0x21a: {  	_ =	strace $0x90000047  }
0x21b: {  	s0 =	stileid.u32;
	[bflag:$0x2] =	sbarrier.arrive $0xFFFF  }
0x21c: {  	p0 =	sne.s32 s0, $0x0;
	s0 =	rddreg [dreg:$0x6]  }
0x21d: {  	s0 =	sadd.s32 @!p0 $0x100000, s0  }
0x21e: {  	[sflag:s0] =	ssyncadd.tile.s32 @!p0 $0x1;
	_ =	shalt  }
.Lfunc_end2:
_tile_overlayer_lowered:
.L_overlay_start_2:
0x21f: {  	(tag) =	ssettag $0x2  }
0x220: {  	s0 =	rddreg [dreg:$0x0];
	s2 =	stileid.u32  }
0x221: {  	s1 =	rddreg [dreg:$0x1];
	p0 =	sne.s32 s2, $0x0  }
0x222: {  	s3 =	rddreg [dreg:$0x2];
	[bflag:$0x3] =	sbarrier.arrive $0xFFFF;
	s2 =	simm.s32 @!p0 $0x1C02  }
0x223: {  	[timem:s3], [sflag:s2] =	dma.local @!p0 [hbm:s0], s1  }
0x224: {  	s0 =	simm.s32 @!p0 $0x2  }
0x225: {  	_ =	swait.ge @!p0 [sflag:s0], s1  }
0x226: {  	s1 =	ssub.s32 @!p0 $0x0, s1;
	[sflag:s0] =	ssyncset.done @!p0 $0x0  }
0x227: {  	[sflag:s0] =	ssyncadd.s32 @!p0 s1  }
0x228: {  	[bflag:$0x3] =	sbarrier.arrive $0xFFFF  }
0x229: {  	_ =	shalt  }

</sc_bundles>
